<compile_context>
chip_gen: v7x
topology: tpu7x:2x2x1
jax: 0.10.2.dev20260603
libtpu: 0.0.44.dev20260713+nightly
codegen_flags: <defaults>
</compile_context>

<pallas_src>
import functools

import jax
import jax.numpy as jnp
from jax import lax
from jax.experimental import pallas as pl
from jax.experimental.pallas import tpu as pltpu
from jax.experimental.pallas import tpu_sc as plsc

N = 10000
E = 160000
H = 256
L = 6
G = 512
HH = H // 2
NSUB = 16
K = 80
RP = 10112
RPT = RP // NSUB
NEP = 10240


def _make_sc_scatter(n_items, do_edge, apply_relu):
  per_sub = n_items // NSUB
  nchunks = per_sub // K
  assert per_sub % K == 0

  mesh = plsc.VectorSubcoreMesh(core_axis_name="c", subcore_axis_name="s")
  scratch = [
      pltpu.VMEM((K,), jnp.int32),
      pltpu.VMEM((K,), jnp.int32),
      pltpu.VMEM((K,), jnp.int32),
      pltpu.VMEM((K, HH), jnp.float32),
      pltpu.VMEM((K, HH), jnp.float32),
      pltpu.VMEM_SHARED((RP, HH), jnp.float32),
      pltpu.SemaphoreType.DMA,
  ]

  @functools.partial(
      pl.kernel,
      mesh=mesh,
      out_type=jax.ShapeDtypeStruct((2 * RP, HH), jnp.float32),
      scratch_types=scratch,
  )
  def kfn(xlo, xhi, elo, ehi, idx_h, attr_h, dst_h, zeros_h, out,
          iv, av, dv, xr, er, acc, sem):
    cid = lax.axis_index("c")
    sid = lax.axis_index("s")

    pltpu.sync_copy(zeros_h.at[pl.ds(sid * RPT, RPT)],
                    acc.at[pl.ds(sid * RPT, RPT)])
    plsc.subcore_barrier()

    base = sid * per_sub

    def chunk(i, carry):
      off = base + i * K
      pltpu.sync_copy(idx_h.at[pl.ds(off, K)], iv)
      if do_edge:
        pltpu.sync_copy(attr_h.at[pl.ds(off, K)], av)
      pltpu.sync_copy(dst_h.at[pl.ds(off, K)], dv)

      @pl.when(cid == 0)
      def _():
        pltpu.async_copy(xlo.at[iv], xr, sem).wait()
        if do_edge:
          pltpu.async_copy(elo.at[av], er, sem).wait()

      @pl.when(cid == 1)
      def _():
        pltpu.async_copy(xhi.at[iv], xr, sem).wait()
        if do_edge:
          pltpu.async_copy(ehi.at[av], er, sem).wait()

      if do_edge:
        def row(r, c2):
          for j in range(HH // 16):
            v = xr[r, pl.ds(j * 16, 16)] + er[r, pl.ds(j * 16, 16)]
            if apply_relu:
              v = jnp.maximum(v, 0.0)
            xr[r, pl.ds(j * 16, 16)] = v
          return c2
        lax.fori_loop(0, K, row, 0)

      pltpu.sync_copy(xr, acc.at[dv], add=True)
      return carry

    lax.fori_loop(0, nchunks, chunk, 0)
    plsc.subcore_barrier()

    pltpu.sync_copy(acc.at[pl.ds(sid * RPT, RPT)],
                    out.at[pl.ds(cid * RP + sid * RPT, RPT)])

  return kfn


def _mlp_block(z_ref, xi_ref, w1_ref, w2_ref, c1_ref, d1_ref, c2_ref, d2_ref,
               out_ref):
  z = z_ref[...]
  h = jnp.dot(z, w1_ref[...], preferred_element_type=jnp.float32)
  h = jnp.maximum(h * c1_ref[...] + d1_ref[...], 0.0)
  h2 = jnp.dot(h, w2_ref[...], preferred_element_type=jnp.float32)
  r = xi_ref[...] + h2
  out_ref[...] = jnp.maximum(r * c2_ref[...] + d2_ref[...], 0.0)


_MLP_BLK = 400
_MLP_GRID = N // _MLP_BLK


def _tc_mlp(z, xi, w1, w2, c1, d1, c2, d2):
  row_spec = pl.BlockSpec((_MLP_BLK, H), lambda i: (i, 0))
  full = pl.BlockSpec((H, H), lambda i: (0, 0))
  vec = pl.BlockSpec((1, H), lambda i: (0, 0))
  return pl.pallas_call(
      _mlp_block,
      grid=(_MLP_GRID,),
      in_specs=[row_spec, row_spec, full, full, vec, vec, vec, vec],
      out_specs=row_spec,
      out_shape=jax.ShapeDtypeStruct((N, H), jnp.float32),
  )(z, xi, w1, w2, c1, d1, c2, d2)


def _pool_body(batch_ref, x_ref, rw1m_ref, rw1s_ref, rw1x_ref, rb1_ref,
               rw2_ref, rb2_ref, out_ref, sums, mx, cnt):
  sums[...] = jnp.zeros_like(sums)
  mx[...] = jnp.full_like(mx, -jnp.inf)
  cnt[...] = jnp.zeros_like(cnt)

  def body(n, carry):
    g = batch_ref[n]
    row = x_ref[pl.ds(n, 1), :]
    sums[pl.ds(g, 1), :] += row
    mx[pl.ds(g, 1), :] = jnp.maximum(mx[pl.ds(g, 1), :], row)
    cnt[pl.ds(g, 1), :] += 1.0
    return carry

  lax.fori_loop(0, N, body, 0)

  s = sums[...]
  c = jnp.maximum(cnt[:, :1], 1.0)
  mean = s / c
  m = mx[...]
  hreg = (jnp.dot(mean, rw1m_ref[...], preferred_element_type=jnp.float32)
          + jnp.dot(s, rw1s_ref[...], preferred_element_type=jnp.float32)
          + jnp.dot(m, rw1x_ref[...], preferred_element_type=jnp.float32)
          + rb1_ref[...])
  hreg = jnp.maximum(hreg, 0.0)
  o = jnp.sum(hreg * rw2_ref[...], axis=1, keepdims=True) + rb2_ref[0, 0]
  out_ref[...] = jnp.broadcast_to(o, out_ref.shape)


def _tc_pool_readout(xi, batch, rw1, rb1, rw2, rb2):
  rw1m = rw1[:H]
  rw1s = rw1[H:2 * H]
  rw1x = rw1[2 * H:]
  rb1b = rb1.reshape(1, H)
  rw2r = rw2[:, 0].reshape(1, H)
  rb2b = jnp.broadcast_to(rb2.reshape(1, 1), (1, 1))
  hmat = pl.BlockSpec((H, H), lambda: (0, 0))
  res = pl.pallas_call(
      _pool_body,
      in_specs=[
          pl.BlockSpec(memory_space=pltpu.SMEM),
          pl.BlockSpec((N, H), lambda: (0, 0)),
          hmat, hmat, hmat,
          pl.BlockSpec((1, H), lambda: (0, 0)),
          pl.BlockSpec((1, H), lambda: (0, 0)),
          pl.BlockSpec((1, 1), memory_space=pltpu.SMEM),
      ],
      out_specs=pl.BlockSpec((G, 128), lambda: (0, 0)),
      out_shape=jax.ShapeDtypeStruct((G, 128), jnp.float32),
      scratch_shapes=[
          pltpu.VMEM((G, H), jnp.float32),
          pltpu.VMEM((G, H), jnp.float32),
          pltpu.VMEM((G, 128), jnp.float32),
      ],
  )(batch, xi, rw1m, rw1s, rw1x, rb1b, rw2r, rb2b)
  return res[:, 0]


_sc_embed = _make_sc_scatter(NEP, do_edge=False, apply_relu=False)
_sc_msg = _make_sc_scatter(E, do_edge=True, apply_relu=True)


def kernel(x, edge_attr, edge_index, batch, node_table, edge_table,
           W1, b1, bn1_g, bn1_b, W2, b2, eps, bn_g, bn_b,
           rW1, rb1, rW2, rb2):
  inv = 1.0 / jnp.sqrt(1.0 + 1e-5)
  src = edge_index[0].astype(jnp.int32)
  dst = edge_index[1].astype(jnp.int32)
  attr = edge_attr[:, 0].astype(jnp.int32)
  batch = batch.astype(jnp.int32)
  zeros = jnp.zeros((RP, HH), jnp.float32)
  ez = jnp.zeros((4, HH), jnp.float32)

  xidx = jnp.concatenate(
      [x[:, 0].astype(jnp.int32), jnp.zeros((NEP - N,), jnp.int32)])
  ndst = jnp.concatenate(
      [jnp.arange(N, dtype=jnp.int32),
       jnp.full((NEP - N,), N, jnp.int32)])
  nzi = jnp.zeros((NEP,), jnp.int32)
  emb = _sc_embed(node_table[:, :HH], node_table[:, HH:], ez, ez,
                  xidx, nzi, ndst, zeros)
  xi = jnp.concatenate([emb[:N], emb[RP:RP + N]], axis=1)

  etlo = edge_table[:, :HH]
  ethi = edge_table[:, HH:]
  for l in range(L):
    aggf = _sc_msg(xi[:, :HH], xi[:, HH:], etlo, ethi, src, attr, dst, zeros)
    agg = jnp.concatenate([aggf[:N], aggf[RP:RP + N]], axis=1)
    z = (1.0 + eps[l]) * xi + agg
    c1 = (bn1_g[l] * inv).reshape(1, H)
    d1 = (bn1_g[l] * inv * b1[l] + bn1_b[l]).reshape(1, H)
    c2 = (bn_g[l] * inv).reshape(1, H)
    d2 = (bn_g[l] * inv * b2[l] + bn_b[l]).reshape(1, H)
    xi = _tc_mlp(z, xi, W1[l], W2[l], c1, d1, c2, d2)

  out = _tc_pool_readout(xi, batch, rW1, rb1, rW2, rb2)
  return (out, xi)

# --- scband reference (transcript-rebuilt; emitter-appended) ---
"""Pipeline reference for scband-zinc-model-10866267259116 (READ-ONLY COPY).

The authoritative reference and input builder live on the scoring server;
editing this copy changes nothing except your own understanding.
"""

import jax, jax.numpy as jnp
import numpy as np

N = 10000
E = 160000
H = 256
L = 6
G = 512

def _bn_eval(h, g, b):
    # eval-mode BatchNorm1d with running_mean=0, running_var=1
    return g * (h / jnp.sqrt(1.0 + 1e-5)) + b

def setup_inputs(seed: int = 0):
    key = jax.random.key(seed)
    ks = jax.random.split(key, 24)
    x = jax.random.randint(ks[0], (N, 1), 0, 28)
    edge_attr = jax.random.randint(ks[1], (E, 1), 0, 4)
    edge_index = jax.random.randint(ks[2], (2, E), 0, N)
    batch = jnp.sort(jax.random.randint(ks[3], (N,), 0, G))
    batch = batch.at[-1].set(G - 1)
    batch = batch.at[0].set(0)
    node_table = jax.random.normal(ks[4], (28, H)) * 0.1
    edge_table = jax.random.normal(ks[5], (4, H)) * 0.1
    s = 1.0 / np.sqrt(H)
    W1 = jax.random.normal(ks[6], (L, H, H)) * s
    b1 = jnp.zeros((L, H))
    bn1_g = jnp.ones((L, H))
    bn1_b = jnp.zeros((L, H))
    W2 = jax.random.normal(ks[7], (L, H, H)) * s
    b2 = jnp.zeros((L, H))
    eps = jnp.zeros((L,))
    bn_g = jnp.ones((L, H))
    bn_b = jnp.zeros((L, H))
    rW1 = jax.random.normal(ks[8], (3 * H, H)) * (1.0 / np.sqrt(3 * H))
    rb1 = jnp.zeros((H,))
    rW2 = jax.random.normal(ks[9], (H, 1)) * s
    rb2 = jnp.zeros((1,))
    return {"x": x, "edge_attr": edge_attr, "edge_index": edge_index, "batch": batch,
            "node_table": node_table, "edge_table": edge_table,
            "W1": W1, "b1": b1, "bn1_g": bn1_g, "bn1_b": bn1_b,
            "W2": W2, "b2": b2, "eps": eps, "bn_g": bn_g, "bn_b": bn_b,
            "rW1": rW1, "rb1": rb1, "rW2": rW2, "rb2": rb2}

def reference(x, edge_attr, edge_index, batch, node_table, edge_table,
              W1, b1, bn1_g, bn1_b, W2, b2, eps, bn_g, bn_b,
              rW1, rb1, rW2, rb2):
    xi = node_table[x[:, 0]]
    ea = edge_table[edge_attr[:, 0]]
    src = edge_index[0]
    dst = edge_index[1]
    for l in range(L):
        # GINEConv: out = nn((1+eps)*x + sum_j relu(x_j + e_ij))
        msg = jax.nn.relu(xi[src] + ea)
        agg = jax.ops.segment_sum(msg, dst, num_segments=N)
        z = (1.0 + eps[l]) * xi + agg
        h = z @ W1[l] + b1[l]
        h = _bn_eval(h, bn1_g[l], bn1_b[l])
        h = jax.nn.relu(h)
        h = h @ W2[l] + b2[l]
        xi = jax.nn.relu(_bn_eval(xi + h, bn_g[l], bn_b[l]))
    x_spatial = xi
    num_graphs = G
    sums = jax.ops.segment_sum(xi, batch, num_segments=num_graphs)
    counts = jax.ops.segment_sum(jnp.ones((N, 1)), batch, num_segments=num_graphs)
    mean = sums / jnp.maximum(counts, 1.0)
    mx = jax.ops.segment_max(xi, batch, num_segments=num_graphs)
    pool = jnp.concatenate([mean, sums, mx], axis=1)
    hreg = jax.nn.relu(pool @ rW1 + rb1)
    out = (hreg @ rW2 + rb2)[:, 0]
    return (out, x_spatial)

if __name__ == "__main__":
    import jax
    _d = setup_inputs()
    print(jax.jit(kernel)(*tuple(_d.values())))

</pallas_src>

<mosaic_0001>
#map = affine_map<(d0, d1) -> (0, 0)>
#map1 = affine_map<(d0, d1) -> (0)>
module attributes {stable_mosaic.version = 14 : i64} {
  func.func @kfn(%arg0: i32, %arg1: i32, %arg2: memref<10000x128xf32, #tpu.memory_space<hbm>>, %arg3: memref<10000x128xf32, #tpu.memory_space<hbm>>, %arg4: memref<4x128xf32, #tpu.memory_space<hbm>>, %arg5: memref<4x128xf32, #tpu.memory_space<hbm>>, %arg6: memref<160000xi32, #tpu.memory_space<hbm>>, %arg7: memref<160000xi32, #tpu.memory_space<hbm>>, %arg8: memref<160000xi32, #tpu.memory_space<hbm>>, %arg9: memref<10112x128xf32, #tpu.memory_space<hbm>>, %arg10: memref<20224x128xf32, #tpu.memory_space<hbm>>, %arg11: memref<80xi32, #tpu.memory_space<vmem>>, %arg12: memref<80xi32, #tpu.memory_space<vmem>>, %arg13: memref<80xi32, #tpu.memory_space<vmem>>, %arg14: memref<80x128xf32, #tpu.memory_space<vmem>>, %arg15: memref<80x128xf32, #tpu.memory_space<vmem>>, %arg16: memref<10112x128xf32, #tpu.memory_space<vmem_shared>>, %arg17: memref<!tpu.dma_semaphore, #tpu.memory_space<semaphore_mem>>) attributes {dimension_semantics = [#tpu.dimension_semantics<core_parallel>, #tpu.dimension_semantics<subcore_parallel>], iteration_bounds = array<i64: 2, 16>, scalar_prefetch = 0 : i64, scratch_operands = 7 : i64, tpu.core_type = #tpu.core_type<sc_vector_subcore>, window_params = [{transform_indices = #map}, {transform_indices = #map}, {transform_indices = #map}, {transform_indices = #map}, {transform_indices = #map1}, {transform_indices = #map1}, {transform_indices = #map1}, {transform_indices = #map}, {transform_indices = #map}]} {
    %mul3A = arith.constant 632 : i32
    %mul3A_0 = arith.muli %arg1, %mul3A : i32
    %mul3A_1 = arith.constant 632 : i32
    %mul3A_2 = arith.muli %arg1, %mul3A_1 : i32
    "tpu.region"() ({
      %run_scoped3A = tpu.sem_alloc : memref<!tpu.dma_semaphore, #tpu.memory_space<semaphore_mem>>
      %dma_start3A = arith.constant 0 : i32
      %dma_start3A_17 = tpu.memref_slice %arg16[%mul3A_2, %dma_start3A] : memref<10112x128xf32, #tpu.memory_space<vmem_shared>> -> memref<632x128xf32, #tpu.memory_space<vmem_shared>>
      %dma_start3A_18 = arith.constant 0 : i32
      %dma_start3A_19 = tpu.memref_slice %arg9[%mul3A_0, %dma_start3A_18] : memref<10112x128xf32, #tpu.memory_space<hbm>> -> memref<632x128xf32, #tpu.memory_space<hbm>>
      tpu.enqueue_dma source(%dma_start3A_19 : memref<632x128xf32, #tpu.memory_space<hbm>>) target(%dma_start3A_17 : memref<632x128xf32, #tpu.memory_space<vmem_shared>>) target_semaphore(%run_scoped3A : memref<!tpu.dma_semaphore, #tpu.memory_space<semaphore_mem>>)
      %dma_wait3A = arith.constant 0 : i32
      %dma_wait3A_20 = tpu.memref_slice %arg16[%mul3A_2, %dma_wait3A] : memref<10112x128xf32, #tpu.memory_space<vmem_shared>> -> memref<632x128xf32, #tpu.memory_space<vmem_shared>>
      %dma_wait3A_21 = arith.constant 0 : i32
      %dma_wait3A_22 = tpu.memref_slice %arg9[%mul3A_0, %dma_wait3A_21] : memref<10112x128xf32, #tpu.memory_space<hbm>> -> memref<632x128xf32, #tpu.memory_space<hbm>>
      tpu.wait_dma2 semaphore(%run_scoped3A : memref<!tpu.dma_semaphore, #tpu.memory_space<semaphore_mem>>) src(%dma_wait3A_22 : memref<632x128xf32, #tpu.memory_space<hbm>>) dst(%dma_wait3A_20 : memref<632x128xf32, #tpu.memory_space<vmem_shared>>)
      tpu.yield
    }) : () -> ()
    %barrier3A = arith.constant 0 : index
    tpu.barrier barrier_id(%barrier3A)
    %mul3A_3 = arith.constant 10000 : i32
    %mul3A_4 = arith.muli %arg1, %mul3A_3 : i32
    %scan3A = arith.constant 0 : i32
    %scan3A_5 = arith.constant 0 : i32
    %scan3A_6 = arith.constant 125 : i32
    %scan3A_7 = arith.addi %scan3A_5, %scan3A_6 : i32
    %scan3A_8 = arith.constant 1 : i32
    scf.for %scan3A_17 = %scan3A_5 to %scan3A_7 step %scan3A_8  : i32 {
      %mul3A_18 = arith.constant 80 : i32
      %mul3A_19 = arith.muli %scan3A_17, %mul3A_18 : i32
      %add3A_20 = arith.addi %mul3A_4, %mul3A_19 : i32
      "tpu.region"() ({
        %run_scoped3A = tpu.sem_alloc : memref<!tpu.dma_semaphore, #tpu.memory_space<semaphore_mem>>
        %dma_start3A = tpu.memref_slice %arg6[%add3A_20] : memref<160000xi32, #tpu.memory_space<hbm>> -> memref<80xi32, #tpu.memory_space<hbm>>
        %dma_start3A_34 = tpu.memref_slice %arg6[%add3A_20] : memref<160000xi32, #tpu.memory_space<hbm>> -> memref<80xi32, #tpu.memory_space<hbm>>
        tpu.enqueue_dma source(%dma_start3A_34 : memref<80xi32, #tpu.memory_space<hbm>>) target(%arg11 : memref<80xi32, #tpu.memory_space<vmem>>) target_semaphore(%run_scoped3A : memref<!tpu.dma_semaphore, #tpu.memory_space<semaphore_mem>>)
        %dma_wait3A = tpu.memref_slice %arg6[%add3A_20] : memref<160000xi32, #tpu.memory_space<hbm>> -> memref<80xi32, #tpu.memory_space<hbm>>
        %dma_wait3A_35 = tpu.memref_slice %arg6[%add3A_20] : memref<160000xi32, #tpu.memory_space<hbm>> -> memref<80xi32, #tpu.memory_space<hbm>>
        tpu.wait_dma2 semaphore(%run_scoped3A : memref<!tpu.dma_semaphore, #tpu.memory_space<semaphore_mem>>) src(%dma_wait3A_35 : memref<80xi32, #tpu.memory_space<hbm>>) dst(%arg11 : memref<80xi32, #tpu.memory_space<vmem>>)
        tpu.yield
      }) : () -> ()
      "tpu.region"() ({
        %run_scoped3A = tpu.sem_alloc : memref<!tpu.dma_semaphore, #tpu.memory_space<semaphore_mem>>
        %dma_start3A = tpu.memref_slice %arg7[%add3A_20] : memref<160000xi32, #tpu.memory_space<hbm>> -> memref<80xi32, #tpu.memory_space<hbm>>
        %dma_start3A_34 = tpu.memref_slice %arg7[%add3A_20] : memref<160000xi32, #tpu.memory_space<hbm>> -> memref<80xi32, #tpu.memory_space<hbm>>
        tpu.enqueue_dma source(%dma_start3A_34 : memref<80xi32, #tpu.memory_space<hbm>>) target(%arg12 : memref<80xi32, #tpu.memory_space<vmem>>) target_semaphore(%run_scoped3A : memref<!tpu.dma_semaphore, #tpu.memory_space<semaphore_mem>>)
        %dma_wait3A = tpu.memref_slice %arg7[%add3A_20] : memref<160000xi32, #tpu.memory_space<hbm>> -> memref<80xi32, #tpu.memory_space<hbm>>
        %dma_wait3A_35 = tpu.memref_slice %arg7[%add3A_20] : memref<160000xi32, #tpu.memory_space<hbm>> -> memref<80xi32, #tpu.memory_space<hbm>>
        tpu.wait_dma2 semaphore(%run_scoped3A : memref<!tpu.dma_semaphore, #tpu.memory_space<semaphore_mem>>) src(%dma_wait3A_35 : memref<80xi32, #tpu.memory_space<hbm>>) dst(%arg12 : memref<80xi32, #tpu.memory_space<vmem>>)
        tpu.yield
      }) : () -> ()
      "tpu.region"() ({
        %run_scoped3A = tpu.sem_alloc : memref<!tpu.dma_semaphore, #tpu.memory_space<semaphore_mem>>
        %dma_start3A = tpu.memref_slice %arg8[%add3A_20] : memref<160000xi32, #tpu.memory_space<hbm>> -> memref<80xi32, #tpu.memory_space<hbm>>
        %dma_start3A_34 = tpu.memref_slice %arg8[%add3A_20] : memref<160000xi32, #tpu.memory_space<hbm>> -> memref<80xi32, #tpu.memory_space<hbm>>
        tpu.enqueue_dma source(%dma_start3A_34 : memref<80xi32, #tpu.memory_space<hbm>>) target(%arg13 : memref<80xi32, #tpu.memory_space<vmem>>) target_semaphore(%run_scoped3A : memref<!tpu.dma_semaphore, #tpu.memory_space<semaphore_mem>>)
        %dma_wait3A = tpu.memref_slice %arg8[%add3A_20] : memref<160000xi32, #tpu.memory_space<hbm>> -> memref<80xi32, #tpu.memory_space<hbm>>
        %dma_wait3A_35 = tpu.memref_slice %arg8[%add3A_20] : memref<160000xi32, #tpu.memory_space<hbm>> -> memref<80xi32, #tpu.memory_space<hbm>>
        tpu.wait_dma2 semaphore(%run_scoped3A : memref<!tpu.dma_semaphore, #tpu.memory_space<semaphore_mem>>) src(%dma_wait3A_35 : memref<80xi32, #tpu.memory_space<hbm>>) dst(%arg13 : memref<80xi32, #tpu.memory_space<vmem>>)
        tpu.yield
      }) : () -> ()
      %eq3A = arith.constant 0 : i32
      %eq3A_21 = arith.cmpi eq, %arg0, %eq3A : i32
      %convert_element_type3A = arith.extui %eq3A_21 : i1 to i32
      %cond3A = arith.constant 0 : i32
      %cond3A_22 = arith.cmpi ne, %convert_element_type3A, %cond3A : i32
      scf.if %cond3A_22 {
        %dma_start3A = arith.constant 0 : i32
        %dma_start3A_34 = arith.constant 0 : i32
        %dma_start3A_35 = tpu.memref_slice %arg2[%dma_start3A, %dma_start3A_34] : memref<10000x128xf32, #tpu.memory_space<hbm>> -> memref<10000x128xf32, #tpu.memory_space<hbm>>
        tpu.enqueue_indirect_dma source(%dma_start3A_35 : memref<10000x128xf32, #tpu.memory_space<hbm>>) target(%arg14 : memref<80x128xf32, #tpu.memory_space<vmem>>) offsets(%arg11 : memref<80xi32, #tpu.memory_space<vmem>>) semaphore(%arg17 : memref<!tpu.dma_semaphore, #tpu.memory_space<semaphore_mem>>)
        %dma_wait3A = arith.constant 0 : i32
        %dma_wait3A_36 = arith.constant 0 : i32
        %dma_wait3A_37 = tpu.memref_slice %arg2[%dma_wait3A, %dma_wait3A_36] : memref<10000x128xf32, #tpu.memory_space<hbm>> -> memref<10000x128xf32, #tpu.memory_space<hbm>>
        tpu.wait_indirect_dma semaphore(%arg17 : memref<!tpu.dma_semaphore, #tpu.memory_space<semaphore_mem>>) src(%dma_wait3A_37 : memref<10000x128xf32, #tpu.memory_space<hbm>>) dst(%arg14 : memref<80x128xf32, #tpu.memory_space<vmem>>)
        %dma_start3A_38 = arith.constant 0 : i32
        %dma_start3A_39 = arith.constant 0 : i32
        %dma_start3A_40 = tpu.memref_slice %arg4[%dma_start3A_38, %dma_start3A_39] : memref<4x128xf32, #tpu.memory_space<hbm>> -> memref<4x128xf32, #tpu.memory_space<hbm>>
        tpu.enqueue_indirect_dma source(%dma_start3A_40 : memref<4x128xf32, #tpu.memory_space<hbm>>) target(%arg15 : memref<80x128xf32, #tpu.memory_space<vmem>>) offsets(%arg12 : memref<80xi32, #tpu.memory_space<vmem>>) semaphore(%arg17 : memref<!tpu.dma_semaphore, #tpu.memory_space<semaphore_mem>>)
        %dma_wait3A_41 = arith.constant 0 : i32
        %dma_wait3A_42 = arith.constant 0 : i32
        %dma_wait3A_43 = tpu.memref_slice %arg4[%dma_wait3A_41, %dma_wait3A_42] : memref<4x128xf32, #tpu.memory_space<hbm>> -> memref<4x128xf32, #tpu.memory_space<hbm>>
        tpu.wait_indirect_dma semaphore(%arg17 : memref<!tpu.dma_semaphore, #tpu.memory_space<semaphore_mem>>) src(%dma_wait3A_43 : memref<4x128xf32, #tpu.memory_space<hbm>>) dst(%arg15 : memref<80x128xf32, #tpu.memory_space<vmem>>)
      } else {
      }
      %eq3A_23 = arith.constant 1 : i32
      %eq3A_24 = arith.cmpi eq, %arg0, %eq3A_23 : i32
      %convert_element_type3A_25 = arith.extui %eq3A_24 : i1 to i32
      %cond3A_26 = arith.constant 0 : i32
      %cond3A_27 = arith.cmpi ne, %convert_element_type3A_25, %cond3A_26 : i32
      scf.if %cond3A_27 {
        %dma_start3A = arith.constant 0 : i32
        %dma_start3A_34 = arith.constant 0 : i32
        %dma_start3A_35 = tpu.memref_slice %arg3[%dma_start3A, %dma_start3A_34] : memref<10000x128xf32, #tpu.memory_space<hbm>> -> memref<10000x128xf32, #tpu.memory_space<hbm>>
        tpu.enqueue_indirect_dma source(%dma_start3A_35 : memref<10000x128xf32, #tpu.memory_space<hbm>>) target(%arg14 : memref<80x128xf32, #tpu.memory_space<vmem>>) offsets(%arg11 : memref<80xi32, #tpu.memory_space<vmem>>) semaphore(%arg17 : memref<!tpu.dma_semaphore, #tpu.memory_space<semaphore_mem>>)
        %dma_wait3A = arith.constant 0 : i32
        %dma_wait3A_36 = arith.constant 0 : i32
        %dma_wait3A_37 = tpu.memref_slice %arg3[%dma_wait3A, %dma_wait3A_36] : memref<10000x128xf32, #tpu.memory_space<hbm>> -> memref<10000x128xf32, #tpu.memory_space<hbm>>
        tpu.wait_indirect_dma semaphore(%arg17 : memref<!tpu.dma_semaphore, #tpu.memory_space<semaphore_mem>>) src(%dma_wait3A_37 : memref<10000x128xf32, #tpu.memory_space<hbm>>) dst(%arg14 : memref<80x128xf32, #tpu.memory_space<vmem>>)
        %dma_start3A_38 = arith.constant 0 : i32
        %dma_start3A_39 = arith.constant 0 : i32
        %dma_start3A_40 = tpu.memref_slice %arg5[%dma_start3A_38, %dma_start3A_39] : memref<4x128xf32, #tpu.memory_space<hbm>> -> memref<4x128xf32, #tpu.memory_space<hbm>>
        tpu.enqueue_indirect_dma source(%dma_start3A_40 : memref<4x128xf32, #tpu.memory_space<hbm>>) target(%arg15 : memref<80x128xf32, #tpu.memory_space<vmem>>) offsets(%arg12 : memref<80xi32, #tpu.memory_space<vmem>>) semaphore(%arg17 : memref<!tpu.dma_semaphore, #tpu.memory_space<semaphore_mem>>)
        %dma_wait3A_41 = arith.constant 0 : i32
        %dma_wait3A_42 = arith.constant 0 : i32
        %dma_wait3A_43 = tpu.memref_slice %arg5[%dma_wait3A_41, %dma_wait3A_42] : memref<4x128xf32, #tpu.memory_space<hbm>> -> memref<4x128xf32, #tpu.memory_space<hbm>>
        tpu.wait_indirect_dma semaphore(%arg17 : memref<!tpu.dma_semaphore, #tpu.memory_space<semaphore_mem>>) src(%dma_wait3A_43 : memref<4x128xf32, #tpu.memory_space<hbm>>) dst(%arg15 : memref<80x128xf32, #tpu.memory_space<vmem>>)
      } else {
      }
      %scan3A_28 = arith.constant 0 : i32
      %scan3A_29 = arith.constant 0 : i32
      %scan3A_30 = arith.constant 80 : i32
      %scan3A_31 = arith.addi %scan3A_29, %scan3A_30 : i32
      %scan3A_32 = arith.constant 1 : i32
      scf.for %scan3A_34 = %scan3A_29 to %scan3A_31 step %scan3A_32  : i32 {
        %get3A = arith.index_cast %scan3A_34 : i32 to index
        %get3A_35 = arith.constant 0 : index
        %get3A_36 = tpu.vector_load %arg14[%get3A, %get3A_35] {strides = array<i32>} : memref<80x128xf32, #tpu.memory_space<vmem>>, vector<1x16xf32>,
        %get3A_37 = vector.shape_cast %get3A_36 : vector<1x16xf32> to vector<16xf32>
        %get3A_38 = arith.index_cast %scan3A_34 : i32 to index
        %get3A_39 = arith.constant 0 : index
        %get3A_40 = tpu.vector_load %arg15[%get3A_38, %get3A_39] {strides = array<i32>} : memref<80x128xf32, #tpu.memory_space<vmem>>, vector<1x16xf32>,
        %get3A_41 = vector.shape_cast %get3A_40 : vector<1x16xf32> to vector<16xf32>
        %add3A_42 = arith.addf %get3A_37, %get3A_41 : vector<16xf32>
        %max3A = arith.constant 0.000000e+00 : f32
        %max3A_43 = vector.broadcast %max3A : f32 to vector<16xf32>
        %max3A_44 = arith.maximumf %add3A_42, %max3A_43 : vector<16xf32>
        %swap3A = arith.index_cast %scan3A_34 : i32 to index
        %swap3A_45 = arith.constant 0 : index
        %swap3A_46 = tpu.vector_load %arg14[%swap3A, %swap3A_45] {strides = array<i32>} : memref<80x128xf32, #tpu.memory_space<vmem>>, vector<1x16xf32>,
        %swap3A_47 = vector.shape_cast %swap3A_46 : vector<1x16xf32> to vector<16xf32>
        %swap3A_48 = vector.shape_cast %max3A_44 : vector<16xf32> to vector<1x16xf32>
        tpu.vector_store %arg14[%swap3A, %swap3A_45], %swap3A_48 {strides = array<i32>} : memref<80x128xf32, #tpu.memory_space<vmem>>, vector<1x16xf32>,
        %get3A_49 = arith.index_cast %scan3A_34 : i32 to index
        %get3A_50 = arith.constant 16 : index
        %get3A_51 = tpu.vector_load %arg14[%get3A_49, %get3A_50] {strides = array<i32>} : memref<80x128xf32, #tpu.memory_space<vmem>>, vector<1x16xf32>,
        %get3A_52 = vector.shape_cast %get3A_51 : vector<1x16xf32> to vector<16xf32>
        %get3A_53 = arith.index_cast %scan3A_34 : i32 to index
        %get3A_54 = arith.constant 16 : index
        %get3A_55 = tpu.vector_load %arg15[%get3A_53, %get3A_54] {strides = array<i32>} : memref<80x128xf32, #tpu.memory_space<vmem>>, vector<1x16xf32>,
        %get3A_56 = vector.shape_cast %get3A_55 : vector<1x16xf32> to vector<16xf32>
        %add3A_57 = arith.addf %get3A_52, %get3A_56 : vector<16xf32>
        %max3A_58 = arith.constant 0.000000e+00 : f32
        %max3A_59 = vector.broadcast %max3A_58 : f32 to vector<16xf32>
        %max3A_60 = arith.maximumf %add3A_57, %max3A_59 : vector<16xf32>
        %swap3A_61 = arith.index_cast %scan3A_34 : i32 to index
        %swap3A_62 = arith.constant 16 : index
        %swap3A_63 = tpu.vector_load %arg14[%swap3A_61, %swap3A_62] {strides = array<i32>} : memref<80x128xf32, #tpu.memory_space<vmem>>, vector<1x16xf32>,
        %swap3A_64 = vector.shape_cast %swap3A_63 : vector<1x16xf32> to vector<16xf32>
        %swap3A_65 = vector.shape_cast %max3A_60 : vector<16xf32> to vector<1x16xf32>
        tpu.vector_store %arg14[%swap3A_61, %swap3A_62], %swap3A_65 {strides = array<i32>} : memref<80x128xf32, #tpu.memory_space<vmem>>, vector<1x16xf32>,
        %get3A_66 = arith.index_cast %scan3A_34 : i32 to index
        %get3A_67 = arith.constant 32 : index
        %get3A_68 = tpu.vector_load %arg14[%get3A_66, %get3A_67] {strides = array<i32>} : memref<80x128xf32, #tpu.memory_space<vmem>>, vector<1x16xf32>,
        %get3A_69 = vector.shape_cast %get3A_68 : vector<1x16xf32> to vector<16xf32>
        %get3A_70 = arith.index_cast %scan3A_34 : i32 to index
        %get3A_71 = arith.constant 32 : index
        %get3A_72 = tpu.vector_load %arg15[%get3A_70, %get3A_71] {strides = array<i32>} : memref<80x128xf32, #tpu.memory_space<vmem>>, vector<1x16xf32>,
        %get3A_73 = vector.shape_cast %get3A_72 : vector<1x16xf32> to vector<16xf32>
        %add3A_74 = arith.addf %get3A_69, %get3A_73 : vector<16xf32>
        %max3A_75 = arith.constant 0.000000e+00 : f32
        %max3A_76 = vector.broadcast %max3A_75 : f32 to vector<16xf32>
        %max3A_77 = arith.maximumf %add3A_74, %max3A_76 : vector<16xf32>
        %swap3A_78 = arith.index_cast %scan3A_34 : i32 to index
        %swap3A_79 = arith.constant 32 : index
        %swap3A_80 = tpu.vector_load %arg14[%swap3A_78, %swap3A_79] {strides = array<i32>} : memref<80x128xf32, #tpu.memory_space<vmem>>, vector<1x16xf32>,
        %swap3A_81 = vector.shape_cast %swap3A_80 : vector<1x16xf32> to vector<16xf32>
        %swap3A_82 = vector.shape_cast %max3A_77 : vector<16xf32> to vector<1x16xf32>
        tpu.vector_store %arg14[%swap3A_78, %swap3A_79], %swap3A_82 {strides = array<i32>} : memref<80x128xf32, #tpu.memory_space<vmem>>, vector<1x16xf32>,
        %get3A_83 = arith.index_cast %scan3A_34 : i32 to index
        %get3A_84 = arith.constant 48 : index
        %get3A_85 = tpu.vector_load %arg14[%get3A_83, %get3A_84] {strides = array<i32>} : memref<80x128xf32, #tpu.memory_space<vmem>>, vector<1x16xf32>,
        %get3A_86 = vector.shape_cast %get3A_85 : vector<1x16xf32> to vector<16xf32>
        %get3A_87 = arith.index_cast %scan3A_34 : i32 to index
        %get3A_88 = arith.constant 48 : index
        %get3A_89 = tpu.vector_load %arg15[%get3A_87, %get3A_88] {strides = array<i32>} : memref<80x128xf32, #tpu.memory_space<vmem>>, vector<1x16xf32>,
        %get3A_90 = vector.shape_cast %get3A_89 : vector<1x16xf32> to vector<16xf32>
        %add3A_91 = arith.addf %get3A_86, %get3A_90 : vector<16xf32>
        %max3A_92 = arith.constant 0.000000e+00 : f32
        %max3A_93 = vector.broadcast %max3A_92 : f32 to vector<16xf32>
        %max3A_94 = arith.maximumf %add3A_91, %max3A_93 : vector<16xf32>
        %swap3A_95 = arith.index_cast %scan3A_34 : i32 to index
        %swap3A_96 = arith.constant 48 : index
        %swap3A_97 = tpu.vector_load %arg14[%swap3A_95, %swap3A_96] {strides = array<i32>} : memref<80x128xf32, #tpu.memory_space<vmem>>, vector<1x16xf32>,
        %swap3A_98 = vector.shape_cast %swap3A_97 : vector<1x16xf32> to vector<16xf32>
        %swap3A_99 = vector.shape_cast %max3A_94 : vector<16xf32> to vector<1x16xf32>
        tpu.vector_store %arg14[%swap3A_95, %swap3A_96], %swap3A_99 {strides = array<i32>} : memref<80x128xf32, #tpu.memory_space<vmem>>, vector<1x16xf32>,
        %get3A_100 = arith.index_cast %scan3A_34 : i32 to index
        %get3A_101 = arith.constant 64 : index
        %get3A_102 = tpu.vector_load %arg14[%get3A_100, %get3A_101] {strides = array<i32>} : memref<80x128xf32, #tpu.memory_space<vmem>>, vector<1x16xf32>,
        %get3A_103 = vector.shape_cast %get3A_102 : vector<1x16xf32> to vector<16xf32>
        %get3A_104 = arith.index_cast %scan3A_34 : i32 to index
        %get3A_105 = arith.constant 64 : index
        %get3A_106 = tpu.vector_load %arg15[%get3A_104, %get3A_105] {strides = array<i32>} : memref<80x128xf32, #tpu.memory_space<vmem>>, vector<1x16xf32>,
        %get3A_107 = vector.shape_cast %get3A_106 : vector<1x16xf32> to vector<16xf32>
        %add3A_108 = arith.addf %get3A_103, %get3A_107 : vector<16xf32>
        %max3A_109 = arith.constant 0.000000e+00 : f32
        %max3A_110 = vector.broadcast %max3A_109 : f32 to vector<16xf32>
        %max3A_111 = arith.maximumf %add3A_108, %max3A_110 : vector<16xf32>
        %swap3A_112 = arith.index_cast %scan3A_34 : i32 to index
        %swap3A_113 = arith.constant 64 : index
        %swap3A_114 = tpu.vector_load %arg14[%swap3A_112, %swap3A_113] {strides = array<i32>} : memref<80x128xf32, #tpu.memory_space<vmem>>, vector<1x16xf32>,
        %swap3A_115 = vector.shape_cast %swap3A_114 : vector<1x16xf32> to vector<16xf32>
        %swap3A_116 = vector.shape_cast %max3A_111 : vector<16xf32> to vector<1x16xf32>
        tpu.vector_store %arg14[%swap3A_112, %swap3A_113], %swap3A_116 {strides = array<i32>} : memref<80x128xf32, #tpu.memory_space<vmem>>, vector<1x16xf32>,
        %get3A_117 = arith.index_cast %scan3A_34 : i32 to index
        %get3A_118 = arith.constant 80 : index
        %get3A_119 = tpu.vector_load %arg14[%get3A_117, %get3A_118] {strides = array<i32>} : memref<80x128xf32, #tpu.memory_space<vmem>>, vector<1x16xf32>,
        %get3A_120 = vector.shape_cast %get3A_119 : vector<1x16xf32> to vector<16xf32>
        %get3A_121 = arith.index_cast %scan3A_34 : i32 to index
        %get3A_122 = arith.constant 80 : index
        %get3A_123 = tpu.vector_load %arg15[%get3A_121, %get3A_122] {strides = array<i32>} : memref<80x128xf32, #tpu.memory_space<vmem>>, vector<1x16xf32>,
        %get3A_124 = vector.shape_cast %get3A_123 : vector<1x16xf32> to vector<16xf32>
        %add3A_125 = arith.addf %get3A_120, %get3A_124 : vector<16xf32>
        %max3A_126 = arith.constant 0.000000e+00 : f32
        %max3A_127 = vector.broadcast %max3A_126 : f32 to vector<16xf32>
        %max3A_128 = arith.maximumf %add3A_125, %max3A_127 : vector<16xf32>
        %swap3A_129 = arith.index_cast %scan3A_34 : i32 to index
        %swap3A_130 = arith.constant 80 : index
        %swap3A_131 = tpu.vector_load %arg14[%swap3A_129, %swap3A_130] {strides = array<i32>} : memref<80x128xf32, #tpu.memory_space<vmem>>, vector<1x16xf32>,
        %swap3A_132 = vector.shape_cast %swap3A_131 : vector<1x16xf32> to vector<16xf32>
        %swap3A_133 = vector.shape_cast %max3A_128 : vector<16xf32> to vector<1x16xf32>
        tpu.vector_store %arg14[%swap3A_129, %swap3A_130], %swap3A_133 {strides = array<i32>} : memref<80x128xf32, #tpu.memory_space<vmem>>, vector<1x16xf32>,
        %get3A_134 = arith.index_cast %scan3A_34 : i32 to index
        %get3A_135 = arith.constant 96 : index
        %get3A_136 = tpu.vector_load %arg14[%get3A_134, %get3A_135] {strides = array<i32>} : memref<80x128xf32, #tpu.memory_space<vmem>>, vector<1x16xf32>,
        %get3A_137 = vector.shape_cast %get3A_136 : vector<1x16xf32> to vector<16xf32>
        %get3A_138 = arith.index_cast %scan3A_34 : i32 to index
        %get3A_139 = arith.constant 96 : index
        %get3A_140 = tpu.vector_load %arg15[%get3A_138, %get3A_139] {strides = array<i32>} : memref<80x128xf32, #tpu.memory_space<vmem>>, vector<1x16xf32>,
        %get3A_141 = vector.shape_cast %get3A_140 : vector<1x16xf32> to vector<16xf32>
        %add3A_142 = arith.addf %get3A_137, %get3A_141 : vector<16xf32>
        %max3A_143 = arith.constant 0.000000e+00 : f32
        %max3A_144 = vector.broadcast %max3A_143 : f32 to vector<16xf32>
        %max3A_145 = arith.maximumf %add3A_142, %max3A_144 : vector<16xf32>
        %swap3A_146 = arith.index_cast %scan3A_34 : i32 to index
        %swap3A_147 = arith.constant 96 : index
        %swap3A_148 = tpu.vector_load %arg14[%swap3A_146, %swap3A_147] {strides = array<i32>} : memref<80x128xf32, #tpu.memory_space<vmem>>, vector<1x16xf32>,
        %swap3A_149 = vector.shape_cast %swap3A_148 : vector<1x16xf32> to vector<16xf32>
        %swap3A_150 = vector.shape_cast %max3A_145 : vector<16xf32> to vector<1x16xf32>
        tpu.vector_store %arg14[%swap3A_146, %swap3A_147], %swap3A_150 {strides = array<i32>} : memref<80x128xf32, #tpu.memory_space<vmem>>, vector<1x16xf32>,
        %get3A_151 = arith.index_cast %scan3A_34 : i32 to index
        %get3A_152 = arith.constant 112 : index
        %get3A_153 = tpu.vector_load %arg14[%get3A_151, %get3A_152] {strides = array<i32>} : memref<80x128xf32, #tpu.memory_space<vmem>>, vector<1x16xf32>,
        %get3A_154 = vector.shape_cast %get3A_153 : vector<1x16xf32> to vector<16xf32>
        %get3A_155 = arith.index_cast %scan3A_34 : i32 to index
        %get3A_156 = arith.constant 112 : index
        %get3A_157 = tpu.vector_load %arg15[%get3A_155, %get3A_156] {strides = array<i32>} : memref<80x128xf32, #tpu.memory_space<vmem>>, vector<1x16xf32>,
        %get3A_158 = vector.shape_cast %get3A_157 : vector<1x16xf32> to vector<16xf32>
        %add3A_159 = arith.addf %get3A_154, %get3A_158 : vector<16xf32>
        %max3A_160 = arith.constant 0.000000e+00 : f32
        %max3A_161 = vector.broadcast %max3A_160 : f32 to vector<16xf32>
        %max3A_162 = arith.maximumf %add3A_159, %max3A_161 : vector<16xf32>
        %swap3A_163 = arith.index_cast %scan3A_34 : i32 to index
        %swap3A_164 = arith.constant 112 : index
        %swap3A_165 = tpu.vector_load %arg14[%swap3A_163, %swap3A_164] {strides = array<i32>} : memref<80x128xf32, #tpu.memory_space<vmem>>, vector<1x16xf32>,
        %swap3A_166 = vector.shape_cast %swap3A_165 : vector<1x16xf32> to vector<16xf32>
        %swap3A_167 = vector.shape_cast %max3A_162 : vector<16xf32> to vector<1x16xf32>
        tpu.vector_store %arg14[%swap3A_163, %swap3A_164], %swap3A_167 {strides = array<i32>} : memref<80x128xf32, #tpu.memory_space<vmem>>, vector<1x16xf32>,
      }
      %scan3A_33 = arith.constant 80 : i32
      "tpu.region"() ({
        %run_scoped3A = tpu.sem_alloc : memref<!tpu.dma_semaphore, #tpu.memory_space<semaphore_mem>>
        %dma_start3A = arith.constant 0 : i32
        %dma_start3A_34 = arith.constant 0 : i32
        %dma_start3A_35 = tpu.memref_slice %arg16[%dma_start3A, %dma_start3A_34] : memref<10112x128xf32, #tpu.memory_space<vmem_shared>> -> memref<10112x128xf32, #tpu.memory_space<vmem_shared>>
        tpu.enqueue_indirect_dma source(%arg14 : memref<80x128xf32, #tpu.memory_space<vmem>>) target(%dma_start3A_35 : memref<10112x128xf32, #tpu.memory_space<vmem_shared>>) offsets(%arg13 : memref<80xi32, #tpu.memory_space<vmem>>) semaphore(%run_scoped3A : memref<!tpu.dma_semaphore, #tpu.memory_space<semaphore_mem>>) {add = true}
        %dma_wait3A = arith.constant 0 : i32
        %dma_wait3A_36 = arith.constant 0 : i32
        %dma_wait3A_37 = tpu.memref_slice %arg16[%dma_wait3A, %dma_wait3A_36] : memref<10112x128xf32, #tpu.memory_space<vmem_shared>> -> memref<10112x128xf32, #tpu.memory_space<vmem_shared>>
        tpu.wait_indirect_dma semaphore(%run_scoped3A : memref<!tpu.dma_semaphore, #tpu.memory_space<semaphore_mem>>) src(%arg14 : memref<80x128xf32, #tpu.memory_space<vmem>>) dst(%dma_wait3A_37 : memref<10112x128xf32, #tpu.memory_space<vmem_shared>>)
        tpu.yield
      }) : () -> ()
    }
    %scan3A_9 = arith.constant 125 : i32
    %barrier3A_10 = arith.constant 0 : index
    tpu.barrier barrier_id(%barrier3A_10)
    %mul3A_11 = arith.constant 632 : i32
    %mul3A_12 = arith.muli %arg1, %mul3A_11 : i32
    %mul3A_13 = arith.constant 10112 : i32
    %mul3A_14 = arith.muli %arg0, %mul3A_13 : i32
    %mul3A_15 = arith.constant 632 : i32
    %mul3A_16 = arith.muli %arg1, %mul3A_15 : i32
    %add3A = arith.addi %mul3A_14, %mul3A_16 : i32
    "tpu.region"() ({
      %run_scoped3A = tpu.sem_alloc : memref<!tpu.dma_semaphore, #tpu.memory_space<semaphore_mem>>
      %dma_start3A = arith.constant 0 : i32
      %dma_start3A_17 = tpu.memref_slice %arg10[%add3A, %dma_start3A] : memref<20224x128xf32, #tpu.memory_space<hbm>> -> memref<632x128xf32, #tpu.memory_space<hbm>>
      %dma_start3A_18 = arith.constant 0 : i32
      %dma_start3A_19 = tpu.memref_slice %arg16[%mul3A_12, %dma_start3A_18] : memref<10112x128xf32, #tpu.memory_space<vmem_shared>> -> memref<632x128xf32, #tpu.memory_space<vmem_shared>>
      tpu.enqueue_dma source(%dma_start3A_19 : memref<632x128xf32, #tpu.memory_space<vmem_shared>>) target(%dma_start3A_17 : memref<632x128xf32, #tpu.memory_space<hbm>>) target_semaphore(%run_scoped3A : memref<!tpu.dma_semaphore, #tpu.memory_space<semaphore_mem>>)
      %dma_wait3A = arith.constant 0 : i32
      %dma_wait3A_20 = tpu.memref_slice %arg10[%add3A, %dma_wait3A] : memref<20224x128xf32, #tpu.memory_space<hbm>> -> memref<632x128xf32, #tpu.memory_space<hbm>>
      %dma_wait3A_21 = arith.constant 0 : i32
      %dma_wait3A_22 = tpu.memref_slice %arg16[%mul3A_12, %dma_wait3A_21] : memref<10112x128xf32, #tpu.memory_space<vmem_shared>> -> memref<632x128xf32, #tpu.memory_space<vmem_shared>>
      tpu.wait_dma2 semaphore(%run_scoped3A : memref<!tpu.dma_semaphore, #tpu.memory_space<semaphore_mem>>) src(%dma_wait3A_22 : memref<632x128xf32, #tpu.memory_space<vmem_shared>>) dst(%dma_wait3A_20 : memref<632x128xf32, #tpu.memory_space<hbm>>)
      tpu.yield
    }) : () -> ()
    return
  }
}

#map = affine_map<(d0, d1) -> (0, 0)>
#map1 = affine_map<(d0, d1) -> (0)>
module attributes {stable_mosaic.version = 14 : i64} {
  func.func @kfn(%arg0: i32, %arg1: i32, %arg2: memref<28x128xf32, #tpu.memory_space<hbm>>, %arg3: memref<28x128xf32, #tpu.memory_space<hbm>>, %arg4: memref<4x128xf32, #tpu.memory_space<hbm>>, %arg5: memref<4x128xf32, #tpu.memory_space<hbm>>, %arg6: memref<10240xi32, #tpu.memory_space<hbm>>, %arg7: memref<10240xi32, #tpu.memory_space<hbm>>, %arg8: memref<10240xi32, #tpu.memory_space<hbm>>, %arg9: memref<10112x128xf32, #tpu.memory_space<hbm>>, %arg10: memref<20224x128xf32, #tpu.memory_space<hbm>>, %arg11: memref<80xi32, #tpu.memory_space<vmem>>, %arg12: memref<80xi32, #tpu.memory_space<vmem>>, %arg13: memref<80xi32, #tpu.memory_space<vmem>>, %arg14: memref<80x128xf32, #tpu.memory_space<vmem>>, %arg15: memref<80x128xf32, #tpu.memory_space<vmem>>, %arg16: memref<10112x128xf32, #tpu.memory_space<vmem_shared>>, %arg17: memref<!tpu.dma_semaphore, #tpu.memory_space<semaphore_mem>>) attributes {dimension_semantics = [#tpu.dimension_semantics<core_parallel>, #tpu.dimension_semantics<subcore_parallel>], iteration_bounds = array<i64: 2, 16>, scalar_prefetch = 0 : i64, scratch_operands = 7 : i64, tpu.core_type = #tpu.core_type<sc_vector_subcore>, window_params = [{transform_indices = #map}, {transform_indices = #map}, {transform_indices = #map}, {transform_indices = #map}, {transform_indices = #map1}, {transform_indices = #map1}, {transform_indices = #map1}, {transform_indices = #map}, {transform_indices = #map}]} {
    %mul3A = arith.constant 632 : i32
    %mul3A_0 = arith.muli %arg1, %mul3A : i32
    %mul3A_1 = arith.constant 632 : i32
    %mul3A_2 = arith.muli %arg1, %mul3A_1 : i32
    "tpu.region"() ({
      %run_scoped3A = tpu.sem_alloc : memref<!tpu.dma_semaphore, #tpu.memory_space<semaphore_mem>>
      %dma_start3A = arith.constant 0 : i32
      %dma_start3A_17 = tpu.memref_slice %arg16[%mul3A_2, %dma_start3A] : memref<10112x128xf32, #tpu.memory_space<vmem_shared>> -> memref<632x128xf32, #tpu.memory_space<vmem_shared>>
      %dma_start3A_18 = arith.constant 0 : i32
      %dma_start3A_19 = tpu.memref_slice %arg9[%mul3A_0, %dma_start3A_18] : memref<10112x128xf32, #tpu.memory_space<hbm>> -> memref<632x128xf32, #tpu.memory_space<hbm>>
      tpu.enqueue_dma source(%dma_start3A_19 : memref<632x128xf32, #tpu.memory_space<hbm>>) target(%dma_start3A_17 : memref<632x128xf32, #tpu.memory_space<vmem_shared>>) target_semaphore(%run_scoped3A : memref<!tpu.dma_semaphore, #tpu.memory_space<semaphore_mem>>)
      %dma_wait3A = arith.constant 0 : i32
      %dma_wait3A_20 = tpu.memref_slice %arg16[%mul3A_2, %dma_wait3A] : memref<10112x128xf32, #tpu.memory_space<vmem_shared>> -> memref<632x128xf32, #tpu.memory_space<vmem_shared>>
      %dma_wait3A_21 = arith.constant 0 : i32
      %dma_wait3A_22 = tpu.memref_slice %arg9[%mul3A_0, %dma_wait3A_21] : memref<10112x128xf32, #tpu.memory_space<hbm>> -> memref<632x128xf32, #tpu.memory_space<hbm>>
      tpu.wait_dma2 semaphore(%run_scoped3A : memref<!tpu.dma_semaphore, #tpu.memory_space<semaphore_mem>>) src(%dma_wait3A_22 : memref<632x128xf32, #tpu.memory_space<hbm>>) dst(%dma_wait3A_20 : memref<632x128xf32, #tpu.memory_space<vmem_shared>>)
      tpu.yield
    }) : () -> ()
    %barrier3A = arith.constant 0 : index
    tpu.barrier barrier_id(%barrier3A)
    %mul3A_3 = arith.constant 640 : i32
    %mul3A_4 = arith.muli %arg1, %mul3A_3 : i32
    %scan3A = arith.constant 0 : i32
    %scan3A_5 = arith.constant 0 : i32
    %scan3A_6 = arith.constant 8 : i32
    %scan3A_7 = arith.addi %scan3A_5, %scan3A_6 : i32
    %scan3A_8 = arith.constant 1 : i32
    scf.for %scan3A_17 = %scan3A_5 to %scan3A_7 step %scan3A_8  : i32 {
      %mul3A_18 = arith.constant 80 : i32
      %mul3A_19 = arith.muli %scan3A_17, %mul3A_18 : i32
      %add3A_20 = arith.addi %mul3A_4, %mul3A_19 : i32
      "tpu.region"() ({
        %run_scoped3A = tpu.sem_alloc : memref<!tpu.dma_semaphore, #tpu.memory_space<semaphore_mem>>
        %dma_start3A = tpu.memref_slice %arg6[%add3A_20] : memref<10240xi32, #tpu.memory_space<hbm>> -> memref<80xi32, #tpu.memory_space<hbm>>
        %dma_start3A_28 = tpu.memref_slice %arg6[%add3A_20] : memref<10240xi32, #tpu.memory_space<hbm>> -> memref<80xi32, #tpu.memory_space<hbm>>
        tpu.enqueue_dma source(%dma_start3A_28 : memref<80xi32, #tpu.memory_space<hbm>>) target(%arg11 : memref<80xi32, #tpu.memory_space<vmem>>) target_semaphore(%run_scoped3A : memref<!tpu.dma_semaphore, #tpu.memory_space<semaphore_mem>>)
        %dma_wait3A = tpu.memref_slice %arg6[%add3A_20] : memref<10240xi32, #tpu.memory_space<hbm>> -> memref<80xi32, #tpu.memory_space<hbm>>
        %dma_wait3A_29 = tpu.memref_slice %arg6[%add3A_20] : memref<10240xi32, #tpu.memory_space<hbm>> -> memref<80xi32, #tpu.memory_space<hbm>>
        tpu.wait_dma2 semaphore(%run_scoped3A : memref<!tpu.dma_semaphore, #tpu.memory_space<semaphore_mem>>) src(%dma_wait3A_29 : memref<80xi32, #tpu.memory_space<hbm>>) dst(%arg11 : memref<80xi32, #tpu.memory_space<vmem>>)
        tpu.yield
      }) : () -> ()
      "tpu.region"() ({
        %run_scoped3A = tpu.sem_alloc : memref<!tpu.dma_semaphore, #tpu.memory_space<semaphore_mem>>
        %dma_start3A = tpu.memref_slice %arg8[%add3A_20] : memref<10240xi32, #tpu.memory_space<hbm>> -> memref<80xi32, #tpu.memory_space<hbm>>
        %dma_start3A_28 = tpu.memref_slice %arg8[%add3A_20] : memref<10240xi32, #tpu.memory_space<hbm>> -> memref<80xi32, #tpu.memory_space<hbm>>
        tpu.enqueue_dma source(%dma_start3A_28 : memref<80xi32, #tpu.memory_space<hbm>>) target(%arg13 : memref<80xi32, #tpu.memory_space<vmem>>) target_semaphore(%run_scoped3A : memref<!tpu.dma_semaphore, #tpu.memory_space<semaphore_mem>>)
        %dma_wait3A = tpu.memref_slice %arg8[%add3A_20] : memref<10240xi32, #tpu.memory_space<hbm>> -> memref<80xi32, #tpu.memory_space<hbm>>
        %dma_wait3A_29 = tpu.memref_slice %arg8[%add3A_20] : memref<10240xi32, #tpu.memory_space<hbm>> -> memref<80xi32, #tpu.memory_space<hbm>>
        tpu.wait_dma2 semaphore(%run_scoped3A : memref<!tpu.dma_semaphore, #tpu.memory_space<semaphore_mem>>) src(%dma_wait3A_29 : memref<80xi32, #tpu.memory_space<hbm>>) dst(%arg13 : memref<80xi32, #tpu.memory_space<vmem>>)
        tpu.yield
      }) : () -> ()
      %eq3A = arith.constant 0 : i32
      %eq3A_21 = arith.cmpi eq, %arg0, %eq3A : i32
      %convert_element_type3A = arith.extui %eq3A_21 : i1 to i32
      %cond3A = arith.constant 0 : i32
      %cond3A_22 = arith.cmpi ne, %convert_element_type3A, %cond3A : i32
      scf.if %cond3A_22 {
        %dma_start3A = arith.constant 0 : i32
        %dma_start3A_28 = arith.constant 0 : i32
        %dma_start3A_29 = tpu.memref_slice %arg2[%dma_start3A, %dma_start3A_28] : memref<28x128xf32, #tpu.memory_space<hbm>> -> memref<28x128xf32, #tpu.memory_space<hbm>>
        tpu.enqueue_indirect_dma source(%dma_start3A_29 : memref<28x128xf32, #tpu.memory_space<hbm>>) target(%arg14 : memref<80x128xf32, #tpu.memory_space<vmem>>) offsets(%arg11 : memref<80xi32, #tpu.memory_space<vmem>>) semaphore(%arg17 : memref<!tpu.dma_semaphore, #tpu.memory_space<semaphore_mem>>)
        %dma_wait3A = arith.constant 0 : i32
        %dma_wait3A_30 = arith.constant 0 : i32
        %dma_wait3A_31 = tpu.memref_slice %arg2[%dma_wait3A, %dma_wait3A_30] : memref<28x128xf32, #tpu.memory_space<hbm>> -> memref<28x128xf32, #tpu.memory_space<hbm>>
        tpu.wait_indirect_dma semaphore(%arg17 : memref<!tpu.dma_semaphore, #tpu.memory_space<semaphore_mem>>) src(%dma_wait3A_31 : memref<28x128xf32, #tpu.memory_space<hbm>>) dst(%arg14 : memref<80x128xf32, #tpu.memory_space<vmem>>)
      } else {
      }
      %eq3A_23 = arith.constant 1 : i32
      %eq3A_24 = arith.cmpi eq, %arg0, %eq3A_23 : i32
      %convert_element_type3A_25 = arith.extui %eq3A_24 : i1 to i32
      %cond3A_26 = arith.constant 0 : i32
      %cond3A_27 = arith.cmpi ne, %convert_element_type3A_25, %cond3A_26 : i32
      scf.if %cond3A_27 {
        %dma_start3A = arith.constant 0 : i32
        %dma_start3A_28 = arith.constant 0 : i32
        %dma_start3A_29 = tpu.memref_slice %arg3[%dma_start3A, %dma_start3A_28] : memref<28x128xf32, #tpu.memory_space<hbm>> -> memref<28x128xf32, #tpu.memory_space<hbm>>
        tpu.enqueue_indirect_dma source(%dma_start3A_29 : memref<28x128xf32, #tpu.memory_space<hbm>>) target(%arg14 : memref<80x128xf32, #tpu.memory_space<vmem>>) offsets(%arg11 : memref<80xi32, #tpu.memory_space<vmem>>) semaphore(%arg17 : memref<!tpu.dma_semaphore, #tpu.memory_space<semaphore_mem>>)
        %dma_wait3A = arith.constant 0 : i32
        %dma_wait3A_30 = arith.constant 0 : i32
        %dma_wait3A_31 = tpu.memref_slice %arg3[%dma_wait3A, %dma_wait3A_30] : memref<28x128xf32, #tpu.memory_space<hbm>> -> memref<28x128xf32, #tpu.memory_space<hbm>>
        tpu.wait_indirect_dma semaphore(%arg17 : memref<!tpu.dma_semaphore, #tpu.memory_space<semaphore_mem>>) src(%dma_wait3A_31 : memref<28x128xf32, #tpu.memory_space<hbm>>) dst(%arg14 : memref<80x128xf32, #tpu.memory_space<vmem>>)
      } else {
      }
      "tpu.region"() ({
        %run_scoped3A = tpu.sem_alloc : memref<!tpu.dma_semaphore, #tpu.memory_space<semaphore_mem>>
        %dma_start3A = arith.constant 0 : i32
        %dma_start3A_28 = arith.constant 0 : i32
        %dma_start3A_29 = tpu.memref_slice %arg16[%dma_start3A, %dma_start3A_28] : memref<10112x128xf32, #tpu.memory_space<vmem_shared>> -> memref<10112x128xf32, #tpu.memory_space<vmem_shared>>
        tpu.enqueue_indirect_dma source(%arg14 : memref<80x128xf32, #tpu.memory_space<vmem>>) target(%dma_start3A_29 : memref<10112x128xf32, #tpu.memory_space<vmem_shared>>) offsets(%arg13 : memref<80xi32, #tpu.memory_space<vmem>>) semaphore(%run_scoped3A : memref<!tpu.dma_semaphore, #tpu.memory_space<semaphore_mem>>) {add = true}
        %dma_wait3A = arith.constant 0 : i32
        %dma_wait3A_30 = arith.constant 0 : i32
        %dma_wait3A_31 = tpu.memref_slice %arg16[%dma_wait3A, %dma_wait3A_30] : memref<10112x128xf32, #tpu.memory_space<vmem_shared>> -> memref<10112x128xf32, #tpu.memory_space<vmem_shared>>
        tpu.wait_indirect_dma semaphore(%run_scoped3A : memref<!tpu.dma_semaphore, #tpu.memory_space<semaphore_mem>>) src(%arg14 : memref<80x128xf32, #tpu.memory_space<vmem>>) dst(%dma_wait3A_31 : memref<10112x128xf32, #tpu.memory_space<vmem_shared>>)
        tpu.yield
      }) : () -> ()
    }
    %scan3A_9 = arith.constant 8 : i32
    %barrier3A_10 = arith.constant 0 : index
    tpu.barrier barrier_id(%barrier3A_10)
    %mul3A_11 = arith.constant 632 : i32
    %mul3A_12 = arith.muli %arg1, %mul3A_11 : i32
    %mul3A_13 = arith.constant 10112 : i32
    %mul3A_14 = arith.muli %arg0, %mul3A_13 : i32
    %mul3A_15 = arith.constant 632 : i32
    %mul3A_16 = arith.muli %arg1, %mul3A_15 : i32
    %add3A = arith.addi %mul3A_14, %mul3A_16 : i32
    "tpu.region"() ({
      %run_scoped3A = tpu.sem_alloc : memref<!tpu.dma_semaphore, #tpu.memory_space<semaphore_mem>>
      %dma_start3A = arith.constant 0 : i32
      %dma_start3A_17 = tpu.memref_slice %arg10[%add3A, %dma_start3A] : memref<20224x128xf32, #tpu.memory_space<hbm>> -> memref<632x128xf32, #tpu.memory_space<hbm>>
      %dma_start3A_18 = arith.constant 0 : i32
      %dma_start3A_19 = tpu.memref_slice %arg16[%mul3A_12, %dma_start3A_18] : memref<10112x128xf32, #tpu.memory_space<vmem_shared>> -> memref<632x128xf32, #tpu.memory_space<vmem_shared>>
      tpu.enqueue_dma source(%dma_start3A_19 : memref<632x128xf32, #tpu.memory_space<vmem_shared>>) target(%dma_start3A_17 : memref<632x128xf32, #tpu.memory_space<hbm>>) target_semaphore(%run_scoped3A : memref<!tpu.dma_semaphore, #tpu.memory_space<semaphore_mem>>)
      %dma_wait3A = arith.constant 0 : i32
      %dma_wait3A_20 = tpu.memref_slice %arg10[%add3A, %dma_wait3A] : memref<20224x128xf32, #tpu.memory_space<hbm>> -> memref<632x128xf32, #tpu.memory_space<hbm>>
      %dma_wait3A_21 = arith.constant 0 : i32
      %dma_wait3A_22 = tpu.memref_slice %arg16[%mul3A_12, %dma_wait3A_21] : memref<10112x128xf32, #tpu.memory_space<vmem_shared>> -> memref<632x128xf32, #tpu.memory_space<vmem_shared>>
      tpu.wait_dma2 semaphore(%run_scoped3A : memref<!tpu.dma_semaphore, #tpu.memory_space<semaphore_mem>>) src(%dma_wait3A_22 : memref<632x128xf32, #tpu.memory_space<vmem_shared>>) dst(%dma_wait3A_20 : memref<632x128xf32, #tpu.memory_space<hbm>>)
      tpu.yield
    }) : () -> ()
    return
  }
}

#map = affine_map<(d0, d1) -> (0, 0)>
#map1 = affine_map<(d0, d1) -> (0)>
module attributes {stable_mosaic.version = 14 : i64} {
  func.func @kfn(%arg0: i32, %arg1: i32, %arg2: memref<10000x128xf32, #tpu.memory_space<hbm>>, %arg3: memref<10000x128xf32, #tpu.memory_space<hbm>>, %arg4: memref<4x128xf32, #tpu.memory_space<hbm>>, %arg5: memref<4x128xf32, #tpu.memory_space<hbm>>, %arg6: memref<160000xi32, #tpu.memory_space<hbm>>, %arg7: memref<160000xi32, #tpu.memory_space<hbm>>, %arg8: memref<160000xi32, #tpu.memory_space<hbm>>, %arg9: memref<10112x128xf32, #tpu.memory_space<hbm>>, %arg10: memref<20224x128xf32, #tpu.memory_space<hbm>>, %arg11: memref<80xi32, #tpu.memory_space<vmem>>, %arg12: memref<80xi32, #tpu.memory_space<vmem>>, %arg13: memref<80xi32, #tpu.memory_space<vmem>>, %arg14: memref<80x128xf32, #tpu.memory_space<vmem>>, %arg15: memref<80x128xf32, #tpu.memory_space<vmem>>, %arg16: memref<10112x128xf32, #tpu.memory_space<vmem_shared>>, %arg17: memref<!tpu.dma_semaphore, #tpu.memory_space<semaphore_mem>>) attributes {dimension_semantics = [#tpu.dimension_semantics<core_parallel>, #tpu.dimension_semantics<subcore_parallel>], iteration_bounds = array<i64: 2, 16>, scalar_prefetch = 0 : i64, scratch_operands = 7 : i64, tpu.core_type = #tpu.core_type<sc_vector_subcore>, window_params = [{transform_indices = #map}, {transform_indices = #map}, {transform_indices = #map}, {transform_indices = #map}, {transform_indices = #map1}, {transform_indices = #map1}, {transform_indices = #map1}, {transform_indices = #map}, {transform_indices = #map}]} {
    %mul3A = arith.constant 632 : i32
    %mul3A_0 = arith.muli %arg1, %mul3A : i32
    %mul3A_1 = arith.constant 632 : i32
    %mul3A_2 = arith.muli %arg1, %mul3A_1 : i32
    "tpu.region"() ({
      %run_scoped3A = tpu.sem_alloc : memref<!tpu.dma_semaphore, #tpu.memory_space<semaphore_mem>>
      %dma_start3A = arith.constant 0 : i32
      %dma_start3A_17 = tpu.memref_slice %arg16[%mul3A_2, %dma_start3A] : memref<10112x128xf32, #tpu.memory_space<vmem_shared>> -> memref<632x128xf32, #tpu.memory_space<vmem_shared>>
      %dma_start3A_18 = arith.constant 0 : i32
      %dma_start3A_19 = tpu.memref_slice %arg9[%mul3A_0, %dma_start3A_18] : memref<10112x128xf32, #tpu.memory_space<hbm>> -> memref<632x128xf32, #tpu.memory_space<hbm>>
      tpu.enqueue_dma source(%dma_start3A_19 : memref<632x128xf32, #tpu.memory_space<hbm>>) target(%dma_start3A_17 : memref<632x128xf32, #tpu.memory_space<vmem_shared>>) target_semaphore(%run_scoped3A : memref<!tpu.dma_semaphore, #tpu.memory_space<semaphore_mem>>)
      %dma_wait3A = arith.constant 0 : i32
      %dma_wait3A_20 = tpu.memref_slice %arg16[%mul3A_2, %dma_wait3A] : memref<10112x128xf32, #tpu.memory_space<vmem_shared>> -> memref<632x128xf32, #tpu.memory_space<vmem_shared>>
      %dma_wait3A_21 = arith.constant 0 : i32
      %dma_wait3A_22 = tpu.memref_slice %arg9[%mul3A_0, %dma_wait3A_21] : memref<10112x128xf32, #tpu.memory_space<hbm>> -> memref<632x128xf32, #tpu.memory_space<hbm>>
      tpu.wait_dma2 semaphore(%run_scoped3A : memref<!tpu.dma_semaphore, #tpu.memory_space<semaphore_mem>>) src(%dma_wait3A_22 : memref<632x128xf32, #tpu.memory_space<hbm>>) dst(%dma_wait3A_20 : memref<632x128xf32, #tpu.memory_space<vmem_shared>>)
      tpu.yield
    }) : () -> ()
    %barrier3A = arith.constant 0 : index
    tpu.barrier barrier_id(%barrier3A)
    %mul3A_3 = arith.constant 10000 : i32
    %mul3A_4 = arith.muli %arg1, %mul3A_3 : i32
    %scan3A = arith.constant 0 : i32
    %scan3A_5 = arith.constant 0 : i32
    %scan3A_6 = arith.constant 125 : i32
    %scan3A_7 = arith.addi %scan3A_5, %scan3A_6 : i32
    %scan3A_8 = arith.constant 1 : i32
    scf.for %scan3A_17 = %scan3A_5 to %scan3A_7 step %scan3A_8  : i32 {
      %mul3A_18 = arith.constant 80 : i32
      %mul3A_19 = arith.muli %scan3A_17, %mul3A_18 : i32
      %add3A_20 = arith.addi %mul3A_4, %mul3A_19 : i32
      "tpu.region"() ({
        %run_scoped3A = tpu.sem_alloc : memref<!tpu.dma_semaphore, #tpu.memory_space<semaphore_mem>>
        %dma_start3A = tpu.memref_slice %arg6[%add3A_20] : memref<160000xi32, #tpu.memory_space<hbm>> -> memref<80xi32, #tpu.memory_space<hbm>>
        %dma_start3A_34 = tpu.memref_slice %arg6[%add3A_20] : memref<160000xi32, #tpu.memory_space<hbm>> -> memref<80xi32, #tpu.memory_space<hbm>>
        tpu.enqueue_dma source(%dma_start3A_34 : memref<80xi32, #tpu.memory_space<hbm>>) target(%arg11 : memref<80xi32, #tpu.memory_space<vmem>>) target_semaphore(%run_scoped3A : memref<!tpu.dma_semaphore, #tpu.memory_space<semaphore_mem>>)
        %dma_wait3A = tpu.memref_slice %arg6[%add3A_20] : memref<160000xi32, #tpu.memory_space<hbm>> -> memref<80xi32, #tpu.memory_space<hbm>>
        %dma_wait3A_35 = tpu.memref_slice %arg6[%add3A_20] : memref<160000xi32, #tpu.memory_space<hbm>> -> memref<80xi32, #tpu.memory_space<hbm>>
        tpu.wait_dma2 semaphore(%run_scoped3A : memref<!tpu.dma_semaphore, #tpu.memory_space<semaphore_mem>>) src(%dma_wait3A_35 : memref<80xi32, #tpu.memory_space<hbm>>) dst(%arg11 : memref<80xi32, #tpu.memory_space<vmem>>)
        tpu.yield
      }) : () -> ()
      "tpu.region"() ({
        %run_scoped3A = tpu.sem_alloc : memref<!tpu.dma_semaphore, #tpu.memory_space<semaphore_mem>>
        %dma_start3A = tpu.memref_slice %arg7[%add3A_20] : memref<160000xi32, #tpu.memory_space<hbm>> -> memref<80xi32, #tpu.memory_space<hbm>>
        %dma_start3A_34 = tpu.memref_slice %arg7[%add3A_20] : memref<160000xi32, #tpu.memory_space<hbm>> -> memref<80xi32, #tpu.memory_space<hbm>>
        tpu.enqueue_dma source(%dma_start3A_34 : memref<80xi32, #tpu.memory_space<hbm>>) target(%arg12 : memref<80xi32, #tpu.memory_space<vmem>>) target_semaphore(%run_scoped3A : memref<!tpu.dma_semaphore, #tpu.memory_space<semaphore_mem>>)
        %dma_wait3A = tpu.memref_slice %arg7[%add3A_20] : memref<160000xi32, #tpu.memory_space<hbm>> -> memref<80xi32, #tpu.memory_space<hbm>>
        %dma_wait3A_35 = tpu.memref_slice %arg7[%add3A_20] : memref<160000xi32, #tpu.memory_space<hbm>> -> memref<80xi32, #tpu.memory_space<hbm>>
        tpu.wait_dma2 semaphore(%run_scoped3A : memref<!tpu.dma_semaphore, #tpu.memory_space<semaphore_mem>>) src(%dma_wait3A_35 : memref<80xi32, #tpu.memory_space<hbm>>) dst(%arg12 : memref<80xi32, #tpu.memory_space<vmem>>)
        tpu.yield
      }) : () -> ()
      "tpu.region"() ({
        %run_scoped3A = tpu.sem_alloc : memref<!tpu.dma_semaphore, #tpu.memory_space<semaphore_mem>>
        %dma_start3A = tpu.memref_slice %arg8[%add3A_20] : memref<160000xi32, #tpu.memory_space<hbm>> -> memref<80xi32, #tpu.memory_space<hbm>>
        %dma_start3A_34 = tpu.memref_slice %arg8[%add3A_20] : memref<160000xi32, #tpu.memory_space<hbm>> -> memref<80xi32, #tpu.memory_space<hbm>>
        tpu.enqueue_dma source(%dma_start3A_34 : memref<80xi32, #tpu.memory_space<hbm>>) target(%arg13 : memref<80xi32, #tpu.memory_space<vmem>>) target_semaphore(%run_scoped3A : memref<!tpu.dma_semaphore, #tpu.memory_space<semaphore_mem>>)
        %dma_wait3A = tpu.memref_slice %arg8[%add3A_20] : memref<160000xi32, #tpu.memory_space<hbm>> -> memref<80xi32, #tpu.memory_space<hbm>>
        %dma_wait3A_35 = tpu.memref_slice %arg8[%add3A_20] : memref<160000xi32, #tpu.memory_space<hbm>> -> memref<80xi32, #tpu.memory_space<hbm>>
        tpu.wait_dma2 semaphore(%run_scoped3A : memref<!tpu.dma_semaphore, #tpu.memory_space<semaphore_mem>>) src(%dma_wait3A_35 : memref<80xi32, #tpu.memory_space<hbm>>) dst(%arg13 : memref<80xi32, #tpu.memory_space<vmem>>)
        tpu.yield
      }) : () -> ()
      %eq3A = arith.constant 0 : i32
      %eq3A_21 = arith.cmpi eq, %arg0, %eq3A : i32
      %convert_element_type3A = arith.extui %eq3A_21 : i1 to i32
      %cond3A = arith.constant 0 : i32
      %cond3A_22 = arith.cmpi ne, %convert_element_type3A, %cond3A : i32
      scf.if %cond3A_22 {
        %dma_start3A = arith.constant 0 : i32
        %dma_start3A_34 = arith.constant 0 : i32
        %dma_start3A_35 = tpu.memref_slice %arg2[%dma_start3A, %dma_start3A_34] : memref<10000x128xf32, #tpu.memory_space<hbm>> -> memref<10000x128xf32, #tpu.memory_space<hbm>>
        tpu.enqueue_indirect_dma source(%dma_start3A_35 : memref<10000x128xf32, #tpu.memory_space<hbm>>) target(%arg14 : memref<80x128xf32, #tpu.memory_space<vmem>>) offsets(%arg11 : memref<80xi32, #tpu.memory_space<vmem>>) semaphore(%arg17 : memref<!tpu.dma_semaphore, #tpu.memory_space<semaphore_mem>>)
        %dma_wait3A = arith.constant 0 : i32
        %dma_wait3A_36 = arith.constant 0 : i32
        %dma_wait3A_37 = tpu.memref_slice %arg2[%dma_wait3A, %dma_wait3A_36] : memref<10000x128xf32, #tpu.memory_space<hbm>> -> memref<10000x128xf32, #tpu.memory_space<hbm>>
        tpu.wait_indirect_dma semaphore(%arg17 : memref<!tpu.dma_semaphore, #tpu.memory_space<semaphore_mem>>) src(%dma_wait3A_37 : memref<10000x128xf32, #tpu.memory_space<hbm>>) dst(%arg14 : memref<80x128xf32, #tpu.memory_space<vmem>>)
        %dma_start3A_38 = arith.constant 0 : i32
        %dma_start3A_39 = arith.constant 0 : i32
        %dma_start3A_40 = tpu.memref_slice %arg4[%dma_start3A_38, %dma_start3A_39] : memref<4x128xf32, #tpu.memory_space<hbm>> -> memref<4x128xf32, #tpu.memory_space<hbm>>
        tpu.enqueue_indirect_dma source(%dma_start3A_40 : memref<4x128xf32, #tpu.memory_space<hbm>>) target(%arg15 : memref<80x128xf32, #tpu.memory_space<vmem>>) offsets(%arg12 : memref<80xi32, #tpu.memory_space<vmem>>) semaphore(%arg17 : memref<!tpu.dma_semaphore, #tpu.memory_space<semaphore_mem>>)
        %dma_wait3A_41 = arith.constant 0 : i32
        %dma_wait3A_42 = arith.constant 0 : i32
        %dma_wait3A_43 = tpu.memref_slice %arg4[%dma_wait3A_41, %dma_wait3A_42] : memref<4x128xf32, #tpu.memory_space<hbm>> -> memref<4x128xf32, #tpu.memory_space<hbm>>
        tpu.wait_indirect_dma semaphore(%arg17 : memref<!tpu.dma_semaphore, #tpu.memory_space<semaphore_mem>>) src(%dma_wait3A_43 : memref<4x128xf32, #tpu.memory_space<hbm>>) dst(%arg15 : memref<80x128xf32, #tpu.memory_space<vmem>>)
      } else {
      }
      %eq3A_23 = arith.constant 1 : i32
      %eq3A_24 = arith.cmpi eq, %arg0, %eq3A_23 : i32
      %convert_element_type3A_25 = arith.extui %eq3A_24 : i1 to i32
      %cond3A_26 = arith.constant 0 : i32
      %cond3A_27 = arith.cmpi ne, %convert_element_type3A_25, %cond3A_26 : i32
      scf.if %cond3A_27 {
        %dma_start3A = arith.constant 0 : i32
        %dma_start3A_34 = arith.constant 0 : i32
        %dma_start3A_35 = tpu.memref_slice %arg3[%dma_start3A, %dma_start3A_34] : memref<10000x128xf32, #tpu.memory_space<hbm>> -> memref<10000x128xf32, #tpu.memory_space<hbm>>
        tpu.enqueue_indirect_dma source(%dma_start3A_35 : memref<10000x128xf32, #tpu.memory_space<hbm>>) target(%arg14 : memref<80x128xf32, #tpu.memory_space<vmem>>) offsets(%arg11 : memref<80xi32, #tpu.memory_space<vmem>>) semaphore(%arg17 : memref<!tpu.dma_semaphore, #tpu.memory_space<semaphore_mem>>)
        %dma_wait3A = arith.constant 0 : i32
        %dma_wait3A_36 = arith.constant 0 : i32
        %dma_wait3A_37 = tpu.memref_slice %arg3[%dma_wait3A, %dma_wait3A_36] : memref<10000x128xf32, #tpu.memory_space<hbm>> -> memref<10000x128xf32, #tpu.memory_space<hbm>>
        tpu.wait_indirect_dma semaphore(%arg17 : memref<!tpu.dma_semaphore, #tpu.memory_space<semaphore_mem>>) src(%dma_wait3A_37 : memref<10000x128xf32, #tpu.memory_space<hbm>>) dst(%arg14 : memref<80x128xf32, #tpu.memory_space<vmem>>)
        %dma_start3A_38 = arith.constant 0 : i32
        %dma_start3A_39 = arith.constant 0 : i32
        %dma_start3A_40 = tpu.memref_slice %arg5[%dma_start3A_38, %dma_start3A_39] : memref<4x128xf32, #tpu.memory_space<hbm>> -> memref<4x128xf32, #tpu.memory_space<hbm>>
        tpu.enqueue_indirect_dma source(%dma_start3A_40 : memref<4x128xf32, #tpu.memory_space<hbm>>) target(%arg15 : memref<80x128xf32, #tpu.memory_space<vmem>>) offsets(%arg12 : memref<80xi32, #tpu.memory_space<vmem>>) semaphore(%arg17 : memref<!tpu.dma_semaphore, #tpu.memory_space<semaphore_mem>>)
        %dma_wait3A_41 = arith.constant 0 : i32
        %dma_wait3A_42 = arith.constant 0 : i32
        %dma_wait3A_43 = tpu.memref_slice %arg5[%dma_wait3A_41, %dma_wait3A_42] : memref<4x128xf32, #tpu.memory_space<hbm>> -> memref<4x128xf32, #tpu.memory_space<hbm>>
        tpu.wait_indirect_dma semaphore(%arg17 : memref<!tpu.dma_semaphore, #tpu.memory_space<semaphore_mem>>) src(%dma_wait3A_43 : memref<4x128xf32, #tpu.memory_space<hbm>>) dst(%arg15 : memref<80x128xf32, #tpu.memory_space<vmem>>)
      } else {
      }
      %scan3A_28 = arith.constant 0 : i32
      %scan3A_29 = arith.constant 0 : i32
      %scan3A_30 = arith.constant 80 : i32
      %scan3A_31 = arith.addi %scan3A_29, %scan3A_30 : i32
      %scan3A_32 = arith.constant 1 : i32
      scf.for %scan3A_34 = %scan3A_29 to %scan3A_31 step %scan3A_32  : i32 {
        %get3A = arith.index_cast %scan3A_34 : i32 to index
        %get3A_35 = arith.constant 0 : index
        %get3A_36 = tpu.vector_load %arg14[%get3A, %get3A_35] {strides = array<i32>} : memref<80x128xf32, #tpu.memory_space<vmem>>, vector<1x16xf32>,
        %get3A_37 = vector.shape_cast %get3A_36 : vector<1x16xf32> to vector<16xf32>
        %get3A_38 = arith.index_cast %scan3A_34 : i32 to index
        %get3A_39 = arith.constant 0 : index
        %get3A_40 = tpu.vector_load %arg15[%get3A_38, %get3A_39] {strides = array<i32>} : memref<80x128xf32, #tpu.memory_space<vmem>>, vector<1x16xf32>,
        %get3A_41 = vector.shape_cast %get3A_40 : vector<1x16xf32> to vector<16xf32>
        %add3A_42 = arith.addf %get3A_37, %get3A_41 : vector<16xf32>
        %max3A = arith.constant 0.000000e+00 : f32
        %max3A_43 = vector.broadcast %max3A : f32 to vector<16xf32>
        %max3A_44 = arith.maximumf %add3A_42, %max3A_43 : vector<16xf32>
        %swap3A = arith.index_cast %scan3A_34 : i32 to index
        %swap3A_45 = arith.constant 0 : index
        %swap3A_46 = tpu.vector_load %arg14[%swap3A, %swap3A_45] {strides = array<i32>} : memref<80x128xf32, #tpu.memory_space<vmem>>, vector<1x16xf32>,
        %swap3A_47 = vector.shape_cast %swap3A_46 : vector<1x16xf32> to vector<16xf32>
        %swap3A_48 = vector.shape_cast %max3A_44 : vector<16xf32> to vector<1x16xf32>
        tpu.vector_store %arg14[%swap3A, %swap3A_45], %swap3A_48 {strides = array<i32>} : memref<80x128xf32, #tpu.memory_space<vmem>>, vector<1x16xf32>,
        %get3A_49 = arith.index_cast %scan3A_34 : i32 to index
        %get3A_50 = arith.constant 16 : index
        %get3A_51 = tpu.vector_load %arg14[%get3A_49, %get3A_50] {strides = array<i32>} : memref<80x128xf32, #tpu.memory_space<vmem>>, vector<1x16xf32>,
        %get3A_52 = vector.shape_cast %get3A_51 : vector<1x16xf32> to vector<16xf32>
        %get3A_53 = arith.index_cast %scan3A_34 : i32 to index
        %get3A_54 = arith.constant 16 : index
        %get3A_55 = tpu.vector_load %arg15[%get3A_53, %get3A_54] {strides = array<i32>} : memref<80x128xf32, #tpu.memory_space<vmem>>, vector<1x16xf32>,
        %get3A_56 = vector.shape_cast %get3A_55 : vector<1x16xf32> to vector<16xf32>
        %add3A_57 = arith.addf %get3A_52, %get3A_56 : vector<16xf32>
        %max3A_58 = arith.constant 0.000000e+00 : f32
        %max3A_59 = vector.broadcast %max3A_58 : f32 to vector<16xf32>
        %max3A_60 = arith.maximumf %add3A_57, %max3A_59 : vector<16xf32>
        %swap3A_61 = arith.index_cast %scan3A_34 : i32 to index
        %swap3A_62 = arith.constant 16 : index
        %swap3A_63 = tpu.vector_load %arg14[%swap3A_61, %swap3A_62] {strides = array<i32>} : memref<80x128xf32, #tpu.memory_space<vmem>>, vector<1x16xf32>,
        %swap3A_64 = vector.shape_cast %swap3A_63 : vector<1x16xf32> to vector<16xf32>
        %swap3A_65 = vector.shape_cast %max3A_60 : vector<16xf32> to vector<1x16xf32>
        tpu.vector_store %arg14[%swap3A_61, %swap3A_62], %swap3A_65 {strides = array<i32>} : memref<80x128xf32, #tpu.memory_space<vmem>>, vector<1x16xf32>,
        %get3A_66 = arith.index_cast %scan3A_34 : i32 to index
        %get3A_67 = arith.constant 32 : index
        %get3A_68 = tpu.vector_load %arg14[%get3A_66, %get3A_67] {strides = array<i32>} : memref<80x128xf32, #tpu.memory_space<vmem>>, vector<1x16xf32>,
        %get3A_69 = vector.shape_cast %get3A_68 : vector<1x16xf32> to vector<16xf32>
        %get3A_70 = arith.index_cast %scan3A_34 : i32 to index
        %get3A_71 = arith.constant 32 : index
        %get3A_72 = tpu.vector_load %arg15[%get3A_70, %get3A_71] {strides = array<i32>} : memref<80x128xf32, #tpu.memory_space<vmem>>, vector<1x16xf32>,
        %get3A_73 = vector.shape_cast %get3A_72 : vector<1x16xf32> to vector<16xf32>
        %add3A_74 = arith.addf %get3A_69, %get3A_73 : vector<16xf32>
        %max3A_75 = arith.constant 0.000000e+00 : f32
        %max3A_76 = vector.broadcast %max3A_75 : f32 to vector<16xf32>
        %max3A_77 = arith.maximumf %add3A_74, %max3A_76 : vector<16xf32>
        %swap3A_78 = arith.index_cast %scan3A_34 : i32 to index
        %swap3A_79 = arith.constant 32 : index
        %swap3A_80 = tpu.vector_load %arg14[%swap3A_78, %swap3A_79] {strides = array<i32>} : memref<80x128xf32, #tpu.memory_space<vmem>>, vector<1x16xf32>,
        %swap3A_81 = vector.shape_cast %swap3A_80 : vector<1x16xf32> to vector<16xf32>
        %swap3A_82 = vector.shape_cast %max3A_77 : vector<16xf32> to vector<1x16xf32>
        tpu.vector_store %arg14[%swap3A_78, %swap3A_79], %swap3A_82 {strides = array<i32>} : memref<80x128xf32, #tpu.memory_space<vmem>>, vector<1x16xf32>,
        %get3A_83 = arith.index_cast %scan3A_34 : i32 to index
        %get3A_84 = arith.constant 48 : index
        %get3A_85 = tpu.vector_load %arg14[%get3A_83, %get3A_84] {strides = array<i32>} : memref<80x128xf32, #tpu.memory_space<vmem>>, vector<1x16xf32>,
        %get3A_86 = vector.shape_cast %get3A_85 : vector<1x16xf32> to vector<16xf32>
        %get3A_87 = arith.index_cast %scan3A_34 : i32 to index
        %get3A_88 = arith.constant 48 : index
        %get3A_89 = tpu.vector_load %arg15[%get3A_87, %get3A_88] {strides = array<i32>} : memref<80x128xf32, #tpu.memory_space<vmem>>, vector<1x16xf32>,
        %get3A_90 = vector.shape_cast %get3A_89 : vector<1x16xf32> to vector<16xf32>
        %add3A_91 = arith.addf %get3A_86, %get3A_90 : vector<16xf32>
        %max3A_92 = arith.constant 0.000000e+00 : f32
        %max3A_93 = vector.broadcast %max3A_92 : f32 to vector<16xf32>
        %max3A_94 = arith.maximumf %add3A_91, %max3A_93 : vector<16xf32>
        %swap3A_95 = arith.index_cast %scan3A_34 : i32 to index
        %swap3A_96 = arith.constant 48 : index
        %swap3A_97 = tpu.vector_load %arg14[%swap3A_95, %swap3A_96] {strides = array<i32>} : memref<80x128xf32, #tpu.memory_space<vmem>>, vector<1x16xf32>,
        %swap3A_98 = vector.shape_cast %swap3A_97 : vector<1x16xf32> to vector<16xf32>
        %swap3A_99 = vector.shape_cast %max3A_94 : vector<16xf32> to vector<1x16xf32>
        tpu.vector_store %arg14[%swap3A_95, %swap3A_96], %swap3A_99 {strides = array<i32>} : memref<80x128xf32, #tpu.memory_space<vmem>>, vector<1x16xf32>,
        %get3A_100 = arith.index_cast %scan3A_34 : i32 to index
        %get3A_101 = arith.constant 64 : index
        %get3A_102 = tpu.vector_load %arg14[%get3A_100, %get3A_101] {strides = array<i32>} : memref<80x128xf32, #tpu.memory_space<vmem>>, vector<1x16xf32>,
        %get3A_103 = vector.shape_cast %get3A_102 : vector<1x16xf32> to vector<16xf32>
        %get3A_104 = arith.index_cast %scan3A_34 : i32 to index
        %get3A_105 = arith.constant 64 : index
        %get3A_106 = tpu.vector_load %arg15[%get3A_104, %get3A_105] {strides = array<i32>} : memref<80x128xf32, #tpu.memory_space<vmem>>, vector<1x16xf32>,
        %get3A_107 = vector.shape_cast %get3A_106 : vector<1x16xf32> to vector<16xf32>
        %add3A_108 = arith.addf %get3A_103, %get3A_107 : vector<16xf32>
        %max3A_109 = arith.constant 0.000000e+00 : f32
        %max3A_110 = vector.broadcast %max3A_109 : f32 to vector<16xf32>
        %max3A_111 = arith.maximumf %add3A_108, %max3A_110 : vector<16xf32>
        %swap3A_112 = arith.index_cast %scan3A_34 : i32 to index
        %swap3A_113 = arith.constant 64 : index
        %swap3A_114 = tpu.vector_load %arg14[%swap3A_112, %swap3A_113] {strides = array<i32>} : memref<80x128xf32, #tpu.memory_space<vmem>>, vector<1x16xf32>,
        %swap3A_115 = vector.shape_cast %swap3A_114 : vector<1x16xf32> to vector<16xf32>
        %swap3A_116 = vector.shape_cast %max3A_111 : vector<16xf32> to vector<1x16xf32>
        tpu.vector_store %arg14[%swap3A_112, %swap3A_113], %swap3A_116 {strides = array<i32>} : memref<80x128xf32, #tpu.memory_space<vmem>>, vector<1x16xf32>,
        %get3A_117 = arith.index_cast %scan3A_34 : i32 to index
        %get3A_118 = arith.constant 80 : index
        %get3A_119 = tpu.vector_load %arg14[%get3A_117, %get3A_118] {strides = array<i32>} : memref<80x128xf32, #tpu.memory_space<vmem>>, vector<1x16xf32>,
        %get3A_120 = vector.shape_cast %get3A_119 : vector<1x16xf32> to vector<16xf32>
        %get3A_121 = arith.index_cast %scan3A_34 : i32 to index
        %get3A_122 = arith.constant 80 : index
        %get3A_123 = tpu.vector_load %arg15[%get3A_121, %get3A_122] {strides = array<i32>} : memref<80x128xf32, #tpu.memory_space<vmem>>, vector<1x16xf32>,
        %get3A_124 = vector.shape_cast %get3A_123 : vector<1x16xf32> to vector<16xf32>
        %add3A_125 = arith.addf %get3A_120, %get3A_124 : vector<16xf32>
        %max3A_126 = arith.constant 0.000000e+00 : f32
        %max3A_127 = vector.broadcast %max3A_126 : f32 to vector<16xf32>
        %max3A_128 = arith.maximumf %add3A_125, %max3A_127 : vector<16xf32>
        %swap3A_129 = arith.index_cast %scan3A_34 : i32 to index
        %swap3A_130 = arith.constant 80 : index
        %swap3A_131 = tpu.vector_load %arg14[%swap3A_129, %swap3A_130] {strides = array<i32>} : memref<80x128xf32, #tpu.memory_space<vmem>>, vector<1x16xf32>,
        %swap3A_132 = vector.shape_cast %swap3A_131 : vector<1x16xf32> to vector<16xf32>
        %swap3A_133 = vector.shape_cast %max3A_128 : vector<16xf32> to vector<1x16xf32>
        tpu.vector_store %arg14[%swap3A_129, %swap3A_130], %swap3A_133 {strides = array<i32>} : memref<80x128xf32, #tpu.memory_space<vmem>>, vector<1x16xf32>,
        %get3A_134 = arith.index_cast %scan3A_34 : i32 to index
        %get3A_135 = arith.constant 96 : index
        %get3A_136 = tpu.vector_load %arg14[%get3A_134, %get3A_135] {strides = array<i32>} : memref<80x128xf32, #tpu.memory_space<vmem>>, vector<1x16xf32>,
        %get3A_137 = vector.shape_cast %get3A_136 : vector<1x16xf32> to vector<16xf32>
        %get3A_138 = arith.index_cast %scan3A_34 : i32 to index
        %get3A_139 = arith.constant 96 : index
        %get3A_140 = tpu.vector_load %arg15[%get3A_138, %get3A_139] {strides = array<i32>} : memref<80x128xf32, #tpu.memory_space<vmem>>, vector<1x16xf32>,
        %get3A_141 = vector.shape_cast %get3A_140 : vector<1x16xf32> to vector<16xf32>
        %add3A_142 = arith.addf %get3A_137, %get3A_141 : vector<16xf32>
        %max3A_143 = arith.constant 0.000000e+00 : f32
        %max3A_144 = vector.broadcast %max3A_143 : f32 to vector<16xf32>
        %max3A_145 = arith.maximumf %add3A_142, %max3A_144 : vector<16xf32>
        %swap3A_146 = arith.index_cast %scan3A_34 : i32 to index
        %swap3A_147 = arith.constant 96 : index
        %swap3A_148 = tpu.vector_load %arg14[%swap3A_146, %swap3A_147] {strides = array<i32>} : memref<80x128xf32, #tpu.memory_space<vmem>>, vector<1x16xf32>,
        %swap3A_149 = vector.shape_cast %swap3A_148 : vector<1x16xf32> to vector<16xf32>
        %swap3A_150 = vector.shape_cast %max3A_145 : vector<16xf32> to vector<1x16xf32>
        tpu.vector_store %arg14[%swap3A_146, %swap3A_147], %swap3A_150 {strides = array<i32>} : memref<80x128xf32, #tpu.memory_space<vmem>>, vector<1x16xf32>,
        %get3A_151 = arith.index_cast %scan3A_34 : i32 to index
        %get3A_152 = arith.constant 112 : index
        %get3A_153 = tpu.vector_load %arg14[%get3A_151, %get3A_152] {strides = array<i32>} : memref<80x128xf32, #tpu.memory_space<vmem>>, vector<1x16xf32>,
        %get3A_154 = vector.shape_cast %get3A_153 : vector<1x16xf32> to vector<16xf32>
        %get3A_155 = arith.index_cast %scan3A_34 : i32 to index
        %get3A_156 = arith.constant 112 : index
        %get3A_157 = tpu.vector_load %arg15[%get3A_155, %get3A_156] {strides = array<i32>} : memref<80x128xf32, #tpu.memory_space<vmem>>, vector<1x16xf32>,
        %get3A_158 = vector.shape_cast %get3A_157 : vector<1x16xf32> to vector<16xf32>
        %add3A_159 = arith.addf %get3A_154, %get3A_158 : vector<16xf32>
        %max3A_160 = arith.constant 0.000000e+00 : f32
        %max3A_161 = vector.broadcast %max3A_160 : f32 to vector<16xf32>
        %max3A_162 = arith.maximumf %add3A_159, %max3A_161 : vector<16xf32>
        %swap3A_163 = arith.index_cast %scan3A_34 : i32 to index
        %swap3A_164 = arith.constant 112 : index
        %swap3A_165 = tpu.vector_load %arg14[%swap3A_163, %swap3A_164] {strides = array<i32>} : memref<80x128xf32, #tpu.memory_space<vmem>>, vector<1x16xf32>,
        %swap3A_166 = vector.shape_cast %swap3A_165 : vector<1x16xf32> to vector<16xf32>
        %swap3A_167 = vector.shape_cast %max3A_162 : vector<16xf32> to vector<1x16xf32>
        tpu.vector_store %arg14[%swap3A_163, %swap3A_164], %swap3A_167 {strides = array<i32>} : memref<80x128xf32, #tpu.memory_space<vmem>>, vector<1x16xf32>,
      }
      %scan3A_33 = arith.constant 80 : i32
      "tpu.region"() ({
        %run_scoped3A = tpu.sem_alloc : memref<!tpu.dma_semaphore, #tpu.memory_space<semaphore_mem>>
        %dma_start3A = arith.constant 0 : i32
        %dma_start3A_34 = arith.constant 0 : i32
        %dma_start3A_35 = tpu.memref_slice %arg16[%dma_start3A, %dma_start3A_34] : memref<10112x128xf32, #tpu.memory_space<vmem_shared>> -> memref<10112x128xf32, #tpu.memory_space<vmem_shared>>
        tpu.enqueue_indirect_dma source(%arg14 : memref<80x128xf32, #tpu.memory_space<vmem>>) target(%dma_start3A_35 : memref<10112x128xf32, #tpu.memory_space<vmem_shared>>) offsets(%arg13 : memref<80xi32, #tpu.memory_space<vmem>>) semaphore(%run_scoped3A : memref<!tpu.dma_semaphore, #tpu.memory_space<semaphore_mem>>) {add = true}
        %dma_wait3A = arith.constant 0 : i32
        %dma_wait3A_36 = arith.constant 0 : i32
        %dma_wait3A_37 = tpu.memref_slice %arg16[%dma_wait3A, %dma_wait3A_36] : memref<10112x128xf32, #tpu.memory_space<vmem_shared>> -> memref<10112x128xf32, #tpu.memory_space<vmem_shared>>
        tpu.wait_indirect_dma semaphore(%run_scoped3A : memref<!tpu.dma_semaphore, #tpu.memory_space<semaphore_mem>>) src(%arg14 : memref<80x128xf32, #tpu.memory_space<vmem>>) dst(%dma_wait3A_37 : memref<10112x128xf32, #tpu.memory_space<vmem_shared>>)
        tpu.yield
      }) : () -> ()
    }
    %scan3A_9 = arith.constant 125 : i32
    %barrier3A_10 = arith.constant 0 : index
    tpu.barrier barrier_id(%barrier3A_10)
    %mul3A_11 = arith.constant 632 : i32
    %mul3A_12 = arith.muli %arg1, %mul3A_11 : i32
    %mul3A_13 = arith.constant 10112 : i32
    %mul3A_14 = arith.muli %arg0, %mul3A_13 : i32
    %mul3A_15 = arith.constant 632 : i32
    %mul3A_16 = arith.muli %arg1, %mul3A_15 : i32
    %add3A = arith.addi %mul3A_14, %mul3A_16 : i32
    "tpu.region"() ({
      %run_scoped3A = tpu.sem_alloc : memref<!tpu.dma_semaphore, #tpu.memory_space<semaphore_mem>>
      %dma_start3A = arith.constant 0 : i32
      %dma_start3A_17 = tpu.memref_slice %arg10[%add3A, %dma_start3A] : memref<20224x128xf32, #tpu.memory_space<hbm>> -> memref<632x128xf32, #tpu.memory_space<hbm>>
      %dma_start3A_18 = arith.constant 0 : i32
      %dma_start3A_19 = tpu.memref_slice %arg16[%mul3A_12, %dma_start3A_18] : memref<10112x128xf32, #tpu.memory_space<vmem_shared>> -> memref<632x128xf32, #tpu.memory_space<vmem_shared>>
      tpu.enqueue_dma source(%dma_start3A_19 : memref<632x128xf32, #tpu.memory_space<vmem_shared>>) target(%dma_start3A_17 : memref<632x128xf32, #tpu.memory_space<hbm>>) target_semaphore(%run_scoped3A : memref<!tpu.dma_semaphore, #tpu.memory_space<semaphore_mem>>)
      %dma_wait3A = arith.constant 0 : i32
      %dma_wait3A_20 = tpu.memref_slice %arg10[%add3A, %dma_wait3A] : memref<20224x128xf32, #tpu.memory_space<hbm>> -> memref<632x128xf32, #tpu.memory_space<hbm>>
      %dma_wait3A_21 = arith.constant 0 : i32
      %dma_wait3A_22 = tpu.memref_slice %arg16[%mul3A_12, %dma_wait3A_21] : memref<10112x128xf32, #tpu.memory_space<vmem_shared>> -> memref<632x128xf32, #tpu.memory_space<vmem_shared>>
      tpu.wait_dma2 semaphore(%run_scoped3A : memref<!tpu.dma_semaphore, #tpu.memory_space<semaphore_mem>>) src(%dma_wait3A_22 : memref<632x128xf32, #tpu.memory_space<vmem_shared>>) dst(%dma_wait3A_20 : memref<632x128xf32, #tpu.memory_space<hbm>>)
      tpu.yield
    }) : () -> ()
    return
  }
}

#map = affine_map<(d0, d1) -> (0, 0)>
#map1 = affine_map<(d0, d1) -> (0)>
module attributes {stable_mosaic.version = 14 : i64} {
  func.func @kfn(%arg0: i32, %arg1: i32, %arg2: memref<10000x128xf32, #tpu.memory_space<hbm>>, %arg3: memref<10000x128xf32, #tpu.memory_space<hbm>>, %arg4: memref<4x128xf32, #tpu.memory_space<hbm>>, %arg5: memref<4x128xf32, #tpu.memory_space<hbm>>, %arg6: memref<160000xi32, #tpu.memory_space<hbm>>, %arg7: memref<160000xi32, #tpu.memory_space<hbm>>, %arg8: memref<160000xi32, #tpu.memory_space<hbm>>, %arg9: memref<10112x128xf32, #tpu.memory_space<hbm>>, %arg10: memref<20224x128xf32, #tpu.memory_space<hbm>>, %arg11: memref<80xi32, #tpu.memory_space<vmem>>, %arg12: memref<80xi32, #tpu.memory_space<vmem>>, %arg13: memref<80xi32, #tpu.memory_space<vmem>>, %arg14: memref<80x128xf32, #tpu.memory_space<vmem>>, %arg15: memref<80x128xf32, #tpu.memory_space<vmem>>, %arg16: memref<10112x128xf32, #tpu.memory_space<vmem_shared>>, %arg17: memref<!tpu.dma_semaphore, #tpu.memory_space<semaphore_mem>>) attributes {dimension_semantics = [#tpu.dimension_semantics<core_parallel>, #tpu.dimension_semantics<subcore_parallel>], iteration_bounds = array<i64: 2, 16>, scalar_prefetch = 0 : i64, scratch_operands = 7 : i64, tpu.core_type = #tpu.core_type<sc_vector_subcore>, window_params = [{transform_indices = #map}, {transform_indices = #map}, {transform_indices = #map}, {transform_indices = #map}, {transform_indices = #map1}, {transform_indices = #map1}, {transform_indices = #map1}, {transform_indices = #map}, {transform_indices = #map}]} {
    %mul3A = arith.constant 632 : i32
    %mul3A_0 = arith.muli %arg1, %mul3A : i32
    %mul3A_1 = arith.constant 632 : i32
    %mul3A_2 = arith.muli %arg1, %mul3A_1 : i32
    "tpu.region"() ({
      %run_scoped3A = tpu.sem_alloc : memref<!tpu.dma_semaphore, #tpu.memory_space<semaphore_mem>>
      %dma_start3A = arith.constant 0 : i32
      %dma_start3A_17 = tpu.memref_slice %arg16[%mul3A_2, %dma_start3A] : memref<10112x128xf32, #tpu.memory_space<vmem_shared>> -> memref<632x128xf32, #tpu.memory_space<vmem_shared>>
      %dma_start3A_18 = arith.constant 0 : i32
      %dma_start3A_19 = tpu.memref_slice %arg9[%mul3A_0, %dma_start3A_18] : memref<10112x128xf32, #tpu.memory_space<hbm>> -> memref<632x128xf32, #tpu.memory_space<hbm>>
      tpu.enqueue_dma source(%dma_start3A_19 : memref<632x128xf32, #tpu.memory_space<hbm>>) target(%dma_start3A_17 : memref<632x128xf32, #tpu.memory_space<vmem_shared>>) target_semaphore(%run_scoped3A : memref<!tpu.dma_semaphore, #tpu.memory_space<semaphore_mem>>)
      %dma_wait3A = arith.constant 0 : i32
      %dma_wait3A_20 = tpu.memref_slice %arg16[%mul3A_2, %dma_wait3A] : memref<10112x128xf32, #tpu.memory_space<vmem_shared>> -> memref<632x128xf32, #tpu.memory_space<vmem_shared>>
      %dma_wait3A_21 = arith.constant 0 : i32
      %dma_wait3A_22 = tpu.memref_slice %arg9[%mul3A_0, %dma_wait3A_21] : memref<10112x128xf32, #tpu.memory_space<hbm>> -> memref<632x128xf32, #tpu.memory_space<hbm>>
      tpu.wait_dma2 semaphore(%run_scoped3A : memref<!tpu.dma_semaphore, #tpu.memory_space<semaphore_mem>>) src(%dma_wait3A_22 : memref<632x128xf32, #tpu.memory_space<hbm>>) dst(%dma_wait3A_20 : memref<632x128xf32, #tpu.memory_space<vmem_shared>>)
      tpu.yield
    }) : () -> ()
    %barrier3A = arith.constant 0 : index
    tpu.barrier barrier_id(%barrier3A)
    %mul3A_3 = arith.constant 10000 : i32
    %mul3A_4 = arith.muli %arg1, %mul3A_3 : i32
    %scan3A = arith.constant 0 : i32
    %scan3A_5 = arith.constant 0 : i32
    %scan3A_6 = arith.constant 125 : i32
    %scan3A_7 = arith.addi %scan3A_5, %scan3A_6 : i32
    %scan3A_8 = arith.constant 1 : i32
    scf.for %scan3A_17 = %scan3A_5 to %scan3A_7 step %scan3A_8  : i32 {
      %mul3A_18 = arith.constant 80 : i32
      %mul3A_19 = arith.muli %scan3A_17, %mul3A_18 : i32
      %add3A_20 = arith.addi %mul3A_4, %mul3A_19 : i32
      "tpu.region"() ({
        %run_scoped3A = tpu.sem_alloc : memref<!tpu.dma_semaphore, #tpu.memory_space<semaphore_mem>>
        %dma_start3A = tpu.memref_slice %arg6[%add3A_20] : memref<160000xi32, #tpu.memory_space<hbm>> -> memref<80xi32, #tpu.memory_space<hbm>>
        %dma_start3A_34 = tpu.memref_slice %arg6[%add3A_20] : memref<160000xi32, #tpu.memory_space<hbm>> -> memref<80xi32, #tpu.memory_space<hbm>>
        tpu.enqueue_dma source(%dma_start3A_34 : memref<80xi32, #tpu.memory_space<hbm>>) target(%arg11 : memref<80xi32, #tpu.memory_space<vmem>>) target_semaphore(%run_scoped3A : memref<!tpu.dma_semaphore, #tpu.memory_space<semaphore_mem>>)
        %dma_wait3A = tpu.memref_slice %arg6[%add3A_20] : memref<160000xi32, #tpu.memory_space<hbm>> -> memref<80xi32, #tpu.memory_space<hbm>>
        %dma_wait3A_35 = tpu.memref_slice %arg6[%add3A_20] : memref<160000xi32, #tpu.memory_space<hbm>> -> memref<80xi32, #tpu.memory_space<hbm>>
        tpu.wait_dma2 semaphore(%run_scoped3A : memref<!tpu.dma_semaphore, #tpu.memory_space<semaphore_mem>>) src(%dma_wait3A_35 : memref<80xi32, #tpu.memory_space<hbm>>) dst(%arg11 : memref<80xi32, #tpu.memory_space<vmem>>)
        tpu.yield
      }) : () -> ()
      "tpu.region"() ({
        %run_scoped3A = tpu.sem_alloc : memref<!tpu.dma_semaphore, #tpu.memory_space<semaphore_mem>>
        %dma_start3A = tpu.memref_slice %arg7[%add3A_20] : memref<160000xi32, #tpu.memory_space<hbm>> -> memref<80xi32, #tpu.memory_space<hbm>>
        %dma_start3A_34 = tpu.memref_slice %arg7[%add3A_20] : memref<160000xi32, #tpu.memory_space<hbm>> -> memref<80xi32, #tpu.memory_space<hbm>>
        tpu.enqueue_dma source(%dma_start3A_34 : memref<80xi32, #tpu.memory_space<hbm>>) target(%arg12 : memref<80xi32, #tpu.memory_space<vmem>>) target_semaphore(%run_scoped3A : memref<!tpu.dma_semaphore, #tpu.memory_space<semaphore_mem>>)
        %dma_wait3A = tpu.memref_slice %arg7[%add3A_20] : memref<160000xi32, #tpu.memory_space<hbm>> -> memref<80xi32, #tpu.memory_space<hbm>>
        %dma_wait3A_35 = tpu.memref_slice %arg7[%add3A_20] : memref<160000xi32, #tpu.memory_space<hbm>> -> memref<80xi32, #tpu.memory_space<hbm>>
        tpu.wait_dma2 semaphore(%run_scoped3A : memref<!tpu.dma_semaphore, #tpu.memory_space<semaphore_mem>>) src(%dma_wait3A_35 : memref<80xi32, #tpu.memory_space<hbm>>) dst(%arg12 : memref<80xi32, #tpu.memory_space<vmem>>)
        tpu.yield
      }) : () -> ()
      "tpu.region"() ({
        %run_scoped3A = tpu.sem_alloc : memref<!tpu.dma_semaphore, #tpu.memory_space<semaphore_mem>>
        %dma_start3A = tpu.memref_slice %arg8[%add3A_20] : memref<160000xi32, #tpu.memory_space<hbm>> -> memref<80xi32, #tpu.memory_space<hbm>>
        %dma_start3A_34 = tpu.memref_slice %arg8[%add3A_20] : memref<160000xi32, #tpu.memory_space<hbm>> -> memref<80xi32, #tpu.memory_space<hbm>>
        tpu.enqueue_dma source(%dma_start3A_34 : memref<80xi32, #tpu.memory_space<hbm>>) target(%arg13 : memref<80xi32, #tpu.memory_space<vmem>>) target_semaphore(%run_scoped3A : memref<!tpu.dma_semaphore, #tpu.memory_space<semaphore_mem>>)
        %dma_wait3A = tpu.memref_slice %arg8[%add3A_20] : memref<160000xi32, #tpu.memory_space<hbm>> -> memref<80xi32, #tpu.memory_space<hbm>>
        %dma_wait3A_35 = tpu.memref_slice %arg8[%add3A_20] : memref<160000xi32, #tpu.memory_space<hbm>> -> memref<80xi32, #tpu.memory_space<hbm>>
        tpu.wait_dma2 semaphore(%run_scoped3A : memref<!tpu.dma_semaphore, #tpu.memory_space<semaphore_mem>>) src(%dma_wait3A_35 : memref<80xi32, #tpu.memory_space<hbm>>) dst(%arg13 : memref<80xi32, #tpu.memory_space<vmem>>)
        tpu.yield
      }) : () -> ()
      %eq3A = arith.constant 0 : i32
      %eq3A_21 = arith.cmpi eq, %arg0, %eq3A : i32
      %convert_element_type3A = arith.extui %eq3A_21 : i1 to i32
      %cond3A = arith.constant 0 : i32
      %cond3A_22 = arith.cmpi ne, %convert_element_type3A, %cond3A : i32
      scf.if %cond3A_22 {
        %dma_start3A = arith.constant 0 : i32
        %dma_start3A_34 = arith.constant 0 : i32
        %dma_start3A_35 = tpu.memref_slice %arg2[%dma_start3A, %dma_start3A_34] : memref<10000x128xf32, #tpu.memory_space<hbm>> -> memref<10000x128xf32, #tpu.memory_space<hbm>>
        tpu.enqueue_indirect_dma source(%dma_start3A_35 : memref<10000x128xf32, #tpu.memory_space<hbm>>) target(%arg14 : memref<80x128xf32, #tpu.memory_space<vmem>>) offsets(%arg11 : memref<80xi32, #tpu.memory_space<vmem>>) semaphore(%arg17 : memref<!tpu.dma_semaphore, #tpu.memory_space<semaphore_mem>>)
        %dma_wait3A = arith.constant 0 : i32
        %dma_wait3A_36 = arith.constant 0 : i32
        %dma_wait3A_37 = tpu.memref_slice %arg2[%dma_wait3A, %dma_wait3A_36] : memref<10000x128xf32, #tpu.memory_space<hbm>> -> memref<10000x128xf32, #tpu.memory_space<hbm>>
        tpu.wait_indirect_dma semaphore(%arg17 : memref<!tpu.dma_semaphore, #tpu.memory_space<semaphore_mem>>) src(%dma_wait3A_37 : memref<10000x128xf32, #tpu.memory_space<hbm>>) dst(%arg14 : memref<80x128xf32, #tpu.memory_space<vmem>>)
        %dma_start3A_38 = arith.constant 0 : i32
        %dma_start3A_39 = arith.constant 0 : i32
        %dma_start3A_40 = tpu.memref_slice %arg4[%dma_start3A_38, %dma_start3A_39] : memref<4x128xf32, #tpu.memory_space<hbm>> -> memref<4x128xf32, #tpu.memory_space<hbm>>
        tpu.enqueue_indirect_dma source(%dma_start3A_40 : memref<4x128xf32, #tpu.memory_space<hbm>>) target(%arg15 : memref<80x128xf32, #tpu.memory_space<vmem>>) offsets(%arg12 : memref<80xi32, #tpu.memory_space<vmem>>) semaphore(%arg17 : memref<!tpu.dma_semaphore, #tpu.memory_space<semaphore_mem>>)
        %dma_wait3A_41 = arith.constant 0 : i32
        %dma_wait3A_42 = arith.constant 0 : i32
        %dma_wait3A_43 = tpu.memref_slice %arg4[%dma_wait3A_41, %dma_wait3A_42] : memref<4x128xf32, #tpu.memory_space<hbm>> -> memref<4x128xf32, #tpu.memory_space<hbm>>
        tpu.wait_indirect_dma semaphore(%arg17 : memref<!tpu.dma_semaphore, #tpu.memory_space<semaphore_mem>>) src(%dma_wait3A_43 : memref<4x128xf32, #tpu.memory_space<hbm>>) dst(%arg15 : memref<80x128xf32, #tpu.memory_space<vmem>>)
      } else {
      }
      %eq3A_23 = arith.constant 1 : i32
      %eq3A_24 = arith.cmpi eq, %arg0, %eq3A_23 : i32
      %convert_element_type3A_25 = arith.extui %eq3A_24 : i1 to i32
      %cond3A_26 = arith.constant 0 : i32
      %cond3A_27 = arith.cmpi ne, %convert_element_type3A_25, %cond3A_26 : i32
      scf.if %cond3A_27 {
        %dma_start3A = arith.constant 0 : i32
        %dma_start3A_34 = arith.constant 0 : i32
        %dma_start3A_35 = tpu.memref_slice %arg3[%dma_start3A, %dma_start3A_34] : memref<10000x128xf32, #tpu.memory_space<hbm>> -> memref<10000x128xf32, #tpu.memory_space<hbm>>
        tpu.enqueue_indirect_dma source(%dma_start3A_35 : memref<10000x128xf32, #tpu.memory_space<hbm>>) target(%arg14 : memref<80x128xf32, #tpu.memory_space<vmem>>) offsets(%arg11 : memref<80xi32, #tpu.memory_space<vmem>>) semaphore(%arg17 : memref<!tpu.dma_semaphore, #tpu.memory_space<semaphore_mem>>)
        %dma_wait3A = arith.constant 0 : i32
        %dma_wait3A_36 = arith.constant 0 : i32
        %dma_wait3A_37 = tpu.memref_slice %arg3[%dma_wait3A, %dma_wait3A_36] : memref<10000x128xf32, #tpu.memory_space<hbm>> -> memref<10000x128xf32, #tpu.memory_space<hbm>>
        tpu.wait_indirect_dma semaphore(%arg17 : memref<!tpu.dma_semaphore, #tpu.memory_space<semaphore_mem>>) src(%dma_wait3A_37 : memref<10000x128xf32, #tpu.memory_space<hbm>>) dst(%arg14 : memref<80x128xf32, #tpu.memory_space<vmem>>)
        %dma_start3A_38 = arith.constant 0 : i32
        %dma_start3A_39 = arith.constant 0 : i32
        %dma_start3A_40 = tpu.memref_slice %arg5[%dma_start3A_38, %dma_start3A_39] : memref<4x128xf32, #tpu.memory_space<hbm>> -> memref<4x128xf32, #tpu.memory_space<hbm>>
        tpu.enqueue_indirect_dma source(%dma_start3A_40 : memref<4x128xf32, #tpu.memory_space<hbm>>) target(%arg15 : memref<80x128xf32, #tpu.memory_space<vmem>>) offsets(%arg12 : memref<80xi32, #tpu.memory_space<vmem>>) semaphore(%arg17 : memref<!tpu.dma_semaphore, #tpu.memory_space<semaphore_mem>>)
        %dma_wait3A_41 = arith.constant 0 : i32
        %dma_wait3A_42 = arith.constant 0 : i32
        %dma_wait3A_43 = tpu.memref_slice %arg5[%dma_wait3A_41, %dma_wait3A_42] : memref<4x128xf32, #tpu.memory_space<hbm>> -> memref<4x128xf32, #tpu.memory_space<hbm>>
        tpu.wait_indirect_dma semaphore(%arg17 : memref<!tpu.dma_semaphore, #tpu.memory_space<semaphore_mem>>) src(%dma_wait3A_43 : memref<4x128xf32, #tpu.memory_space<hbm>>) dst(%arg15 : memref<80x128xf32, #tpu.memory_space<vmem>>)
      } else {
      }
      %scan3A_28 = arith.constant 0 : i32
      %scan3A_29 = arith.constant 0 : i32
      %scan3A_30 = arith.constant 80 : i32
      %scan3A_31 = arith.addi %scan3A_29, %scan3A_30 : i32
      %scan3A_32 = arith.constant 1 : i32
      scf.for %scan3A_34 = %scan3A_29 to %scan3A_31 step %scan3A_32  : i32 {
        %get3A = arith.index_cast %scan3A_34 : i32 to index
        %get3A_35 = arith.constant 0 : index
        %get3A_36 = tpu.vector_load %arg14[%get3A, %get3A_35] {strides = array<i32>} : memref<80x128xf32, #tpu.memory_space<vmem>>, vector<1x16xf32>,
        %get3A_37 = vector.shape_cast %get3A_36 : vector<1x16xf32> to vector<16xf32>
        %get3A_38 = arith.index_cast %scan3A_34 : i32 to index
        %get3A_39 = arith.constant 0 : index
        %get3A_40 = tpu.vector_load %arg15[%get3A_38, %get3A_39] {strides = array<i32>} : memref<80x128xf32, #tpu.memory_space<vmem>>, vector<1x16xf32>,
        %get3A_41 = vector.shape_cast %get3A_40 : vector<1x16xf32> to vector<16xf32>
        %add3A_42 = arith.addf %get3A_37, %get3A_41 : vector<16xf32>
        %max3A = arith.constant 0.000000e+00 : f32
        %max3A_43 = vector.broadcast %max3A : f32 to vector<16xf32>
        %max3A_44 = arith.maximumf %add3A_42, %max3A_43 : vector<16xf32>
        %swap3A = arith.index_cast %scan3A_34 : i32 to index
        %swap3A_45 = arith.constant 0 : index
        %swap3A_46 = tpu.vector_load %arg14[%swap3A, %swap3A_45] {strides = array<i32>} : memref<80x128xf32, #tpu.memory_space<vmem>>, vector<1x16xf32>,
        %swap3A_47 = vector.shape_cast %swap3A_46 : vector<1x16xf32> to vector<16xf32>
        %swap3A_48 = vector.shape_cast %max3A_44 : vector<16xf32> to vector<1x16xf32>
        tpu.vector_store %arg14[%swap3A, %swap3A_45], %swap3A_48 {strides = array<i32>} : memref<80x128xf32, #tpu.memory_space<vmem>>, vector<1x16xf32>,
        %get3A_49 = arith.index_cast %scan3A_34 : i32 to index
        %get3A_50 = arith.constant 16 : index
        %get3A_51 = tpu.vector_load %arg14[%get3A_49, %get3A_50] {strides = array<i32>} : memref<80x128xf32, #tpu.memory_space<vmem>>, vector<1x16xf32>,
        %get3A_52 = vector.shape_cast %get3A_51 : vector<1x16xf32> to vector<16xf32>
        %get3A_53 = arith.index_cast %scan3A_34 : i32 to index
        %get3A_54 = arith.constant 16 : index
        %get3A_55 = tpu.vector_load %arg15[%get3A_53, %get3A_54] {strides = array<i32>} : memref<80x128xf32, #tpu.memory_space<vmem>>, vector<1x16xf32>,
        %get3A_56 = vector.shape_cast %get3A_55 : vector<1x16xf32> to vector<16xf32>
        %add3A_57 = arith.addf %get3A_52, %get3A_56 : vector<16xf32>
        %max3A_58 = arith.constant 0.000000e+00 : f32
        %max3A_59 = vector.broadcast %max3A_58 : f32 to vector<16xf32>
        %max3A_60 = arith.maximumf %add3A_57, %max3A_59 : vector<16xf32>
        %swap3A_61 = arith.index_cast %scan3A_34 : i32 to index
        %swap3A_62 = arith.constant 16 : index
        %swap3A_63 = tpu.vector_load %arg14[%swap3A_61, %swap3A_62] {strides = array<i32>} : memref<80x128xf32, #tpu.memory_space<vmem>>, vector<1x16xf32>,
        %swap3A_64 = vector.shape_cast %swap3A_63 : vector<1x16xf32> to vector<16xf32>
        %swap3A_65 = vector.shape_cast %max3A_60 : vector<16xf32> to vector<1x16xf32>
        tpu.vector_store %arg14[%swap3A_61, %swap3A_62], %swap3A_65 {strides = array<i32>} : memref<80x128xf32, #tpu.memory_space<vmem>>, vector<1x16xf32>,
        %get3A_66 = arith.index_cast %scan3A_34 : i32 to index
        %get3A_67 = arith.constant 32 : index
        %get3A_68 = tpu.vector_load %arg14[%get3A_66, %get3A_67] {strides = array<i32>} : memref<80x128xf32, #tpu.memory_space<vmem>>, vector<1x16xf32>,
        %get3A_69 = vector.shape_cast %get3A_68 : vector<1x16xf32> to vector<16xf32>
        %get3A_70 = arith.index_cast %scan3A_34 : i32 to index
        %get3A_71 = arith.constant 32 : index
        %get3A_72 = tpu.vector_load %arg15[%get3A_70, %get3A_71] {strides = array<i32>} : memref<80x128xf32, #tpu.memory_space<vmem>>, vector<1x16xf32>,
        %get3A_73 = vector.shape_cast %get3A_72 : vector<1x16xf32> to vector<16xf32>
        %add3A_74 = arith.addf %get3A_69, %get3A_73 : vector<16xf32>
        %max3A_75 = arith.constant 0.000000e+00 : f32
        %max3A_76 = vector.broadcast %max3A_75 : f32 to vector<16xf32>
        %max3A_77 = arith.maximumf %add3A_74, %max3A_76 : vector<16xf32>
        %swap3A_78 = arith.index_cast %scan3A_34 : i32 to index
        %swap3A_79 = arith.constant 32 : index
        %swap3A_80 = tpu.vector_load %arg14[%swap3A_78, %swap3A_79] {strides = array<i32>} : memref<80x128xf32, #tpu.memory_space<vmem>>, vector<1x16xf32>,
        %swap3A_81 = vector.shape_cast %swap3A_80 : vector<1x16xf32> to vector<16xf32>
        %swap3A_82 = vector.shape_cast %max3A_77 : vector<16xf32> to vector<1x16xf32>
        tpu.vector_store %arg14[%swap3A_78, %swap3A_79], %swap3A_82 {strides = array<i32>} : memref<80x128xf32, #tpu.memory_space<vmem>>, vector<1x16xf32>,
        %get3A_83 = arith.index_cast %scan3A_34 : i32 to index
        %get3A_84 = arith.constant 48 : index
        %get3A_85 = tpu.vector_load %arg14[%get3A_83, %get3A_84] {strides = array<i32>} : memref<80x128xf32, #tpu.memory_space<vmem>>, vector<1x16xf32>,
        %get3A_86 = vector.shape_cast %get3A_85 : vector<1x16xf32> to vector<16xf32>
        %get3A_87 = arith.index_cast %scan3A_34 : i32 to index
        %get3A_88 = arith.constant 48 : index
        %get3A_89 = tpu.vector_load %arg15[%get3A_87, %get3A_88] {strides = array<i32>} : memref<80x128xf32, #tpu.memory_space<vmem>>, vector<1x16xf32>,
        %get3A_90 = vector.shape_cast %get3A_89 : vector<1x16xf32> to vector<16xf32>
        %add3A_91 = arith.addf %get3A_86, %get3A_90 : vector<16xf32>
        %max3A_92 = arith.constant 0.000000e+00 : f32
        %max3A_93 = vector.broadcast %max3A_92 : f32 to vector<16xf32>
        %max3A_94 = arith.maximumf %add3A_91, %max3A_93 : vector<16xf32>
        %swap3A_95 = arith.index_cast %scan3A_34 : i32 to index
        %swap3A_96 = arith.constant 48 : index
        %swap3A_97 = tpu.vector_load %arg14[%swap3A_95, %swap3A_96] {strides = array<i32>} : memref<80x128xf32, #tpu.memory_space<vmem>>, vector<1x16xf32>,
        %swap3A_98 = vector.shape_cast %swap3A_97 : vector<1x16xf32> to vector<16xf32>
        %swap3A_99 = vector.shape_cast %max3A_94 : vector<16xf32> to vector<1x16xf32>
        tpu.vector_store %arg14[%swap3A_95, %swap3A_96], %swap3A_99 {strides = array<i32>} : memref<80x128xf32, #tpu.memory_space<vmem>>, vector<1x16xf32>,
        %get3A_100 = arith.index_cast %scan3A_34 : i32 to index
        %get3A_101 = arith.constant 64 : index
        %get3A_102 = tpu.vector_load %arg14[%get3A_100, %get3A_101] {strides = array<i32>} : memref<80x128xf32, #tpu.memory_space<vmem>>, vector<1x16xf32>,
        %get3A_103 = vector.shape_cast %get3A_102 : vector<1x16xf32> to vector<16xf32>
        %get3A_104 = arith.index_cast %scan3A_34 : i32 to index
        %get3A_105 = arith.constant 64 : index
        %get3A_106 = tpu.vector_load %arg15[%get3A_104, %get3A_105] {strides = array<i32>} : memref<80x128xf32, #tpu.memory_space<vmem>>, vector<1x16xf32>,
        %get3A_107 = vector.shape_cast %get3A_106 : vector<1x16xf32> to vector<16xf32>
        %add3A_108 = arith.addf %get3A_103, %get3A_107 : vector<16xf32>
        %max3A_109 = arith.constant 0.000000e+00 : f32
        %max3A_110 = vector.broadcast %max3A_109 : f32 to vector<16xf32>
        %max3A_111 = arith.maximumf %add3A_108, %max3A_110 : vector<16xf32>
        %swap3A_112 = arith.index_cast %scan3A_34 : i32 to index
        %swap3A_113 = arith.constant 64 : index
        %swap3A_114 = tpu.vector_load %arg14[%swap3A_112, %swap3A_113] {strides = array<i32>} : memref<80x128xf32, #tpu.memory_space<vmem>>, vector<1x16xf32>,
        %swap3A_115 = vector.shape_cast %swap3A_114 : vector<1x16xf32> to vector<16xf32>
        %swap3A_116 = vector.shape_cast %max3A_111 : vector<16xf32> to vector<1x16xf32>
        tpu.vector_store %arg14[%swap3A_112, %swap3A_113], %swap3A_116 {strides = array<i32>} : memref<80x128xf32, #tpu.memory_space<vmem>>, vector<1x16xf32>,
        %get3A_117 = arith.index_cast %scan3A_34 : i32 to index
        %get3A_118 = arith.constant 80 : index
        %get3A_119 = tpu.vector_load %arg14[%get3A_117, %get3A_118] {strides = array<i32>} : memref<80x128xf32, #tpu.memory_space<vmem>>, vector<1x16xf32>,
        %get3A_120 = vector.shape_cast %get3A_119 : vector<1x16xf32> to vector<16xf32>
        %get3A_121 = arith.index_cast %scan3A_34 : i32 to index
        %get3A_122 = arith.constant 80 : index
        %get3A_123 = tpu.vector_load %arg15[%get3A_121, %get3A_122] {strides = array<i32>} : memref<80x128xf32, #tpu.memory_space<vmem>>, vector<1x16xf32>,
        %get3A_124 = vector.shape_cast %get3A_123 : vector<1x16xf32> to vector<16xf32>
        %add3A_125 = arith.addf %get3A_120, %get3A_124 : vector<16xf32>
        %max3A_126 = arith.constant 0.000000e+00 : f32
        %max3A_127 = vector.broadcast %max3A_126 : f32 to vector<16xf32>
        %max3A_128 = arith.maximumf %add3A_125, %max3A_127 : vector<16xf32>
        %swap3A_129 = arith.index_cast %scan3A_34 : i32 to index
        %swap3A_130 = arith.constant 80 : index
        %swap3A_131 = tpu.vector_load %arg14[%swap3A_129, %swap3A_130] {strides = array<i32>} : memref<80x128xf32, #tpu.memory_space<vmem>>, vector<1x16xf32>,
        %swap3A_132 = vector.shape_cast %swap3A_131 : vector<1x16xf32> to vector<16xf32>
        %swap3A_133 = vector.shape_cast %max3A_128 : vector<16xf32> to vector<1x16xf32>
        tpu.vector_store %arg14[%swap3A_129, %swap3A_130], %swap3A_133 {strides = array<i32>} : memref<80x128xf32, #tpu.memory_space<vmem>>, vector<1x16xf32>,
        %get3A_134 = arith.index_cast %scan3A_34 : i32 to index
        %get3A_135 = arith.constant 96 : index
        %get3A_136 = tpu.vector_load %arg14[%get3A_134, %get3A_135] {strides = array<i32>} : memref<80x128xf32, #tpu.memory_space<vmem>>, vector<1x16xf32>,
        %get3A_137 = vector.shape_cast %get3A_136 : vector<1x16xf32> to vector<16xf32>
        %get3A_138 = arith.index_cast %scan3A_34 : i32 to index
        %get3A_139 = arith.constant 96 : index
        %get3A_140 = tpu.vector_load %arg15[%get3A_138, %get3A_139] {strides = array<i32>} : memref<80x128xf32, #tpu.memory_space<vmem>>, vector<1x16xf32>,
        %get3A_141 = vector.shape_cast %get3A_140 : vector<1x16xf32> to vector<16xf32>
        %add3A_142 = arith.addf %get3A_137, %get3A_141 : vector<16xf32>
        %max3A_143 = arith.constant 0.000000e+00 : f32
        %max3A_144 = vector.broadcast %max3A_143 : f32 to vector<16xf32>
        %max3A_145 = arith.maximumf %add3A_142, %max3A_144 : vector<16xf32>
        %swap3A_146 = arith.index_cast %scan3A_34 : i32 to index
        %swap3A_147 = arith.constant 96 : index
        %swap3A_148 = tpu.vector_load %arg14[%swap3A_146, %swap3A_147] {strides = array<i32>} : memref<80x128xf32, #tpu.memory_space<vmem>>, vector<1x16xf32>,
        %swap3A_149 = vector.shape_cast %swap3A_148 : vector<1x16xf32> to vector<16xf32>
        %swap3A_150 = vector.shape_cast %max3A_145 : vector<16xf32> to vector<1x16xf32>
        tpu.vector_store %arg14[%swap3A_146, %swap3A_147], %swap3A_150 {strides = array<i32>} : memref<80x128xf32, #tpu.memory_space<vmem>>, vector<1x16xf32>,
        %get3A_151 = arith.index_cast %scan3A_34 : i32 to index
        %get3A_152 = arith.constant 112 : index
        %get3A_153 = tpu.vector_load %arg14[%get3A_151, %get3A_152] {strides = array<i32>} : memref<80x128xf32, #tpu.memory_space<vmem>>, vector<1x16xf32>,
        %get3A_154 = vector.shape_cast %get3A_153 : vector<1x16xf32> to vector<16xf32>
        %get3A_155 = arith.index_cast %scan3A_34 : i32 to index
        %get3A_156 = arith.constant 112 : index
        %get3A_157 = tpu.vector_load %arg15[%get3A_155, %get3A_156] {strides = array<i32>} : memref<80x128xf32, #tpu.memory_space<vmem>>, vector<1x16xf32>,
        %get3A_158 = vector.shape_cast %get3A_157 : vector<1x16xf32> to vector<16xf32>
        %add3A_159 = arith.addf %get3A_154, %get3A_158 : vector<16xf32>
        %max3A_160 = arith.constant 0.000000e+00 : f32
        %max3A_161 = vector.broadcast %max3A_160 : f32 to vector<16xf32>
        %max3A_162 = arith.maximumf %add3A_159, %max3A_161 : vector<16xf32>
        %swap3A_163 = arith.index_cast %scan3A_34 : i32 to index
        %swap3A_164 = arith.constant 112 : index
        %swap3A_165 = tpu.vector_load %arg14[%swap3A_163, %swap3A_164] {strides = array<i32>} : memref<80x128xf32, #tpu.memory_space<vmem>>, vector<1x16xf32>,
        %swap3A_166 = vector.shape_cast %swap3A_165 : vector<1x16xf32> to vector<16xf32>
        %swap3A_167 = vector.shape_cast %max3A_162 : vector<16xf32> to vector<1x16xf32>
        tpu.vector_store %arg14[%swap3A_163, %swap3A_164], %swap3A_167 {strides = array<i32>} : memref<80x128xf32, #tpu.memory_space<vmem>>, vector<1x16xf32>,
      }
      %scan3A_33 = arith.constant 80 : i32
      "tpu.region"() ({
        %run_scoped3A = tpu.sem_alloc : memref<!tpu.dma_semaphore, #tpu.memory_space<semaphore_mem>>
        %dma_start3A = arith.constant 0 : i32
        %dma_start3A_34 = arith.constant 0 : i32
        %dma_start3A_35 = tpu.memref_slice %arg16[%dma_start3A, %dma_start3A_34] : memref<10112x128xf32, #tpu.memory_space<vmem_shared>> -> memref<10112x128xf32, #tpu.memory_space<vmem_shared>>
        tpu.enqueue_indirect_dma source(%arg14 : memref<80x128xf32, #tpu.memory_space<vmem>>) target(%dma_start3A_35 : memref<10112x128xf32, #tpu.memory_space<vmem_shared>>) offsets(%arg13 : memref<80xi32, #tpu.memory_space<vmem>>) semaphore(%run_scoped3A : memref<!tpu.dma_semaphore, #tpu.memory_space<semaphore_mem>>) {add = true}
        %dma_wait3A = arith.constant 0 : i32
        %dma_wait3A_36 = arith.constant 0 : i32
        %dma_wait3A_37 = tpu.memref_slice %arg16[%dma_wait3A, %dma_wait3A_36] : memref<10112x128xf32, #tpu.memory_space<vmem_shared>> -> memref<10112x128xf32, #tpu.memory_space<vmem_shared>>
        tpu.wait_indirect_dma semaphore(%run_scoped3A : memref<!tpu.dma_semaphore, #tpu.memory_space<semaphore_mem>>) src(%arg14 : memref<80x128xf32, #tpu.memory_space<vmem>>) dst(%dma_wait3A_37 : memref<10112x128xf32, #tpu.memory_space<vmem_shared>>)
        tpu.yield
      }) : () -> ()
    }
    %scan3A_9 = arith.constant 125 : i32
    %barrier3A_10 = arith.constant 0 : index
    tpu.barrier barrier_id(%barrier3A_10)
    %mul3A_11 = arith.constant 632 : i32
    %mul3A_12 = arith.muli %arg1, %mul3A_11 : i32
    %mul3A_13 = arith.constant 10112 : i32
    %mul3A_14 = arith.muli %arg0, %mul3A_13 : i32
    %mul3A_15 = arith.constant 632 : i32
    %mul3A_16 = arith.muli %arg1, %mul3A_15 : i32
    %add3A = arith.addi %mul3A_14, %mul3A_16 : i32
    "tpu.region"() ({
      %run_scoped3A = tpu.sem_alloc : memref<!tpu.dma_semaphore, #tpu.memory_space<semaphore_mem>>
      %dma_start3A = arith.constant 0 : i32
      %dma_start3A_17 = tpu.memref_slice %arg10[%add3A, %dma_start3A] : memref<20224x128xf32, #tpu.memory_space<hbm>> -> memref<632x128xf32, #tpu.memory_space<hbm>>
      %dma_start3A_18 = arith.constant 0 : i32
      %dma_start3A_19 = tpu.memref_slice %arg16[%mul3A_12, %dma_start3A_18] : memref<10112x128xf32, #tpu.memory_space<vmem_shared>> -> memref<632x128xf32, #tpu.memory_space<vmem_shared>>
      tpu.enqueue_dma source(%dma_start3A_19 : memref<632x128xf32, #tpu.memory_space<vmem_shared>>) target(%dma_start3A_17 : memref<632x128xf32, #tpu.memory_space<hbm>>) target_semaphore(%run_scoped3A : memref<!tpu.dma_semaphore, #tpu.memory_space<semaphore_mem>>)
      %dma_wait3A = arith.constant 0 : i32
      %dma_wait3A_20 = tpu.memref_slice %arg10[%add3A, %dma_wait3A] : memref<20224x128xf32, #tpu.memory_space<hbm>> -> memref<632x128xf32, #tpu.memory_space<hbm>>
      %dma_wait3A_21 = arith.constant 0 : i32
      %dma_wait3A_22 = tpu.memref_slice %arg16[%mul3A_12, %dma_wait3A_21] : memref<10112x128xf32, #tpu.memory_space<vmem_shared>> -> memref<632x128xf32, #tpu.memory_space<vmem_shared>>
      tpu.wait_dma2 semaphore(%run_scoped3A : memref<!tpu.dma_semaphore, #tpu.memory_space<semaphore_mem>>) src(%dma_wait3A_22 : memref<632x128xf32, #tpu.memory_space<vmem_shared>>) dst(%dma_wait3A_20 : memref<632x128xf32, #tpu.memory_space<hbm>>)
      tpu.yield
    }) : () -> ()
    return
  }
}

#map = affine_map<(d0, d1) -> (0, 0)>
#map1 = affine_map<(d0, d1) -> (0)>
module attributes {stable_mosaic.version = 14 : i64} {
  func.func @kfn(%arg0: i32, %arg1: i32, %arg2: memref<10000x128xf32, #tpu.memory_space<hbm>>, %arg3: memref<10000x128xf32, #tpu.memory_space<hbm>>, %arg4: memref<4x128xf32, #tpu.memory_space<hbm>>, %arg5: memref<4x128xf32, #tpu.memory_space<hbm>>, %arg6: memref<160000xi32, #tpu.memory_space<hbm>>, %arg7: memref<160000xi32, #tpu.memory_space<hbm>>, %arg8: memref<160000xi32, #tpu.memory_space<hbm>>, %arg9: memref<10112x128xf32, #tpu.memory_space<hbm>>, %arg10: memref<20224x128xf32, #tpu.memory_space<hbm>>, %arg11: memref<80xi32, #tpu.memory_space<vmem>>, %arg12: memref<80xi32, #tpu.memory_space<vmem>>, %arg13: memref<80xi32, #tpu.memory_space<vmem>>, %arg14: memref<80x128xf32, #tpu.memory_space<vmem>>, %arg15: memref<80x128xf32, #tpu.memory_space<vmem>>, %arg16: memref<10112x128xf32, #tpu.memory_space<vmem_shared>>, %arg17: memref<!tpu.dma_semaphore, #tpu.memory_space<semaphore_mem>>) attributes {dimension_semantics = [#tpu.dimension_semantics<core_parallel>, #tpu.dimension_semantics<subcore_parallel>], iteration_bounds = array<i64: 2, 16>, scalar_prefetch = 0 : i64, scratch_operands = 7 : i64, tpu.core_type = #tpu.core_type<sc_vector_subcore>, window_params = [{transform_indices = #map}, {transform_indices = #map}, {transform_indices = #map}, {transform_indices = #map}, {transform_indices = #map1}, {transform_indices = #map1}, {transform_indices = #map1}, {transform_indices = #map}, {transform_indices = #map}]} {
    %mul3A = arith.constant 632 : i32
    %mul3A_0 = arith.muli %arg1, %mul3A : i32
    %mul3A_1 = arith.constant 632 : i32
    %mul3A_2 = arith.muli %arg1, %mul3A_1 : i32
    "tpu.region"() ({
      %run_scoped3A = tpu.sem_alloc : memref<!tpu.dma_semaphore, #tpu.memory_space<semaphore_mem>>
      %dma_start3A = arith.constant 0 : i32
      %dma_start3A_17 = tpu.memref_slice %arg16[%mul3A_2, %dma_start3A] : memref<10112x128xf32, #tpu.memory_space<vmem_shared>> -> memref<632x128xf32, #tpu.memory_space<vmem_shared>>
      %dma_start3A_18 = arith.constant 0 : i32
      %dma_start3A_19 = tpu.memref_slice %arg9[%mul3A_0, %dma_start3A_18] : memref<10112x128xf32, #tpu.memory_space<hbm>> -> memref<632x128xf32, #tpu.memory_space<hbm>>
      tpu.enqueue_dma source(%dma_start3A_19 : memref<632x128xf32, #tpu.memory_space<hbm>>) target(%dma_start3A_17 : memref<632x128xf32, #tpu.memory_space<vmem_shared>>) target_semaphore(%run_scoped3A : memref<!tpu.dma_semaphore, #tpu.memory_space<semaphore_mem>>)
      %dma_wait3A = arith.constant 0 : i32
      %dma_wait3A_20 = tpu.memref_slice %arg16[%mul3A_2, %dma_wait3A] : memref<10112x128xf32, #tpu.memory_space<vmem_shared>> -> memref<632x128xf32, #tpu.memory_space<vmem_shared>>
      %dma_wait3A_21 = arith.constant 0 : i32
      %dma_wait3A_22 = tpu.memref_slice %arg9[%mul3A_0, %dma_wait3A_21] : memref<10112x128xf32, #tpu.memory_space<hbm>> -> memref<632x128xf32, #tpu.memory_space<hbm>>
      tpu.wait_dma2 semaphore(%run_scoped3A : memref<!tpu.dma_semaphore, #tpu.memory_space<semaphore_mem>>) src(%dma_wait3A_22 : memref<632x128xf32, #tpu.memory_space<hbm>>) dst(%dma_wait3A_20 : memref<632x128xf32, #tpu.memory_space<vmem_shared>>)
      tpu.yield
    }) : () -> ()
    %barrier3A = arith.constant 0 : index
    tpu.barrier barrier_id(%barrier3A)
    %mul3A_3 = arith.constant 10000 : i32
    %mul3A_4 = arith.muli %arg1, %mul3A_3 : i32
    %scan3A = arith.constant 0 : i32
    %scan3A_5 = arith.constant 0 : i32
    %scan3A_6 = arith.constant 125 : i32
    %scan3A_7 = arith.addi %scan3A_5, %scan3A_6 : i32
    %scan3A_8 = arith.constant 1 : i32
    scf.for %scan3A_17 = %scan3A_5 to %scan3A_7 step %scan3A_8  : i32 {
      %mul3A_18 = arith.constant 80 : i32
      %mul3A_19 = arith.muli %scan3A_17, %mul3A_18 : i32
      %add3A_20 = arith.addi %mul3A_4, %mul3A_19 : i32
      "tpu.region"() ({
        %run_scoped3A = tpu.sem_alloc : memref<!tpu.dma_semaphore, #tpu.memory_space<semaphore_mem>>
        %dma_start3A = tpu.memref_slice %arg6[%add3A_20] : memref<160000xi32, #tpu.memory_space<hbm>> -> memref<80xi32, #tpu.memory_space<hbm>>
        %dma_start3A_34 = tpu.memref_slice %arg6[%add3A_20] : memref<160000xi32, #tpu.memory_space<hbm>> -> memref<80xi32, #tpu.memory_space<hbm>>
        tpu.enqueue_dma source(%dma_start3A_34 : memref<80xi32, #tpu.memory_space<hbm>>) target(%arg11 : memref<80xi32, #tpu.memory_space<vmem>>) target_semaphore(%run_scoped3A : memref<!tpu.dma_semaphore, #tpu.memory_space<semaphore_mem>>)
        %dma_wait3A = tpu.memref_slice %arg6[%add3A_20] : memref<160000xi32, #tpu.memory_space<hbm>> -> memref<80xi32, #tpu.memory_space<hbm>>
        %dma_wait3A_35 = tpu.memref_slice %arg6[%add3A_20] : memref<160000xi32, #tpu.memory_space<hbm>> -> memref<80xi32, #tpu.memory_space<hbm>>
        tpu.wait_dma2 semaphore(%run_scoped3A : memref<!tpu.dma_semaphore, #tpu.memory_space<semaphore_mem>>) src(%dma_wait3A_35 : memref<80xi32, #tpu.memory_space<hbm>>) dst(%arg11 : memref<80xi32, #tpu.memory_space<vmem>>)
        tpu.yield
      }) : () -> ()
      "tpu.region"() ({
        %run_scoped3A = tpu.sem_alloc : memref<!tpu.dma_semaphore, #tpu.memory_space<semaphore_mem>>
        %dma_start3A = tpu.memref_slice %arg7[%add3A_20] : memref<160000xi32, #tpu.memory_space<hbm>> -> memref<80xi32, #tpu.memory_space<hbm>>
        %dma_start3A_34 = tpu.memref_slice %arg7[%add3A_20] : memref<160000xi32, #tpu.memory_space<hbm>> -> memref<80xi32, #tpu.memory_space<hbm>>
        tpu.enqueue_dma source(%dma_start3A_34 : memref<80xi32, #tpu.memory_space<hbm>>) target(%arg12 : memref<80xi32, #tpu.memory_space<vmem>>) target_semaphore(%run_scoped3A : memref<!tpu.dma_semaphore, #tpu.memory_space<semaphore_mem>>)
        %dma_wait3A = tpu.memref_slice %arg7[%add3A_20] : memref<160000xi32, #tpu.memory_space<hbm>> -> memref<80xi32, #tpu.memory_space<hbm>>
        %dma_wait3A_35 = tpu.memref_slice %arg7[%add3A_20] : memref<160000xi32, #tpu.memory_space<hbm>> -> memref<80xi32, #tpu.memory_space<hbm>>
        tpu.wait_dma2 semaphore(%run_scoped3A : memref<!tpu.dma_semaphore, #tpu.memory_space<semaphore_mem>>) src(%dma_wait3A_35 : memref<80xi32, #tpu.memory_space<hbm>>) dst(%arg12 : memref<80xi32, #tpu.memory_space<vmem>>)
        tpu.yield
      }) : () -> ()
      "tpu.region"() ({
        %run_scoped3A = tpu.sem_alloc : memref<!tpu.dma_semaphore, #tpu.memory_space<semaphore_mem>>
        %dma_start3A = tpu.memref_slice %arg8[%add3A_20] : memref<160000xi32, #tpu.memory_space<hbm>> -> memref<80xi32, #tpu.memory_space<hbm>>
        %dma_start3A_34 = tpu.memref_slice %arg8[%add3A_20] : memref<160000xi32, #tpu.memory_space<hbm>> -> memref<80xi32, #tpu.memory_space<hbm>>
        tpu.enqueue_dma source(%dma_start3A_34 : memref<80xi32, #tpu.memory_space<hbm>>) target(%arg13 : memref<80xi32, #tpu.memory_space<vmem>>) target_semaphore(%run_scoped3A : memref<!tpu.dma_semaphore, #tpu.memory_space<semaphore_mem>>)
        %dma_wait3A = tpu.memref_slice %arg8[%add3A_20] : memref<160000xi32, #tpu.memory_space<hbm>> -> memref<80xi32, #tpu.memory_space<hbm>>
        %dma_wait3A_35 = tpu.memref_slice %arg8[%add3A_20] : memref<160000xi32, #tpu.memory_space<hbm>> -> memref<80xi32, #tpu.memory_space<hbm>>
        tpu.wait_dma2 semaphore(%run_scoped3A : memref<!tpu.dma_semaphore, #tpu.memory_space<semaphore_mem>>) src(%dma_wait3A_35 : memref<80xi32, #tpu.memory_space<hbm>>) dst(%arg13 : memref<80xi32, #tpu.memory_space<vmem>>)
        tpu.yield
      }) : () -> ()
      %eq3A = arith.constant 0 : i32
      %eq3A_21 = arith.cmpi eq, %arg0, %eq3A : i32
      %convert_element_type3A = arith.extui %eq3A_21 : i1 to i32
      %cond3A = arith.constant 0 : i32
      %cond3A_22 = arith.cmpi ne, %convert_element_type3A, %cond3A : i32
      scf.if %cond3A_22 {
        %dma_start3A = arith.constant 0 : i32
        %dma_start3A_34 = arith.constant 0 : i32
        %dma_start3A_35 = tpu.memref_slice %arg2[%dma_start3A, %dma_start3A_34] : memref<10000x128xf32, #tpu.memory_space<hbm>> -> memref<10000x128xf32, #tpu.memory_space<hbm>>
        tpu.enqueue_indirect_dma source(%dma_start3A_35 : memref<10000x128xf32, #tpu.memory_space<hbm>>) target(%arg14 : memref<80x128xf32, #tpu.memory_space<vmem>>) offsets(%arg11 : memref<80xi32, #tpu.memory_space<vmem>>) semaphore(%arg17 : memref<!tpu.dma_semaphore, #tpu.memory_space<semaphore_mem>>)
        %dma_wait3A = arith.constant 0 : i32
        %dma_wait3A_36 = arith.constant 0 : i32
        %dma_wait3A_37 = tpu.memref_slice %arg2[%dma_wait3A, %dma_wait3A_36] : memref<10000x128xf32, #tpu.memory_space<hbm>> -> memref<10000x128xf32, #tpu.memory_space<hbm>>
        tpu.wait_indirect_dma semaphore(%arg17 : memref<!tpu.dma_semaphore, #tpu.memory_space<semaphore_mem>>) src(%dma_wait3A_37 : memref<10000x128xf32, #tpu.memory_space<hbm>>) dst(%arg14 : memref<80x128xf32, #tpu.memory_space<vmem>>)
        %dma_start3A_38 = arith.constant 0 : i32
        %dma_start3A_39 = arith.constant 0 : i32
        %dma_start3A_40 = tpu.memref_slice %arg4[%dma_start3A_38, %dma_start3A_39] : memref<4x128xf32, #tpu.memory_space<hbm>> -> memref<4x128xf32, #tpu.memory_space<hbm>>
        tpu.enqueue_indirect_dma source(%dma_start3A_40 : memref<4x128xf32, #tpu.memory_space<hbm>>) target(%arg15 : memref<80x128xf32, #tpu.memory_space<vmem>>) offsets(%arg12 : memref<80xi32, #tpu.memory_space<vmem>>) semaphore(%arg17 : memref<!tpu.dma_semaphore, #tpu.memory_space<semaphore_mem>>)
        %dma_wait3A_41 = arith.constant 0 : i32
        %dma_wait3A_42 = arith.constant 0 : i32
        %dma_wait3A_43 = tpu.memref_slice %arg4[%dma_wait3A_41, %dma_wait3A_42] : memref<4x128xf32, #tpu.memory_space<hbm>> -> memref<4x128xf32, #tpu.memory_space<hbm>>
        tpu.wait_indirect_dma semaphore(%arg17 : memref<!tpu.dma_semaphore, #tpu.memory_space<semaphore_mem>>) src(%dma_wait3A_43 : memref<4x128xf32, #tpu.memory_space<hbm>>) dst(%arg15 : memref<80x128xf32, #tpu.memory_space<vmem>>)
      } else {
      }
      %eq3A_23 = arith.constant 1 : i32
      %eq3A_24 = arith.cmpi eq, %arg0, %eq3A_23 : i32
      %convert_element_type3A_25 = arith.extui %eq3A_24 : i1 to i32
      %cond3A_26 = arith.constant 0 : i32
      %cond3A_27 = arith.cmpi ne, %convert_element_type3A_25, %cond3A_26 : i32
      scf.if %cond3A_27 {
        %dma_start3A = arith.constant 0 : i32
        %dma_start3A_34 = arith.constant 0 : i32
        %dma_start3A_35 = tpu.memref_slice %arg3[%dma_start3A, %dma_start3A_34] : memref<10000x128xf32, #tpu.memory_space<hbm>> -> memref<10000x128xf32, #tpu.memory_space<hbm>>
        tpu.enqueue_indirect_dma source(%dma_start3A_35 : memref<10000x128xf32, #tpu.memory_space<hbm>>) target(%arg14 : memref<80x128xf32, #tpu.memory_space<vmem>>) offsets(%arg11 : memref<80xi32, #tpu.memory_space<vmem>>) semaphore(%arg17 : memref<!tpu.dma_semaphore, #tpu.memory_space<semaphore_mem>>)
        %dma_wait3A = arith.constant 0 : i32
        %dma_wait3A_36 = arith.constant 0 : i32
        %dma_wait3A_37 = tpu.memref_slice %arg3[%dma_wait3A, %dma_wait3A_36] : memref<10000x128xf32, #tpu.memory_space<hbm>> -> memref<10000x128xf32, #tpu.memory_space<hbm>>
        tpu.wait_indirect_dma semaphore(%arg17 : memref<!tpu.dma_semaphore, #tpu.memory_space<semaphore_mem>>) src(%dma_wait3A_37 : memref<10000x128xf32, #tpu.memory_space<hbm>>) dst(%arg14 : memref<80x128xf32, #tpu.memory_space<vmem>>)
        %dma_start3A_38 = arith.constant 0 : i32
        %dma_start3A_39 = arith.constant 0 : i32
        %dma_start3A_40 = tpu.memref_slice %arg5[%dma_start3A_38, %dma_start3A_39] : memref<4x128xf32, #tpu.memory_space<hbm>> -> memref<4x128xf32, #tpu.memory_space<hbm>>
        tpu.enqueue_indirect_dma source(%dma_start3A_40 : memref<4x128xf32, #tpu.memory_space<hbm>>) target(%arg15 : memref<80x128xf32, #tpu.memory_space<vmem>>) offsets(%arg12 : memref<80xi32, #tpu.memory_space<vmem>>) semaphore(%arg17 : memref<!tpu.dma_semaphore, #tpu.memory_space<semaphore_mem>>)
        %dma_wait3A_41 = arith.constant 0 : i32
        %dma_wait3A_42 = arith.constant 0 : i32
        %dma_wait3A_43 = tpu.memref_slice %arg5[%dma_wait3A_41, %dma_wait3A_42] : memref<4x128xf32, #tpu.memory_space<hbm>> -> memref<4x128xf32, #tpu.memory_space<hbm>>
        tpu.wait_indirect_dma semaphore(%arg17 : memref<!tpu.dma_semaphore, #tpu.memory_space<semaphore_mem>>) src(%dma_wait3A_43 : memref<4x128xf32, #tpu.memory_space<hbm>>) dst(%arg15 : memref<80x128xf32, #tpu.memory_space<vmem>>)
      } else {
      }
      %scan3A_28 = arith.constant 0 : i32
      %scan3A_29 = arith.constant 0 : i32
      %scan3A_30 = arith.constant 80 : i32
      %scan3A_31 = arith.addi %scan3A_29, %scan3A_30 : i32
      %scan3A_32 = arith.constant 1 : i32
      scf.for %scan3A_34 = %scan3A_29 to %scan3A_31 step %scan3A_32  : i32 {
        %get3A = arith.index_cast %scan3A_34 : i32 to index
        %get3A_35 = arith.constant 0 : index
        %get3A_36 = tpu.vector_load %arg14[%get3A, %get3A_35] {strides = array<i32>} : memref<80x128xf32, #tpu.memory_space<vmem>>, vector<1x16xf32>,
        %get3A_37 = vector.shape_cast %get3A_36 : vector<1x16xf32> to vector<16xf32>
        %get3A_38 = arith.index_cast %scan3A_34 : i32 to index
        %get3A_39 = arith.constant 0 : index
        %get3A_40 = tpu.vector_load %arg15[%get3A_38, %get3A_39] {strides = array<i32>} : memref<80x128xf32, #tpu.memory_space<vmem>>, vector<1x16xf32>,
        %get3A_41 = vector.shape_cast %get3A_40 : vector<1x16xf32> to vector<16xf32>
        %add3A_42 = arith.addf %get3A_37, %get3A_41 : vector<16xf32>
        %max3A = arith.constant 0.000000e+00 : f32
        %max3A_43 = vector.broadcast %max3A : f32 to vector<16xf32>
        %max3A_44 = arith.maximumf %add3A_42, %max3A_43 : vector<16xf32>
        %swap3A = arith.index_cast %scan3A_34 : i32 to index
        %swap3A_45 = arith.constant 0 : index
        %swap3A_46 = tpu.vector_load %arg14[%swap3A, %swap3A_45] {strides = array<i32>} : memref<80x128xf32, #tpu.memory_space<vmem>>, vector<1x16xf32>,
        %swap3A_47 = vector.shape_cast %swap3A_46 : vector<1x16xf32> to vector<16xf32>
        %swap3A_48 = vector.shape_cast %max3A_44 : vector<16xf32> to vector<1x16xf32>
        tpu.vector_store %arg14[%swap3A, %swap3A_45], %swap3A_48 {strides = array<i32>} : memref<80x128xf32, #tpu.memory_space<vmem>>, vector<1x16xf32>,
        %get3A_49 = arith.index_cast %scan3A_34 : i32 to index
        %get3A_50 = arith.constant 16 : index
        %get3A_51 = tpu.vector_load %arg14[%get3A_49, %get3A_50] {strides = array<i32>} : memref<80x128xf32, #tpu.memory_space<vmem>>, vector<1x16xf32>,
        %get3A_52 = vector.shape_cast %get3A_51 : vector<1x16xf32> to vector<16xf32>
        %get3A_53 = arith.index_cast %scan3A_34 : i32 to index
        %get3A_54 = arith.constant 16 : index
        %get3A_55 = tpu.vector_load %arg15[%get3A_53, %get3A_54] {strides = array<i32>} : memref<80x128xf32, #tpu.memory_space<vmem>>, vector<1x16xf32>,
        %get3A_56 = vector.shape_cast %get3A_55 : vector<1x16xf32> to vector<16xf32>
        %add3A_57 = arith.addf %get3A_52, %get3A_56 : vector<16xf32>
        %max3A_58 = arith.constant 0.000000e+00 : f32
        %max3A_59 = vector.broadcast %max3A_58 : f32 to vector<16xf32>
        %max3A_60 = arith.maximumf %add3A_57, %max3A_59 : vector<16xf32>
        %swap3A_61 = arith.index_cast %scan3A_34 : i32 to index
        %swap3A_62 = arith.constant 16 : index
        %swap3A_63 = tpu.vector_load %arg14[%swap3A_61, %swap3A_62] {strides = array<i32>} : memref<80x128xf32, #tpu.memory_space<vmem>>, vector<1x16xf32>,
        %swap3A_64 = vector.shape_cast %swap3A_63 : vector<1x16xf32> to vector<16xf32>
        %swap3A_65 = vector.shape_cast %max3A_60 : vector<16xf32> to vector<1x16xf32>
        tpu.vector_store %arg14[%swap3A_61, %swap3A_62], %swap3A_65 {strides = array<i32>} : memref<80x128xf32, #tpu.memory_space<vmem>>, vector<1x16xf32>,
        %get3A_66 = arith.index_cast %scan3A_34 : i32 to index
        %get3A_67 = arith.constant 32 : index
        %get3A_68 = tpu.vector_load %arg14[%get3A_66, %get3A_67] {strides = array<i32>} : memref<80x128xf32, #tpu.memory_space<vmem>>, vector<1x16xf32>,
        %get3A_69 = vector.shape_cast %get3A_68 : vector<1x16xf32> to vector<16xf32>
        %get3A_70 = arith.index_cast %scan3A_34 : i32 to index
        %get3A_71 = arith.constant 32 : index
        %get3A_72 = tpu.vector_load %arg15[%get3A_70, %get3A_71] {strides = array<i32>} : memref<80x128xf32, #tpu.memory_space<vmem>>, vector<1x16xf32>,
        %get3A_73 = vector.shape_cast %get3A_72 : vector<1x16xf32> to vector<16xf32>
        %add3A_74 = arith.addf %get3A_69, %get3A_73 : vector<16xf32>
        %max3A_75 = arith.constant 0.000000e+00 : f32
        %max3A_76 = vector.broadcast %max3A_75 : f32 to vector<16xf32>
        %max3A_77 = arith.maximumf %add3A_74, %max3A_76 : vector<16xf32>
        %swap3A_78 = arith.index_cast %scan3A_34 : i32 to index
        %swap3A_79 = arith.constant 32 : index
        %swap3A_80 = tpu.vector_load %arg14[%swap3A_78, %swap3A_79] {strides = array<i32>} : memref<80x128xf32, #tpu.memory_space<vmem>>, vector<1x16xf32>,
        %swap3A_81 = vector.shape_cast %swap3A_80 : vector<1x16xf32> to vector<16xf32>
        %swap3A_82 = vector.shape_cast %max3A_77 : vector<16xf32> to vector<1x16xf32>
        tpu.vector_store %arg14[%swap3A_78, %swap3A_79], %swap3A_82 {strides = array<i32>} : memref<80x128xf32, #tpu.memory_space<vmem>>, vector<1x16xf32>,
        %get3A_83 = arith.index_cast %scan3A_34 : i32 to index
        %get3A_84 = arith.constant 48 : index
        %get3A_85 = tpu.vector_load %arg14[%get3A_83, %get3A_84] {strides = array<i32>} : memref<80x128xf32, #tpu.memory_space<vmem>>, vector<1x16xf32>,
        %get3A_86 = vector.shape_cast %get3A_85 : vector<1x16xf32> to vector<16xf32>
        %get3A_87 = arith.index_cast %scan3A_34 : i32 to index
        %get3A_88 = arith.constant 48 : index
        %get3A_89 = tpu.vector_load %arg15[%get3A_87, %get3A_88] {strides = array<i32>} : memref<80x128xf32, #tpu.memory_space<vmem>>, vector<1x16xf32>,
        %get3A_90 = vector.shape_cast %get3A_89 : vector<1x16xf32> to vector<16xf32>
        %add3A_91 = arith.addf %get3A_86, %get3A_90 : vector<16xf32>
        %max3A_92 = arith.constant 0.000000e+00 : f32
        %max3A_93 = vector.broadcast %max3A_92 : f32 to vector<16xf32>
        %max3A_94 = arith.maximumf %add3A_91, %max3A_93 : vector<16xf32>
        %swap3A_95 = arith.index_cast %scan3A_34 : i32 to index
        %swap3A_96 = arith.constant 48 : index
        %swap3A_97 = tpu.vector_load %arg14[%swap3A_95, %swap3A_96] {strides = array<i32>} : memref<80x128xf32, #tpu.memory_space<vmem>>, vector<1x16xf32>,
        %swap3A_98 = vector.shape_cast %swap3A_97 : vector<1x16xf32> to vector<16xf32>
        %swap3A_99 = vector.shape_cast %max3A_94 : vector<16xf32> to vector<1x16xf32>
        tpu.vector_store %arg14[%swap3A_95, %swap3A_96], %swap3A_99 {strides = array<i32>} : memref<80x128xf32, #tpu.memory_space<vmem>>, vector<1x16xf32>,
        %get3A_100 = arith.index_cast %scan3A_34 : i32 to index
        %get3A_101 = arith.constant 64 : index
        %get3A_102 = tpu.vector_load %arg14[%get3A_100, %get3A_101] {strides = array<i32>} : memref<80x128xf32, #tpu.memory_space<vmem>>, vector<1x16xf32>,
        %get3A_103 = vector.shape_cast %get3A_102 : vector<1x16xf32> to vector<16xf32>
        %get3A_104 = arith.index_cast %scan3A_34 : i32 to index
        %get3A_105 = arith.constant 64 : index
        %get3A_106 = tpu.vector_load %arg15[%get3A_104, %get3A_105] {strides = array<i32>} : memref<80x128xf32, #tpu.memory_space<vmem>>, vector<1x16xf32>,
        %get3A_107 = vector.shape_cast %get3A_106 : vector<1x16xf32> to vector<16xf32>
        %add3A_108 = arith.addf %get3A_103, %get3A_107 : vector<16xf32>
        %max3A_109 = arith.constant 0.000000e+00 : f32
        %max3A_110 = vector.broadcast %max3A_109 : f32 to vector<16xf32>
        %max3A_111 = arith.maximumf %add3A_108, %max3A_110 : vector<16xf32>
        %swap3A_112 = arith.index_cast %scan3A_34 : i32 to index
        %swap3A_113 = arith.constant 64 : index
        %swap3A_114 = tpu.vector_load %arg14[%swap3A_112, %swap3A_113] {strides = array<i32>} : memref<80x128xf32, #tpu.memory_space<vmem>>, vector<1x16xf32>,
        %swap3A_115 = vector.shape_cast %swap3A_114 : vector<1x16xf32> to vector<16xf32>
        %swap3A_116 = vector.shape_cast %max3A_111 : vector<16xf32> to vector<1x16xf32>
        tpu.vector_store %arg14[%swap3A_112, %swap3A_113], %swap3A_116 {strides = array<i32>} : memref<80x128xf32, #tpu.memory_space<vmem>>, vector<1x16xf32>,
        %get3A_117 = arith.index_cast %scan3A_34 : i32 to index
        %get3A_118 = arith.constant 80 : index
        %get3A_119 = tpu.vector_load %arg14[%get3A_117, %get3A_118] {strides = array<i32>} : memref<80x128xf32, #tpu.memory_space<vmem>>, vector<1x16xf32>,
        %get3A_120 = vector.shape_cast %get3A_119 : vector<1x16xf32> to vector<16xf32>
        %get3A_121 = arith.index_cast %scan3A_34 : i32 to index
        %get3A_122 = arith.constant 80 : index
        %get3A_123 = tpu.vector_load %arg15[%get3A_121, %get3A_122] {strides = array<i32>} : memref<80x128xf32, #tpu.memory_space<vmem>>, vector<1x16xf32>,
        %get3A_124 = vector.shape_cast %get3A_123 : vector<1x16xf32> to vector<16xf32>
        %add3A_125 = arith.addf %get3A_120, %get3A_124 : vector<16xf32>
        %max3A_126 = arith.constant 0.000000e+00 : f32
        %max3A_127 = vector.broadcast %max3A_126 : f32 to vector<16xf32>
        %max3A_128 = arith.maximumf %add3A_125, %max3A_127 : vector<16xf32>
        %swap3A_129 = arith.index_cast %scan3A_34 : i32 to index
        %swap3A_130 = arith.constant 80 : index
        %swap3A_131 = tpu.vector_load %arg14[%swap3A_129, %swap3A_130] {strides = array<i32>} : memref<80x128xf32, #tpu.memory_space<vmem>>, vector<1x16xf32>,
        %swap3A_132 = vector.shape_cast %swap3A_131 : vector<1x16xf32> to vector<16xf32>
        %swap3A_133 = vector.shape_cast %max3A_128 : vector<16xf32> to vector<1x16xf32>
        tpu.vector_store %arg14[%swap3A_129, %swap3A_130], %swap3A_133 {strides = array<i32>} : memref<80x128xf32, #tpu.memory_space<vmem>>, vector<1x16xf32>,
        %get3A_134 = arith.index_cast %scan3A_34 : i32 to index
        %get3A_135 = arith.constant 96 : index
        %get3A_136 = tpu.vector_load %arg14[%get3A_134, %get3A_135] {strides = array<i32>} : memref<80x128xf32, #tpu.memory_space<vmem>>, vector<1x16xf32>,
        %get3A_137 = vector.shape_cast %get3A_136 : vector<1x16xf32> to vector<16xf32>
        %get3A_138 = arith.index_cast %scan3A_34 : i32 to index
        %get3A_139 = arith.constant 96 : index
        %get3A_140 = tpu.vector_load %arg15[%get3A_138, %get3A_139] {strides = array<i32>} : memref<80x128xf32, #tpu.memory_space<vmem>>, vector<1x16xf32>,
        %get3A_141 = vector.shape_cast %get3A_140 : vector<1x16xf32> to vector<16xf32>
        %add3A_142 = arith.addf %get3A_137, %get3A_141 : vector<16xf32>
        %max3A_143 = arith.constant 0.000000e+00 : f32
        %max3A_144 = vector.broadcast %max3A_143 : f32 to vector<16xf32>
        %max3A_145 = arith.maximumf %add3A_142, %max3A_144 : vector<16xf32>
        %swap3A_146 = arith.index_cast %scan3A_34 : i32 to index
        %swap3A_147 = arith.constant 96 : index
        %swap3A_148 = tpu.vector_load %arg14[%swap3A_146, %swap3A_147] {strides = array<i32>} : memref<80x128xf32, #tpu.memory_space<vmem>>, vector<1x16xf32>,
        %swap3A_149 = vector.shape_cast %swap3A_148 : vector<1x16xf32> to vector<16xf32>
        %swap3A_150 = vector.shape_cast %max3A_145 : vector<16xf32> to vector<1x16xf32>
        tpu.vector_store %arg14[%swap3A_146, %swap3A_147], %swap3A_150 {strides = array<i32>} : memref<80x128xf32, #tpu.memory_space<vmem>>, vector<1x16xf32>,
        %get3A_151 = arith.index_cast %scan3A_34 : i32 to index
        %get3A_152 = arith.constant 112 : index
        %get3A_153 = tpu.vector_load %arg14[%get3A_151, %get3A_152] {strides = array<i32>} : memref<80x128xf32, #tpu.memory_space<vmem>>, vector<1x16xf32>,
        %get3A_154 = vector.shape_cast %get3A_153 : vector<1x16xf32> to vector<16xf32>
        %get3A_155 = arith.index_cast %scan3A_34 : i32 to index
        %get3A_156 = arith.constant 112 : index
        %get3A_157 = tpu.vector_load %arg15[%get3A_155, %get3A_156] {strides = array<i32>} : memref<80x128xf32, #tpu.memory_space<vmem>>, vector<1x16xf32>,
        %get3A_158 = vector.shape_cast %get3A_157 : vector<1x16xf32> to vector<16xf32>
        %add3A_159 = arith.addf %get3A_154, %get3A_158 : vector<16xf32>
        %max3A_160 = arith.constant 0.000000e+00 : f32
        %max3A_161 = vector.broadcast %max3A_160 : f32 to vector<16xf32>
        %max3A_162 = arith.maximumf %add3A_159, %max3A_161 : vector<16xf32>
        %swap3A_163 = arith.index_cast %scan3A_34 : i32 to index
        %swap3A_164 = arith.constant 112 : index
        %swap3A_165 = tpu.vector_load %arg14[%swap3A_163, %swap3A_164] {strides = array<i32>} : memref<80x128xf32, #tpu.memory_space<vmem>>, vector<1x16xf32>,
        %swap3A_166 = vector.shape_cast %swap3A_165 : vector<1x16xf32> to vector<16xf32>
        %swap3A_167 = vector.shape_cast %max3A_162 : vector<16xf32> to vector<1x16xf32>
        tpu.vector_store %arg14[%swap3A_163, %swap3A_164], %swap3A_167 {strides = array<i32>} : memref<80x128xf32, #tpu.memory_space<vmem>>, vector<1x16xf32>,
      }
      %scan3A_33 = arith.constant 80 : i32
      "tpu.region"() ({
        %run_scoped3A = tpu.sem_alloc : memref<!tpu.dma_semaphore, #tpu.memory_space<semaphore_mem>>
        %dma_start3A = arith.constant 0 : i32
        %dma_start3A_34 = arith.constant 0 : i32
        %dma_start3A_35 = tpu.memref_slice %arg16[%dma_start3A, %dma_start3A_34] : memref<10112x128xf32, #tpu.memory_space<vmem_shared>> -> memref<10112x128xf32, #tpu.memory_space<vmem_shared>>
        tpu.enqueue_indirect_dma source(%arg14 : memref<80x128xf32, #tpu.memory_space<vmem>>) target(%dma_start3A_35 : memref<10112x128xf32, #tpu.memory_space<vmem_shared>>) offsets(%arg13 : memref<80xi32, #tpu.memory_space<vmem>>) semaphore(%run_scoped3A : memref<!tpu.dma_semaphore, #tpu.memory_space<semaphore_mem>>) {add = true}
        %dma_wait3A = arith.constant 0 : i32
        %dma_wait3A_36 = arith.constant 0 : i32
        %dma_wait3A_37 = tpu.memref_slice %arg16[%dma_wait3A, %dma_wait3A_36] : memref<10112x128xf32, #tpu.memory_space<vmem_shared>> -> memref<10112x128xf32, #tpu.memory_space<vmem_shared>>
        tpu.wait_indirect_dma semaphore(%run_scoped3A : memref<!tpu.dma_semaphore, #tpu.memory_space<semaphore_mem>>) src(%arg14 : memref<80x128xf32, #tpu.memory_space<vmem>>) dst(%dma_wait3A_37 : memref<10112x128xf32, #tpu.memory_space<vmem_shared>>)
        tpu.yield
      }) : () -> ()
    }
    %scan3A_9 = arith.constant 125 : i32
    %barrier3A_10 = arith.constant 0 : index
    tpu.barrier barrier_id(%barrier3A_10)
    %mul3A_11 = arith.constant 632 : i32
    %mul3A_12 = arith.muli %arg1, %mul3A_11 : i32
    %mul3A_13 = arith.constant 10112 : i32
    %mul3A_14 = arith.muli %arg0, %mul3A_13 : i32
    %mul3A_15 = arith.constant 632 : i32
    %mul3A_16 = arith.muli %arg1, %mul3A_15 : i32
    %add3A = arith.addi %mul3A_14, %mul3A_16 : i32
    "tpu.region"() ({
      %run_scoped3A = tpu.sem_alloc : memref<!tpu.dma_semaphore, #tpu.memory_space<semaphore_mem>>
      %dma_start3A = arith.constant 0 : i32
      %dma_start3A_17 = tpu.memref_slice %arg10[%add3A, %dma_start3A] : memref<20224x128xf32, #tpu.memory_space<hbm>> -> memref<632x128xf32, #tpu.memory_space<hbm>>
      %dma_start3A_18 = arith.constant 0 : i32
      %dma_start3A_19 = tpu.memref_slice %arg16[%mul3A_12, %dma_start3A_18] : memref<10112x128xf32, #tpu.memory_space<vmem_shared>> -> memref<632x128xf32, #tpu.memory_space<vmem_shared>>
      tpu.enqueue_dma source(%dma_start3A_19 : memref<632x128xf32, #tpu.memory_space<vmem_shared>>) target(%dma_start3A_17 : memref<632x128xf32, #tpu.memory_space<hbm>>) target_semaphore(%run_scoped3A : memref<!tpu.dma_semaphore, #tpu.memory_space<semaphore_mem>>)
      %dma_wait3A = arith.constant 0 : i32
      %dma_wait3A_20 = tpu.memref_slice %arg10[%add3A, %dma_wait3A] : memref<20224x128xf32, #tpu.memory_space<hbm>> -> memref<632x128xf32, #tpu.memory_space<hbm>>
      %dma_wait3A_21 = arith.constant 0 : i32
      %dma_wait3A_22 = tpu.memref_slice %arg16[%mul3A_12, %dma_wait3A_21] : memref<10112x128xf32, #tpu.memory_space<vmem_shared>> -> memref<632x128xf32, #tpu.memory_space<vmem_shared>>
      tpu.wait_dma2 semaphore(%run_scoped3A : memref<!tpu.dma_semaphore, #tpu.memory_space<semaphore_mem>>) src(%dma_wait3A_22 : memref<632x128xf32, #tpu.memory_space<vmem_shared>>) dst(%dma_wait3A_20 : memref<632x128xf32, #tpu.memory_space<hbm>>)
      tpu.yield
    }) : () -> ()
    return
  }
}

#map = affine_map<(d0, d1) -> (0, 0)>
#map1 = affine_map<(d0, d1) -> (0)>
module attributes {stable_mosaic.version = 14 : i64} {
  func.func @kfn(%arg0: i32, %arg1: i32, %arg2: memref<10000x128xf32, #tpu.memory_space<hbm>>, %arg3: memref<10000x128xf32, #tpu.memory_space<hbm>>, %arg4: memref<4x128xf32, #tpu.memory_space<hbm>>, %arg5: memref<4x128xf32, #tpu.memory_space<hbm>>, %arg6: memref<160000xi32, #tpu.memory_space<hbm>>, %arg7: memref<160000xi32, #tpu.memory_space<hbm>>, %arg8: memref<160000xi32, #tpu.memory_space<hbm>>, %arg9: memref<10112x128xf32, #tpu.memory_space<hbm>>, %arg10: memref<20224x128xf32, #tpu.memory_space<hbm>>, %arg11: memref<80xi32, #tpu.memory_space<vmem>>, %arg12: memref<80xi32, #tpu.memory_space<vmem>>, %arg13: memref<80xi32, #tpu.memory_space<vmem>>, %arg14: memref<80x128xf32, #tpu.memory_space<vmem>>, %arg15: memref<80x128xf32, #tpu.memory_space<vmem>>, %arg16: memref<10112x128xf32, #tpu.memory_space<vmem_shared>>, %arg17: memref<!tpu.dma_semaphore, #tpu.memory_space<semaphore_mem>>) attributes {dimension_semantics = [#tpu.dimension_semantics<core_parallel>, #tpu.dimension_semantics<subcore_parallel>], iteration_bounds = array<i64: 2, 16>, scalar_prefetch = 0 : i64, scratch_operands = 7 : i64, tpu.core_type = #tpu.core_type<sc_vector_subcore>, window_params = [{transform_indices = #map}, {transform_indices = #map}, {transform_indices = #map}, {transform_indices = #map}, {transform_indices = #map1}, {transform_indices = #map1}, {transform_indices = #map1}, {transform_indices = #map}, {transform_indices = #map}]} {
    %mul3A = arith.constant 632 : i32
    %mul3A_0 = arith.muli %arg1, %mul3A : i32
    %mul3A_1 = arith.constant 632 : i32
    %mul3A_2 = arith.muli %arg1, %mul3A_1 : i32
    "tpu.region"() ({
      %run_scoped3A = tpu.sem_alloc : memref<!tpu.dma_semaphore, #tpu.memory_space<semaphore_mem>>
      %dma_start3A = arith.constant 0 : i32
      %dma_start3A_17 = tpu.memref_slice %arg16[%mul3A_2, %dma_start3A] : memref<10112x128xf32, #tpu.memory_space<vmem_shared>> -> memref<632x128xf32, #tpu.memory_space<vmem_shared>>
      %dma_start3A_18 = arith.constant 0 : i32
      %dma_start3A_19 = tpu.memref_slice %arg9[%mul3A_0, %dma_start3A_18] : memref<10112x128xf32, #tpu.memory_space<hbm>> -> memref<632x128xf32, #tpu.memory_space<hbm>>
      tpu.enqueue_dma source(%dma_start3A_19 : memref<632x128xf32, #tpu.memory_space<hbm>>) target(%dma_start3A_17 : memref<632x128xf32, #tpu.memory_space<vmem_shared>>) target_semaphore(%run_scoped3A : memref<!tpu.dma_semaphore, #tpu.memory_space<semaphore_mem>>)
      %dma_wait3A = arith.constant 0 : i32
      %dma_wait3A_20 = tpu.memref_slice %arg16[%mul3A_2, %dma_wait3A] : memref<10112x128xf32, #tpu.memory_space<vmem_shared>> -> memref<632x128xf32, #tpu.memory_space<vmem_shared>>
      %dma_wait3A_21 = arith.constant 0 : i32
      %dma_wait3A_22 = tpu.memref_slice %arg9[%mul3A_0, %dma_wait3A_21] : memref<10112x128xf32, #tpu.memory_space<hbm>> -> memref<632x128xf32, #tpu.memory_space<hbm>>
      tpu.wait_dma2 semaphore(%run_scoped3A : memref<!tpu.dma_semaphore, #tpu.memory_space<semaphore_mem>>) src(%dma_wait3A_22 : memref<632x128xf32, #tpu.memory_space<hbm>>) dst(%dma_wait3A_20 : memref<632x128xf32, #tpu.memory_space<vmem_shared>>)
      tpu.yield
    }) : () -> ()
    %barrier3A = arith.constant 0 : index
    tpu.barrier barrier_id(%barrier3A)
    %mul3A_3 = arith.constant 10000 : i32
    %mul3A_4 = arith.muli %arg1, %mul3A_3 : i32
    %scan3A = arith.constant 0 : i32
    %scan3A_5 = arith.constant 0 : i32
    %scan3A_6 = arith.constant 125 : i32
    %scan3A_7 = arith.addi %scan3A_5, %scan3A_6 : i32
    %scan3A_8 = arith.constant 1 : i32
    scf.for %scan3A_17 = %scan3A_5 to %scan3A_7 step %scan3A_8  : i32 {
      %mul3A_18 = arith.constant 80 : i32
      %mul3A_19 = arith.muli %scan3A_17, %mul3A_18 : i32
      %add3A_20 = arith.addi %mul3A_4, %mul3A_19 : i32
      "tpu.region"() ({
        %run_scoped3A = tpu.sem_alloc : memref<!tpu.dma_semaphore, #tpu.memory_space<semaphore_mem>>
        %dma_start3A = tpu.memref_slice %arg6[%add3A_20] : memref<160000xi32, #tpu.memory_space<hbm>> -> memref<80xi32, #tpu.memory_space<hbm>>
        %dma_start3A_34 = tpu.memref_slice %arg6[%add3A_20] : memref<160000xi32, #tpu.memory_space<hbm>> -> memref<80xi32, #tpu.memory_space<hbm>>
        tpu.enqueue_dma source(%dma_start3A_34 : memref<80xi32, #tpu.memory_space<hbm>>) target(%arg11 : memref<80xi32, #tpu.memory_space<vmem>>) target_semaphore(%run_scoped3A : memref<!tpu.dma_semaphore, #tpu.memory_space<semaphore_mem>>)
        %dma_wait3A = tpu.memref_slice %arg6[%add3A_20] : memref<160000xi32, #tpu.memory_space<hbm>> -> memref<80xi32, #tpu.memory_space<hbm>>
        %dma_wait3A_35 = tpu.memref_slice %arg6[%add3A_20] : memref<160000xi32, #tpu.memory_space<hbm>> -> memref<80xi32, #tpu.memory_space<hbm>>
        tpu.wait_dma2 semaphore(%run_scoped3A : memref<!tpu.dma_semaphore, #tpu.memory_space<semaphore_mem>>) src(%dma_wait3A_35 : memref<80xi32, #tpu.memory_space<hbm>>) dst(%arg11 : memref<80xi32, #tpu.memory_space<vmem>>)
        tpu.yield
      }) : () -> ()
      "tpu.region"() ({
        %run_scoped3A = tpu.sem_alloc : memref<!tpu.dma_semaphore, #tpu.memory_space<semaphore_mem>>
        %dma_start3A = tpu.memref_slice %arg7[%add3A_20] : memref<160000xi32, #tpu.memory_space<hbm>> -> memref<80xi32, #tpu.memory_space<hbm>>
        %dma_start3A_34 = tpu.memref_slice %arg7[%add3A_20] : memref<160000xi32, #tpu.memory_space<hbm>> -> memref<80xi32, #tpu.memory_space<hbm>>
        tpu.enqueue_dma source(%dma_start3A_34 : memref<80xi32, #tpu.memory_space<hbm>>) target(%arg12 : memref<80xi32, #tpu.memory_space<vmem>>) target_semaphore(%run_scoped3A : memref<!tpu.dma_semaphore, #tpu.memory_space<semaphore_mem>>)
        %dma_wait3A = tpu.memref_slice %arg7[%add3A_20] : memref<160000xi32, #tpu.memory_space<hbm>> -> memref<80xi32, #tpu.memory_space<hbm>>
        %dma_wait3A_35 = tpu.memref_slice %arg7[%add3A_20] : memref<160000xi32, #tpu.memory_space<hbm>> -> memref<80xi32, #tpu.memory_space<hbm>>
        tpu.wait_dma2 semaphore(%run_scoped3A : memref<!tpu.dma_semaphore, #tpu.memory_space<semaphore_mem>>) src(%dma_wait3A_35 : memref<80xi32, #tpu.memory_space<hbm>>) dst(%arg12 : memref<80xi32, #tpu.memory_space<vmem>>)
        tpu.yield
      }) : () -> ()
      "tpu.region"() ({
        %run_scoped3A = tpu.sem_alloc : memref<!tpu.dma_semaphore, #tpu.memory_space<semaphore_mem>>
        %dma_start3A = tpu.memref_slice %arg8[%add3A_20] : memref<160000xi32, #tpu.memory_space<hbm>> -> memref<80xi32, #tpu.memory_space<hbm>>
        %dma_start3A_34 = tpu.memref_slice %arg8[%add3A_20] : memref<160000xi32, #tpu.memory_space<hbm>> -> memref<80xi32, #tpu.memory_space<hbm>>
        tpu.enqueue_dma source(%dma_start3A_34 : memref<80xi32, #tpu.memory_space<hbm>>) target(%arg13 : memref<80xi32, #tpu.memory_space<vmem>>) target_semaphore(%run_scoped3A : memref<!tpu.dma_semaphore, #tpu.memory_space<semaphore_mem>>)
        %dma_wait3A = tpu.memref_slice %arg8[%add3A_20] : memref<160000xi32, #tpu.memory_space<hbm>> -> memref<80xi32, #tpu.memory_space<hbm>>
        %dma_wait3A_35 = tpu.memref_slice %arg8[%add3A_20] : memref<160000xi32, #tpu.memory_space<hbm>> -> memref<80xi32, #tpu.memory_space<hbm>>
        tpu.wait_dma2 semaphore(%run_scoped3A : memref<!tpu.dma_semaphore, #tpu.memory_space<semaphore_mem>>) src(%dma_wait3A_35 : memref<80xi32, #tpu.memory_space<hbm>>) dst(%arg13 : memref<80xi32, #tpu.memory_space<vmem>>)
        tpu.yield
      }) : () -> ()
      %eq3A = arith.constant 0 : i32
      %eq3A_21 = arith.cmpi eq, %arg0, %eq3A : i32
      %convert_element_type3A = arith.extui %eq3A_21 : i1 to i32
      %cond3A = arith.constant 0 : i32
      %cond3A_22 = arith.cmpi ne, %convert_element_type3A, %cond3A : i32
      scf.if %cond3A_22 {
        %dma_start3A = arith.constant 0 : i32
        %dma_start3A_34 = arith.constant 0 : i32
        %dma_start3A_35 = tpu.memref_slice %arg2[%dma_start3A, %dma_start3A_34] : memref<10000x128xf32, #tpu.memory_space<hbm>> -> memref<10000x128xf32, #tpu.memory_space<hbm>>
        tpu.enqueue_indirect_dma source(%dma_start3A_35 : memref<10000x128xf32, #tpu.memory_space<hbm>>) target(%arg14 : memref<80x128xf32, #tpu.memory_space<vmem>>) offsets(%arg11 : memref<80xi32, #tpu.memory_space<vmem>>) semaphore(%arg17 : memref<!tpu.dma_semaphore, #tpu.memory_space<semaphore_mem>>)
        %dma_wait3A = arith.constant 0 : i32
        %dma_wait3A_36 = arith.constant 0 : i32
        %dma_wait3A_37 = tpu.memref_slice %arg2[%dma_wait3A, %dma_wait3A_36] : memref<10000x128xf32, #tpu.memory_space<hbm>> -> memref<10000x128xf32, #tpu.memory_space<hbm>>
        tpu.wait_indirect_dma semaphore(%arg17 : memref<!tpu.dma_semaphore, #tpu.memory_space<semaphore_mem>>) src(%dma_wait3A_37 : memref<10000x128xf32, #tpu.memory_space<hbm>>) dst(%arg14 : memref<80x128xf32, #tpu.memory_space<vmem>>)
        %dma_start3A_38 = arith.constant 0 : i32
        %dma_start3A_39 = arith.constant 0 : i32
        %dma_start3A_40 = tpu.memref_slice %arg4[%dma_start3A_38, %dma_start3A_39] : memref<4x128xf32, #tpu.memory_space<hbm>> -> memref<4x128xf32, #tpu.memory_space<hbm>>
        tpu.enqueue_indirect_dma source(%dma_start3A_40 : memref<4x128xf32, #tpu.memory_space<hbm>>) target(%arg15 : memref<80x128xf32, #tpu.memory_space<vmem>>) offsets(%arg12 : memref<80xi32, #tpu.memory_space<vmem>>) semaphore(%arg17 : memref<!tpu.dma_semaphore, #tpu.memory_space<semaphore_mem>>)
        %dma_wait3A_41 = arith.constant 0 : i32
        %dma_wait3A_42 = arith.constant 0 : i32
        %dma_wait3A_43 = tpu.memref_slice %arg4[%dma_wait3A_41, %dma_wait3A_42] : memref<4x128xf32, #tpu.memory_space<hbm>> -> memref<4x128xf32, #tpu.memory_space<hbm>>
        tpu.wait_indirect_dma semaphore(%arg17 : memref<!tpu.dma_semaphore, #tpu.memory_space<semaphore_mem>>) src(%dma_wait3A_43 : memref<4x128xf32, #tpu.memory_space<hbm>>) dst(%arg15 : memref<80x128xf32, #tpu.memory_space<vmem>>)
      } else {
      }
      %eq3A_23 = arith.constant 1 : i32
      %eq3A_24 = arith.cmpi eq, %arg0, %eq3A_23 : i32
      %convert_element_type3A_25 = arith.extui %eq3A_24 : i1 to i32
      %cond3A_26 = arith.constant 0 : i32
      %cond3A_27 = arith.cmpi ne, %convert_element_type3A_25, %cond3A_26 : i32
      scf.if %cond3A_27 {
        %dma_start3A = arith.constant 0 : i32
        %dma_start3A_34 = arith.constant 0 : i32
        %dma_start3A_35 = tpu.memref_slice %arg3[%dma_start3A, %dma_start3A_34] : memref<10000x128xf32, #tpu.memory_space<hbm>> -> memref<10000x128xf32, #tpu.memory_space<hbm>>
        tpu.enqueue_indirect_dma source(%dma_start3A_35 : memref<10000x128xf32, #tpu.memory_space<hbm>>) target(%arg14 : memref<80x128xf32, #tpu.memory_space<vmem>>) offsets(%arg11 : memref<80xi32, #tpu.memory_space<vmem>>) semaphore(%arg17 : memref<!tpu.dma_semaphore, #tpu.memory_space<semaphore_mem>>)
        %dma_wait3A = arith.constant 0 : i32
        %dma_wait3A_36 = arith.constant 0 : i32
        %dma_wait3A_37 = tpu.memref_slice %arg3[%dma_wait3A, %dma_wait3A_36] : memref<10000x128xf32, #tpu.memory_space<hbm>> -> memref<10000x128xf32, #tpu.memory_space<hbm>>
        tpu.wait_indirect_dma semaphore(%arg17 : memref<!tpu.dma_semaphore, #tpu.memory_space<semaphore_mem>>) src(%dma_wait3A_37 : memref<10000x128xf32, #tpu.memory_space<hbm>>) dst(%arg14 : memref<80x128xf32, #tpu.memory_space<vmem>>)
        %dma_start3A_38 = arith.constant 0 : i32
        %dma_start3A_39 = arith.constant 0 : i32
        %dma_start3A_40 = tpu.memref_slice %arg5[%dma_start3A_38, %dma_start3A_39] : memref<4x128xf32, #tpu.memory_space<hbm>> -> memref<4x128xf32, #tpu.memory_space<hbm>>
        tpu.enqueue_indirect_dma source(%dma_start3A_40 : memref<4x128xf32, #tpu.memory_space<hbm>>) target(%arg15 : memref<80x128xf32, #tpu.memory_space<vmem>>) offsets(%arg12 : memref<80xi32, #tpu.memory_space<vmem>>) semaphore(%arg17 : memref<!tpu.dma_semaphore, #tpu.memory_space<semaphore_mem>>)
        %dma_wait3A_41 = arith.constant 0 : i32
        %dma_wait3A_42 = arith.constant 0 : i32
        %dma_wait3A_43 = tpu.memref_slice %arg5[%dma_wait3A_41, %dma_wait3A_42] : memref<4x128xf32, #tpu.memory_space<hbm>> -> memref<4x128xf32, #tpu.memory_space<hbm>>
        tpu.wait_indirect_dma semaphore(%arg17 : memref<!tpu.dma_semaphore, #tpu.memory_space<semaphore_mem>>) src(%dma_wait3A_43 : memref<4x128xf32, #tpu.memory_space<hbm>>) dst(%arg15 : memref<80x128xf32, #tpu.memory_space<vmem>>)
      } else {
      }
      %scan3A_28 = arith.constant 0 : i32
      %scan3A_29 = arith.constant 0 : i32
      %scan3A_30 = arith.constant 80 : i32
      %scan3A_31 = arith.addi %scan3A_29, %scan3A_30 : i32
      %scan3A_32 = arith.constant 1 : i32
      scf.for %scan3A_34 = %scan3A_29 to %scan3A_31 step %scan3A_32  : i32 {
        %get3A = arith.index_cast %scan3A_34 : i32 to index
        %get3A_35 = arith.constant 0 : index
        %get3A_36 = tpu.vector_load %arg14[%get3A, %get3A_35] {strides = array<i32>} : memref<80x128xf32, #tpu.memory_space<vmem>>, vector<1x16xf32>,
        %get3A_37 = vector.shape_cast %get3A_36 : vector<1x16xf32> to vector<16xf32>
        %get3A_38 = arith.index_cast %scan3A_34 : i32 to index
        %get3A_39 = arith.constant 0 : index
        %get3A_40 = tpu.vector_load %arg15[%get3A_38, %get3A_39] {strides = array<i32>} : memref<80x128xf32, #tpu.memory_space<vmem>>, vector<1x16xf32>,
        %get3A_41 = vector.shape_cast %get3A_40 : vector<1x16xf32> to vector<16xf32>
        %add3A_42 = arith.addf %get3A_37, %get3A_41 : vector<16xf32>
        %max3A = arith.constant 0.000000e+00 : f32
        %max3A_43 = vector.broadcast %max3A : f32 to vector<16xf32>
        %max3A_44 = arith.maximumf %add3A_42, %max3A_43 : vector<16xf32>
        %swap3A = arith.index_cast %scan3A_34 : i32 to index
        %swap3A_45 = arith.constant 0 : index
        %swap3A_46 = tpu.vector_load %arg14[%swap3A, %swap3A_45] {strides = array<i32>} : memref<80x128xf32, #tpu.memory_space<vmem>>, vector<1x16xf32>,
        %swap3A_47 = vector.shape_cast %swap3A_46 : vector<1x16xf32> to vector<16xf32>
        %swap3A_48 = vector.shape_cast %max3A_44 : vector<16xf32> to vector<1x16xf32>
        tpu.vector_store %arg14[%swap3A, %swap3A_45], %swap3A_48 {strides = array<i32>} : memref<80x128xf32, #tpu.memory_space<vmem>>, vector<1x16xf32>,
        %get3A_49 = arith.index_cast %scan3A_34 : i32 to index
        %get3A_50 = arith.constant 16 : index
        %get3A_51 = tpu.vector_load %arg14[%get3A_49, %get3A_50] {strides = array<i32>} : memref<80x128xf32, #tpu.memory_space<vmem>>, vector<1x16xf32>,
        %get3A_52 = vector.shape_cast %get3A_51 : vector<1x16xf32> to vector<16xf32>
        %get3A_53 = arith.index_cast %scan3A_34 : i32 to index
        %get3A_54 = arith.constant 16 : index
        %get3A_55 = tpu.vector_load %arg15[%get3A_53, %get3A_54] {strides = array<i32>} : memref<80x128xf32, #tpu.memory_space<vmem>>, vector<1x16xf32>,
        %get3A_56 = vector.shape_cast %get3A_55 : vector<1x16xf32> to vector<16xf32>
        %add3A_57 = arith.addf %get3A_52, %get3A_56 : vector<16xf32>
        %max3A_58 = arith.constant 0.000000e+00 : f32
        %max3A_59 = vector.broadcast %max3A_58 : f32 to vector<16xf32>
        %max3A_60 = arith.maximumf %add3A_57, %max3A_59 : vector<16xf32>
        %swap3A_61 = arith.index_cast %scan3A_34 : i32 to index
        %swap3A_62 = arith.constant 16 : index
        %swap3A_63 = tpu.vector_load %arg14[%swap3A_61, %swap3A_62] {strides = array<i32>} : memref<80x128xf32, #tpu.memory_space<vmem>>, vector<1x16xf32>,
        %swap3A_64 = vector.shape_cast %swap3A_63 : vector<1x16xf32> to vector<16xf32>
        %swap3A_65 = vector.shape_cast %max3A_60 : vector<16xf32> to vector<1x16xf32>
        tpu.vector_store %arg14[%swap3A_61, %swap3A_62], %swap3A_65 {strides = array<i32>} : memref<80x128xf32, #tpu.memory_space<vmem>>, vector<1x16xf32>,
        %get3A_66 = arith.index_cast %scan3A_34 : i32 to index
        %get3A_67 = arith.constant 32 : index
        %get3A_68 = tpu.vector_load %arg14[%get3A_66, %get3A_67] {strides = array<i32>} : memref<80x128xf32, #tpu.memory_space<vmem>>, vector<1x16xf32>,
        %get3A_69 = vector.shape_cast %get3A_68 : vector<1x16xf32> to vector<16xf32>
        %get3A_70 = arith.index_cast %scan3A_34 : i32 to index
        %get3A_71 = arith.constant 32 : index
        %get3A_72 = tpu.vector_load %arg15[%get3A_70, %get3A_71] {strides = array<i32>} : memref<80x128xf32, #tpu.memory_space<vmem>>, vector<1x16xf32>,
        %get3A_73 = vector.shape_cast %get3A_72 : vector<1x16xf32> to vector<16xf32>
        %add3A_74 = arith.addf %get3A_69, %get3A_73 : vector<16xf32>
        %max3A_75 = arith.constant 0.000000e+00 : f32
        %max3A_76 = vector.broadcast %max3A_75 : f32 to vector<16xf32>
        %max3A_77 = arith.maximumf %add3A_74, %max3A_76 : vector<16xf32>
        %swap3A_78 = arith.index_cast %scan3A_34 : i32 to index
        %swap3A_79 = arith.constant 32 : index
        %swap3A_80 = tpu.vector_load %arg14[%swap3A_78, %swap3A_79] {strides = array<i32>} : memref<80x128xf32, #tpu.memory_space<vmem>>, vector<1x16xf32>,
        %swap3A_81 = vector.shape_cast %swap3A_80 : vector<1x16xf32> to vector<16xf32>
        %swap3A_82 = vector.shape_cast %max3A_77 : vector<16xf32> to vector<1x16xf32>
        tpu.vector_store %arg14[%swap3A_78, %swap3A_79], %swap3A_82 {strides = array<i32>} : memref<80x128xf32, #tpu.memory_space<vmem>>, vector<1x16xf32>,
        %get3A_83 = arith.index_cast %scan3A_34 : i32 to index
        %get3A_84 = arith.constant 48 : index
        %get3A_85 = tpu.vector_load %arg14[%get3A_83, %get3A_84] {strides = array<i32>} : memref<80x128xf32, #tpu.memory_space<vmem>>, vector<1x16xf32>,
        %get3A_86 = vector.shape_cast %get3A_85 : vector<1x16xf32> to vector<16xf32>
        %get3A_87 = arith.index_cast %scan3A_34 : i32 to index
        %get3A_88 = arith.constant 48 : index
        %get3A_89 = tpu.vector_load %arg15[%get3A_87, %get3A_88] {strides = array<i32>} : memref<80x128xf32, #tpu.memory_space<vmem>>, vector<1x16xf32>,
        %get3A_90 = vector.shape_cast %get3A_89 : vector<1x16xf32> to vector<16xf32>
        %add3A_91 = arith.addf %get3A_86, %get3A_90 : vector<16xf32>
        %max3A_92 = arith.constant 0.000000e+00 : f32
        %max3A_93 = vector.broadcast %max3A_92 : f32 to vector<16xf32>
        %max3A_94 = arith.maximumf %add3A_91, %max3A_93 : vector<16xf32>
        %swap3A_95 = arith.index_cast %scan3A_34 : i32 to index
        %swap3A_96 = arith.constant 48 : index
        %swap3A_97 = tpu.vector_load %arg14[%swap3A_95, %swap3A_96] {strides = array<i32>} : memref<80x128xf32, #tpu.memory_space<vmem>>, vector<1x16xf32>,
        %swap3A_98 = vector.shape_cast %swap3A_97 : vector<1x16xf32> to vector<16xf32>
        %swap3A_99 = vector.shape_cast %max3A_94 : vector<16xf32> to vector<1x16xf32>
        tpu.vector_store %arg14[%swap3A_95, %swap3A_96], %swap3A_99 {strides = array<i32>} : memref<80x128xf32, #tpu.memory_space<vmem>>, vector<1x16xf32>,
        %get3A_100 = arith.index_cast %scan3A_34 : i32 to index
        %get3A_101 = arith.constant 64 : index
        %get3A_102 = tpu.vector_load %arg14[%get3A_100, %get3A_101] {strides = array<i32>} : memref<80x128xf32, #tpu.memory_space<vmem>>, vector<1x16xf32>,
        %get3A_103 = vector.shape_cast %get3A_102 : vector<1x16xf32> to vector<16xf32>
        %get3A_104 = arith.index_cast %scan3A_34 : i32 to index
        %get3A_105 = arith.constant 64 : index
        %get3A_106 = tpu.vector_load %arg15[%get3A_104, %get3A_105] {strides = array<i32>} : memref<80x128xf32, #tpu.memory_space<vmem>>, vector<1x16xf32>,
        %get3A_107 = vector.shape_cast %get3A_106 : vector<1x16xf32> to vector<16xf32>
        %add3A_108 = arith.addf %get3A_103, %get3A_107 : vector<16xf32>
        %max3A_109 = arith.constant 0.000000e+00 : f32
        %max3A_110 = vector.broadcast %max3A_109 : f32 to vector<16xf32>
        %max3A_111 = arith.maximumf %add3A_108, %max3A_110 : vector<16xf32>
        %swap3A_112 = arith.index_cast %scan3A_34 : i32 to index
        %swap3A_113 = arith.constant 64 : index
        %swap3A_114 = tpu.vector_load %arg14[%swap3A_112, %swap3A_113] {strides = array<i32>} : memref<80x128xf32, #tpu.memory_space<vmem>>, vector<1x16xf32>,
        %swap3A_115 = vector.shape_cast %swap3A_114 : vector<1x16xf32> to vector<16xf32>
        %swap3A_116 = vector.shape_cast %max3A_111 : vector<16xf32> to vector<1x16xf32>
        tpu.vector_store %arg14[%swap3A_112, %swap3A_113], %swap3A_116 {strides = array<i32>} : memref<80x128xf32, #tpu.memory_space<vmem>>, vector<1x16xf32>,
        %get3A_117 = arith.index_cast %scan3A_34 : i32 to index
        %get3A_118 = arith.constant 80 : index
        %get3A_119 = tpu.vector_load %arg14[%get3A_117, %get3A_118] {strides = array<i32>} : memref<80x128xf32, #tpu.memory_space<vmem>>, vector<1x16xf32>,
        %get3A_120 = vector.shape_cast %get3A_119 : vector<1x16xf32> to vector<16xf32>
        %get3A_121 = arith.index_cast %scan3A_34 : i32 to index
        %get3A_122 = arith.constant 80 : index
        %get3A_123 = tpu.vector_load %arg15[%get3A_121, %get3A_122] {strides = array<i32>} : memref<80x128xf32, #tpu.memory_space<vmem>>, vector<1x16xf32>,
        %get3A_124 = vector.shape_cast %get3A_123 : vector<1x16xf32> to vector<16xf32>
        %add3A_125 = arith.addf %get3A_120, %get3A_124 : vector<16xf32>
        %max3A_126 = arith.constant 0.000000e+00 : f32
        %max3A_127 = vector.broadcast %max3A_126 : f32 to vector<16xf32>
        %max3A_128 = arith.maximumf %add3A_125, %max3A_127 : vector<16xf32>
        %swap3A_129 = arith.index_cast %scan3A_34 : i32 to index
        %swap3A_130 = arith.constant 80 : index
        %swap3A_131 = tpu.vector_load %arg14[%swap3A_129, %swap3A_130] {strides = array<i32>} : memref<80x128xf32, #tpu.memory_space<vmem>>, vector<1x16xf32>,
        %swap3A_132 = vector.shape_cast %swap3A_131 : vector<1x16xf32> to vector<16xf32>
        %swap3A_133 = vector.shape_cast %max3A_128 : vector<16xf32> to vector<1x16xf32>
        tpu.vector_store %arg14[%swap3A_129, %swap3A_130], %swap3A_133 {strides = array<i32>} : memref<80x128xf32, #tpu.memory_space<vmem>>, vector<1x16xf32>,
        %get3A_134 = arith.index_cast %scan3A_34 : i32 to index
        %get3A_135 = arith.constant 96 : index
        %get3A_136 = tpu.vector_load %arg14[%get3A_134, %get3A_135] {strides = array<i32>} : memref<80x128xf32, #tpu.memory_space<vmem>>, vector<1x16xf32>,
        %get3A_137 = vector.shape_cast %get3A_136 : vector<1x16xf32> to vector<16xf32>
        %get3A_138 = arith.index_cast %scan3A_34 : i32 to index
        %get3A_139 = arith.constant 96 : index
        %get3A_140 = tpu.vector_load %arg15[%get3A_138, %get3A_139] {strides = array<i32>} : memref<80x128xf32, #tpu.memory_space<vmem>>, vector<1x16xf32>,
        %get3A_141 = vector.shape_cast %get3A_140 : vector<1x16xf32> to vector<16xf32>
        %add3A_142 = arith.addf %get3A_137, %get3A_141 : vector<16xf32>
        %max3A_143 = arith.constant 0.000000e+00 : f32
        %max3A_144 = vector.broadcast %max3A_143 : f32 to vector<16xf32>
        %max3A_145 = arith.maximumf %add3A_142, %max3A_144 : vector<16xf32>
        %swap3A_146 = arith.index_cast %scan3A_34 : i32 to index
        %swap3A_147 = arith.constant 96 : index
        %swap3A_148 = tpu.vector_load %arg14[%swap3A_146, %swap3A_147] {strides = array<i32>} : memref<80x128xf32, #tpu.memory_space<vmem>>, vector<1x16xf32>,
        %swap3A_149 = vector.shape_cast %swap3A_148 : vector<1x16xf32> to vector<16xf32>
        %swap3A_150 = vector.shape_cast %max3A_145 : vector<16xf32> to vector<1x16xf32>
        tpu.vector_store %arg14[%swap3A_146, %swap3A_147], %swap3A_150 {strides = array<i32>} : memref<80x128xf32, #tpu.memory_space<vmem>>, vector<1x16xf32>,
        %get3A_151 = arith.index_cast %scan3A_34 : i32 to index
        %get3A_152 = arith.constant 112 : index
        %get3A_153 = tpu.vector_load %arg14[%get3A_151, %get3A_152] {strides = array<i32>} : memref<80x128xf32, #tpu.memory_space<vmem>>, vector<1x16xf32>,
        %get3A_154 = vector.shape_cast %get3A_153 : vector<1x16xf32> to vector<16xf32>
        %get3A_155 = arith.index_cast %scan3A_34 : i32 to index
        %get3A_156 = arith.constant 112 : index
        %get3A_157 = tpu.vector_load %arg15[%get3A_155, %get3A_156] {strides = array<i32>} : memref<80x128xf32, #tpu.memory_space<vmem>>, vector<1x16xf32>,
        %get3A_158 = vector.shape_cast %get3A_157 : vector<1x16xf32> to vector<16xf32>
        %add3A_159 = arith.addf %get3A_154, %get3A_158 : vector<16xf32>
        %max3A_160 = arith.constant 0.000000e+00 : f32
        %max3A_161 = vector.broadcast %max3A_160 : f32 to vector<16xf32>
        %max3A_162 = arith.maximumf %add3A_159, %max3A_161 : vector<16xf32>
        %swap3A_163 = arith.index_cast %scan3A_34 : i32 to index
        %swap3A_164 = arith.constant 112 : index
        %swap3A_165 = tpu.vector_load %arg14[%swap3A_163, %swap3A_164] {strides = array<i32>} : memref<80x128xf32, #tpu.memory_space<vmem>>, vector<1x16xf32>,
        %swap3A_166 = vector.shape_cast %swap3A_165 : vector<1x16xf32> to vector<16xf32>
        %swap3A_167 = vector.shape_cast %max3A_162 : vector<16xf32> to vector<1x16xf32>
        tpu.vector_store %arg14[%swap3A_163, %swap3A_164], %swap3A_167 {strides = array<i32>} : memref<80x128xf32, #tpu.memory_space<vmem>>, vector<1x16xf32>,
      }
      %scan3A_33 = arith.constant 80 : i32
      "tpu.region"() ({
        %run_scoped3A = tpu.sem_alloc : memref<!tpu.dma_semaphore, #tpu.memory_space<semaphore_mem>>
        %dma_start3A = arith.constant 0 : i32
        %dma_start3A_34 = arith.constant 0 : i32
        %dma_start3A_35 = tpu.memref_slice %arg16[%dma_start3A, %dma_start3A_34] : memref<10112x128xf32, #tpu.memory_space<vmem_shared>> -> memref<10112x128xf32, #tpu.memory_space<vmem_shared>>
        tpu.enqueue_indirect_dma source(%arg14 : memref<80x128xf32, #tpu.memory_space<vmem>>) target(%dma_start3A_35 : memref<10112x128xf32, #tpu.memory_space<vmem_shared>>) offsets(%arg13 : memref<80xi32, #tpu.memory_space<vmem>>) semaphore(%run_scoped3A : memref<!tpu.dma_semaphore, #tpu.memory_space<semaphore_mem>>) {add = true}
        %dma_wait3A = arith.constant 0 : i32
        %dma_wait3A_36 = arith.constant 0 : i32
        %dma_wait3A_37 = tpu.memref_slice %arg16[%dma_wait3A, %dma_wait3A_36] : memref<10112x128xf32, #tpu.memory_space<vmem_shared>> -> memref<10112x128xf32, #tpu.memory_space<vmem_shared>>
        tpu.wait_indirect_dma semaphore(%run_scoped3A : memref<!tpu.dma_semaphore, #tpu.memory_space<semaphore_mem>>) src(%arg14 : memref<80x128xf32, #tpu.memory_space<vmem>>) dst(%dma_wait3A_37 : memref<10112x128xf32, #tpu.memory_space<vmem_shared>>)
        tpu.yield
      }) : () -> ()
    }
    %scan3A_9 = arith.constant 125 : i32
    %barrier3A_10 = arith.constant 0 : index
    tpu.barrier barrier_id(%barrier3A_10)
    %mul3A_11 = arith.constant 632 : i32
    %mul3A_12 = arith.muli %arg1, %mul3A_11 : i32
    %mul3A_13 = arith.constant 10112 : i32
    %mul3A_14 = arith.muli %arg0, %mul3A_13 : i32
    %mul3A_15 = arith.constant 632 : i32
    %mul3A_16 = arith.muli %arg1, %mul3A_15 : i32
    %add3A = arith.addi %mul3A_14, %mul3A_16 : i32
    "tpu.region"() ({
      %run_scoped3A = tpu.sem_alloc : memref<!tpu.dma_semaphore, #tpu.memory_space<semaphore_mem>>
      %dma_start3A = arith.constant 0 : i32
      %dma_start3A_17 = tpu.memref_slice %arg10[%add3A, %dma_start3A] : memref<20224x128xf32, #tpu.memory_space<hbm>> -> memref<632x128xf32, #tpu.memory_space<hbm>>
      %dma_start3A_18 = arith.constant 0 : i32
      %dma_start3A_19 = tpu.memref_slice %arg16[%mul3A_12, %dma_start3A_18] : memref<10112x128xf32, #tpu.memory_space<vmem_shared>> -> memref<632x128xf32, #tpu.memory_space<vmem_shared>>
      tpu.enqueue_dma source(%dma_start3A_19 : memref<632x128xf32, #tpu.memory_space<vmem_shared>>) target(%dma_start3A_17 : memref<632x128xf32, #tpu.memory_space<hbm>>) target_semaphore(%run_scoped3A : memref<!tpu.dma_semaphore, #tpu.memory_space<semaphore_mem>>)
      %dma_wait3A = arith.constant 0 : i32
      %dma_wait3A_20 = tpu.memref_slice %arg10[%add3A, %dma_wait3A] : memref<20224x128xf32, #tpu.memory_space<hbm>> -> memref<632x128xf32, #tpu.memory_space<hbm>>
      %dma_wait3A_21 = arith.constant 0 : i32
      %dma_wait3A_22 = tpu.memref_slice %arg16[%mul3A_12, %dma_wait3A_21] : memref<10112x128xf32, #tpu.memory_space<vmem_shared>> -> memref<632x128xf32, #tpu.memory_space<vmem_shared>>
      tpu.wait_dma2 semaphore(%run_scoped3A : memref<!tpu.dma_semaphore, #tpu.memory_space<semaphore_mem>>) src(%dma_wait3A_22 : memref<632x128xf32, #tpu.memory_space<vmem_shared>>) dst(%dma_wait3A_20 : memref<632x128xf32, #tpu.memory_space<hbm>>)
      tpu.yield
    }) : () -> ()
    return
  }
}

#map = affine_map<(d0, d1) -> (0, 0)>
#map1 = affine_map<(d0, d1) -> (0)>
module attributes {stable_mosaic.version = 14 : i64} {
  func.func @kfn(%arg0: i32, %arg1: i32, %arg2: memref<10000x128xf32, #tpu.memory_space<hbm>>, %arg3: memref<10000x128xf32, #tpu.memory_space<hbm>>, %arg4: memref<4x128xf32, #tpu.memory_space<hbm>>, %arg5: memref<4x128xf32, #tpu.memory_space<hbm>>, %arg6: memref<160000xi32, #tpu.memory_space<hbm>>, %arg7: memref<160000xi32, #tpu.memory_space<hbm>>, %arg8: memref<160000xi32, #tpu.memory_space<hbm>>, %arg9: memref<10112x128xf32, #tpu.memory_space<hbm>>, %arg10: memref<20224x128xf32, #tpu.memory_space<hbm>>, %arg11: memref<80xi32, #tpu.memory_space<vmem>>, %arg12: memref<80xi32, #tpu.memory_space<vmem>>, %arg13: memref<80xi32, #tpu.memory_space<vmem>>, %arg14: memref<80x128xf32, #tpu.memory_space<vmem>>, %arg15: memref<80x128xf32, #tpu.memory_space<vmem>>, %arg16: memref<10112x128xf32, #tpu.memory_space<vmem_shared>>, %arg17: memref<!tpu.dma_semaphore, #tpu.memory_space<semaphore_mem>>) attributes {dimension_semantics = [#tpu.dimension_semantics<core_parallel>, #tpu.dimension_semantics<subcore_parallel>], iteration_bounds = array<i64: 2, 16>, scalar_prefetch = 0 : i64, scratch_operands = 7 : i64, tpu.core_type = #tpu.core_type<sc_vector_subcore>, window_params = [{transform_indices = #map}, {transform_indices = #map}, {transform_indices = #map}, {transform_indices = #map}, {transform_indices = #map1}, {transform_indices = #map1}, {transform_indices = #map1}, {transform_indices = #map}, {transform_indices = #map}]} {
    %mul3A = arith.constant 632 : i32
    %mul3A_0 = arith.muli %arg1, %mul3A : i32
    %mul3A_1 = arith.constant 632 : i32
    %mul3A_2 = arith.muli %arg1, %mul3A_1 : i32
    "tpu.region"() ({
      %run_scoped3A = tpu.sem_alloc : memref<!tpu.dma_semaphore, #tpu.memory_space<semaphore_mem>>
      %dma_start3A = arith.constant 0 : i32
      %dma_start3A_17 = tpu.memref_slice %arg16[%mul3A_2, %dma_start3A] : memref<10112x128xf32, #tpu.memory_space<vmem_shared>> -> memref<632x128xf32, #tpu.memory_space<vmem_shared>>
      %dma_start3A_18 = arith.constant 0 : i32
      %dma_start3A_19 = tpu.memref_slice %arg9[%mul3A_0, %dma_start3A_18] : memref<10112x128xf32, #tpu.memory_space<hbm>> -> memref<632x128xf32, #tpu.memory_space<hbm>>
      tpu.enqueue_dma source(%dma_start3A_19 : memref<632x128xf32, #tpu.memory_space<hbm>>) target(%dma_start3A_17 : memref<632x128xf32, #tpu.memory_space<vmem_shared>>) target_semaphore(%run_scoped3A : memref<!tpu.dma_semaphore, #tpu.memory_space<semaphore_mem>>)
      %dma_wait3A = arith.constant 0 : i32
      %dma_wait3A_20 = tpu.memref_slice %arg16[%mul3A_2, %dma_wait3A] : memref<10112x128xf32, #tpu.memory_space<vmem_shared>> -> memref<632x128xf32, #tpu.memory_space<vmem_shared>>
      %dma_wait3A_21 = arith.constant 0 : i32
      %dma_wait3A_22 = tpu.memref_slice %arg9[%mul3A_0, %dma_wait3A_21] : memref<10112x128xf32, #tpu.memory_space<hbm>> -> memref<632x128xf32, #tpu.memory_space<hbm>>
      tpu.wait_dma2 semaphore(%run_scoped3A : memref<!tpu.dma_semaphore, #tpu.memory_space<semaphore_mem>>) src(%dma_wait3A_22 : memref<632x128xf32, #tpu.memory_space<hbm>>) dst(%dma_wait3A_20 : memref<632x128xf32, #tpu.memory_space<vmem_shared>>)
      tpu.yield
    }) : () -> ()
    %barrier3A = arith.constant 0 : index
    tpu.barrier barrier_id(%barrier3A)
    %mul3A_3 = arith.constant 10000 : i32
    %mul3A_4 = arith.muli %arg1, %mul3A_3 : i32
    %scan3A = arith.constant 0 : i32
    %scan3A_5 = arith.constant 0 : i32
    %scan3A_6 = arith.constant 125 : i32
    %scan3A_7 = arith.addi %scan3A_5, %scan3A_6 : i32
    %scan3A_8 = arith.constant 1 : i32
    scf.for %scan3A_17 = %scan3A_5 to %scan3A_7 step %scan3A_8  : i32 {
      %mul3A_18 = arith.constant 80 : i32
      %mul3A_19 = arith.muli %scan3A_17, %mul3A_18 : i32
      %add3A_20 = arith.addi %mul3A_4, %mul3A_19 : i32
      "tpu.region"() ({
        %run_scoped3A = tpu.sem_alloc : memref<!tpu.dma_semaphore, #tpu.memory_space<semaphore_mem>>
        %dma_start3A = tpu.memref_slice %arg6[%add3A_20] : memref<160000xi32, #tpu.memory_space<hbm>> -> memref<80xi32, #tpu.memory_space<hbm>>
        %dma_start3A_34 = tpu.memref_slice %arg6[%add3A_20] : memref<160000xi32, #tpu.memory_space<hbm>> -> memref<80xi32, #tpu.memory_space<hbm>>
        tpu.enqueue_dma source(%dma_start3A_34 : memref<80xi32, #tpu.memory_space<hbm>>) target(%arg11 : memref<80xi32, #tpu.memory_space<vmem>>) target_semaphore(%run_scoped3A : memref<!tpu.dma_semaphore, #tpu.memory_space<semaphore_mem>>)
        %dma_wait3A = tpu.memref_slice %arg6[%add3A_20] : memref<160000xi32, #tpu.memory_space<hbm>> -> memref<80xi32, #tpu.memory_space<hbm>>
        %dma_wait3A_35 = tpu.memref_slice %arg6[%add3A_20] : memref<160000xi32, #tpu.memory_space<hbm>> -> memref<80xi32, #tpu.memory_space<hbm>>
        tpu.wait_dma2 semaphore(%run_scoped3A : memref<!tpu.dma_semaphore, #tpu.memory_space<semaphore_mem>>) src(%dma_wait3A_35 : memref<80xi32, #tpu.memory_space<hbm>>) dst(%arg11 : memref<80xi32, #tpu.memory_space<vmem>>)
        tpu.yield
      }) : () -> ()
      "tpu.region"() ({
        %run_scoped3A = tpu.sem_alloc : memref<!tpu.dma_semaphore, #tpu.memory_space<semaphore_mem>>
        %dma_start3A = tpu.memref_slice %arg7[%add3A_20] : memref<160000xi32, #tpu.memory_space<hbm>> -> memref<80xi32, #tpu.memory_space<hbm>>
        %dma_start3A_34 = tpu.memref_slice %arg7[%add3A_20] : memref<160000xi32, #tpu.memory_space<hbm>> -> memref<80xi32, #tpu.memory_space<hbm>>
        tpu.enqueue_dma source(%dma_start3A_34 : memref<80xi32, #tpu.memory_space<hbm>>) target(%arg12 : memref<80xi32, #tpu.memory_space<vmem>>) target_semaphore(%run_scoped3A : memref<!tpu.dma_semaphore, #tpu.memory_space<semaphore_mem>>)
        %dma_wait3A = tpu.memref_slice %arg7[%add3A_20] : memref<160000xi32, #tpu.memory_space<hbm>> -> memref<80xi32, #tpu.memory_space<hbm>>
        %dma_wait3A_35 = tpu.memref_slice %arg7[%add3A_20] : memref<160000xi32, #tpu.memory_space<hbm>> -> memref<80xi32, #tpu.memory_space<hbm>>
        tpu.wait_dma2 semaphore(%run_scoped3A : memref<!tpu.dma_semaphore, #tpu.memory_space<semaphore_mem>>) src(%dma_wait3A_35 : memref<80xi32, #tpu.memory_space<hbm>>) dst(%arg12 : memref<80xi32, #tpu.memory_space<vmem>>)
        tpu.yield
      }) : () -> ()
      "tpu.region"() ({
        %run_scoped3A = tpu.sem_alloc : memref<!tpu.dma_semaphore, #tpu.memory_space<semaphore_mem>>
        %dma_start3A = tpu.memref_slice %arg8[%add3A_20] : memref<160000xi32, #tpu.memory_space<hbm>> -> memref<80xi32, #tpu.memory_space<hbm>>
        %dma_start3A_34 = tpu.memref_slice %arg8[%add3A_20] : memref<160000xi32, #tpu.memory_space<hbm>> -> memref<80xi32, #tpu.memory_space<hbm>>
        tpu.enqueue_dma source(%dma_start3A_34 : memref<80xi32, #tpu.memory_space<hbm>>) target(%arg13 : memref<80xi32, #tpu.memory_space<vmem>>) target_semaphore(%run_scoped3A : memref<!tpu.dma_semaphore, #tpu.memory_space<semaphore_mem>>)
        %dma_wait3A = tpu.memref_slice %arg8[%add3A_20] : memref<160000xi32, #tpu.memory_space<hbm>> -> memref<80xi32, #tpu.memory_space<hbm>>
        %dma_wait3A_35 = tpu.memref_slice %arg8[%add3A_20] : memref<160000xi32, #tpu.memory_space<hbm>> -> memref<80xi32, #tpu.memory_space<hbm>>
        tpu.wait_dma2 semaphore(%run_scoped3A : memref<!tpu.dma_semaphore, #tpu.memory_space<semaphore_mem>>) src(%dma_wait3A_35 : memref<80xi32, #tpu.memory_space<hbm>>) dst(%arg13 : memref<80xi32, #tpu.memory_space<vmem>>)
        tpu.yield
      }) : () -> ()
      %eq3A = arith.constant 0 : i32
      %eq3A_21 = arith.cmpi eq, %arg0, %eq3A : i32
      %convert_element_type3A = arith.extui %eq3A_21 : i1 to i32
      %cond3A = arith.constant 0 : i32
      %cond3A_22 = arith.cmpi ne, %convert_element_type3A, %cond3A : i32
      scf.if %cond3A_22 {
        %dma_start3A = arith.constant 0 : i32
        %dma_start3A_34 = arith.constant 0 : i32
        %dma_start3A_35 = tpu.memref_slice %arg2[%dma_start3A, %dma_start3A_34] : memref<10000x128xf32, #tpu.memory_space<hbm>> -> memref<10000x128xf32, #tpu.memory_space<hbm>>
        tpu.enqueue_indirect_dma source(%dma_start3A_35 : memref<10000x128xf32, #tpu.memory_space<hbm>>) target(%arg14 : memref<80x128xf32, #tpu.memory_space<vmem>>) offsets(%arg11 : memref<80xi32, #tpu.memory_space<vmem>>) semaphore(%arg17 : memref<!tpu.dma_semaphore, #tpu.memory_space<semaphore_mem>>)
        %dma_wait3A = arith.constant 0 : i32
        %dma_wait3A_36 = arith.constant 0 : i32
        %dma_wait3A_37 = tpu.memref_slice %arg2[%dma_wait3A, %dma_wait3A_36] : memref<10000x128xf32, #tpu.memory_space<hbm>> -> memref<10000x128xf32, #tpu.memory_space<hbm>>
        tpu.wait_indirect_dma semaphore(%arg17 : memref<!tpu.dma_semaphore, #tpu.memory_space<semaphore_mem>>) src(%dma_wait3A_37 : memref<10000x128xf32, #tpu.memory_space<hbm>>) dst(%arg14 : memref<80x128xf32, #tpu.memory_space<vmem>>)
        %dma_start3A_38 = arith.constant 0 : i32
        %dma_start3A_39 = arith.constant 0 : i32
        %dma_start3A_40 = tpu.memref_slice %arg4[%dma_start3A_38, %dma_start3A_39] : memref<4x128xf32, #tpu.memory_space<hbm>> -> memref<4x128xf32, #tpu.memory_space<hbm>>
        tpu.enqueue_indirect_dma source(%dma_start3A_40 : memref<4x128xf32, #tpu.memory_space<hbm>>) target(%arg15 : memref<80x128xf32, #tpu.memory_space<vmem>>) offsets(%arg12 : memref<80xi32, #tpu.memory_space<vmem>>) semaphore(%arg17 : memref<!tpu.dma_semaphore, #tpu.memory_space<semaphore_mem>>)
        %dma_wait3A_41 = arith.constant 0 : i32
        %dma_wait3A_42 = arith.constant 0 : i32
        %dma_wait3A_43 = tpu.memref_slice %arg4[%dma_wait3A_41, %dma_wait3A_42] : memref<4x128xf32, #tpu.memory_space<hbm>> -> memref<4x128xf32, #tpu.memory_space<hbm>>
        tpu.wait_indirect_dma semaphore(%arg17 : memref<!tpu.dma_semaphore, #tpu.memory_space<semaphore_mem>>) src(%dma_wait3A_43 : memref<4x128xf32, #tpu.memory_space<hbm>>) dst(%arg15 : memref<80x128xf32, #tpu.memory_space<vmem>>)
      } else {
      }
      %eq3A_23 = arith.constant 1 : i32
      %eq3A_24 = arith.cmpi eq, %arg0, %eq3A_23 : i32
      %convert_element_type3A_25 = arith.extui %eq3A_24 : i1 to i32
      %cond3A_26 = arith.constant 0 : i32
      %cond3A_27 = arith.cmpi ne, %convert_element_type3A_25, %cond3A_26 : i32
      scf.if %cond3A_27 {
        %dma_start3A = arith.constant 0 : i32
        %dma_start3A_34 = arith.constant 0 : i32
        %dma_start3A_35 = tpu.memref_slice %arg3[%dma_start3A, %dma_start3A_34] : memref<10000x128xf32, #tpu.memory_space<hbm>> -> memref<10000x128xf32, #tpu.memory_space<hbm>>
        tpu.enqueue_indirect_dma source(%dma_start3A_35 : memref<10000x128xf32, #tpu.memory_space<hbm>>) target(%arg14 : memref<80x128xf32, #tpu.memory_space<vmem>>) offsets(%arg11 : memref<80xi32, #tpu.memory_space<vmem>>) semaphore(%arg17 : memref<!tpu.dma_semaphore, #tpu.memory_space<semaphore_mem>>)
        %dma_wait3A = arith.constant 0 : i32
        %dma_wait3A_36 = arith.constant 0 : i32
        %dma_wait3A_37 = tpu.memref_slice %arg3[%dma_wait3A, %dma_wait3A_36] : memref<10000x128xf32, #tpu.memory_space<hbm>> -> memref<10000x128xf32, #tpu.memory_space<hbm>>
        tpu.wait_indirect_dma semaphore(%arg17 : memref<!tpu.dma_semaphore, #tpu.memory_space<semaphore_mem>>) src(%dma_wait3A_37 : memref<10000x128xf32, #tpu.memory_space<hbm>>) dst(%arg14 : memref<80x128xf32, #tpu.memory_space<vmem>>)
        %dma_start3A_38 = arith.constant 0 : i32
        %dma_start3A_39 = arith.constant 0 : i32
        %dma_start3A_40 = tpu.memref_slice %arg5[%dma_start3A_38, %dma_start3A_39] : memref<4x128xf32, #tpu.memory_space<hbm>> -> memref<4x128xf32, #tpu.memory_space<hbm>>
        tpu.enqueue_indirect_dma source(%dma_start3A_40 : memref<4x128xf32, #tpu.memory_space<hbm>>) target(%arg15 : memref<80x128xf32, #tpu.memory_space<vmem>>) offsets(%arg12 : memref<80xi32, #tpu.memory_space<vmem>>) semaphore(%arg17 : memref<!tpu.dma_semaphore, #tpu.memory_space<semaphore_mem>>)
        %dma_wait3A_41 = arith.constant 0 : i32
        %dma_wait3A_42 = arith.constant 0 : i32
        %dma_wait3A_43 = tpu.memref_slice %arg5[%dma_wait3A_41, %dma_wait3A_42] : memref<4x128xf32, #tpu.memory_space<hbm>> -> memref<4x128xf32, #tpu.memory_space<hbm>>
        tpu.wait_indirect_dma semaphore(%arg17 : memref<!tpu.dma_semaphore, #tpu.memory_space<semaphore_mem>>) src(%dma_wait3A_43 : memref<4x128xf32, #tpu.memory_space<hbm>>) dst(%arg15 : memref<80x128xf32, #tpu.memory_space<vmem>>)
      } else {
      }
      %scan3A_28 = arith.constant 0 : i32
      %scan3A_29 = arith.constant 0 : i32
      %scan3A_30 = arith.constant 80 : i32
      %scan3A_31 = arith.addi %scan3A_29, %scan3A_30 : i32
      %scan3A_32 = arith.constant 1 : i32
      scf.for %scan3A_34 = %scan3A_29 to %scan3A_31 step %scan3A_32  : i32 {
        %get3A = arith.index_cast %scan3A_34 : i32 to index
        %get3A_35 = arith.constant 0 : index
        %get3A_36 = tpu.vector_load %arg14[%get3A, %get3A_35] {strides = array<i32>} : memref<80x128xf32, #tpu.memory_space<vmem>>, vector<1x16xf32>,
        %get3A_37 = vector.shape_cast %get3A_36 : vector<1x16xf32> to vector<16xf32>
        %get3A_38 = arith.index_cast %scan3A_34 : i32 to index
        %get3A_39 = arith.constant 0 : index
        %get3A_40 = tpu.vector_load %arg15[%get3A_38, %get3A_39] {strides = array<i32>} : memref<80x128xf32, #tpu.memory_space<vmem>>, vector<1x16xf32>,
        %get3A_41 = vector.shape_cast %get3A_40 : vector<1x16xf32> to vector<16xf32>
        %add3A_42 = arith.addf %get3A_37, %get3A_41 : vector<16xf32>
        %max3A = arith.constant 0.000000e+00 : f32
        %max3A_43 = vector.broadcast %max3A : f32 to vector<16xf32>
        %max3A_44 = arith.maximumf %add3A_42, %max3A_43 : vector<16xf32>
        %swap3A = arith.index_cast %scan3A_34 : i32 to index
        %swap3A_45 = arith.constant 0 : index
        %swap3A_46 = tpu.vector_load %arg14[%swap3A, %swap3A_45] {strides = array<i32>} : memref<80x128xf32, #tpu.memory_space<vmem>>, vector<1x16xf32>,
        %swap3A_47 = vector.shape_cast %swap3A_46 : vector<1x16xf32> to vector<16xf32>
        %swap3A_48 = vector.shape_cast %max3A_44 : vector<16xf32> to vector<1x16xf32>
        tpu.vector_store %arg14[%swap3A, %swap3A_45], %swap3A_48 {strides = array<i32>} : memref<80x128xf32, #tpu.memory_space<vmem>>, vector<1x16xf32>,
        %get3A_49 = arith.index_cast %scan3A_34 : i32 to index
        %get3A_50 = arith.constant 16 : index
        %get3A_51 = tpu.vector_load %arg14[%get3A_49, %get3A_50] {strides = array<i32>} : memref<80x128xf32, #tpu.memory_space<vmem>>, vector<1x16xf32>,
        %get3A_52 = vector.shape_cast %get3A_51 : vector<1x16xf32> to vector<16xf32>
        %get3A_53 = arith.index_cast %scan3A_34 : i32 to index
        %get3A_54 = arith.constant 16 : index
        %get3A_55 = tpu.vector_load %arg15[%get3A_53, %get3A_54] {strides = array<i32>} : memref<80x128xf32, #tpu.memory_space<vmem>>, vector<1x16xf32>,
        %get3A_56 = vector.shape_cast %get3A_55 : vector<1x16xf32> to vector<16xf32>
        %add3A_57 = arith.addf %get3A_52, %get3A_56 : vector<16xf32>
        %max3A_58 = arith.constant 0.000000e+00 : f32
        %max3A_59 = vector.broadcast %max3A_58 : f32 to vector<16xf32>
        %max3A_60 = arith.maximumf %add3A_57, %max3A_59 : vector<16xf32>
        %swap3A_61 = arith.index_cast %scan3A_34 : i32 to index
        %swap3A_62 = arith.constant 16 : index
        %swap3A_63 = tpu.vector_load %arg14[%swap3A_61, %swap3A_62] {strides = array<i32>} : memref<80x128xf32, #tpu.memory_space<vmem>>, vector<1x16xf32>,
        %swap3A_64 = vector.shape_cast %swap3A_63 : vector<1x16xf32> to vector<16xf32>
        %swap3A_65 = vector.shape_cast %max3A_60 : vector<16xf32> to vector<1x16xf32>
        tpu.vector_store %arg14[%swap3A_61, %swap3A_62], %swap3A_65 {strides = array<i32>} : memref<80x128xf32, #tpu.memory_space<vmem>>, vector<1x16xf32>,
        %get3A_66 = arith.index_cast %scan3A_34 : i32 to index
        %get3A_67 = arith.constant 32 : index
        %get3A_68 = tpu.vector_load %arg14[%get3A_66, %get3A_67] {strides = array<i32>} : memref<80x128xf32, #tpu.memory_space<vmem>>, vector<1x16xf32>,
        %get3A_69 = vector.shape_cast %get3A_68 : vector<1x16xf32> to vector<16xf32>
        %get3A_70 = arith.index_cast %scan3A_34 : i32 to index
        %get3A_71 = arith.constant 32 : index
        %get3A_72 = tpu.vector_load %arg15[%get3A_70, %get3A_71] {strides = array<i32>} : memref<80x128xf32, #tpu.memory_space<vmem>>, vector<1x16xf32>,
        %get3A_73 = vector.shape_cast %get3A_72 : vector<1x16xf32> to vector<16xf32>
        %add3A_74 = arith.addf %get3A_69, %get3A_73 : vector<16xf32>
        %max3A_75 = arith.constant 0.000000e+00 : f32
        %max3A_76 = vector.broadcast %max3A_75 : f32 to vector<16xf32>
        %max3A_77 = arith.maximumf %add3A_74, %max3A_76 : vector<16xf32>
        %swap3A_78 = arith.index_cast %scan3A_34 : i32 to index
        %swap3A_79 = arith.constant 32 : index
        %swap3A_80 = tpu.vector_load %arg14[%swap3A_78, %swap3A_79] {strides = array<i32>} : memref<80x128xf32, #tpu.memory_space<vmem>>, vector<1x16xf32>,
        %swap3A_81 = vector.shape_cast %swap3A_80 : vector<1x16xf32> to vector<16xf32>
        %swap3A_82 = vector.shape_cast %max3A_77 : vector<16xf32> to vector<1x16xf32>
        tpu.vector_store %arg14[%swap3A_78, %swap3A_79], %swap3A_82 {strides = array<i32>} : memref<80x128xf32, #tpu.memory_space<vmem>>, vector<1x16xf32>,
        %get3A_83 = arith.index_cast %scan3A_34 : i32 to index
        %get3A_84 = arith.constant 48 : index
        %get3A_85 = tpu.vector_load %arg14[%get3A_83, %get3A_84] {strides = array<i32>} : memref<80x128xf32, #tpu.memory_space<vmem>>, vector<1x16xf32>,
        %get3A_86 = vector.shape_cast %get3A_85 : vector<1x16xf32> to vector<16xf32>
        %get3A_87 = arith.index_cast %scan3A_34 : i32 to index
        %get3A_88 = arith.constant 48 : index
        %get3A_89 = tpu.vector_load %arg15[%get3A_87, %get3A_88] {strides = array<i32>} : memref<80x128xf32, #tpu.memory_space<vmem>>, vector<1x16xf32>,
        %get3A_90 = vector.shape_cast %get3A_89 : vector<1x16xf32> to vector<16xf32>
        %add3A_91 = arith.addf %get3A_86, %get3A_90 : vector<16xf32>
        %max3A_92 = arith.constant 0.000000e+00 : f32
        %max3A_93 = vector.broadcast %max3A_92 : f32 to vector<16xf32>
        %max3A_94 = arith.maximumf %add3A_91, %max3A_93 : vector<16xf32>
        %swap3A_95 = arith.index_cast %scan3A_34 : i32 to index
        %swap3A_96 = arith.constant 48 : index
        %swap3A_97 = tpu.vector_load %arg14[%swap3A_95, %swap3A_96] {strides = array<i32>} : memref<80x128xf32, #tpu.memory_space<vmem>>, vector<1x16xf32>,
        %swap3A_98 = vector.shape_cast %swap3A_97 : vector<1x16xf32> to vector<16xf32>
        %swap3A_99 = vector.shape_cast %max3A_94 : vector<16xf32> to vector<1x16xf32>
        tpu.vector_store %arg14[%swap3A_95, %swap3A_96], %swap3A_99 {strides = array<i32>} : memref<80x128xf32, #tpu.memory_space<vmem>>, vector<1x16xf32>,
        %get3A_100 = arith.index_cast %scan3A_34 : i32 to index
        %get3A_101 = arith.constant 64 : index
        %get3A_102 = tpu.vector_load %arg14[%get3A_100, %get3A_101] {strides = array<i32>} : memref<80x128xf32, #tpu.memory_space<vmem>>, vector<1x16xf32>,
        %get3A_103 = vector.shape_cast %get3A_102 : vector<1x16xf32> to vector<16xf32>
        %get3A_104 = arith.index_cast %scan3A_34 : i32 to index
        %get3A_105 = arith.constant 64 : index
        %get3A_106 = tpu.vector_load %arg15[%get3A_104, %get3A_105] {strides = array<i32>} : memref<80x128xf32, #tpu.memory_space<vmem>>, vector<1x16xf32>,
        %get3A_107 = vector.shape_cast %get3A_106 : vector<1x16xf32> to vector<16xf32>
        %add3A_108 = arith.addf %get3A_103, %get3A_107 : vector<16xf32>
        %max3A_109 = arith.constant 0.000000e+00 : f32
        %max3A_110 = vector.broadcast %max3A_109 : f32 to vector<16xf32>
        %max3A_111 = arith.maximumf %add3A_108, %max3A_110 : vector<16xf32>
        %swap3A_112 = arith.index_cast %scan3A_34 : i32 to index
        %swap3A_113 = arith.constant 64 : index
        %swap3A_114 = tpu.vector_load %arg14[%swap3A_112, %swap3A_113] {strides = array<i32>} : memref<80x128xf32, #tpu.memory_space<vmem>>, vector<1x16xf32>,
        %swap3A_115 = vector.shape_cast %swap3A_114 : vector<1x16xf32> to vector<16xf32>
        %swap3A_116 = vector.shape_cast %max3A_111 : vector<16xf32> to vector<1x16xf32>
        tpu.vector_store %arg14[%swap3A_112, %swap3A_113], %swap3A_116 {strides = array<i32>} : memref<80x128xf32, #tpu.memory_space<vmem>>, vector<1x16xf32>,
        %get3A_117 = arith.index_cast %scan3A_34 : i32 to index
        %get3A_118 = arith.constant 80 : index
        %get3A_119 = tpu.vector_load %arg14[%get3A_117, %get3A_118] {strides = array<i32>} : memref<80x128xf32, #tpu.memory_space<vmem>>, vector<1x16xf32>,
        %get3A_120 = vector.shape_cast %get3A_119 : vector<1x16xf32> to vector<16xf32>
        %get3A_121 = arith.index_cast %scan3A_34 : i32 to index
        %get3A_122 = arith.constant 80 : index
        %get3A_123 = tpu.vector_load %arg15[%get3A_121, %get3A_122] {strides = array<i32>} : memref<80x128xf32, #tpu.memory_space<vmem>>, vector<1x16xf32>,
        %get3A_124 = vector.shape_cast %get3A_123 : vector<1x16xf32> to vector<16xf32>
        %add3A_125 = arith.addf %get3A_120, %get3A_124 : vector<16xf32>
        %max3A_126 = arith.constant 0.000000e+00 : f32
        %max3A_127 = vector.broadcast %max3A_126 : f32 to vector<16xf32>
        %max3A_128 = arith.maximumf %add3A_125, %max3A_127 : vector<16xf32>
        %swap3A_129 = arith.index_cast %scan3A_34 : i32 to index
        %swap3A_130 = arith.constant 80 : index
        %swap3A_131 = tpu.vector_load %arg14[%swap3A_129, %swap3A_130] {strides = array<i32>} : memref<80x128xf32, #tpu.memory_space<vmem>>, vector<1x16xf32>,
        %swap3A_132 = vector.shape_cast %swap3A_131 : vector<1x16xf32> to vector<16xf32>
        %swap3A_133 = vector.shape_cast %max3A_128 : vector<16xf32> to vector<1x16xf32>
        tpu.vector_store %arg14[%swap3A_129, %swap3A_130], %swap3A_133 {strides = array<i32>} : memref<80x128xf32, #tpu.memory_space<vmem>>, vector<1x16xf32>,
        %get3A_134 = arith.index_cast %scan3A_34 : i32 to index
        %get3A_135 = arith.constant 96 : index
        %get3A_136 = tpu.vector_load %arg14[%get3A_134, %get3A_135] {strides = array<i32>} : memref<80x128xf32, #tpu.memory_space<vmem>>, vector<1x16xf32>,
        %get3A_137 = vector.shape_cast %get3A_136 : vector<1x16xf32> to vector<16xf32>
        %get3A_138 = arith.index_cast %scan3A_34 : i32 to index
        %get3A_139 = arith.constant 96 : index
        %get3A_140 = tpu.vector_load %arg15[%get3A_138, %get3A_139] {strides = array<i32>} : memref<80x128xf32, #tpu.memory_space<vmem>>, vector<1x16xf32>,
        %get3A_141 = vector.shape_cast %get3A_140 : vector<1x16xf32> to vector<16xf32>
        %add3A_142 = arith.addf %get3A_137, %get3A_141 : vector<16xf32>
        %max3A_143 = arith.constant 0.000000e+00 : f32
        %max3A_144 = vector.broadcast %max3A_143 : f32 to vector<16xf32>
        %max3A_145 = arith.maximumf %add3A_142, %max3A_144 : vector<16xf32>
        %swap3A_146 = arith.index_cast %scan3A_34 : i32 to index
        %swap3A_147 = arith.constant 96 : index
        %swap3A_148 = tpu.vector_load %arg14[%swap3A_146, %swap3A_147] {strides = array<i32>} : memref<80x128xf32, #tpu.memory_space<vmem>>, vector<1x16xf32>,
        %swap3A_149 = vector.shape_cast %swap3A_148 : vector<1x16xf32> to vector<16xf32>
        %swap3A_150 = vector.shape_cast %max3A_145 : vector<16xf32> to vector<1x16xf32>
        tpu.vector_store %arg14[%swap3A_146, %swap3A_147], %swap3A_150 {strides = array<i32>} : memref<80x128xf32, #tpu.memory_space<vmem>>, vector<1x16xf32>,
        %get3A_151 = arith.index_cast %scan3A_34 : i32 to index
        %get3A_152 = arith.constant 112 : index
        %get3A_153 = tpu.vector_load %arg14[%get3A_151, %get3A_152] {strides = array<i32>} : memref<80x128xf32, #tpu.memory_space<vmem>>, vector<1x16xf32>,
        %get3A_154 = vector.shape_cast %get3A_153 : vector<1x16xf32> to vector<16xf32>
        %get3A_155 = arith.index_cast %scan3A_34 : i32 to index
        %get3A_156 = arith.constant 112 : index
        %get3A_157 = tpu.vector_load %arg15[%get3A_155, %get3A_156] {strides = array<i32>} : memref<80x128xf32, #tpu.memory_space<vmem>>, vector<1x16xf32>,
        %get3A_158 = vector.shape_cast %get3A_157 : vector<1x16xf32> to vector<16xf32>
        %add3A_159 = arith.addf %get3A_154, %get3A_158 : vector<16xf32>
        %max3A_160 = arith.constant 0.000000e+00 : f32
        %max3A_161 = vector.broadcast %max3A_160 : f32 to vector<16xf32>
        %max3A_162 = arith.maximumf %add3A_159, %max3A_161 : vector<16xf32>
        %swap3A_163 = arith.index_cast %scan3A_34 : i32 to index
        %swap3A_164 = arith.constant 112 : index
        %swap3A_165 = tpu.vector_load %arg14[%swap3A_163, %swap3A_164] {strides = array<i32>} : memref<80x128xf32, #tpu.memory_space<vmem>>, vector<1x16xf32>,
        %swap3A_166 = vector.shape_cast %swap3A_165 : vector<1x16xf32> to vector<16xf32>
        %swap3A_167 = vector.shape_cast %max3A_162 : vector<16xf32> to vector<1x16xf32>
        tpu.vector_store %arg14[%swap3A_163, %swap3A_164], %swap3A_167 {strides = array<i32>} : memref<80x128xf32, #tpu.memory_space<vmem>>, vector<1x16xf32>,
      }
      %scan3A_33 = arith.constant 80 : i32
      "tpu.region"() ({
        %run_scoped3A = tpu.sem_alloc : memref<!tpu.dma_semaphore, #tpu.memory_space<semaphore_mem>>
        %dma_start3A = arith.constant 0 : i32
        %dma_start3A_34 = arith.constant 0 : i32
        %dma_start3A_35 = tpu.memref_slice %arg16[%dma_start3A, %dma_start3A_34] : memref<10112x128xf32, #tpu.memory_space<vmem_shared>> -> memref<10112x128xf32, #tpu.memory_space<vmem_shared>>
        tpu.enqueue_indirect_dma source(%arg14 : memref<80x128xf32, #tpu.memory_space<vmem>>) target(%dma_start3A_35 : memref<10112x128xf32, #tpu.memory_space<vmem_shared>>) offsets(%arg13 : memref<80xi32, #tpu.memory_space<vmem>>) semaphore(%run_scoped3A : memref<!tpu.dma_semaphore, #tpu.memory_space<semaphore_mem>>) {add = true}
        %dma_wait3A = arith.constant 0 : i32
        %dma_wait3A_36 = arith.constant 0 : i32
        %dma_wait3A_37 = tpu.memref_slice %arg16[%dma_wait3A, %dma_wait3A_36] : memref<10112x128xf32, #tpu.memory_space<vmem_shared>> -> memref<10112x128xf32, #tpu.memory_space<vmem_shared>>
        tpu.wait_indirect_dma semaphore(%run_scoped3A : memref<!tpu.dma_semaphore, #tpu.memory_space<semaphore_mem>>) src(%arg14 : memref<80x128xf32, #tpu.memory_space<vmem>>) dst(%dma_wait3A_37 : memref<10112x128xf32, #tpu.memory_space<vmem_shared>>)
        tpu.yield
      }) : () -> ()
    }
    %scan3A_9 = arith.constant 125 : i32
    %barrier3A_10 = arith.constant 0 : index
    tpu.barrier barrier_id(%barrier3A_10)
    %mul3A_11 = arith.constant 632 : i32
    %mul3A_12 = arith.muli %arg1, %mul3A_11 : i32
    %mul3A_13 = arith.constant 10112 : i32
    %mul3A_14 = arith.muli %arg0, %mul3A_13 : i32
    %mul3A_15 = arith.constant 632 : i32
    %mul3A_16 = arith.muli %arg1, %mul3A_15 : i32
    %add3A = arith.addi %mul3A_14, %mul3A_16 : i32
    "tpu.region"() ({
      %run_scoped3A = tpu.sem_alloc : memref<!tpu.dma_semaphore, #tpu.memory_space<semaphore_mem>>
      %dma_start3A = arith.constant 0 : i32
      %dma_start3A_17 = tpu.memref_slice %arg10[%add3A, %dma_start3A] : memref<20224x128xf32, #tpu.memory_space<hbm>> -> memref<632x128xf32, #tpu.memory_space<hbm>>
      %dma_start3A_18 = arith.constant 0 : i32
      %dma_start3A_19 = tpu.memref_slice %arg16[%mul3A_12, %dma_start3A_18] : memref<10112x128xf32, #tpu.memory_space<vmem_shared>> -> memref<632x128xf32, #tpu.memory_space<vmem_shared>>
      tpu.enqueue_dma source(%dma_start3A_19 : memref<632x128xf32, #tpu.memory_space<vmem_shared>>) target(%dma_start3A_17 : memref<632x128xf32, #tpu.memory_space<hbm>>) target_semaphore(%run_scoped3A : memref<!tpu.dma_semaphore, #tpu.memory_space<semaphore_mem>>)
      %dma_wait3A = arith.constant 0 : i32
      %dma_wait3A_20 = tpu.memref_slice %arg10[%add3A, %dma_wait3A] : memref<20224x128xf32, #tpu.memory_space<hbm>> -> memref<632x128xf32, #tpu.memory_space<hbm>>
      %dma_wait3A_21 = arith.constant 0 : i32
      %dma_wait3A_22 = tpu.memref_slice %arg16[%mul3A_12, %dma_wait3A_21] : memref<10112x128xf32, #tpu.memory_space<vmem_shared>> -> memref<632x128xf32, #tpu.memory_space<vmem_shared>>
      tpu.wait_dma2 semaphore(%run_scoped3A : memref<!tpu.dma_semaphore, #tpu.memory_space<semaphore_mem>>) src(%dma_wait3A_22 : memref<632x128xf32, #tpu.memory_space<vmem_shared>>) dst(%dma_wait3A_20 : memref<632x128xf32, #tpu.memory_space<hbm>>)
      tpu.yield
    }) : () -> ()
    return
  }
}

module attributes {stable_mosaic.version = 14 : i64} {
  func.func @_mlp_block(%arg0: i32, %arg1: memref<400x256xf32, #tpu.memory_space<vmem>>, %arg2: memref<400x256xf32, #tpu.memory_space<vmem>>, %arg3: memref<256x256xf32, #tpu.memory_space<vmem>>, %arg4: memref<256x256xf32, #tpu.memory_space<vmem>>, %arg5: memref<1x256xf32, #tpu.memory_space<vmem>>, %arg6: memref<1x256xf32, #tpu.memory_space<vmem>>, %arg7: memref<1x256xf32, #tpu.memory_space<vmem>>, %arg8: memref<1x256xf32, #tpu.memory_space<vmem>>, %arg9: memref<400x256xf32, #tpu.memory_space<vmem>>) attributes {dimension_semantics = [#tpu.dimension_semantics<arbitrary>], iteration_bounds = array<i64: 25>, scalar_prefetch = 0 : i64, scratch_operands = 0 : i64, tpu.core_type = #tpu.core_type<tc>, window_params = [{transform_indices = @transform_0, window_bounds = array<i64: 400, 256>}, {transform_indices = @transform_1, window_bounds = array<i64: 400, 256>}, {pipeline_mode = #tpu.pipeline_mode<synchronous>, transform_indices = @transform_2, window_bounds = array<i64: 256, 256>}, {pipeline_mode = #tpu.pipeline_mode<synchronous>, transform_indices = @transform_3, window_bounds = array<i64: 256, 256>}, {pipeline_mode = #tpu.pipeline_mode<synchronous>, transform_indices = @transform_4, window_bounds = array<i64: 1, 256>}, {pipeline_mode = #tpu.pipeline_mode<synchronous>, transform_indices = @transform_5, window_bounds = array<i64: 1, 256>}, {pipeline_mode = #tpu.pipeline_mode<synchronous>, transform_indices = @transform_6, window_bounds = array<i64: 1, 256>}, {pipeline_mode = #tpu.pipeline_mode<synchronous>, transform_indices = @transform_7, window_bounds = array<i64: 1, 256>}, {transform_indices = @transform_8, window_bounds = array<i64: 400, 256>}]} {
    %get3A = arith.constant 0 : index
    %get3A_0 = arith.constant 0 : index
    %get3A_1 = vector.load %arg1[%get3A, %get3A_0] : memref<400x256xf32, #tpu.memory_space<vmem>>, vector<400x256xf32>
    %get3A_2 = arith.constant 0 : index
    %get3A_3 = arith.constant 0 : index
    %get3A_4 = vector.load %arg3[%get3A_2, %get3A_3] : memref<256x256xf32, #tpu.memory_space<vmem>>, vector<256x256xf32>
    %dot_general3A = arith.constant dense<0.000000e+00> : vector<400x256xf32>
    %dot_general3A_5 = tpu.matmul %get3A_1, %get3A_4, %dot_general3A {dimension_numbers = #tpu.dot_dimension_numbers<[1], [0], [0], [1], [0, 0, 1, 1], [], []>, transpose_lhs_hint = false} : vector<400x256xf32>, vector<256x256xf32>, vector<400x256xf32> -> vector<400x256xf32>
    %get3A_6 = arith.constant 0 : index
    %get3A_7 = arith.constant 0 : index
    %get3A_8 = vector.load %arg5[%get3A_6, %get3A_7] : memref<1x256xf32, #tpu.memory_space<vmem>>, vector<1x256xf32>
    %mul3A = vector.broadcast %get3A_8 : vector<1x256xf32> to vector<400x256xf32>
    %mul3A_9 = arith.mulf %dot_general3A_5, %mul3A : vector<400x256xf32>
    %get3A_10 = arith.constant 0 : index
    %get3A_11 = arith.constant 0 : index
    %get3A_12 = vector.load %arg6[%get3A_10, %get3A_11] : memref<1x256xf32, #tpu.memory_space<vmem>>, vector<1x256xf32>
    %add3A = vector.broadcast %get3A_12 : vector<1x256xf32> to vector<400x256xf32>
    %add3A_13 = arith.addf %mul3A_9, %add3A : vector<400x256xf32>
    %max3A = arith.constant 0.000000e+00 : f32
    %max3A_14 = vector.broadcast %max3A : f32 to vector<400x256xf32>
    %max3A_15 = arith.maximumf %add3A_13, %max3A_14 : vector<400x256xf32>
    %get3A_16 = arith.constant 0 : index
    %get3A_17 = arith.constant 0 : index
    %get3A_18 = vector.load %arg4[%get3A_16, %get3A_17] : memref<256x256xf32, #tpu.memory_space<vmem>>, vector<256x256xf32>
    %dot_general3A_19 = arith.constant dense<0.000000e+00> : vector<400x256xf32>
    %dot_general3A_20 = tpu.matmul %max3A_15, %get3A_18, %dot_general3A_19 {dimension_numbers = #tpu.dot_dimension_numbers<[1], [0], [0], [1], [0, 0, 1, 1], [], []>, transpose_lhs_hint = false} : vector<400x256xf32>, vector<256x256xf32>, vector<400x256xf32> -> vector<400x256xf32>
    %get3A_21 = arith.constant 0 : index
    %get3A_22 = arith.constant 0 : index
    %get3A_23 = vector.load %arg2[%get3A_21, %get3A_22] : memref<400x256xf32, #tpu.memory_space<vmem>>, vector<400x256xf32>
    %add3A_24 = arith.addf %get3A_23, %dot_general3A_20 : vector<400x256xf32>
    %get3A_25 = arith.constant 0 : index
    %get3A_26 = arith.constant 0 : index
    %get3A_27 = vector.load %arg7[%get3A_25, %get3A_26] : memref<1x256xf32, #tpu.memory_space<vmem>>, vector<1x256xf32>
    %mul3A_28 = vector.broadcast %get3A_27 : vector<1x256xf32> to vector<400x256xf32>
    %mul3A_29 = arith.mulf %add3A_24, %mul3A_28 : vector<400x256xf32>
    %get3A_30 = arith.constant 0 : index
    %get3A_31 = arith.constant 0 : index
    %get3A_32 = vector.load %arg8[%get3A_30, %get3A_31] : memref<1x256xf32, #tpu.memory_space<vmem>>, vector<1x256xf32>
    %add3A_33 = vector.broadcast %get3A_32 : vector<1x256xf32> to vector<400x256xf32>
    %add3A_34 = arith.addf %mul3A_29, %add3A_33 : vector<400x256xf32>
    %max3A_35 = arith.constant 0.000000e+00 : f32
    %max3A_36 = vector.broadcast %max3A_35 : f32 to vector<400x256xf32>
    %max3A_37 = arith.maximumf %add3A_34, %max3A_36 : vector<400x256xf32>
    %swap3A = arith.constant 0 : index
    %swap3A_38 = arith.constant 0 : index
    %swap3A_39 = vector.load %arg9[%swap3A, %swap3A_38] : memref<400x256xf32, #tpu.memory_space<vmem>>, vector<400x256xf32>
    tpu.vector_store %arg9[%swap3A, %swap3A_38], %max3A_37 {strides = array<i32>} : memref<400x256xf32, #tpu.memory_space<vmem>>, vector<400x256xf32>,
    return
  }
  func.func @transform_0(%arg0: i32) -> (i32, i32) {
    %c0_i32 = arith.constant 0 : i32
    %c0_i32_0 = arith.constant 0 : i32
    return %arg0, %c0_i32 : i32, i32
  }
  func.func @transform_1(%arg0: i32) -> (i32, i32) {
    %c0_i32 = arith.constant 0 : i32
    %c0_i32_0 = arith.constant 0 : i32
    return %arg0, %c0_i32 : i32, i32
  }
  func.func @transform_2(%arg0: i32) -> (i32, i32) {
    %c0_i32 = arith.constant 0 : i32
    %c0_i32_0 = arith.constant 0 : i32
    %c0_i32_1 = arith.constant 0 : i32
    return %c0_i32, %c0_i32_0 : i32, i32
  }
  func.func @transform_3(%arg0: i32) -> (i32, i32) {
    %c0_i32 = arith.constant 0 : i32
    %c0_i32_0 = arith.constant 0 : i32
    %c0_i32_1 = arith.constant 0 : i32
    return %c0_i32, %c0_i32_0 : i32, i32
  }
  func.func @transform_4(%arg0: i32) -> (i32, i32) {
    %c0_i32 = arith.constant 0 : i32
    %c0_i32_0 = arith.constant 0 : i32
    %c0_i32_1 = arith.constant 0 : i32
    return %c0_i32, %c0_i32_0 : i32, i32
  }
  func.func @transform_5(%arg0: i32) -> (i32, i32) {
    %c0_i32 = arith.constant 0 : i32
    %c0_i32_0 = arith.constant 0 : i32
    %c0_i32_1 = arith.constant 0 : i32
    return %c0_i32, %c0_i32_0 : i32, i32
  }
  func.func @transform_6(%arg0: i32) -> (i32, i32) {
    %c0_i32 = arith.constant 0 : i32
    %c0_i32_0 = arith.constant 0 : i32
    %c0_i32_1 = arith.constant 0 : i32
    return %c0_i32, %c0_i32_0 : i32, i32
  }
  func.func @transform_7(%arg0: i32) -> (i32, i32) {
    %c0_i32 = arith.constant 0 : i32
    %c0_i32_0 = arith.constant 0 : i32
    %c0_i32_1 = arith.constant 0 : i32
    return %c0_i32, %c0_i32_0 : i32, i32
  }
  func.func @transform_8(%arg0: i32) -> (i32, i32) {
    %c0_i32 = arith.constant 0 : i32
    %c0_i32_0 = arith.constant 0 : i32
    return %arg0, %c0_i32 : i32, i32
  }
}

module attributes {stable_mosaic.version = 14 : i64} {
  func.func @_mlp_block(%arg0: i32, %arg1: memref<400x256xf32, #tpu.memory_space<vmem>>, %arg2: memref<400x256xf32, #tpu.memory_space<vmem>>, %arg3: memref<256x256xf32, #tpu.memory_space<vmem>>, %arg4: memref<256x256xf32, #tpu.memory_space<vmem>>, %arg5: memref<1x256xf32, #tpu.memory_space<vmem>>, %arg6: memref<1x256xf32, #tpu.memory_space<vmem>>, %arg7: memref<1x256xf32, #tpu.memory_space<vmem>>, %arg8: memref<1x256xf32, #tpu.memory_space<vmem>>, %arg9: memref<400x256xf32, #tpu.memory_space<vmem>>) attributes {dimension_semantics = [#tpu.dimension_semantics<arbitrary>], iteration_bounds = array<i64: 25>, scalar_prefetch = 0 : i64, scratch_operands = 0 : i64, tpu.core_type = #tpu.core_type<tc>, window_params = [{transform_indices = @transform_0, window_bounds = array<i64: 400, 256>}, {transform_indices = @transform_1, window_bounds = array<i64: 400, 256>}, {pipeline_mode = #tpu.pipeline_mode<synchronous>, transform_indices = @transform_2, window_bounds = array<i64: 256, 256>}, {pipeline_mode = #tpu.pipeline_mode<synchronous>, transform_indices = @transform_3, window_bounds = array<i64: 256, 256>}, {pipeline_mode = #tpu.pipeline_mode<synchronous>, transform_indices = @transform_4, window_bounds = array<i64: 1, 256>}, {pipeline_mode = #tpu.pipeline_mode<synchronous>, transform_indices = @transform_5, window_bounds = array<i64: 1, 256>}, {pipeline_mode = #tpu.pipeline_mode<synchronous>, transform_indices = @transform_6, window_bounds = array<i64: 1, 256>}, {pipeline_mode = #tpu.pipeline_mode<synchronous>, transform_indices = @transform_7, window_bounds = array<i64: 1, 256>}, {transform_indices = @transform_8, window_bounds = array<i64: 400, 256>}]} {
    %get3A = arith.constant 0 : index
    %get3A_0 = arith.constant 0 : index
    %get3A_1 = vector.load %arg1[%get3A, %get3A_0] : memref<400x256xf32, #tpu.memory_space<vmem>>, vector<400x256xf32>
    %get3A_2 = arith.constant 0 : index
    %get3A_3 = arith.constant 0 : index
    %get3A_4 = vector.load %arg3[%get3A_2, %get3A_3] : memref<256x256xf32, #tpu.memory_space<vmem>>, vector<256x256xf32>
    %dot_general3A = arith.constant dense<0.000000e+00> : vector<400x256xf32>
    %dot_general3A_5 = tpu.matmul %get3A_1, %get3A_4, %dot_general3A {dimension_numbers = #tpu.dot_dimension_numbers<[1], [0], [0], [1], [0, 0, 1, 1], [], []>, transpose_lhs_hint = false} : vector<400x256xf32>, vector<256x256xf32>, vector<400x256xf32> -> vector<400x256xf32>
    %get3A_6 = arith.constant 0 : index
    %get3A_7 = arith.constant 0 : index
    %get3A_8 = vector.load %arg5[%get3A_6, %get3A_7] : memref<1x256xf32, #tpu.memory_space<vmem>>, vector<1x256xf32>
    %mul3A = vector.broadcast %get3A_8 : vector<1x256xf32> to vector<400x256xf32>
    %mul3A_9 = arith.mulf %dot_general3A_5, %mul3A : vector<400x256xf32>
    %get3A_10 = arith.constant 0 : index
    %get3A_11 = arith.constant 0 : index
    %get3A_12 = vector.load %arg6[%get3A_10, %get3A_11] : memref<1x256xf32, #tpu.memory_space<vmem>>, vector<1x256xf32>
    %add3A = vector.broadcast %get3A_12 : vector<1x256xf32> to vector<400x256xf32>
    %add3A_13 = arith.addf %mul3A_9, %add3A : vector<400x256xf32>
    %max3A = arith.constant 0.000000e+00 : f32
    %max3A_14 = vector.broadcast %max3A : f32 to vector<400x256xf32>
    %max3A_15 = arith.maximumf %add3A_13, %max3A_14 : vector<400x256xf32>
    %get3A_16 = arith.constant 0 : index
    %get3A_17 = arith.constant 0 : index
    %get3A_18 = vector.load %arg4[%get3A_16, %get3A_17] : memref<256x256xf32, #tpu.memory_space<vmem>>, vector<256x256xf32>
    %dot_general3A_19 = arith.constant dense<0.000000e+00> : vector<400x256xf32>
    %dot_general3A_20 = tpu.matmul %max3A_15, %get3A_18, %dot_general3A_19 {dimension_numbers = #tpu.dot_dimension_numbers<[1], [0], [0], [1], [0, 0, 1, 1], [], []>, transpose_lhs_hint = false} : vector<400x256xf32>, vector<256x256xf32>, vector<400x256xf32> -> vector<400x256xf32>
    %get3A_21 = arith.constant 0 : index
    %get3A_22 = arith.constant 0 : index
    %get3A_23 = vector.load %arg2[%get3A_21, %get3A_22] : memref<400x256xf32, #tpu.memory_space<vmem>>, vector<400x256xf32>
    %add3A_24 = arith.addf %get3A_23, %dot_general3A_20 : vector<400x256xf32>
    %get3A_25 = arith.constant 0 : index
    %get3A_26 = arith.constant 0 : index
    %get3A_27 = vector.load %arg7[%get3A_25, %get3A_26] : memref<1x256xf32, #tpu.memory_space<vmem>>, vector<1x256xf32>
    %mul3A_28 = vector.broadcast %get3A_27 : vector<1x256xf32> to vector<400x256xf32>
    %mul3A_29 = arith.mulf %add3A_24, %mul3A_28 : vector<400x256xf32>
    %get3A_30 = arith.constant 0 : index
    %get3A_31 = arith.constant 0 : index
    %get3A_32 = vector.load %arg8[%get3A_30, %get3A_31] : memref<1x256xf32, #tpu.memory_space<vmem>>, vector<1x256xf32>
    %add3A_33 = vector.broadcast %get3A_32 : vector<1x256xf32> to vector<400x256xf32>
    %add3A_34 = arith.addf %mul3A_29, %add3A_33 : vector<400x256xf32>
    %max3A_35 = arith.constant 0.000000e+00 : f32
    %max3A_36 = vector.broadcast %max3A_35 : f32 to vector<400x256xf32>
    %max3A_37 = arith.maximumf %add3A_34, %max3A_36 : vector<400x256xf32>
    %swap3A = arith.constant 0 : index
    %swap3A_38 = arith.constant 0 : index
    %swap3A_39 = vector.load %arg9[%swap3A, %swap3A_38] : memref<400x256xf32, #tpu.memory_space<vmem>>, vector<400x256xf32>
    tpu.vector_store %arg9[%swap3A, %swap3A_38], %max3A_37 {strides = array<i32>} : memref<400x256xf32, #tpu.memory_space<vmem>>, vector<400x256xf32>,
    return
  }
  func.func @transform_0(%arg0: i32) -> (i32, i32) {
    %c0_i32 = arith.constant 0 : i32
    %c0_i32_0 = arith.constant 0 : i32
    return %arg0, %c0_i32 : i32, i32
  }
  func.func @transform_1(%arg0: i32) -> (i32, i32) {
    %c0_i32 = arith.constant 0 : i32
    %c0_i32_0 = arith.constant 0 : i32
    return %arg0, %c0_i32 : i32, i32
  }
  func.func @transform_2(%arg0: i32) -> (i32, i32) {
    %c0_i32 = arith.constant 0 : i32
    %c0_i32_0 = arith.constant 0 : i32
    %c0_i32_1 = arith.constant 0 : i32
    return %c0_i32, %c0_i32_0 : i32, i32
  }
  func.func @transform_3(%arg0: i32) -> (i32, i32) {
    %c0_i32 = arith.constant 0 : i32
    %c0_i32_0 = arith.constant 0 : i32
    %c0_i32_1 = arith.constant 0 : i32
    return %c0_i32, %c0_i32_0 : i32, i32
  }
  func.func @transform_4(%arg0: i32) -> (i32, i32) {
    %c0_i32 = arith.constant 0 : i32
    %c0_i32_0 = arith.constant 0 : i32
    %c0_i32_1 = arith.constant 0 : i32
    return %c0_i32, %c0_i32_0 : i32, i32
  }
  func.func @transform_5(%arg0: i32) -> (i32, i32) {
    %c0_i32 = arith.constant 0 : i32
    %c0_i32_0 = arith.constant 0 : i32
    %c0_i32_1 = arith.constant 0 : i32
    return %c0_i32, %c0_i32_0 : i32, i32
  }
  func.func @transform_6(%arg0: i32) -> (i32, i32) {
    %c0_i32 = arith.constant 0 : i32
    %c0_i32_0 = arith.constant 0 : i32
    %c0_i32_1 = arith.constant 0 : i32
    return %c0_i32, %c0_i32_0 : i32, i32
  }
  func.func @transform_7(%arg0: i32) -> (i32, i32) {
    %c0_i32 = arith.constant 0 : i32
    %c0_i32_0 = arith.constant 0 : i32
    %c0_i32_1 = arith.constant 0 : i32
    return %c0_i32, %c0_i32_0 : i32, i32
  }
  func.func @transform_8(%arg0: i32) -> (i32, i32) {
    %c0_i32 = arith.constant 0 : i32
    %c0_i32_0 = arith.constant 0 : i32
    return %arg0, %c0_i32 : i32, i32
  }
}

module attributes {stable_mosaic.version = 14 : i64} {
  func.func @_pool_body(%arg0: memref<10000xi32, #tpu.memory_space<smem>>, %arg1: memref<10000x256xf32, #tpu.memory_space<vmem>>, %arg2: memref<256x256xf32, #tpu.memory_space<vmem>>, %arg3: memref<256x256xf32, #tpu.memory_space<vmem>>, %arg4: memref<256x256xf32, #tpu.memory_space<vmem>>, %arg5: memref<1x256xf32, #tpu.memory_space<vmem>>, %arg6: memref<1x256xf32, #tpu.memory_space<vmem>>, %arg7: memref<1x1xf32, #tpu.memory_space<smem>>, %arg8: memref<512x128xf32, #tpu.memory_space<vmem>>, %arg9: memref<512x256xf32, #tpu.memory_space<vmem>>, %arg10: memref<512x256xf32, #tpu.memory_space<vmem>>, %arg11: memref<512x128xf32, #tpu.memory_space<vmem>>) attributes {dimension_semantics = [], scalar_prefetch = 0 : i64, scratch_operands = 3 : i64, tpu.core_type = #tpu.core_type<tc>} {
    %broadcast_in_dim3A = arith.constant 0.000000e+00 : f32
    %broadcast_in_dim3A_0 = vector.broadcast %broadcast_in_dim3A : f32 to vector<512x256xf32>
    %swap3A = arith.constant 0 : index
    %swap3A_1 = arith.constant 0 : index
    %swap3A_2 = vector.load %arg9[%swap3A, %swap3A_1] : memref<512x256xf32, #tpu.memory_space<vmem>>, vector<512x256xf32>
    tpu.vector_store %arg9[%swap3A, %swap3A_1], %broadcast_in_dim3A_0 {strides = array<i32>} : memref<512x256xf32, #tpu.memory_space<vmem>>, vector<512x256xf32>,
    %broadcast_in_dim3A_3 = arith.constant 0xFF800000 : f32
    %broadcast_in_dim3A_4 = vector.broadcast %broadcast_in_dim3A_3 : f32 to vector<512x256xf32>
    %swap3A_5 = arith.constant 0 : index
    %swap3A_6 = arith.constant 0 : index
    %swap3A_7 = vector.load %arg10[%swap3A_5, %swap3A_6] : memref<512x256xf32, #tpu.memory_space<vmem>>, vector<512x256xf32>
    tpu.vector_store %arg10[%swap3A_5, %swap3A_6], %broadcast_in_dim3A_4 {strides = array<i32>} : memref<512x256xf32, #tpu.memory_space<vmem>>, vector<512x256xf32>,
    %broadcast_in_dim3A_8 = arith.constant 0.000000e+00 : f32
    %broadcast_in_dim3A_9 = vector.broadcast %broadcast_in_dim3A_8 : f32 to vector<512x128xf32>
    %swap3A_10 = arith.constant 0 : index
    %swap3A_11 = arith.constant 0 : index
    %swap3A_12 = vector.load %arg11[%swap3A_10, %swap3A_11] : memref<512x128xf32, #tpu.memory_space<vmem>>, vector<512x128xf32>
    tpu.vector_store %arg11[%swap3A_10, %swap3A_11], %broadcast_in_dim3A_9 {strides = array<i32>} : memref<512x128xf32, #tpu.memory_space<vmem>>, vector<512x128xf32>,
    %scan3A = arith.constant 0 : i32
    %scan3A_13 = arith.constant 10000 : i32
    %scan3A_14 = arith.addi %scan3A, %scan3A_13 : i32
    %scan3A_15 = arith.constant 1 : i32
    scf.for %scan3A_67 = %scan3A to %scan3A_14 step %scan3A_15  : i32 {
      %get3A_68 = arith.index_cast %scan3A_67 : i32 to index
      %get3A_69 = memref.load %arg0[%get3A_68] : memref<10000xi32, #tpu.memory_space<smem>>
      %get3A_70 = arith.index_cast %scan3A_67 : i32 to index
      %get3A_71 = arith.constant 0 : index
      %get3A_72 = vector.load %arg1[%get3A_70, %get3A_71] : memref<10000x256xf32, #tpu.memory_space<vmem>>, vector<1x256xf32>
      %get3A_73 = arith.index_cast %get3A_69 : i32 to index
      %get3A_74 = arith.constant 0 : index
      %get3A_75 = vector.load %arg9[%get3A_73, %get3A_74] : memref<512x256xf32, #tpu.memory_space<vmem>>, vector<1x256xf32>
      %add3A_76 = arith.addf %get3A_75, %get3A_72 : vector<1x256xf32>
      %swap3A_77 = arith.index_cast %get3A_69 : i32 to index
      %swap3A_78 = arith.constant 0 : index
      %swap3A_79 = vector.load %arg9[%swap3A_77, %swap3A_78] : memref<512x256xf32, #tpu.memory_space<vmem>>, vector<1x256xf32>
      tpu.vector_store %arg9[%swap3A_77, %swap3A_78], %add3A_76 {strides = array<i32>} : memref<512x256xf32, #tpu.memory_space<vmem>>, vector<1x256xf32>,
      %get3A_80 = arith.index_cast %get3A_69 : i32 to index
      %get3A_81 = arith.constant 0 : index
      %get3A_82 = vector.load %arg10[%get3A_80, %get3A_81] : memref<512x256xf32, #tpu.memory_space<vmem>>, vector<1x256xf32>
      %max3A_83 = arith.maximumf %get3A_82, %get3A_72 : vector<1x256xf32>
      %swap3A_84 = arith.index_cast %get3A_69 : i32 to index
      %swap3A_85 = arith.constant 0 : index
      %swap3A_86 = vector.load %arg10[%swap3A_84, %swap3A_85] : memref<512x256xf32, #tpu.memory_space<vmem>>, vector<1x256xf32>
      tpu.vector_store %arg10[%swap3A_84, %swap3A_85], %max3A_83 {strides = array<i32>} : memref<512x256xf32, #tpu.memory_space<vmem>>, vector<1x256xf32>,
      %get3A_87 = arith.index_cast %get3A_69 : i32 to index
      %get3A_88 = arith.constant 0 : index
      %get3A_89 = vector.load %arg11[%get3A_87, %get3A_88] : memref<512x128xf32, #tpu.memory_space<vmem>>, vector<1x128xf32>
      %add3A_90 = arith.constant 1.000000e+00 : f32
      %add3A_91 = vector.broadcast %add3A_90 : f32 to vector<1x128xf32>
      %add3A_92 = arith.addf %get3A_89, %add3A_91 : vector<1x128xf32>
      %swap3A_93 = arith.index_cast %get3A_69 : i32 to index
      %swap3A_94 = arith.constant 0 : index
      %swap3A_95 = vector.load %arg11[%swap3A_93, %swap3A_94] : memref<512x128xf32, #tpu.memory_space<vmem>>, vector<1x128xf32>
      tpu.vector_store %arg11[%swap3A_93, %swap3A_94], %add3A_92 {strides = array<i32>} : memref<512x128xf32, #tpu.memory_space<vmem>>, vector<1x128xf32>,
    }
    %scan3A_16 = arith.constant 10000 : i32
    %get3A = arith.constant 0 : index
    %get3A_17 = arith.constant 0 : index
    %get3A_18 = vector.load %arg9[%get3A, %get3A_17] : memref<512x256xf32, #tpu.memory_space<vmem>>, vector<512x256xf32>
    %get3A_19 = arith.constant 0 : index
    %get3A_20 = arith.constant 0 : index
    %get3A_21 = vector.load %arg11[%get3A_19, %get3A_20] : memref<512x128xf32, #tpu.memory_space<vmem>>, vector<512x1xf32>
    %max3A = arith.constant 1.000000e+00 : f32
    %max3A_22 = vector.broadcast %max3A : f32 to vector<512x1xf32>
    %max3A_23 = arith.maximumf %get3A_21, %max3A_22 : vector<512x1xf32>
    %div3A = vector.broadcast %max3A_23 : vector<512x1xf32> to vector<512x256xf32>
    %div3A_24 = arith.divf %get3A_18, %div3A : vector<512x256xf32>
    %get3A_25 = arith.constant 0 : index
    %get3A_26 = arith.constant 0 : index
    %get3A_27 = vector.load %arg10[%get3A_25, %get3A_26] : memref<512x256xf32, #tpu.memory_space<vmem>>, vector<512x256xf32>
    %get3A_28 = arith.constant 0 : index
    %get3A_29 = arith.constant 0 : index
    %get3A_30 = vector.load %arg2[%get3A_28, %get3A_29] : memref<256x256xf32, #tpu.memory_space<vmem>>, vector<256x256xf32>
    %dot_general3A = arith.constant dense<0.000000e+00> : vector<512x256xf32>
    %dot_general3A_31 = tpu.matmul %div3A_24, %get3A_30, %dot_general3A {dimension_numbers = #tpu.dot_dimension_numbers<[1], [0], [0], [1], [0, 0, 1, 1], [], []>, transpose_lhs_hint = false} : vector<512x256xf32>, vector<256x256xf32>, vector<512x256xf32> -> vector<512x256xf32>
    %get3A_32 = arith.constant 0 : index
    %get3A_33 = arith.constant 0 : index
    %get3A_34 = vector.load %arg3[%get3A_32, %get3A_33] : memref<256x256xf32, #tpu.memory_space<vmem>>, vector<256x256xf32>
    %dot_general3A_35 = arith.constant dense<0.000000e+00> : vector<512x256xf32>
    %dot_general3A_36 = tpu.matmul %get3A_18, %get3A_34, %dot_general3A_35 {dimension_numbers = #tpu.dot_dimension_numbers<[1], [0], [0], [1], [0, 0, 1, 1], [], []>, transpose_lhs_hint = false} : vector<512x256xf32>, vector<256x256xf32>, vector<512x256xf32> -> vector<512x256xf32>
    %add3A = arith.addf %dot_general3A_31, %dot_general3A_36 : vector<512x256xf32>
    %get3A_37 = arith.constant 0 : index
    %get3A_38 = arith.constant 0 : index
    %get3A_39 = vector.load %arg4[%get3A_37, %get3A_38] : memref<256x256xf32, #tpu.memory_space<vmem>>, vector<256x256xf32>
    %dot_general3A_40 = arith.constant dense<0.000000e+00> : vector<512x256xf32>
    %dot_general3A_41 = tpu.matmul %get3A_27, %get3A_39, %dot_general3A_40 {dimension_numbers = #tpu.dot_dimension_numbers<[1], [0], [0], [1], [0, 0, 1, 1], [], []>, transpose_lhs_hint = false} : vector<512x256xf32>, vector<256x256xf32>, vector<512x256xf32> -> vector<512x256xf32>
    %add3A_42 = arith.addf %add3A, %dot_general3A_41 : vector<512x256xf32>
    %get3A_43 = arith.constant 0 : index
    %get3A_44 = arith.constant 0 : index
    %get3A_45 = vector.load %arg5[%get3A_43, %get3A_44] : memref<1x256xf32, #tpu.memory_space<vmem>>, vector<1x256xf32>
    %add3A_46 = vector.broadcast %get3A_45 : vector<1x256xf32> to vector<512x256xf32>
    %add3A_47 = arith.addf %add3A_42, %add3A_46 : vector<512x256xf32>
    %max3A_48 = arith.constant 0.000000e+00 : f32
    %max3A_49 = vector.broadcast %max3A_48 : f32 to vector<512x256xf32>
    %max3A_50 = arith.maximumf %add3A_47, %max3A_49 : vector<512x256xf32>
    %get3A_51 = arith.constant 0 : index
    %get3A_52 = arith.constant 0 : index
    %get3A_53 = vector.load %arg6[%get3A_51, %get3A_52] : memref<1x256xf32, #tpu.memory_space<vmem>>, vector<1x256xf32>
    %mul3A = vector.broadcast %get3A_53 : vector<1x256xf32> to vector<512x256xf32>
    %mul3A_54 = arith.mulf %max3A_50, %mul3A : vector<512x256xf32>
    %reduce_sum3A = arith.constant dense<0.000000e+00> : vector<512xf32>
    %reduce_sum3A_55 = vector.multi_reduction <add>, %mul3A_54, %reduce_sum3A [1] : vector<512x256xf32> to vector<512xf32>
    %broadcast_in_dim3A_56 = vector.shape_cast %reduce_sum3A_55 : vector<512xf32> to vector<512x1xf32>
    %get3A_57 = arith.constant 0 : index
    %get3A_58 = arith.constant 0 : index
    %get3A_59 = memref.load %arg7[%get3A_57, %get3A_58] : memref<1x1xf32, #tpu.memory_space<smem>>
    %add3A_60 = vector.broadcast %get3A_59 : f32 to vector<512x1xf32>
    %add3A_61 = arith.addf %broadcast_in_dim3A_56, %add3A_60 : vector<512x1xf32>
    %broadcast_in_dim3A_62 = vector.shape_cast %add3A_61 : vector<512x1xf32> to vector<512x1xf32>
    %broadcast_in_dim3A_63 = vector.broadcast %broadcast_in_dim3A_62 : vector<512x1xf32> to vector<512x128xf32>
    %swap3A_64 = arith.constant 0 : index
    %swap3A_65 = arith.constant 0 : index
    %swap3A_66 = vector.load %arg8[%swap3A_64, %swap3A_65] : memref<512x128xf32, #tpu.memory_space<vmem>>, vector<512x128xf32>
    tpu.vector_store %arg8[%swap3A_64, %swap3A_65], %broadcast_in_dim3A_63 {strides = array<i32>} : memref<512x128xf32, #tpu.memory_space<vmem>>, vector<512x128xf32>,
    return
  }
}

</mosaic_0001>

<sc_bundles>
// kernel: kernel.16.cloned.1.call-start
scs
__scs_entry_jumppad:
0x0: {  	(pc) =	sbr.rel $0x88, $3  }
0x1: {  	(tag) =	ssettag $0x0;
	lr =	simm.s32 $0x1  }
0x2: {  	[smem:$0x3F8E] =	sst lr;
	_ =	strace $0xD0000000  }
0x3: {  	_ = 	snop  }
0x4: {  	_ = 	snop  }
0x5: {  	_ = 	snop  }
0x6: {  	_ = 	snop  }
0x7: {  	_ = 	snop  }
__scs_overlays_trampoline_lowered:
0x8: {  	[smem:$0x3F9D] =	sst s0  }
0x9: {  	[smem:$0x3F9E] =	sst s1  }
0xa: {  	[smem:$0x3F9F] =	sst s2  }
0xb: {  	[smem:$0x3FA0] =	sst s3  }
0xc: {  	[smem:$0x3FA1] =	sst s4  }
0xd: {  	[smem:$0x3FA2] =	sst s5  }
0xe: {  	[smem:$0x3FA3] =	sst s6  }
0xf: {  	[smem:$0x3FA4] =	sst s7  }
0x10: {  	[smem:$0x3FA5] =	sst s8  }
0x11: {  	[smem:$0x3FA6] =	sst s9;
	s0 =	simm.s32 @!p0 $0x0  }
0x12: {  	s1 =	sld [smem:$0x3F8C];
	s0 =	simm.s32 @p0 $0x1  }
0x13: {  	[smem:$0x3FA7] =	sst s0;
	s0 =	simm.s32 @!p1 $0x0  }
0x14: {  	s2 =	sld [smem:$0x3F8B];
	s0 =	simm.s32 @p1 $0x1  }
0x15: {  	[smem:$0x3FA8] =	sst s0;
	s0 =	simm.s32 @!p2 $0x0  }
0x16: {  	s3 =	sld [smem:$0x3FDB];
	s0 =	simm.s32 @p2 $0x1  }
0x17: {  	s4 =	simm.s32 $0x1BF5;
	[smem:$0x3FAA] =	sst s0  }
0x18: {  	s0 =	sld [smem:$0x3F8D];
	_ =	swait.ge [sflag:s4], $0x0  }
0x19: {  	s7 =	sld [smem:$0x3F8E]  }
0x1a: {  	s8 =	sadd.s32 $0xFFFFE003, lr  }
0x1b: {  	s9 =	sadd.s32 $0xFFFFFEF7, lr;
	s5 =	simm.s32 $0xFFFFFFFF;
	p2 =	slt.u32 s8, $0xFFFFF086  }
0x1c: {  	p1 =	slt.u32 s9, $0xF7A;
	s5 =	simm.s32 @!p2 $0x0  }
0x1d: {  	s5 =	simm.s32 @p1 $0x1;
	p0 =	seq.s32 s7, s2  }
0x1e: {  	s7 =	smul.u32 @!p0 $0xF7A, s2;
	p2 =	seq.s32 @!p0 s5, $0x0  }
0x1f: {  	s9 =	smul.u32 $0xF7A, s1;
	s8 =	simm.s32 @!p0 $0x1BF5;
	p2 =	por !p2, p0  }
0x20: {  	[sflag:s8] =	ssyncset.s32 @!p0 $0xFFFFF086;
	s6 =	sadd.s32 @!p0 s3, s7;
	s7 =	simm.s32 @!p0 $0x108  }
0x21: {  	s3 =	sadd.s32 s3, s9;
	s6 =	sadd.s32 @!p0 $0x88, s6;
	s7 =	simm.s32 @p2 $0x1082  }
0x22: {  	[simem:s7], [sflag:s8] =	dma.local @!p0 [hbm:s6], $0xF7A  }
0x23: {  	s9 =	sor.u32 $0xD0000000, s2;
	s6 =	simm.s32 $0x108;
	_ =	swait.ge @!p0 [sflag:s8], $0x0  }
0x24: {  	s3 =	sadd.s32 $0x88, s3;
	s6 =	simm.s32 @!p1 $0x1082;
	[sflag:s4] =	ssyncset.s32 $0xFFFFF086  }
0x25: {  	[simem:s6], [sflag:s4] =	dma.local [hbm:s3], $0xF7A  }
0x26: {  	[smem:$0x3F8E] =	sst s1;
	(tag) =	ssettag s2;
	_ =	strace s9  }
0x27: {  	s1 =	sld [smem:$0x3F9E]  }
0x28: {  	s2 =	sld [smem:$0x3F9F]  }
0x29: {  	s4 =	sld [smem:$0x3FA1]  }
0x2a: {  	p0 =	seq.s32 s5, $0x0;
	s5 =	sld [smem:$0x3FA2]  }
0x2b: {  	s6 =	sld [smem:$0x3FA3]  }
0x2c: {  	s7 =	sld [smem:$0x3FA4]  }
0x2d: {  	s3 =	simm.s32 $0x108;
	s8 =	sld [smem:$0x3FA5]  }
0x2e: {  	s3 =	simm.s32 @!p0 $0x1082;
	s9 =	sld [smem:$0x3FA6]  }
0x2f: {  	lr =	sadd.s32 s0, s3;
	s0 =	sld [smem:$0x3F9D]  }
0x30: {  	s3 =	sld [smem:$0x3FA0]  }
0x31: {  	[smem:$0x3FA9] =	sst s10  }
0x32: {  	s10 =	sld [smem:$0x3FA7];
	_ =	sdelay $0x3  }
0x33: {  	p0 =	seq.s32 s10, $0x1;
	s10 =	sld [smem:$0x3FA9];
	_ =	sdelay $0x3  }
0x34: {  	[smem:$0x3FA9] =	sst s10  }
0x35: {  	s10 =	sld [smem:$0x3FA8];
	_ =	sdelay $0x3  }
0x36: {  	p1 =	seq.s32 s10, $0x1;
	s10 =	sld [smem:$0x3FA9];
	_ =	sdelay $0x3  }
0x37: {  	[smem:$0x3FA9] =	sst s10  }
0x38: {  	s10 =	sld [smem:$0x3FAA]  }
0x39: {  	_ = 	snop;
	(pc) =	sbr.ind lr, $3  }
0x3a: {  	_ = 	snop  }
0x3b: {  	_ = 	snop  }
0x3c: {  	p2 =	seq.s32 s10, $0x1;
	s10 =	sld [smem:$0x3FA9]  }
0x3d: {  	_ =	shalt  }
0x3e: {  	_ =	shalt  }
0x3f: {  	_ =	shalt  }
0x40: {  	_ =	shalt  }
0x41: {  	_ =	shalt  }
0x42: {  	_ =	shalt  }
0x43: {  	_ =	shalt  }
0x44: {  	_ =	shalt  }
0x45: {  	_ =	shalt  }
0x46: {  	_ =	shalt  }
0x47: {  	_ =	shalt  }
0x48: {  	_ =	shalt  }
0x49: {  	_ =	shalt  }
0x4a: {  	_ =	shalt  }
0x4b: {  	_ =	shalt  }
0x4c: {  	_ =	shalt  }
0x4d: {  	_ =	shalt  }
0x4e: {  	_ =	shalt  }
0x4f: {  	_ =	shalt  }
0x50: {  	_ =	shalt  }
0x51: {  	_ =	shalt  }
0x52: {  	_ =	shalt  }
0x53: {  	_ =	shalt  }
0x54: {  	_ =	shalt  }
0x55: {  	_ =	shalt  }
0x56: {  	_ =	shalt  }
0x57: {  	_ =	shalt  }
0x58: {  	_ =	shalt  }
0x59: {  	_ =	shalt  }
0x5a: {  	_ =	shalt  }
0x5b: {  	_ =	shalt  }
0x5c: {  	_ =	shalt  }
0x5d: {  	_ =	shalt  }
0x5e: {  	_ =	shalt  }
0x5f: {  	_ =	shalt  }
0x60: {  	_ =	shalt  }
0x61: {  	_ =	shalt  }
0x62: {  	_ =	shalt  }
0x63: {  	_ =	shalt  }
0x64: {  	_ =	shalt  }
0x65: {  	_ =	shalt  }
0x66: {  	_ =	shalt  }
0x67: {  	_ =	shalt  }
0x68: {  	_ =	shalt  }
0x69: {  	_ =	shalt  }
0x6a: {  	_ =	shalt  }
0x6b: {  	_ =	shalt  }
0x6c: {  	_ =	shalt  }
0x6d: {  	_ =	shalt  }
0x6e: {  	_ =	shalt  }
0x6f: {  	_ =	shalt  }
0x70: {  	_ =	shalt  }
0x71: {  	_ =	shalt  }
0x72: {  	_ =	shalt  }
0x73: {  	_ =	shalt  }
0x74: {  	_ =	shalt  }
0x75: {  	_ =	shalt  }
0x76: {  	_ =	shalt  }
0x77: {  	_ =	shalt  }
0x78: {  	_ =	shalt  }
0x79: {  	_ =	shalt  }
0x7a: {  	_ =	shalt  }
0x7b: {  	_ =	shalt  }
0x7c: {  	_ =	shalt  }
0x7d: {  	_ =	shalt  }
0x7e: {  	_ =	shalt  }
0x7f: {  	_ =	shalt  }
0x80: {  	_ =	shalt  }
0x81: {  	_ =	shalt  }
0x82: {  	_ =	shalt  }
0x83: {  	_ =	shalt  }
0x84: {  	_ =	shalt  }
0x85: {  	_ =	shalt  }
0x86: {  	_ =	shalt  }
0x87: {  	_ =	shalt  }
.Lfunc_end0:
.L_simem_size_0:
called_computation_lowered:
.L_overlay_start_0:
0x88: {  	s2 =	sld [smem:$0x3FD9]  }
0x89: {  	s3 =	sld [smem:$0x3FFE];
	_ =	sdelay $0x1  }
0x8a: {  	s1 =	srdreg.scid  }
0x8b: {  	s0 =	sand.u32 $0x1, s1  }
0x8c: {  	s14 =	sshll.u32 s0, $0xA;
	s2 =	sadd.s32 s3, s2  }
0x8d: {  	s2 =	sadd.s32 s2, s14  }
0x8e: {  	[smem:$0x3FB5] =	sst s2  }
0x8f: {  	_ = 	snop  }
0x90: {  	s2 =	sld [smem:$0x3FD0];
	_ =	sdelay $0x2  }
0x91: {  	s15 =	simm.s32 $0xA;
	s4 =	simm.s32 $0x10  }
0x92: {  	[smem:s4], [sflag:s15] =	dma.local [hbm:s2], $0x1  }
0x93: {  	_ =	swait.eq [sflag:s15], $0x1  }
0x94: {  	[sflag:s15] =	ssyncset.done $0x0  }
0x95: {  	[sflag:s15] =	ssyncadd.s32 $0xFFFFFFFF  }
0x96: {  	s16 =	sld [smem:$0x11];
	(tm) =	ssettm $0x1  }
0x97: {  	s17 =	sld [smem:$0x3FFB];
	_ =	sdelay $0x3  }
0x98: {  	_ =	strace s17  }
0x99: {  	s3 =	sld [smem:$0x3FFC];
	_ =	sdelay $0x3  }
0x9a: {  	_ =	strace s3  }
0x9b: {  	s3 =	sld [smem:$0x3FFD];
	_ =	sdelay $0x3  }
0x9c: {  	_ =	strace s3  }
0x9d: {  	_ =	strace $0x8FFFFFFF  }
0x9e: {  	s18 =	sld [smem:$0x3FDB];
	_ =	sdelay $0x1  }
0x9f: {  	s19 =	simm.s32 $_scs_section_size  }
0xa0: {  	s5 =	simm.s32 $_size__tile_overlayer_lowered;
	s6 =	simm.s32 $_tile_overlayer_lowered  }
0xa1: {  	s22 =	simm.s32 $0x1BFF;
	s21 =	sshll.u32 s6, $0x1;
	s3 =	sadd.s32 s19, s18  }
0xa2: {  	s7 =	simm.s32 $0x0;
	s20 =	sshll.u32 s5, $0x1;
	s5 =	sadd.s32 s21, s3  }
0xa3: {  	[timem:s7], [sflag:s22] =	dma.local [hbm:s5], s20  }
0xa4: {  	_ =	swait.ge [sflag:s22], s20  }
0xa5: {  	s4 =	ssub.s32 $0x0, s20;
	[sflag:s22] =	ssyncset.done $0x0  }
0xa6: {  	[sflag:s22] =	ssyncadd.s32 s4;
	_ =	sdelay $0x1  }
0xa7: {  	s23 =	simm.s32 $0x1B8B  }
0xa8: {  	_ =	swait.ge [sflag:s23], $0x1  }
0xa9: {  	[sflag:s23] =	ssyncset.done $0x0  }
0xaa: {  	s25 =	simm.s32 $0x1B8E;
	s24 =	sld [smem:$0x3FFE];
	[sflag:s23] =	ssyncadd.s32 $0xFFFFFFFF  }
0xab: {  	s26 =	simm.s32 $execute0_lowered;
	[smem:$0x3FD2] =	sst s25  }
0xac: {  	s5 =	sshll.u32 s26, $0x1;
	_ =	strace $0x80000046;
	[dreg:$0x1] =	wrdreg $0xFFFFFFFF  }
0xad: {  	s28 =	simm.s32 $_size_execute0_lowered;
	s3 =	sadd.s32 s3, s5;
	[dreg:$0x0] =	wrdreg $0x0  }
0xae: {  	s5 =	sshll.u32 s28, $0x1;
	[dreg:$0x2] =	wrdreg s3  }
0xaf: {  	[dreg:$0x3] =	wrdreg s5  }
0xb0: {  	[dreg:$0x4] =	wrdreg $0xC0  }
0xb1: {  	_ =	task [dreg:s7], $0x5FFFF  }
0xb2: {  	[dreg:$0x1] =	wrdreg $0xFFFFFFFF  }
0xb3: {  	[dreg:$0x0] =	wrdreg $0x60  }
0xb4: {  	[dreg:$0x2] =	wrdreg s24  }
0xb5: {  	[dreg:$0x3] =	wrdreg s16  }
0xb6: {  	[dreg:$0x4] =	wrdreg $0x29000  }
0xb7: {  	[dreg:$0x5] =	wrdreg $0x9  }
0xb8: {  	_ =	task.clear_ibuf [dreg:s7], $0x6FFFF;
	_ =	strace $0x90000046  }
0xb9: {  	s29 =	simm.s32 $0x9;
	_ =	strace $0x80000048  }
0xba: {  	_ =	swait.ge [sflag:s29], $0x1  }
0xbb: {  	[sflag:s29] =	ssyncadd.s32 $0xFFFFFFFF  }
0xbc: {  	_ =	strace $0x90000048  }
0xbd: {  	_ =	sfence  }
0xbe: {  	s30 =	sld [smem:$0x0];
	_ =	sdelay $0x2  }
0xbf: {  	s31 =	sshll.u32 s1, $0xD;
	s1 =	sshrl.u32 s1, $0x2  }
0xc0: {  	s3 =	sand.u32 $0x4000, s31;
	s1 =	sadd.s32 s1, s30  }
0xc1: {  	s0 =	sor.u32 s3, s0;
	s1 =	sshll.u32 s1, $0x11  }
0xc2: {  	s0 =	sor.u32 s1, s0  }
0xc3: {  	s0 =	sadd.s32 $0x8F2B, s0  }
0xc4: {  	[sflag:s0] =	ssyncadd.remote.s32 $0x1  }
0xc5: {  	_ =	sfence.sel $0xFFFF  }
0xc6: {  	[dreg:$0x0] =	wrdreg $0xFFFFFFFF;
	(pc) =	sbr.abs _section_cstart, $3  }
0xc7: {  	[dreg:$0x1] =	wrdreg $0xFFFFFFFF  }
0xc8: {  	_ =	task.clear_ibuf [dreg:s7], $0x2FFFF;
	_ =	strace $0x9FFFFFFF  }
0xc9: {  	(tm) =	ssettm $0x7FFFFFFF  }
tec
execute0_lowered:
.L_overlay_start_1:
0x0: {  	(tag) =	ssettag $0x1  }
0x1: {  	s8 =	rddreg [dreg:$0x0]  }
0x2: {  	s10 =	rddreg [dreg:$0x1]  }
0x3: {  	s2 =	rddreg [dreg:$0x2]  }
0x4: {  	s0 =	rddreg [dreg:$0x3];
	s1 =	stileid.u32  }
0x5: {  	s4 =	srdreg.scid;
	s3 =	simm.s32 $0x0;
	s11 =	smul.u32 $0x50, s1  }
0x6: {  	s16 =	simm.s32 $0x8A00;
	s17 =	simm.s32 $0x0;
	s5 =	smul.u32 $0x2780, s1  }
0x7: {  	s4 =	sand.u32 $0x1, s4;
	[smem:$0x7FF] =	sst s3;
	s7 =	smul.u32 $0x4F000, s1  }
0x8: {  	s31 =	sshll.u32 s1, $0x6;
	s6 =	smul.u32 $0x27800, s4;
	_ =	strace $0x80000047  }
0x9: {  	s13 =	ssub.s32 $0x2, s4;
	p0 =	seq.s32 s4, $0x1;
	s9 =	sadd.s32 s11, s8  }
0xa: {  	s12 =	sadd.s32 s5, s8;
	s30 =	sshrl.u32 s13, $0x1;
	s7 =	sshrl.u32 s7, $0x2  }
0xb: {  	s16 =	simm.s32 @!p0 $0x8C00;
	s10 =	sadd.s32 s11, s10;
	s5 =	sadd.s32 s5, s6  }
0xc: {  	s13 =	ssub.s32 s13, s30;
	s15 =	sadd.s32 s7, s2;
	s4 =	sadd.s32 $0x9400, s12  }
0xd: {  	s9 =	sadd.s32 $0x8E00, s9;
	s12 =	simm.s32 $0x2;
	s14 =	sadd.s32 s5, s8  }
0xe: {  	s5 =	sor.u32 $0x1C02, s31;
	s7 =	smax.u32 s13, $0x1;
	s8 =	sadd.s32 s16, s8  }
0xf: {  	s11 =	sshrl.u32 s15, $0x3;
	s13 =	simm.s32 $0x80;
	s15 =	simm.s32 $0x100  }
0x10: {  	s16 =	simm.s32 $0x1;
	s6 =	sadd.s32 $0x31200, s14;
	s14 =	simm.s32 $0x50  }
.LBB2_1:
0x11: {  	[spmem:s11], [sflag:s5] =	dma.local [hbm:s4], $0x2780  }
0x12: {  	_ =	swait.ge [sflag:s12], $0x2780  }
0x13: {  	[sflag:s12] =	ssyncset.done $0x0  }
0x14: {  	[sflag:s12] =	ssyncadd.s32 $0xFFFFD880  }
0x15: {  	s18 =	sadd.s32 $0x0, s10;
	[bflag:$0x0] =	sbarrier.arrive $0xFFFF  }
0x16: {  	[tilespmem:s3], [sflag:$0x2] =	stream.linear.gather [hbm4b:s18+s3], $0x50, $0x38;
	[tilespmem:$0x16500] =	vst v63  }
0x17: {  	_ =	swait.ge [sflag:s12], $0x50  }
0x18: {  	[sflag:s12] =	ssyncset.done $0x0  }
0x19: {  	s31 =	sadd.s32 $0x0, s9;
	[sflag:s12] =	ssyncadd.s32 $0xFFFFFFB0  }
0x1a: {  	[tilespmem:s13], [sflag:$0x2] =	stream.linear.gather [hbm4b:s31+s3], $0x50, $0x38;
	[tilespmem:$0x16500] =	vst v63  }
0x1b: {  	_ =	swait.ge [sflag:s12], $0x50  }
0x1c: {  	[sflag:s12] =	ssyncset.done $0x0  }
0x1d: {  	[sflag:s12] =	ssyncadd.s32 $0xFFFFFFB0  }
0x1e: {  	[tilespmem:s15], [sflag:$0x1] =	stream.indirect.gather [hbm4b:s8+s14], $0x80, s3, s14, $0xb8;
	[tilespmem:$0x16500] =	vst v63  }
0x1f: {  	_ =	swait.ge [sflag:s16], $0x2800  }
0x20: {  	[sflag:s16] =	ssyncset.done $0x0  }
0x21: {  	[sflag:s16] =	ssyncadd.s32 $0xFFFFD800  }
0x22: {  	[spmem:s2] =	stream.indirect.scatter.add.f32 [tilespmem:s15], [sflag:$0x2], $0x80, s13, s14, $0xb8;
	[tilespmem:$0x16500] =	vst v63  }
0x23: {  	_ =	swait.ge [sflag:s12], $0x2800  }
0x24: {  	s19 =	simm.s32 $0x14;
	s18 =	simm.s32 $0xA;
	[sflag:s12] =	ssyncset.done $0x0  }
.LBB2_2:
0x25: {  	s20 =	sadd.s32 s18, s10  }
0x26: {  	[sflag:s12] =	ssyncadd.s32 $0xFFFFD800;
	s21 =	smov.u32 s19;
	s22 =	sadd.s32 $0xA, s19  }
0x27: {  	[tilespmem:s3], [sflag:$0x2] =	stream.linear.gather [hbm4b:s20+s3], $0x50, $0x38;
	[tilespmem:$0x16500] =	vst v63  }
0x28: {  	p0 =	sne.s32 s19, $0x46;
	_ =	swait.ge [sflag:s12], $0x50  }
0x29: {  	[sflag:s12] =	ssyncset.done $0x0  }
0x2a: {  	s19 =	sadd.s32 s18, s9;
	s18 =	smov.u32 s21;
	[sflag:s12] =	ssyncadd.s32 $0xFFFFFFB0  }
0x2b: {  	[tilespmem:s13], [sflag:$0x2] =	stream.linear.gather [hbm4b:s19+s3], $0x50, $0x38;
	[tilespmem:$0x16500] =	vst v63  }
0x2c: {  	_ =	swait.ge [sflag:s12], $0x50  }
0x2d: {  	[sflag:s12] =	ssyncset.done $0x0  }
0x2e: {  	[sflag:s12] =	ssyncadd.s32 $0xFFFFFFB0  }
0x2f: {  	[tilespmem:s15], [sflag:$0x1] =	stream.indirect.gather [hbm4b:s8+s14], $0x80, s3, s14, $0xb8;
	[tilespmem:$0x16500] =	vst v63  }
0x30: {  	_ =	swait.ge [sflag:s16], $0x2800  }
.Ltmp0:
0x31: {  	[sflag:s16] =	ssyncset.done $0x0;
	(pc) =	sbr.rel @p0 .LBB2_2-.Ltmp0, $4  }
0x32: {  	[sflag:s16] =	ssyncadd.s32 $0xFFFFD800  }
0x33: {  	[spmem:s2] =	stream.indirect.scatter.add.f32 [tilespmem:s15], [sflag:$0x2], $0x80, s13, s14, $0xb8;
	[tilespmem:$0x16500] =	vst v63  }
0x34: {  	_ =	swait.ge [sflag:s12], $0x2800  }
0x35: {  	s19 =	smov.u32 s22;
	[sflag:s12] =	ssyncset.done $0x0  }
0x36: {  	s19 =	sadd.s32 s18, s10;
	[sflag:s12] =	ssyncadd.s32 $0xFFFFD800  }
0x37: {  	[tilespmem:s3], [sflag:$0x2] =	stream.linear.gather [hbm4b:s19+s3], $0x50, $0x38;
	[tilespmem:$0x16500] =	vst v63  }
0x38: {  	_ =	swait.ge [sflag:s12], $0x50  }
0x39: {  	[sflag:s12] =	ssyncset.done $0x0  }
0x3a: {  	s31 =	sadd.s32 s18, s9;
	[sflag:s12] =	ssyncadd.s32 $0xFFFFFFB0  }
0x3b: {  	[tilespmem:s13], [sflag:$0x2] =	stream.linear.gather [hbm4b:s31+s3], $0x50, $0x38;
	[tilespmem:$0x16500] =	vst v63  }
0x3c: {  	_ =	swait.ge [sflag:s12], $0x50  }
0x3d: {  	[sflag:s12] =	ssyncset.done $0x0  }
0x3e: {  	[sflag:s12] =	ssyncadd.s32 $0xFFFFFFB0  }
0x3f: {  	[tilespmem:s15], [sflag:$0x1] =	stream.indirect.gather [hbm4b:s8+s14], $0x80, s3, s14, $0xb8;
	[tilespmem:$0x16500] =	vst v63  }
0x40: {  	_ =	swait.ge [sflag:s16], $0x2800  }
0x41: {  	[sflag:s16] =	ssyncset.done $0x0  }
0x42: {  	[sflag:s16] =	ssyncadd.s32 $0xFFFFD800  }
0x43: {  	[spmem:s2] =	stream.indirect.scatter.add.f32 [tilespmem:s15], [sflag:$0x2], $0x80, s13, s14, $0xb8;
	[tilespmem:$0x16500] =	vst v63  }
0x44: {  	_ =	swait.ge [sflag:s12], $0x2800  }
0x45: {  	s17 =	sadd.s32 $0x1, s17;
	[sflag:s12] =	ssyncset.done $0x0  }
0x46: {  	p0 =	sne.s32 s17, s7;
	[sflag:s12] =	ssyncadd.s32 $0xFFFFD800  }
.Ltmp1:
0x47: {  	[bflag:$0x0] =	sbarrier.arrive $0xFFFF;
	(pc) =	sbr.rel @p0 .LBB2_1-.Ltmp1, $4  }
0x48: {  	[hbm:s6], [sflag:s5] =	dma.local [spmem:s11], $0x2780  }
0x49: {  	_ =	swait.ge [sflag:s12], $0x2780  }
0x4a: {  	[sflag:s12] =	ssyncset.done $0x0  }
0x4b: {  	[sflag:s12] =	ssyncadd.s32 $0xFFFFD880  }
0x4c: {  	_ =	sfence.sel $0x180000  }
0x4d: {  	[bflag:$0x0] =	sbarrier.arrive $0xFFFF  }
0x4e: {  	p0 =	sne.s32 s1, $0x0;
	_ =	strace $0x90000047  }
0x4f: {  	s0 =	sadd.s32 @!p0 $0x100000, s0;
	[bflag:$0x2] =	sbarrier.arrive $0xFFFF  }
0x50: {  	[sflag:s0] =	ssyncadd.tile.s32 @!p0 $0x1;
	_ =	shalt  }
.Lfunc_end2:
_tile_overlayer_lowered:
.L_overlay_start_2:
0x51: {  	(tag) =	ssettag $0x2  }
0x52: {  	s0 =	rddreg [dreg:$0x0];
	s2 =	stileid.u32  }
0x53: {  	s1 =	rddreg [dreg:$0x1];
	p0 =	sne.s32 s2, $0x0  }
0x54: {  	s3 =	rddreg [dreg:$0x2];
	[bflag:$0x3] =	sbarrier.arrive $0xFFFF;
	s2 =	simm.s32 @!p0 $0x1C02  }
0x55: {  	[timem:s3], [sflag:s2] =	dma.local @!p0 [hbm:s0], s1  }
0x56: {  	s0 =	simm.s32 @!p0 $0x2  }
0x57: {  	_ =	swait.ge @!p0 [sflag:s0], s1  }
0x58: {  	s1 =	ssub.s32 @!p0 $0x0, s1;
	[sflag:s0] =	ssyncset.done @!p0 $0x0  }
0x59: {  	[sflag:s0] =	ssyncadd.s32 @!p0 s1  }
0x5a: {  	[bflag:$0x3] =	sbarrier.arrive $0xFFFF  }
0x5b: {  	_ =	shalt  }

// kernel: kernel.19.cloned.1.call-start
scs
__scs_entry_jumppad:
0x0: {  	(pc) =	sbr.rel $0x88, $3  }
0x1: {  	(tag) =	ssettag $0x0;
	lr =	simm.s32 $0x1  }
0x2: {  	[smem:$0x3F8E] =	sst lr;
	_ =	strace $0xD0000000  }
0x3: {  	_ = 	snop  }
0x4: {  	_ = 	snop  }
0x5: {  	_ = 	snop  }
0x6: {  	_ = 	snop  }
0x7: {  	_ = 	snop  }
__scs_overlays_trampoline_lowered:
0x8: {  	[smem:$0x3F9D] =	sst s0  }
0x9: {  	[smem:$0x3F9E] =	sst s1  }
0xa: {  	[smem:$0x3F9F] =	sst s2  }
0xb: {  	[smem:$0x3FA0] =	sst s3  }
0xc: {  	[smem:$0x3FA1] =	sst s4  }
0xd: {  	[smem:$0x3FA2] =	sst s5  }
0xe: {  	[smem:$0x3FA3] =	sst s6  }
0xf: {  	[smem:$0x3FA4] =	sst s7  }
0x10: {  	[smem:$0x3FA5] =	sst s8  }
0x11: {  	[smem:$0x3FA6] =	sst s9;
	s0 =	simm.s32 @!p0 $0x0  }
0x12: {  	s1 =	sld [smem:$0x3F8C];
	s0 =	simm.s32 @p0 $0x1  }
0x13: {  	[smem:$0x3FA7] =	sst s0;
	s0 =	simm.s32 @!p1 $0x0  }
0x14: {  	s2 =	sld [smem:$0x3F8B];
	s0 =	simm.s32 @p1 $0x1  }
0x15: {  	[smem:$0x3FA8] =	sst s0;
	s0 =	simm.s32 @!p2 $0x0  }
0x16: {  	s3 =	sld [smem:$0x3FDB];
	s0 =	simm.s32 @p2 $0x1  }
0x17: {  	s4 =	simm.s32 $0x1BF5;
	[smem:$0x3FAA] =	sst s0  }
0x18: {  	s0 =	sld [smem:$0x3F8D];
	_ =	swait.ge [sflag:s4], $0x0  }
0x19: {  	s7 =	sld [smem:$0x3F8E]  }
0x1a: {  	s8 =	sadd.s32 $0xFFFFE003, lr  }
0x1b: {  	s9 =	sadd.s32 $0xFFFFFEF7, lr;
	s5 =	simm.s32 $0xFFFFFFFF;
	p2 =	slt.u32 s8, $0xFFFFF086  }
0x1c: {  	p1 =	slt.u32 s9, $0xF7A;
	s5 =	simm.s32 @!p2 $0x0  }
0x1d: {  	s5 =	simm.s32 @p1 $0x1;
	p0 =	seq.s32 s7, s2  }
0x1e: {  	s7 =	smul.u32 @!p0 $0xF7A, s2;
	p2 =	seq.s32 @!p0 s5, $0x0  }
0x1f: {  	s9 =	smul.u32 $0xF7A, s1;
	s8 =	simm.s32 @!p0 $0x1BF5;
	p2 =	por !p2, p0  }
0x20: {  	[sflag:s8] =	ssyncset.s32 @!p0 $0xFFFFF086;
	s6 =	sadd.s32 @!p0 s3, s7;
	s7 =	simm.s32 @!p0 $0x108  }
0x21: {  	s3 =	sadd.s32 s3, s9;
	s6 =	sadd.s32 @!p0 $0x88, s6;
	s7 =	simm.s32 @p2 $0x1082  }
0x22: {  	[simem:s7], [sflag:s8] =	dma.local @!p0 [hbm:s6], $0xF7A  }
0x23: {  	s9 =	sor.u32 $0xD0000000, s2;
	s6 =	simm.s32 $0x108;
	_ =	swait.ge @!p0 [sflag:s8], $0x0  }
0x24: {  	s3 =	sadd.s32 $0x88, s3;
	s6 =	simm.s32 @!p1 $0x1082;
	[sflag:s4] =	ssyncset.s32 $0xFFFFF086  }
0x25: {  	[simem:s6], [sflag:s4] =	dma.local [hbm:s3], $0xF7A  }
0x26: {  	[smem:$0x3F8E] =	sst s1;
	(tag) =	ssettag s2;
	_ =	strace s9  }
0x27: {  	s1 =	sld [smem:$0x3F9E]  }
0x28: {  	s2 =	sld [smem:$0x3F9F]  }
0x29: {  	s4 =	sld [smem:$0x3FA1]  }
0x2a: {  	p0 =	seq.s32 s5, $0x0;
	s5 =	sld [smem:$0x3FA2]  }
0x2b: {  	s6 =	sld [smem:$0x3FA3]  }
0x2c: {  	s7 =	sld [smem:$0x3FA4]  }
0x2d: {  	s3 =	simm.s32 $0x108;
	s8 =	sld [smem:$0x3FA5]  }
0x2e: {  	s3 =	simm.s32 @!p0 $0x1082;
	s9 =	sld [smem:$0x3FA6]  }
0x2f: {  	lr =	sadd.s32 s0, s3;
	s0 =	sld [smem:$0x3F9D]  }
0x30: {  	s3 =	sld [smem:$0x3FA0]  }
0x31: {  	[smem:$0x3FA9] =	sst s10  }
0x32: {  	s10 =	sld [smem:$0x3FA7];
	_ =	sdelay $0x3  }
0x33: {  	p0 =	seq.s32 s10, $0x1;
	s10 =	sld [smem:$0x3FA9];
	_ =	sdelay $0x3  }
0x34: {  	[smem:$0x3FA9] =	sst s10  }
0x35: {  	s10 =	sld [smem:$0x3FA8];
	_ =	sdelay $0x3  }
0x36: {  	p1 =	seq.s32 s10, $0x1;
	s10 =	sld [smem:$0x3FA9];
	_ =	sdelay $0x3  }
0x37: {  	[smem:$0x3FA9] =	sst s10  }
0x38: {  	s10 =	sld [smem:$0x3FAA]  }
0x39: {  	_ = 	snop;
	(pc) =	sbr.ind lr, $3  }
0x3a: {  	_ = 	snop  }
0x3b: {  	_ = 	snop  }
0x3c: {  	p2 =	seq.s32 s10, $0x1;
	s10 =	sld [smem:$0x3FA9]  }
0x3d: {  	_ =	shalt  }
0x3e: {  	_ =	shalt  }
0x3f: {  	_ =	shalt  }
0x40: {  	_ =	shalt  }
0x41: {  	_ =	shalt  }
0x42: {  	_ =	shalt  }
0x43: {  	_ =	shalt  }
0x44: {  	_ =	shalt  }
0x45: {  	_ =	shalt  }
0x46: {  	_ =	shalt  }
0x47: {  	_ =	shalt  }
0x48: {  	_ =	shalt  }
0x49: {  	_ =	shalt  }
0x4a: {  	_ =	shalt  }
0x4b: {  	_ =	shalt  }
0x4c: {  	_ =	shalt  }
0x4d: {  	_ =	shalt  }
0x4e: {  	_ =	shalt  }
0x4f: {  	_ =	shalt  }
0x50: {  	_ =	shalt  }
0x51: {  	_ =	shalt  }
0x52: {  	_ =	shalt  }
0x53: {  	_ =	shalt  }
0x54: {  	_ =	shalt  }
0x55: {  	_ =	shalt  }
0x56: {  	_ =	shalt  }
0x57: {  	_ =	shalt  }
0x58: {  	_ =	shalt  }
0x59: {  	_ =	shalt  }
0x5a: {  	_ =	shalt  }
0x5b: {  	_ =	shalt  }
0x5c: {  	_ =	shalt  }
0x5d: {  	_ =	shalt  }
0x5e: {  	_ =	shalt  }
0x5f: {  	_ =	shalt  }
0x60: {  	_ =	shalt  }
0x61: {  	_ =	shalt  }
0x62: {  	_ =	shalt  }
0x63: {  	_ =	shalt  }
0x64: {  	_ =	shalt  }
0x65: {  	_ =	shalt  }
0x66: {  	_ =	shalt  }
0x67: {  	_ =	shalt  }
0x68: {  	_ =	shalt  }
0x69: {  	_ =	shalt  }
0x6a: {  	_ =	shalt  }
0x6b: {  	_ =	shalt  }
0x6c: {  	_ =	shalt  }
0x6d: {  	_ =	shalt  }
0x6e: {  	_ =	shalt  }
0x6f: {  	_ =	shalt  }
0x70: {  	_ =	shalt  }
0x71: {  	_ =	shalt  }
0x72: {  	_ =	shalt  }
0x73: {  	_ =	shalt  }
0x74: {  	_ =	shalt  }
0x75: {  	_ =	shalt  }
0x76: {  	_ =	shalt  }
0x77: {  	_ =	shalt  }
0x78: {  	_ =	shalt  }
0x79: {  	_ =	shalt  }
0x7a: {  	_ =	shalt  }
0x7b: {  	_ =	shalt  }
0x7c: {  	_ =	shalt  }
0x7d: {  	_ =	shalt  }
0x7e: {  	_ =	shalt  }
0x7f: {  	_ =	shalt  }
0x80: {  	_ =	shalt  }
0x81: {  	_ =	shalt  }
0x82: {  	_ =	shalt  }
0x83: {  	_ =	shalt  }
0x84: {  	_ =	shalt  }
0x85: {  	_ =	shalt  }
0x86: {  	_ =	shalt  }
0x87: {  	_ =	shalt  }
.Lfunc_end0:
.L_simem_size_0:
called_computation.1_lowered:
.L_overlay_start_0:
0x88: {  	s2 =	sld [smem:$0x3FD9]  }
0x89: {  	s3 =	sld [smem:$0x3FFE];
	_ =	sdelay $0x1  }
0x8a: {  	s1 =	srdreg.scid  }
0x8b: {  	s0 =	sand.u32 $0x1, s1  }
0x8c: {  	s14 =	sshll.u32 s0, $0xA;
	s2 =	sadd.s32 s3, s2  }
0x8d: {  	s2 =	sadd.s32 s2, s14  }
0x8e: {  	[smem:$0x3FB5] =	sst s2  }
0x8f: {  	_ = 	snop  }
0x90: {  	s2 =	sld [smem:$0x3FD0];
	_ =	sdelay $0x2  }
0x91: {  	s15 =	simm.s32 $0xA;
	s4 =	simm.s32 $0x10  }
0x92: {  	[smem:s4], [sflag:s15] =	dma.local [hbm:s2], $0x1  }
0x93: {  	_ =	swait.eq [sflag:s15], $0x1  }
0x94: {  	[sflag:s15] =	ssyncset.done $0x0  }
0x95: {  	[sflag:s15] =	ssyncadd.s32 $0xFFFFFFFF  }
0x96: {  	s16 =	sld [smem:$0x11];
	(tm) =	ssettm $0x1  }
0x97: {  	s17 =	sld [smem:$0x3FFB];
	_ =	sdelay $0x3  }
0x98: {  	_ =	strace s17  }
0x99: {  	s3 =	sld [smem:$0x3FFC];
	_ =	sdelay $0x3  }
0x9a: {  	_ =	strace s3  }
0x9b: {  	s3 =	sld [smem:$0x3FFD];
	_ =	sdelay $0x3  }
0x9c: {  	_ =	strace s3  }
0x9d: {  	_ =	strace $0x8FFFFFFF  }
0x9e: {  	s18 =	sld [smem:$0x3FDB];
	_ =	sdelay $0x1  }
0x9f: {  	s19 =	simm.s32 $_scs_section_size  }
0xa0: {  	s5 =	simm.s32 $_size__tile_overlayer_lowered;
	s6 =	simm.s32 $_tile_overlayer_lowered  }
0xa1: {  	s22 =	simm.s32 $0x1BFF;
	s21 =	sshll.u32 s6, $0x1;
	s3 =	sadd.s32 s19, s18  }
0xa2: {  	s7 =	simm.s32 $0x0;
	s20 =	sshll.u32 s5, $0x1;
	s5 =	sadd.s32 s21, s3  }
0xa3: {  	[timem:s7], [sflag:s22] =	dma.local [hbm:s5], s20  }
0xa4: {  	_ =	swait.ge [sflag:s22], s20  }
0xa5: {  	s4 =	ssub.s32 $0x0, s20;
	[sflag:s22] =	ssyncset.done $0x0  }
0xa6: {  	[sflag:s22] =	ssyncadd.s32 s4;
	_ =	sdelay $0x1  }
0xa7: {  	s23 =	simm.s32 $0x1B8B  }
0xa8: {  	_ =	swait.ge [sflag:s23], $0x1  }
0xa9: {  	[sflag:s23] =	ssyncset.done $0x0  }
0xaa: {  	s25 =	simm.s32 $0x1B8E;
	s24 =	sld [smem:$0x3FFE];
	[sflag:s23] =	ssyncadd.s32 $0xFFFFFFFF  }
0xab: {  	s26 =	simm.s32 $execute0_lowered;
	[smem:$0x3FD2] =	sst s25  }
0xac: {  	s5 =	sshll.u32 s26, $0x1;
	_ =	strace $0x80000049;
	[dreg:$0x1] =	wrdreg $0xFFFFFFFF  }
0xad: {  	s28 =	simm.s32 $_size_execute0_lowered;
	s3 =	sadd.s32 s3, s5;
	[dreg:$0x0] =	wrdreg $0x0  }
0xae: {  	s5 =	sshll.u32 s28, $0x1;
	[dreg:$0x2] =	wrdreg s3  }
0xaf: {  	[dreg:$0x3] =	wrdreg s5  }
0xb0: {  	[dreg:$0x4] =	wrdreg $0xC0  }
0xb1: {  	_ =	task [dreg:s7], $0x5FFFF  }
0xb2: {  	[dreg:$0x1] =	wrdreg $0xFFFFFFFF  }
0xb3: {  	[dreg:$0x0] =	wrdreg $0x60  }
0xb4: {  	[dreg:$0x2] =	wrdreg s24  }
0xb5: {  	[dreg:$0x3] =	wrdreg s16  }
0xb6: {  	[dreg:$0x4] =	wrdreg $0x51800  }
0xb7: {  	[dreg:$0x5] =	wrdreg $0x9  }
0xb8: {  	_ =	task.clear_ibuf [dreg:s7], $0x6FFFF;
	_ =	strace $0x90000049  }
0xb9: {  	s29 =	simm.s32 $0x9;
	_ =	strace $0x8000004B  }
0xba: {  	_ =	swait.ge [sflag:s29], $0x1  }
0xbb: {  	[sflag:s29] =	ssyncadd.s32 $0xFFFFFFFF  }
0xbc: {  	_ =	strace $0x9000004B  }
0xbd: {  	_ =	sfence  }
0xbe: {  	s30 =	sld [smem:$0x0];
	_ =	sdelay $0x2  }
0xbf: {  	s31 =	sshll.u32 s1, $0xD;
	s1 =	sshrl.u32 s1, $0x2  }
0xc0: {  	s3 =	sand.u32 $0x4000, s31;
	s1 =	sadd.s32 s1, s30  }
0xc1: {  	s0 =	sor.u32 s3, s0;
	s1 =	sshll.u32 s1, $0x11  }
0xc2: {  	s0 =	sor.u32 s1, s0  }
0xc3: {  	s0 =	sadd.s32 $0x8F2B, s0  }
0xc4: {  	[sflag:s0] =	ssyncadd.remote.s32 $0x1  }
0xc5: {  	_ =	sfence.sel $0xFFFF  }
0xc6: {  	[dreg:$0x0] =	wrdreg $0xFFFFFFFF;
	(pc) =	sbr.abs _section_cstart, $3  }
0xc7: {  	[dreg:$0x1] =	wrdreg $0xFFFFFFFF  }
0xc8: {  	_ =	task.clear_ibuf [dreg:s7], $0x2FFFF;
	_ =	strace $0x9FFFFFFF  }
0xc9: {  	(tm) =	ssettm $0x7FFFFFFF  }
tec
execute0_lowered:
.L_overlay_start_1:
0x0: {  	(tag) =	ssettag $0x1  }
0x1: {  	s9 =	rddreg [dreg:$0x0]  }
0x2: {  	s14 =	rddreg [dreg:$0x1]  }
0x3: {  	s1 =	rddreg [dreg:$0x2]  }
0x4: {  	s0 =	rddreg [dreg:$0x3];
	s2 =	simm.s32 $0x0  }
0x5: {  	s3 =	stileid.u32;
	s6 =	srdreg.scid;
	s19 =	simm.s32 $0x180  }
0x6: {  	s20 =	simm.s32 $0x1;
	s21 =	simm.s32 $0x2980;
	[smem:$0x7FF] =	sst s2  }
0x7: {  	s4 =	sadd.s32 $0x8F600, s9;
	s5 =	sadd.s32 $0x85400, s9;
	s15 =	sadd.s32 $0x85200, s9  }
0x8: {  	s10 =	smul.u32 $0x2780, s3;
	s12 =	sand.u32 $0x1, s6;
	s6 =	sadd.s32 $0x8A600, s9  }
0x9: {  	s7 =	sadd.s32 $0x80200, s9;
	s8 =	sadd.s32 $0x85600, s9;
	s16 =	smul.u32 $0x4F000, s3  }
0xa: {  	s31 =	sshll.u32 s3, $0x6;
	_ =	strace $0x8000004A;
	s11 =	smul.u32 $0x27800, s12  }
0xb: {  	s13 =	ssub.s32 $0x2, s12;
	p0 =	seq.s32 s12, $0x1;
	s17 =	sadd.s32 s10, s9  }
0xc: {  	s29 =	sshrl.u32 s13, $0x1;
	s30 =	sshrl.u32 s16, $0x2;
	s4 =	smov.u32 @p0 s14  }
0xd: {  	s5 =	smov.u32 @p0 s15;
	s15 =	simm.s32 $0x2;
	s10 =	sadd.s32 s10, s11  }
0xe: {  	s13 =	ssub.s32 s13, s29;
	s16 =	sadd.s32 s30, s1;
	s11 =	smul.u32 $0x2710, s3  }
0xf: {  	s18 =	sadd.s32 s10, s9;
	s9 =	sadd.s32 $0x9400, s17;
	s10 =	sor.u32 $0x1C02, s31  }
0x10: {  	s13 =	smax.u32 s13, $0x1;
	s14 =	sshrl.u32 s16, $0x3;
	s16 =	simm.s32 $0x80  }
0x11: {  	s17 =	simm.s32 $0x100;
	s12 =	sadd.s32 $0x30C00, s18;
	s18 =	simm.s32 $0x50  }
.LBB2_1:
0x12: {  	[spmem:s14], [sflag:s10] =	dma.local [hbm:s9], $0x2780  }
0x13: {  	_ =	swait.ge [sflag:s15], $0x2780  }
0x14: {  	[sflag:s15] =	ssyncset.done $0x0  }
0x15: {  	[sflag:s15] =	ssyncadd.s32 $0xFFFFD880  }
0x16: {  	s22 =	simm.s32 $0x0;
	[bflag:$0x0] =	sbarrier.arrive $0xFFFF  }
.LBB2_2:
0x17: {  	s23 =	smul.u32 $0x50, s22;
	_ =	sdelay $0x1  }
0x18: {  	s23 =	sadd.s32 s11, s23  }
0x19: {  	s23 =	sshrl.u32 s23, $0x3  }
0x1a: {  	s25 =	simm.s32 $0x0;
	s24 =	sadd.s32 s6, s23  }
0x1b: {  	[tilespmem:s25], [sflag:$0x2] =	stream.linear.gather [hbm4b:s24+s25], $0x50, $0x38;
	[tilespmem:$0x18D80] =	vst v63  }
0x1c: {  	_ =	swait.ge [sflag:s15], $0x50  }
0x1d: {  	[sflag:s15] =	ssyncset.done $0x0  }
0x1e: {  	s31 =	sadd.s32 s7, s23;
	[sflag:s15] =	ssyncadd.s32 $0xFFFFFFB0  }
0x1f: {  	[tilespmem:s16], [sflag:$0x2] =	stream.linear.gather [hbm4b:s31+s25], $0x50, $0x38;
	[tilespmem:$0x18D80] =	vst v63  }
0x20: {  	_ =	swait.ge [sflag:s15], $0x50  }
0x21: {  	[sflag:s15] =	ssyncset.done $0x0  }
0x22: {  	s23 =	sadd.s32 s8, s23;
	[sflag:s15] =	ssyncadd.s32 $0xFFFFFFB0  }
0x23: {  	[tilespmem:s17], [sflag:$0x2] =	stream.linear.gather [hbm4b:s23+s25], $0x50, $0x38;
	[tilespmem:$0x18D80] =	vst v63  }
0x24: {  	_ =	swait.ge [sflag:s15], $0x50  }
0x25: {  	[sflag:s15] =	ssyncset.done $0x0  }
0x26: {  	[sflag:s15] =	ssyncadd.s32 $0xFFFFFFB0  }
0x27: {  	[tilespmem:s19], [sflag:$0x1] =	stream.indirect.gather [hbm4b:s4+s18], $0x80, s25, s18, $0xb8;
	[tilespmem:$0x18D80] =	vst v63  }
0x28: {  	_ =	swait.ge [sflag:s20], $0x2800  }
0x29: {  	[sflag:s20] =	ssyncset.done $0x0  }
0x2a: {  	[sflag:s20] =	ssyncadd.s32 $0xFFFFD800  }
0x2b: {  	[tilespmem:s21], [sflag:$0x1] =	stream.indirect.gather [hbm4b:s5+s18], $0x80, s16, s18, $0xb8;
	[tilespmem:$0x18D80] =	vst v63  }
0x2c: {  	_ =	swait.ge [sflag:s20], $0x2800  }
0x2d: {  	[sflag:s20] =	ssyncset.done $0x0  }
0x2e: {  	s23 =	simm.s32 $0x0;
	[sflag:s20] =	ssyncadd.s32 $0xFFFFD800  }
0x2f: {  	v6 =	vld [tilespmem:s23+$0x2980]  }
0x30: {  	v11 =	vld [tilespmem:s23+$0x2990]  }
0x31: {  	v5 =	vld [tilespmem:s23+$0x29A0]  }
0x32: {  	v4 =	vld [tilespmem:s23+$0x29B0]  }
0x33: {  	v3 =	vld [tilespmem:s23+$0x29C0]  }
0x34: {  	v2 =	vld [tilespmem:s23+$0x29D0]  }
0x35: {  	v1 =	vld [tilespmem:s23+$0x29E0]  }
0x36: {  	v0 =	vld [tilespmem:s23+$0x29F0]  }
0x37: {  	v12 =	vld [tilespmem:s23+$0x180]  }
0x38: {  	v13 =	vld [tilespmem:s23+$0x190]  }
0x39: {  	v10 =	vld [tilespmem:s23+$0x1A0]  }
0x3a: {  	v9 =	vld [tilespmem:s23+$0x1B0]  }
0x3b: {  	v8 =	vld [tilespmem:s23+$0x1C0]  }
0x3c: {  	v7 =	vld [tilespmem:s23+$0x1D0];
	v12 =	vadd.f32 v6, v12  }
0x3d: {  	s24 =	simm.s32 $0x200;
	v11 =	vadd.f32 v11, v13;
	v6 =	vld [tilespmem:s23+$0x1E0]  }
.LBB2_3:
0x3e: {  	s25 =	sshra.s32 s24, $0x2;
	p0 =	sne.s32 s24, $0x9E00;
	v12 =	vmax.f32 v12, $0.0e+00;
	v5 =	vadd.f32 v5, v10;
	v10 =	vld [tilespmem:s23+$0x1F0]  }
0x3f: {  	v13 =	vld [tilespmem:s25+$0x2980];
	[tilespmem:s23+$0x180] =	vst v12;
	v11 =	vmax.f32 v11, $0.0e+00;
	v4 =	vadd.f32 v4, v9  }
0x40: {  	v14 =	vld [tilespmem:s25+$0x2990];
	[tilespmem:s23+$0x190] =	vst v11;
	v9 =	vmax.f32 v5, $0.0e+00;
	v3 =	vadd.f32 v3, v8  }
0x41: {  	v5 =	vld [tilespmem:s25+$0x29A0];
	[tilespmem:s23+$0x1A0] =	vst v9;
	v8 =	vmax.f32 v4, $0.0e+00;
	v2 =	vadd.f32 v2, v7  }
0x42: {  	v4 =	vld [tilespmem:s25+$0x29B0];
	[tilespmem:s23+$0x1B0] =	vst v8;
	v7 =	vmax.f32 v3, $0.0e+00;
	v1 =	vadd.f32 v1, v6  }
0x43: {  	v3 =	vld [tilespmem:s25+$0x29C0];
	[tilespmem:s23+$0x1C0] =	vst v7;
	v6 =	vmax.f32 v2, $0.0e+00;
	v0 =	vadd.f32 v0, v10  }
0x44: {  	v2 =	vld [tilespmem:s25+$0x29D0];
	[tilespmem:s23+$0x1D0] =	vst v6;
	v6 =	vmax.f32 v1, $0.0e+00  }
0x45: {  	v1 =	vld [tilespmem:s25+$0x29E0];
	[tilespmem:s23+$0x1E0] =	vst v6;
	v6 =	vmax.f32 v0, $0.0e+00  }
0x46: {  	v0 =	vld [tilespmem:s25+$0x29F0];
	[tilespmem:s23+$0x1F0] =	vst v6;
	s23 =	smov.u32 s25  }
0x47: {  	v6 =	vld [tilespmem:s23+$0x180]  }
0x48: {  	v11 =	vld [tilespmem:s23+$0x190]  }
.Ltmp0:
0x49: {  	v10 =	vld [tilespmem:s23+$0x1A0];
	(pc) =	sbr.rel @p0 .LBB2_3-.Ltmp0, $4  }
0x4a: {  	v9 =	vld [tilespmem:s23+$0x1B0]  }
0x4b: {  	v8 =	vld [tilespmem:s23+$0x1C0]  }
0x4c: {  	v12 =	vadd.f32 v13, v6;
	v7 =	vld [tilespmem:s23+$0x1D0]  }
0x4d: {  	s24 =	sadd.s32 $0x200, s24;
	v11 =	vadd.f32 v14, v11;
	v6 =	vld [tilespmem:s23+$0x1E0]  }
0x4e: {  	v12 =	vmax.f32 v12, $0.0e+00;
	v5 =	vadd.f32 v5, v10;
	v63 =	vld [tilespmem:s23+$0x1F0]  }
0x4f: {  	[tilespmem:s23+$0x180] =	vst v12;
	v11 =	vmax.f32 v11, $0.0e+00;
	v4 =	vadd.f32 v4, v9  }
0x50: {  	[tilespmem:s23+$0x190] =	vst v11;
	v5 =	vmax.f32 v5, $0.0e+00;
	v3 =	vadd.f32 v3, v8  }
0x51: {  	[tilespmem:s23+$0x1A0] =	vst v5;
	v4 =	vmax.f32 v4, $0.0e+00;
	v2 =	vadd.f32 v2, v7  }
0x52: {  	[tilespmem:s23+$0x1B0] =	vst v4;
	v3 =	vmax.f32 v3, $0.0e+00;
	v1 =	vadd.f32 v1, v6  }
0x53: {  	[tilespmem:s23+$0x1C0] =	vst v3;
	v2 =	vmax.f32 v2, $0.0e+00;
	v0 =	vadd.f32 v0, v63  }
0x54: {  	s22 =	sadd.s32 $0x1, s22;
	[tilespmem:s23+$0x1D0] =	vst v2;
	v1 =	vmax.f32 v1, $0.0e+00  }
0x55: {  	p0 =	sne.s32 s22, $0x7D;
	[tilespmem:s23+$0x1E0] =	vst v1;
	v0 =	vmax.f32 v0, $0.0e+00  }
.Ltmp1:
0x56: {  	[tilespmem:s23+$0x1F0] =	vst v0;
	(pc) =	sbr.rel @p0 .LBB2_2-.Ltmp1, $4  }
0x57: {  	[spmem:s1] =	stream.indirect.scatter.add.f32 [tilespmem:s19], [sflag:$0x2], $0x80, s17, s18, $0xb8;
	[tilespmem:$0x18D80] =	vst v63  }
0x58: {  	_ =	swait.ge [sflag:s15], $0x2800  }
0x59: {  	[sflag:s15] =	ssyncset.done $0x0  }
0x5a: {  	[sflag:s15] =	ssyncadd.s32 $0xFFFFD800  }
0x5b: {  	s2 =	sadd.s32 $0x1, s2  }
0x5c: {  	p0 =	sne.s32 s2, s13  }
.Ltmp2:
0x5d: {  	[bflag:$0x0] =	sbarrier.arrive $0xFFFF;
	(pc) =	sbr.rel @p0 .LBB2_1-.Ltmp2, $4  }
0x5e: {  	[hbm:s12], [sflag:s10] =	dma.local [spmem:s14], $0x2780  }
0x5f: {  	_ =	swait.ge [sflag:s15], $0x2780  }
0x60: {  	[sflag:s15] =	ssyncset.done $0x0  }
0x61: {  	[sflag:s15] =	ssyncadd.s32 $0xFFFFD880  }
0x62: {  	_ =	sfence.sel $0x180000  }
0x63: {  	[bflag:$0x0] =	sbarrier.arrive $0xFFFF  }
0x64: {  	p0 =	sne.s32 s3, $0x0;
	_ =	strace $0x9000004A  }
0x65: {  	s0 =	sadd.s32 @!p0 $0x100000, s0;
	[bflag:$0x2] =	sbarrier.arrive $0xFFFF  }
0x66: {  	[sflag:s0] =	ssyncadd.tile.s32 @!p0 $0x1;
	_ =	shalt  }
.Lfunc_end2:
_tile_overlayer_lowered:
.L_overlay_start_2:
0x67: {  	(tag) =	ssettag $0x2  }
0x68: {  	s0 =	rddreg [dreg:$0x0];
	s2 =	stileid.u32  }
0x69: {  	s1 =	rddreg [dreg:$0x1];
	p0 =	sne.s32 s2, $0x0  }
0x6a: {  	s3 =	rddreg [dreg:$0x2];
	[bflag:$0x3] =	sbarrier.arrive $0xFFFF;
	s2 =	simm.s32 @!p0 $0x1C02  }
0x6b: {  	[timem:s3], [sflag:s2] =	dma.local @!p0 [hbm:s0], s1  }
0x6c: {  	s0 =	simm.s32 @!p0 $0x2  }
0x6d: {  	_ =	swait.ge @!p0 [sflag:s0], s1  }
0x6e: {  	s1 =	ssub.s32 @!p0 $0x0, s1;
	[sflag:s0] =	ssyncset.done @!p0 $0x0  }
0x6f: {  	[sflag:s0] =	ssyncadd.s32 @!p0 s1  }
0x70: {  	[bflag:$0x3] =	sbarrier.arrive $0xFFFF  }
0x71: {  	_ =	shalt  }

// kernel: kernel.22.cloned.1.call-start
scs
__scs_entry_jumppad:
0x0: {  	(pc) =	sbr.rel $0x88, $3  }
0x1: {  	(tag) =	ssettag $0x0;
	lr =	simm.s32 $0x1  }
0x2: {  	[smem:$0x3F8E] =	sst lr;
	_ =	strace $0xD0000000  }
0x3: {  	_ = 	snop  }
0x4: {  	_ = 	snop  }
0x5: {  	_ = 	snop  }
0x6: {  	_ = 	snop  }
0x7: {  	_ = 	snop  }
__scs_overlays_trampoline_lowered:
0x8: {  	[smem:$0x3F9D] =	sst s0  }
0x9: {  	[smem:$0x3F9E] =	sst s1  }
0xa: {  	[smem:$0x3F9F] =	sst s2  }
0xb: {  	[smem:$0x3FA0] =	sst s3  }
0xc: {  	[smem:$0x3FA1] =	sst s4  }
0xd: {  	[smem:$0x3FA2] =	sst s5  }
0xe: {  	[smem:$0x3FA3] =	sst s6  }
0xf: {  	[smem:$0x3FA4] =	sst s7  }
0x10: {  	[smem:$0x3FA5] =	sst s8  }
0x11: {  	[smem:$0x3FA6] =	sst s9;
	s0 =	simm.s32 @!p0 $0x0  }
0x12: {  	s1 =	sld [smem:$0x3F8C];
	s0 =	simm.s32 @p0 $0x1  }
0x13: {  	[smem:$0x3FA7] =	sst s0;
	s0 =	simm.s32 @!p1 $0x0  }
0x14: {  	s2 =	sld [smem:$0x3F8B];
	s0 =	simm.s32 @p1 $0x1  }
0x15: {  	[smem:$0x3FA8] =	sst s0;
	s0 =	simm.s32 @!p2 $0x0  }
0x16: {  	s3 =	sld [smem:$0x3FDB];
	s0 =	simm.s32 @p2 $0x1  }
0x17: {  	s4 =	simm.s32 $0x1BF5;
	[smem:$0x3FAA] =	sst s0  }
0x18: {  	s0 =	sld [smem:$0x3F8D];
	_ =	swait.ge [sflag:s4], $0x0  }
0x19: {  	s7 =	sld [smem:$0x3F8E]  }
0x1a: {  	s8 =	sadd.s32 $0xFFFFE003, lr  }
0x1b: {  	s9 =	sadd.s32 $0xFFFFFEF7, lr;
	s5 =	simm.s32 $0xFFFFFFFF;
	p2 =	slt.u32 s8, $0xFFFFF086  }
0x1c: {  	p1 =	slt.u32 s9, $0xF7A;
	s5 =	simm.s32 @!p2 $0x0  }
0x1d: {  	s5 =	simm.s32 @p1 $0x1;
	p0 =	seq.s32 s7, s2  }
0x1e: {  	s7 =	smul.u32 @!p0 $0xF7A, s2;
	p2 =	seq.s32 @!p0 s5, $0x0  }
0x1f: {  	s9 =	smul.u32 $0xF7A, s1;
	s8 =	simm.s32 @!p0 $0x1BF5;
	p2 =	por !p2, p0  }
0x20: {  	[sflag:s8] =	ssyncset.s32 @!p0 $0xFFFFF086;
	s6 =	sadd.s32 @!p0 s3, s7;
	s7 =	simm.s32 @!p0 $0x108  }
0x21: {  	s3 =	sadd.s32 s3, s9;
	s6 =	sadd.s32 @!p0 $0x88, s6;
	s7 =	simm.s32 @p2 $0x1082  }
0x22: {  	[simem:s7], [sflag:s8] =	dma.local @!p0 [hbm:s6], $0xF7A  }
0x23: {  	s9 =	sor.u32 $0xD0000000, s2;
	s6 =	simm.s32 $0x108;
	_ =	swait.ge @!p0 [sflag:s8], $0x0  }
0x24: {  	s3 =	sadd.s32 $0x88, s3;
	s6 =	simm.s32 @!p1 $0x1082;
	[sflag:s4] =	ssyncset.s32 $0xFFFFF086  }
0x25: {  	[simem:s6], [sflag:s4] =	dma.local [hbm:s3], $0xF7A  }
0x26: {  	[smem:$0x3F8E] =	sst s1;
	(tag) =	ssettag s2;
	_ =	strace s9  }
0x27: {  	s1 =	sld [smem:$0x3F9E]  }
0x28: {  	s2 =	sld [smem:$0x3F9F]  }
0x29: {  	s4 =	sld [smem:$0x3FA1]  }
0x2a: {  	p0 =	seq.s32 s5, $0x0;
	s5 =	sld [smem:$0x3FA2]  }
0x2b: {  	s6 =	sld [smem:$0x3FA3]  }
0x2c: {  	s7 =	sld [smem:$0x3FA4]  }
0x2d: {  	s3 =	simm.s32 $0x108;
	s8 =	sld [smem:$0x3FA5]  }
0x2e: {  	s3 =	simm.s32 @!p0 $0x1082;
	s9 =	sld [smem:$0x3FA6]  }
0x2f: {  	lr =	sadd.s32 s0, s3;
	s0 =	sld [smem:$0x3F9D]  }
0x30: {  	s3 =	sld [smem:$0x3FA0]  }
0x31: {  	[smem:$0x3FA9] =	sst s10  }
0x32: {  	s10 =	sld [smem:$0x3FA7];
	_ =	sdelay $0x3  }
0x33: {  	p0 =	seq.s32 s10, $0x1;
	s10 =	sld [smem:$0x3FA9];
	_ =	sdelay $0x3  }
0x34: {  	[smem:$0x3FA9] =	sst s10  }
0x35: {  	s10 =	sld [smem:$0x3FA8];
	_ =	sdelay $0x3  }
0x36: {  	p1 =	seq.s32 s10, $0x1;
	s10 =	sld [smem:$0x3FA9];
	_ =	sdelay $0x3  }
0x37: {  	[smem:$0x3FA9] =	sst s10  }
0x38: {  	s10 =	sld [smem:$0x3FAA]  }
0x39: {  	_ = 	snop;
	(pc) =	sbr.ind lr, $3  }
0x3a: {  	_ = 	snop  }
0x3b: {  	_ = 	snop  }
0x3c: {  	p2 =	seq.s32 s10, $0x1;
	s10 =	sld [smem:$0x3FA9]  }
0x3d: {  	_ =	shalt  }
0x3e: {  	_ =	shalt  }
0x3f: {  	_ =	shalt  }
0x40: {  	_ =	shalt  }
0x41: {  	_ =	shalt  }
0x42: {  	_ =	shalt  }
0x43: {  	_ =	shalt  }
0x44: {  	_ =	shalt  }
0x45: {  	_ =	shalt  }
0x46: {  	_ =	shalt  }
0x47: {  	_ =	shalt  }
0x48: {  	_ =	shalt  }
0x49: {  	_ =	shalt  }
0x4a: {  	_ =	shalt  }
0x4b: {  	_ =	shalt  }
0x4c: {  	_ =	shalt  }
0x4d: {  	_ =	shalt  }
0x4e: {  	_ =	shalt  }
0x4f: {  	_ =	shalt  }
0x50: {  	_ =	shalt  }
0x51: {  	_ =	shalt  }
0x52: {  	_ =	shalt  }
0x53: {  	_ =	shalt  }
0x54: {  	_ =	shalt  }
0x55: {  	_ =	shalt  }
0x56: {  	_ =	shalt  }
0x57: {  	_ =	shalt  }
0x58: {  	_ =	shalt  }
0x59: {  	_ =	shalt  }
0x5a: {  	_ =	shalt  }
0x5b: {  	_ =	shalt  }
0x5c: {  	_ =	shalt  }
0x5d: {  	_ =	shalt  }
0x5e: {  	_ =	shalt  }
0x5f: {  	_ =	shalt  }
0x60: {  	_ =	shalt  }
0x61: {  	_ =	shalt  }
0x62: {  	_ =	shalt  }
0x63: {  	_ =	shalt  }
0x64: {  	_ =	shalt  }
0x65: {  	_ =	shalt  }
0x66: {  	_ =	shalt  }
0x67: {  	_ =	shalt  }
0x68: {  	_ =	shalt  }
0x69: {  	_ =	shalt  }
0x6a: {  	_ =	shalt  }
0x6b: {  	_ =	shalt  }
0x6c: {  	_ =	shalt  }
0x6d: {  	_ =	shalt  }
0x6e: {  	_ =	shalt  }
0x6f: {  	_ =	shalt  }
0x70: {  	_ =	shalt  }
0x71: {  	_ =	shalt  }
0x72: {  	_ =	shalt  }
0x73: {  	_ =	shalt  }
0x74: {  	_ =	shalt  }
0x75: {  	_ =	shalt  }
0x76: {  	_ =	shalt  }
0x77: {  	_ =	shalt  }
0x78: {  	_ =	shalt  }
0x79: {  	_ =	shalt  }
0x7a: {  	_ =	shalt  }
0x7b: {  	_ =	shalt  }
0x7c: {  	_ =	shalt  }
0x7d: {  	_ =	shalt  }
0x7e: {  	_ =	shalt  }
0x7f: {  	_ =	shalt  }
0x80: {  	_ =	shalt  }
0x81: {  	_ =	shalt  }
0x82: {  	_ =	shalt  }
0x83: {  	_ =	shalt  }
0x84: {  	_ =	shalt  }
0x85: {  	_ =	shalt  }
0x86: {  	_ =	shalt  }
0x87: {  	_ =	shalt  }
.Lfunc_end0:
.L_simem_size_0:
called_computation.2_lowered:
.L_overlay_start_0:
0x88: {  	s2 =	sld [smem:$0x3FD9]  }
0x89: {  	s3 =	sld [smem:$0x3FFE];
	_ =	sdelay $0x1  }
0x8a: {  	s1 =	srdreg.scid  }
0x8b: {  	s0 =	sand.u32 $0x1, s1  }
0x8c: {  	s16 =	sshll.u32 s0, $0xA;
	s2 =	sadd.s32 s3, s2  }
0x8d: {  	s2 =	sadd.s32 s2, s16  }
0x8e: {  	[smem:$0x3FB5] =	sst s2  }
0x8f: {  	_ = 	snop  }
0x90: {  	(tm) =	ssettm $0x1  }
0x91: {  	s17 =	sld [smem:$0x3FFB];
	_ =	sdelay $0x3  }
0x92: {  	_ =	strace s17  }
0x93: {  	s2 =	sld [smem:$0x3FFC];
	_ =	sdelay $0x3  }
0x94: {  	_ =	strace s2  }
0x95: {  	s2 =	sld [smem:$0x3FFD];
	_ =	sdelay $0x3  }
0x96: {  	_ =	strace s2  }
0x97: {  	_ =	strace $0x8FFFFFFF  }
0x98: {  	s18 =	sld [smem:$0x3FDB];
	_ =	sdelay $0x1  }
0x99: {  	s19 =	simm.s32 $_scs_section_size  }
0x9a: {  	s4 =	simm.s32 $_size__tile_overlayer_lowered;
	s5 =	simm.s32 $_tile_overlayer_lowered  }
0x9b: {  	s22 =	simm.s32 $0x1BFF;
	s21 =	sshll.u32 s5, $0x1;
	s2 =	sadd.s32 s19, s18  }
0x9c: {  	s6 =	simm.s32 $0x0;
	s20 =	sshll.u32 s4, $0x1;
	s4 =	sadd.s32 s21, s2  }
0x9d: {  	[timem:s6], [sflag:s22] =	dma.local [hbm:s4], s20  }
0x9e: {  	_ =	swait.ge [sflag:s22], s20  }
0x9f: {  	s3 =	ssub.s32 $0x0, s20;
	[sflag:s22] =	ssyncset.done $0x0  }
0xa0: {  	[sflag:s22] =	ssyncadd.s32 s3;
	_ =	sdelay $0x1  }
0xa1: {  	s23 =	simm.s32 $0x1B8B  }
0xa2: {  	_ =	swait.ge [sflag:s23], $0x1  }
0xa3: {  	[sflag:s23] =	ssyncset.done $0x0  }
0xa4: {  	s25 =	simm.s32 $0x1B8E;
	s24 =	sld [smem:$0x3FFE];
	[sflag:s23] =	ssyncadd.s32 $0xFFFFFFFF  }
0xa5: {  	s26 =	simm.s32 $execute0_lowered;
	[smem:$0x3FD2] =	sst s25  }
0xa6: {  	s4 =	sshll.u32 s26, $0x1;
	_ =	strace $0x8000004C;
	[dreg:$0x1] =	wrdreg $0xFFFFFFFF  }
0xa7: {  	s28 =	simm.s32 $_size_execute0_lowered;
	s2 =	sadd.s32 s2, s4;
	[dreg:$0x0] =	wrdreg $0x0  }
0xa8: {  	s4 =	sshll.u32 s28, $0x1;
	[dreg:$0x2] =	wrdreg s2  }
0xa9: {  	[dreg:$0x3] =	wrdreg s4  }
0xaa: {  	[dreg:$0x4] =	wrdreg $0xC0  }
0xab: {  	_ =	task [dreg:s6], $0x5FFFF  }
0xac: {  	[dreg:$0x1] =	wrdreg $0xFFFFFFFF  }
0xad: {  	[dreg:$0x0] =	wrdreg $0x60  }
0xae: {  	[dreg:$0x2] =	wrdreg s24  }
0xaf: {  	[dreg:$0x3] =	wrdreg $0x51800  }
0xb0: {  	[dreg:$0x4] =	wrdreg $0x9  }
0xb1: {  	_ =	task.clear_ibuf [dreg:s6], $0x5FFFF;
	_ =	strace $0x9000004C  }
0xb2: {  	s29 =	simm.s32 $0x9;
	_ =	strace $0x8000004E  }
0xb3: {  	_ =	swait.ge [sflag:s29], $0x1  }
0xb4: {  	[sflag:s29] =	ssyncadd.s32 $0xFFFFFFFF  }
0xb5: {  	_ =	strace $0x9000004E  }
0xb6: {  	_ =	sfence  }
0xb7: {  	s30 =	sld [smem:$0x0];
	_ =	sdelay $0x2  }
0xb8: {  	s31 =	sshll.u32 s1, $0xD;
	s1 =	sshrl.u32 s1, $0x2  }
0xb9: {  	s3 =	sand.u32 $0x4000, s31;
	s1 =	sadd.s32 s1, s30  }
0xba: {  	s0 =	sor.u32 s3, s0;
	s1 =	sshll.u32 s1, $0x11  }
0xbb: {  	s0 =	sor.u32 s1, s0  }
0xbc: {  	s0 =	sadd.s32 $0x8F2B, s0  }
0xbd: {  	[sflag:s0] =	ssyncadd.remote.s32 $0x1  }
0xbe: {  	_ =	sfence.sel $0xFFFF  }
0xbf: {  	[dreg:$0x0] =	wrdreg $0xFFFFFFFF;
	(pc) =	sbr.abs _section_cstart, $3  }
0xc0: {  	[dreg:$0x1] =	wrdreg $0xFFFFFFFF  }
0xc1: {  	_ =	task.clear_ibuf [dreg:s6], $0x2FFFF;
	_ =	strace $0x9FFFFFFF  }
0xc2: {  	(tm) =	ssettm $0x7FFFFFFF  }
0xc3: {  	_ =	shalt  }
tec
execute0_lowered:
.L_overlay_start_1:
0x0: {  	(tag) =	ssettag $0x1  }
0x1: {  	s9 =	rddreg [dreg:$0x0]  }
0x2: {  	s1 =	rddreg [dreg:$0x1]  }
0x3: {  	s0 =	rddreg [dreg:$0x2];
	s2 =	simm.s32 $0x0;
	s3 =	stileid.u32  }
0x4: {  	s6 =	srdreg.scid;
	s19 =	simm.s32 $0x180;
	s20 =	simm.s32 $0x1  }
0x5: {  	s21 =	simm.s32 $0x2980;
	[smem:$0x7FF] =	sst s2;
	s4 =	sadd.s32 $0x30C00, s9  }
0x6: {  	s14 =	sadd.s32 $0x8F600, s9;
	s5 =	sadd.s32 $0x85400, s9;
	s15 =	sadd.s32 $0x85200, s9  }
0x7: {  	s10 =	smul.u32 $0x2780, s3;
	s12 =	sand.u32 $0x1, s6;
	s6 =	sadd.s32 $0x8A600, s9  }
0x8: {  	s7 =	sadd.s32 $0x80200, s9;
	s8 =	sadd.s32 $0x85600, s9;
	s16 =	smul.u32 $0x4F000, s3  }
0x9: {  	s31 =	sshll.u32 s3, $0x6;
	_ =	strace $0x8000004D;
	s11 =	smul.u32 $0x27800, s12  }
0xa: {  	s13 =	ssub.s32 $0x2, s12;
	p0 =	seq.s32 s12, $0x1;
	s17 =	sadd.s32 s10, s9  }
0xb: {  	s29 =	sshrl.u32 s13, $0x1;
	s30 =	sshrl.u32 s16, $0x2;
	s4 =	smov.u32 @p0 s14  }
0xc: {  	s5 =	smov.u32 @p0 s15;
	s15 =	simm.s32 $0x2;
	s10 =	sadd.s32 s10, s11  }
0xd: {  	s13 =	ssub.s32 s13, s29;
	s16 =	sadd.s32 s30, s1;
	s11 =	smul.u32 $0x2710, s3  }
0xe: {  	s18 =	sadd.s32 s10, s9;
	s9 =	sadd.s32 $0x9400, s17;
	s10 =	sor.u32 $0x1C02, s31  }
0xf: {  	s13 =	smax.u32 s13, $0x1;
	s14 =	sshrl.u32 s16, $0x3;
	s16 =	simm.s32 $0x80  }
0x10: {  	s17 =	simm.s32 $0x100;
	s12 =	sadd.s32 $0xC3A00, s18;
	s18 =	simm.s32 $0x50  }
.LBB2_1:
0x11: {  	[spmem:s14], [sflag:s10] =	dma.local [hbm:s9], $0x2780  }
0x12: {  	_ =	swait.ge [sflag:s15], $0x2780  }
0x13: {  	[sflag:s15] =	ssyncset.done $0x0  }
0x14: {  	[sflag:s15] =	ssyncadd.s32 $0xFFFFD880  }
0x15: {  	s22 =	simm.s32 $0x0;
	[bflag:$0x0] =	sbarrier.arrive $0xFFFF  }
.LBB2_2:
0x16: {  	s23 =	smul.u32 $0x50, s22;
	_ =	sdelay $0x1  }
0x17: {  	s23 =	sadd.s32 s11, s23  }
0x18: {  	s23 =	sshrl.u32 s23, $0x3  }
0x19: {  	s25 =	simm.s32 $0x0;
	s24 =	sadd.s32 s6, s23  }
0x1a: {  	[tilespmem:s25], [sflag:$0x2] =	stream.linear.gather [hbm4b:s24+s25], $0x50, $0x38;
	[tilespmem:$0x18D80] =	vst v63  }
0x1b: {  	_ =	swait.ge [sflag:s15], $0x50  }
0x1c: {  	[sflag:s15] =	ssyncset.done $0x0  }
0x1d: {  	s31 =	sadd.s32 s7, s23;
	[sflag:s15] =	ssyncadd.s32 $0xFFFFFFB0  }
0x1e: {  	[tilespmem:s16], [sflag:$0x2] =	stream.linear.gather [hbm4b:s31+s25], $0x50, $0x38;
	[tilespmem:$0x18D80] =	vst v63  }
0x1f: {  	_ =	swait.ge [sflag:s15], $0x50  }
0x20: {  	[sflag:s15] =	ssyncset.done $0x0  }
0x21: {  	s23 =	sadd.s32 s8, s23;
	[sflag:s15] =	ssyncadd.s32 $0xFFFFFFB0  }
0x22: {  	[tilespmem:s17], [sflag:$0x2] =	stream.linear.gather [hbm4b:s23+s25], $0x50, $0x38;
	[tilespmem:$0x18D80] =	vst v63  }
0x23: {  	_ =	swait.ge [sflag:s15], $0x50  }
0x24: {  	[sflag:s15] =	ssyncset.done $0x0  }
0x25: {  	[sflag:s15] =	ssyncadd.s32 $0xFFFFFFB0  }
0x26: {  	[tilespmem:s19], [sflag:$0x1] =	stream.indirect.gather [hbm4b:s4+s18], $0x80, s25, s18, $0xb8;
	[tilespmem:$0x18D80] =	vst v63  }
0x27: {  	_ =	swait.ge [sflag:s20], $0x2800  }
0x28: {  	[sflag:s20] =	ssyncset.done $0x0  }
0x29: {  	[sflag:s20] =	ssyncadd.s32 $0xFFFFD800  }
0x2a: {  	[tilespmem:s21], [sflag:$0x1] =	stream.indirect.gather [hbm4b:s5+s18], $0x80, s16, s18, $0xb8;
	[tilespmem:$0x18D80] =	vst v63  }
0x2b: {  	_ =	swait.ge [sflag:s20], $0x2800  }
0x2c: {  	[sflag:s20] =	ssyncset.done $0x0  }
0x2d: {  	s23 =	simm.s32 $0x0;
	[sflag:s20] =	ssyncadd.s32 $0xFFFFD800  }
0x2e: {  	v6 =	vld [tilespmem:s23+$0x2980]  }
0x2f: {  	v11 =	vld [tilespmem:s23+$0x2990]  }
0x30: {  	v5 =	vld [tilespmem:s23+$0x29A0]  }
0x31: {  	v4 =	vld [tilespmem:s23+$0x29B0]  }
0x32: {  	v3 =	vld [tilespmem:s23+$0x29C0]  }
0x33: {  	v2 =	vld [tilespmem:s23+$0x29D0]  }
0x34: {  	v1 =	vld [tilespmem:s23+$0x29E0]  }
0x35: {  	v0 =	vld [tilespmem:s23+$0x29F0]  }
0x36: {  	v12 =	vld [tilespmem:s23+$0x180]  }
0x37: {  	v13 =	vld [tilespmem:s23+$0x190]  }
0x38: {  	v10 =	vld [tilespmem:s23+$0x1A0]  }
0x39: {  	v9 =	vld [tilespmem:s23+$0x1B0]  }
0x3a: {  	v8 =	vld [tilespmem:s23+$0x1C0]  }
0x3b: {  	v7 =	vld [tilespmem:s23+$0x1D0];
	v12 =	vadd.f32 v6, v12  }
0x3c: {  	s24 =	simm.s32 $0x200;
	v11 =	vadd.f32 v11, v13;
	v6 =	vld [tilespmem:s23+$0x1E0]  }
.LBB2_3:
0x3d: {  	s25 =	sshra.s32 s24, $0x2;
	p0 =	sne.s32 s24, $0x9E00;
	v12 =	vmax.f32 v12, $0.0e+00;
	v5 =	vadd.f32 v5, v10;
	v10 =	vld [tilespmem:s23+$0x1F0]  }
0x3e: {  	v13 =	vld [tilespmem:s25+$0x2980];
	[tilespmem:s23+$0x180] =	vst v12;
	v11 =	vmax.f32 v11, $0.0e+00;
	v4 =	vadd.f32 v4, v9  }
0x3f: {  	v14 =	vld [tilespmem:s25+$0x2990];
	[tilespmem:s23+$0x190] =	vst v11;
	v9 =	vmax.f32 v5, $0.0e+00;
	v3 =	vadd.f32 v3, v8  }
0x40: {  	v5 =	vld [tilespmem:s25+$0x29A0];
	[tilespmem:s23+$0x1A0] =	vst v9;
	v8 =	vmax.f32 v4, $0.0e+00;
	v2 =	vadd.f32 v2, v7  }
0x41: {  	v4 =	vld [tilespmem:s25+$0x29B0];
	[tilespmem:s23+$0x1B0] =	vst v8;
	v7 =	vmax.f32 v3, $0.0e+00;
	v1 =	vadd.f32 v1, v6  }
0x42: {  	v3 =	vld [tilespmem:s25+$0x29C0];
	[tilespmem:s23+$0x1C0] =	vst v7;
	v6 =	vmax.f32 v2, $0.0e+00;
	v0 =	vadd.f32 v0, v10  }
0x43: {  	v2 =	vld [tilespmem:s25+$0x29D0];
	[tilespmem:s23+$0x1D0] =	vst v6;
	v6 =	vmax.f32 v1, $0.0e+00  }
0x44: {  	v1 =	vld [tilespmem:s25+$0x29E0];
	[tilespmem:s23+$0x1E0] =	vst v6;
	v6 =	vmax.f32 v0, $0.0e+00  }
0x45: {  	v0 =	vld [tilespmem:s25+$0x29F0];
	[tilespmem:s23+$0x1F0] =	vst v6;
	s23 =	smov.u32 s25  }
0x46: {  	v6 =	vld [tilespmem:s23+$0x180]  }
0x47: {  	v11 =	vld [tilespmem:s23+$0x190]  }
.Ltmp0:
0x48: {  	v10 =	vld [tilespmem:s23+$0x1A0];
	(pc) =	sbr.rel @p0 .LBB2_3-.Ltmp0, $4  }
0x49: {  	v9 =	vld [tilespmem:s23+$0x1B0]  }
0x4a: {  	v8 =	vld [tilespmem:s23+$0x1C0]  }
0x4b: {  	v12 =	vadd.f32 v13, v6;
	v7 =	vld [tilespmem:s23+$0x1D0]  }
0x4c: {  	s24 =	sadd.s32 $0x200, s24;
	v11 =	vadd.f32 v14, v11;
	v6 =	vld [tilespmem:s23+$0x1E0]  }
0x4d: {  	v12 =	vmax.f32 v12, $0.0e+00;
	v5 =	vadd.f32 v5, v10;
	v63 =	vld [tilespmem:s23+$0x1F0]  }
0x4e: {  	[tilespmem:s23+$0x180] =	vst v12;
	v11 =	vmax.f32 v11, $0.0e+00;
	v4 =	vadd.f32 v4, v9  }
0x4f: {  	[tilespmem:s23+$0x190] =	vst v11;
	v5 =	vmax.f32 v5, $0.0e+00;
	v3 =	vadd.f32 v3, v8  }
0x50: {  	[tilespmem:s23+$0x1A0] =	vst v5;
	v4 =	vmax.f32 v4, $0.0e+00;
	v2 =	vadd.f32 v2, v7  }
0x51: {  	[tilespmem:s23+$0x1B0] =	vst v4;
	v3 =	vmax.f32 v3, $0.0e+00;
	v1 =	vadd.f32 v1, v6  }
0x52: {  	[tilespmem:s23+$0x1C0] =	vst v3;
	v2 =	vmax.f32 v2, $0.0e+00;
	v0 =	vadd.f32 v0, v63  }
0x53: {  	s22 =	sadd.s32 $0x1, s22;
	[tilespmem:s23+$0x1D0] =	vst v2;
	v1 =	vmax.f32 v1, $0.0e+00  }
0x54: {  	p0 =	sne.s32 s22, $0x7D;
	[tilespmem:s23+$0x1E0] =	vst v1;
	v0 =	vmax.f32 v0, $0.0e+00  }
.Ltmp1:
0x55: {  	[tilespmem:s23+$0x1F0] =	vst v0;
	(pc) =	sbr.rel @p0 .LBB2_2-.Ltmp1, $4  }
0x56: {  	[spmem:s1] =	stream.indirect.scatter.add.f32 [tilespmem:s19], [sflag:$0x2], $0x80, s17, s18, $0xb8;
	[tilespmem:$0x18D80] =	vst v63  }
0x57: {  	_ =	swait.ge [sflag:s15], $0x2800  }
0x58: {  	[sflag:s15] =	ssyncset.done $0x0  }
0x59: {  	[sflag:s15] =	ssyncadd.s32 $0xFFFFD800  }
0x5a: {  	s2 =	sadd.s32 $0x1, s2  }
0x5b: {  	p0 =	sne.s32 s2, s13  }
.Ltmp2:
0x5c: {  	[bflag:$0x0] =	sbarrier.arrive $0xFFFF;
	(pc) =	sbr.rel @p0 .LBB2_1-.Ltmp2, $4  }
0x5d: {  	[hbm:s12], [sflag:s10] =	dma.local [spmem:s14], $0x2780  }
0x5e: {  	_ =	swait.ge [sflag:s15], $0x2780  }
0x5f: {  	[sflag:s15] =	ssyncset.done $0x0  }
0x60: {  	[sflag:s15] =	ssyncadd.s32 $0xFFFFD880  }
0x61: {  	_ =	sfence.sel $0x180000  }
0x62: {  	[bflag:$0x0] =	sbarrier.arrive $0xFFFF  }
0x63: {  	p0 =	sne.s32 s3, $0x0;
	_ =	strace $0x9000004D  }
0x64: {  	s0 =	sadd.s32 @!p0 $0x100000, s0;
	[bflag:$0x2] =	sbarrier.arrive $0xFFFF  }
0x65: {  	[sflag:s0] =	ssyncadd.tile.s32 @!p0 $0x1;
	_ =	shalt  }
.Lfunc_end2:
_tile_overlayer_lowered:
.L_overlay_start_2:
0x66: {  	(tag) =	ssettag $0x2  }
0x67: {  	s0 =	rddreg [dreg:$0x0];
	s2 =	stileid.u32  }
0x68: {  	s1 =	rddreg [dreg:$0x1];
	p0 =	sne.s32 s2, $0x0  }
0x69: {  	s3 =	rddreg [dreg:$0x2];
	[bflag:$0x3] =	sbarrier.arrive $0xFFFF;
	s2 =	simm.s32 @!p0 $0x1C02  }
0x6a: {  	[timem:s3], [sflag:s2] =	dma.local @!p0 [hbm:s0], s1  }
0x6b: {  	s0 =	simm.s32 @!p0 $0x2  }
0x6c: {  	_ =	swait.ge @!p0 [sflag:s0], s1  }
0x6d: {  	s1 =	ssub.s32 @!p0 $0x0, s1;
	[sflag:s0] =	ssyncset.done @!p0 $0x0  }
0x6e: {  	[sflag:s0] =	ssyncadd.s32 @!p0 s1  }
0x6f: {  	[bflag:$0x3] =	sbarrier.arrive $0xFFFF  }
0x70: {  	_ =	shalt  }

// kernel: kernel.25.cloned.1.call-start
scs
__scs_entry_jumppad:
0x0: {  	(pc) =	sbr.rel $0x88, $3  }
0x1: {  	(tag) =	ssettag $0x0;
	lr =	simm.s32 $0x1  }
0x2: {  	[smem:$0x3F8E] =	sst lr;
	_ =	strace $0xD0000000  }
0x3: {  	_ = 	snop  }
0x4: {  	_ = 	snop  }
0x5: {  	_ = 	snop  }
0x6: {  	_ = 	snop  }
0x7: {  	_ = 	snop  }
__scs_overlays_trampoline_lowered:
0x8: {  	[smem:$0x3F9D] =	sst s0  }
0x9: {  	[smem:$0x3F9E] =	sst s1  }
0xa: {  	[smem:$0x3F9F] =	sst s2  }
0xb: {  	[smem:$0x3FA0] =	sst s3  }
0xc: {  	[smem:$0x3FA1] =	sst s4  }
0xd: {  	[smem:$0x3FA2] =	sst s5  }
0xe: {  	[smem:$0x3FA3] =	sst s6  }
0xf: {  	[smem:$0x3FA4] =	sst s7  }
0x10: {  	[smem:$0x3FA5] =	sst s8  }
0x11: {  	[smem:$0x3FA6] =	sst s9;
	s0 =	simm.s32 @!p0 $0x0  }
0x12: {  	s1 =	sld [smem:$0x3F8C];
	s0 =	simm.s32 @p0 $0x1  }
0x13: {  	[smem:$0x3FA7] =	sst s0;
	s0 =	simm.s32 @!p1 $0x0  }
0x14: {  	s2 =	sld [smem:$0x3F8B];
	s0 =	simm.s32 @p1 $0x1  }
0x15: {  	[smem:$0x3FA8] =	sst s0;
	s0 =	simm.s32 @!p2 $0x0  }
0x16: {  	s3 =	sld [smem:$0x3FDB];
	s0 =	simm.s32 @p2 $0x1  }
0x17: {  	s4 =	simm.s32 $0x1BF5;
	[smem:$0x3FAA] =	sst s0  }
0x18: {  	s0 =	sld [smem:$0x3F8D];
	_ =	swait.ge [sflag:s4], $0x0  }
0x19: {  	s7 =	sld [smem:$0x3F8E]  }
0x1a: {  	s8 =	sadd.s32 $0xFFFFE003, lr  }
0x1b: {  	s9 =	sadd.s32 $0xFFFFFEF7, lr;
	s5 =	simm.s32 $0xFFFFFFFF;
	p2 =	slt.u32 s8, $0xFFFFF086  }
0x1c: {  	p1 =	slt.u32 s9, $0xF7A;
	s5 =	simm.s32 @!p2 $0x0  }
0x1d: {  	s5 =	simm.s32 @p1 $0x1;
	p0 =	seq.s32 s7, s2  }
0x1e: {  	s7 =	smul.u32 @!p0 $0xF7A, s2;
	p2 =	seq.s32 @!p0 s5, $0x0  }
0x1f: {  	s9 =	smul.u32 $0xF7A, s1;
	s8 =	simm.s32 @!p0 $0x1BF5;
	p2 =	por !p2, p0  }
0x20: {  	[sflag:s8] =	ssyncset.s32 @!p0 $0xFFFFF086;
	s6 =	sadd.s32 @!p0 s3, s7;
	s7 =	simm.s32 @!p0 $0x108  }
0x21: {  	s3 =	sadd.s32 s3, s9;
	s6 =	sadd.s32 @!p0 $0x88, s6;
	s7 =	simm.s32 @p2 $0x1082  }
0x22: {  	[simem:s7], [sflag:s8] =	dma.local @!p0 [hbm:s6], $0xF7A  }
0x23: {  	s9 =	sor.u32 $0xD0000000, s2;
	s6 =	simm.s32 $0x108;
	_ =	swait.ge @!p0 [sflag:s8], $0x0  }
0x24: {  	s3 =	sadd.s32 $0x88, s3;
	s6 =	simm.s32 @!p1 $0x1082;
	[sflag:s4] =	ssyncset.s32 $0xFFFFF086  }
0x25: {  	[simem:s6], [sflag:s4] =	dma.local [hbm:s3], $0xF7A  }
0x26: {  	[smem:$0x3F8E] =	sst s1;
	(tag) =	ssettag s2;
	_ =	strace s9  }
0x27: {  	s1 =	sld [smem:$0x3F9E]  }
0x28: {  	s2 =	sld [smem:$0x3F9F]  }
0x29: {  	s4 =	sld [smem:$0x3FA1]  }
0x2a: {  	p0 =	seq.s32 s5, $0x0;
	s5 =	sld [smem:$0x3FA2]  }
0x2b: {  	s6 =	sld [smem:$0x3FA3]  }
0x2c: {  	s7 =	sld [smem:$0x3FA4]  }
0x2d: {  	s3 =	simm.s32 $0x108;
	s8 =	sld [smem:$0x3FA5]  }
0x2e: {  	s3 =	simm.s32 @!p0 $0x1082;
	s9 =	sld [smem:$0x3FA6]  }
0x2f: {  	lr =	sadd.s32 s0, s3;
	s0 =	sld [smem:$0x3F9D]  }
0x30: {  	s3 =	sld [smem:$0x3FA0]  }
0x31: {  	[smem:$0x3FA9] =	sst s10  }
0x32: {  	s10 =	sld [smem:$0x3FA7];
	_ =	sdelay $0x3  }
0x33: {  	p0 =	seq.s32 s10, $0x1;
	s10 =	sld [smem:$0x3FA9];
	_ =	sdelay $0x3  }
0x34: {  	[smem:$0x3FA9] =	sst s10  }
0x35: {  	s10 =	sld [smem:$0x3FA8];
	_ =	sdelay $0x3  }
0x36: {  	p1 =	seq.s32 s10, $0x1;
	s10 =	sld [smem:$0x3FA9];
	_ =	sdelay $0x3  }
0x37: {  	[smem:$0x3FA9] =	sst s10  }
0x38: {  	s10 =	sld [smem:$0x3FAA]  }
0x39: {  	_ = 	snop;
	(pc) =	sbr.ind lr, $3  }
0x3a: {  	_ = 	snop  }
0x3b: {  	_ = 	snop  }
0x3c: {  	p2 =	seq.s32 s10, $0x1;
	s10 =	sld [smem:$0x3FA9]  }
0x3d: {  	_ =	shalt  }
0x3e: {  	_ =	shalt  }
0x3f: {  	_ =	shalt  }
0x40: {  	_ =	shalt  }
0x41: {  	_ =	shalt  }
0x42: {  	_ =	shalt  }
0x43: {  	_ =	shalt  }
0x44: {  	_ =	shalt  }
0x45: {  	_ =	shalt  }
0x46: {  	_ =	shalt  }
0x47: {  	_ =	shalt  }
0x48: {  	_ =	shalt  }
0x49: {  	_ =	shalt  }
0x4a: {  	_ =	shalt  }
0x4b: {  	_ =	shalt  }
0x4c: {  	_ =	shalt  }
0x4d: {  	_ =	shalt  }
0x4e: {  	_ =	shalt  }
0x4f: {  	_ =	shalt  }
0x50: {  	_ =	shalt  }
0x51: {  	_ =	shalt  }
0x52: {  	_ =	shalt  }
0x53: {  	_ =	shalt  }
0x54: {  	_ =	shalt  }
0x55: {  	_ =	shalt  }
0x56: {  	_ =	shalt  }
0x57: {  	_ =	shalt  }
0x58: {  	_ =	shalt  }
0x59: {  	_ =	shalt  }
0x5a: {  	_ =	shalt  }
0x5b: {  	_ =	shalt  }
0x5c: {  	_ =	shalt  }
0x5d: {  	_ =	shalt  }
0x5e: {  	_ =	shalt  }
0x5f: {  	_ =	shalt  }
0x60: {  	_ =	shalt  }
0x61: {  	_ =	shalt  }
0x62: {  	_ =	shalt  }
0x63: {  	_ =	shalt  }
0x64: {  	_ =	shalt  }
0x65: {  	_ =	shalt  }
0x66: {  	_ =	shalt  }
0x67: {  	_ =	shalt  }
0x68: {  	_ =	shalt  }
0x69: {  	_ =	shalt  }
0x6a: {  	_ =	shalt  }
0x6b: {  	_ =	shalt  }
0x6c: {  	_ =	shalt  }
0x6d: {  	_ =	shalt  }
0x6e: {  	_ =	shalt  }
0x6f: {  	_ =	shalt  }
0x70: {  	_ =	shalt  }
0x71: {  	_ =	shalt  }
0x72: {  	_ =	shalt  }
0x73: {  	_ =	shalt  }
0x74: {  	_ =	shalt  }
0x75: {  	_ =	shalt  }
0x76: {  	_ =	shalt  }
0x77: {  	_ =	shalt  }
0x78: {  	_ =	shalt  }
0x79: {  	_ =	shalt  }
0x7a: {  	_ =	shalt  }
0x7b: {  	_ =	shalt  }
0x7c: {  	_ =	shalt  }
0x7d: {  	_ =	shalt  }
0x7e: {  	_ =	shalt  }
0x7f: {  	_ =	shalt  }
0x80: {  	_ =	shalt  }
0x81: {  	_ =	shalt  }
0x82: {  	_ =	shalt  }
0x83: {  	_ =	shalt  }
0x84: {  	_ =	shalt  }
0x85: {  	_ =	shalt  }
0x86: {  	_ =	shalt  }
0x87: {  	_ =	shalt  }
.Lfunc_end0:
.L_simem_size_0:
called_computation.3_lowered:
.L_overlay_start_0:
0x88: {  	s2 =	sld [smem:$0x3FD9]  }
0x89: {  	s3 =	sld [smem:$0x3FFE];
	_ =	sdelay $0x1  }
0x8a: {  	s1 =	srdreg.scid  }
0x8b: {  	s0 =	sand.u32 $0x1, s1  }
0x8c: {  	s16 =	sshll.u32 s0, $0xA;
	s2 =	sadd.s32 s3, s2  }
0x8d: {  	s2 =	sadd.s32 s2, s16  }
0x8e: {  	[smem:$0x3FB5] =	sst s2  }
0x8f: {  	_ = 	snop  }
0x90: {  	(tm) =	ssettm $0x1  }
0x91: {  	s17 =	sld [smem:$0x3FFB];
	_ =	sdelay $0x3  }
0x92: {  	_ =	strace s17  }
0x93: {  	s2 =	sld [smem:$0x3FFC];
	_ =	sdelay $0x3  }
0x94: {  	_ =	strace s2  }
0x95: {  	s2 =	sld [smem:$0x3FFD];
	_ =	sdelay $0x3  }
0x96: {  	_ =	strace s2  }
0x97: {  	_ =	strace $0x8FFFFFFF  }
0x98: {  	s18 =	sld [smem:$0x3FDB];
	_ =	sdelay $0x1  }
0x99: {  	s19 =	simm.s32 $_scs_section_size  }
0x9a: {  	s4 =	simm.s32 $_size__tile_overlayer_lowered;
	s5 =	simm.s32 $_tile_overlayer_lowered  }
0x9b: {  	s22 =	simm.s32 $0x1BFF;
	s21 =	sshll.u32 s5, $0x1;
	s2 =	sadd.s32 s19, s18  }
0x9c: {  	s6 =	simm.s32 $0x0;
	s20 =	sshll.u32 s4, $0x1;
	s4 =	sadd.s32 s21, s2  }
0x9d: {  	[timem:s6], [sflag:s22] =	dma.local [hbm:s4], s20  }
0x9e: {  	_ =	swait.ge [sflag:s22], s20  }
0x9f: {  	s3 =	ssub.s32 $0x0, s20;
	[sflag:s22] =	ssyncset.done $0x0  }
0xa0: {  	[sflag:s22] =	ssyncadd.s32 s3;
	_ =	sdelay $0x1  }
0xa1: {  	s23 =	simm.s32 $0x1B8B  }
0xa2: {  	_ =	swait.ge [sflag:s23], $0x1  }
0xa3: {  	[sflag:s23] =	ssyncset.done $0x0  }
0xa4: {  	s25 =	simm.s32 $0x1B8E;
	s24 =	sld [smem:$0x3FFE];
	[sflag:s23] =	ssyncadd.s32 $0xFFFFFFFF  }
0xa5: {  	s26 =	simm.s32 $execute0_lowered;
	[smem:$0x3FD2] =	sst s25  }
0xa6: {  	s4 =	sshll.u32 s26, $0x1;
	_ =	strace $0x8000004F;
	[dreg:$0x1] =	wrdreg $0xFFFFFFFF  }
0xa7: {  	s28 =	simm.s32 $_size_execute0_lowered;
	s2 =	sadd.s32 s2, s4;
	[dreg:$0x0] =	wrdreg $0x0  }
0xa8: {  	s4 =	sshll.u32 s28, $0x1;
	[dreg:$0x2] =	wrdreg s2  }
0xa9: {  	[dreg:$0x3] =	wrdreg s4  }
0xaa: {  	[dreg:$0x4] =	wrdreg $0xC0  }
0xab: {  	_ =	task [dreg:s6], $0x5FFFF  }
0xac: {  	[dreg:$0x1] =	wrdreg $0xFFFFFFFF  }
0xad: {  	[dreg:$0x0] =	wrdreg $0x60  }
0xae: {  	[dreg:$0x2] =	wrdreg s24  }
0xaf: {  	[dreg:$0x3] =	wrdreg $0x51800  }
0xb0: {  	[dreg:$0x4] =	wrdreg $0x9  }
0xb1: {  	_ =	task.clear_ibuf [dreg:s6], $0x5FFFF;
	_ =	strace $0x9000004F  }
0xb2: {  	s29 =	simm.s32 $0x9;
	_ =	strace $0x80000051  }
0xb3: {  	_ =	swait.ge [sflag:s29], $0x1  }
0xb4: {  	[sflag:s29] =	ssyncadd.s32 $0xFFFFFFFF  }
0xb5: {  	_ =	strace $0x90000051  }
0xb6: {  	_ =	sfence  }
0xb7: {  	s30 =	sld [smem:$0x0];
	_ =	sdelay $0x2  }
0xb8: {  	s31 =	sshll.u32 s1, $0xD;
	s1 =	sshrl.u32 s1, $0x2  }
0xb9: {  	s3 =	sand.u32 $0x4000, s31;
	s1 =	sadd.s32 s1, s30  }
0xba: {  	s0 =	sor.u32 s3, s0;
	s1 =	sshll.u32 s1, $0x11  }
0xbb: {  	s0 =	sor.u32 s1, s0  }
0xbc: {  	s0 =	sadd.s32 $0x8F2B, s0  }
0xbd: {  	[sflag:s0] =	ssyncadd.remote.s32 $0x1  }
0xbe: {  	_ =	sfence.sel $0xFFFF  }
0xbf: {  	[dreg:$0x0] =	wrdreg $0xFFFFFFFF;
	(pc) =	sbr.abs _section_cstart, $3  }
0xc0: {  	[dreg:$0x1] =	wrdreg $0xFFFFFFFF  }
0xc1: {  	_ =	task.clear_ibuf [dreg:s6], $0x2FFFF;
	_ =	strace $0x9FFFFFFF  }
0xc2: {  	(tm) =	ssettm $0x7FFFFFFF  }
0xc3: {  	_ =	shalt  }
tec
execute0_lowered:
.L_overlay_start_1:
0x0: {  	(tag) =	ssettag $0x1  }
0x1: {  	s9 =	rddreg [dreg:$0x0]  }
0x2: {  	s1 =	rddreg [dreg:$0x1]  }
0x3: {  	s0 =	rddreg [dreg:$0x2];
	s2 =	simm.s32 $0x0;
	s3 =	stileid.u32  }
0x4: {  	s6 =	srdreg.scid;
	s19 =	simm.s32 $0x180;
	s20 =	simm.s32 $0x1  }
0x5: {  	s21 =	simm.s32 $0x2980;
	[smem:$0x7FF] =	sst s2;
	s4 =	sadd.s32 $0x30C00, s9  }
0x6: {  	s14 =	sadd.s32 $0x8F600, s9;
	s5 =	sadd.s32 $0x85400, s9;
	s15 =	sadd.s32 $0x85200, s9  }
0x7: {  	s10 =	smul.u32 $0x2780, s3;
	s12 =	sand.u32 $0x1, s6;
	s6 =	sadd.s32 $0x8A600, s9  }
0x8: {  	s7 =	sadd.s32 $0x80200, s9;
	s8 =	sadd.s32 $0x85600, s9;
	s16 =	smul.u32 $0x4F000, s3  }
0x9: {  	s31 =	sshll.u32 s3, $0x6;
	_ =	strace $0x80000050;
	s11 =	smul.u32 $0x27800, s12  }
0xa: {  	s13 =	ssub.s32 $0x2, s12;
	p0 =	seq.s32 s12, $0x1;
	s17 =	sadd.s32 s10, s9  }
0xb: {  	s29 =	sshrl.u32 s13, $0x1;
	s30 =	sshrl.u32 s16, $0x2;
	s4 =	smov.u32 @p0 s14  }
0xc: {  	s5 =	smov.u32 @p0 s15;
	s15 =	simm.s32 $0x2;
	s10 =	sadd.s32 s10, s11  }
0xd: {  	s13 =	ssub.s32 s13, s29;
	s16 =	sadd.s32 s30, s1;
	s11 =	smul.u32 $0x2710, s3  }
0xe: {  	s18 =	sadd.s32 s10, s9;
	s9 =	sadd.s32 $0x9400, s17;
	s10 =	sor.u32 $0x1C02, s31  }
0xf: {  	s13 =	smax.u32 s13, $0x1;
	s14 =	sshrl.u32 s16, $0x3;
	s16 =	simm.s32 $0x80  }
0x10: {  	s17 =	simm.s32 $0x100;
	s12 =	sadd.s32 $0xC3A00, s18;
	s18 =	simm.s32 $0x50  }
.LBB2_1:
0x11: {  	[spmem:s14], [sflag:s10] =	dma.local [hbm:s9], $0x2780  }
0x12: {  	_ =	swait.ge [sflag:s15], $0x2780  }
0x13: {  	[sflag:s15] =	ssyncset.done $0x0  }
0x14: {  	[sflag:s15] =	ssyncadd.s32 $0xFFFFD880  }
0x15: {  	s22 =	simm.s32 $0x0;
	[bflag:$0x0] =	sbarrier.arrive $0xFFFF  }
.LBB2_2:
0x16: {  	s23 =	smul.u32 $0x50, s22;
	_ =	sdelay $0x1  }
0x17: {  	s23 =	sadd.s32 s11, s23  }
0x18: {  	s23 =	sshrl.u32 s23, $0x3  }
0x19: {  	s25 =	simm.s32 $0x0;
	s24 =	sadd.s32 s6, s23  }
0x1a: {  	[tilespmem:s25], [sflag:$0x2] =	stream.linear.gather [hbm4b:s24+s25], $0x50, $0x38;
	[tilespmem:$0x18D80] =	vst v63  }
0x1b: {  	_ =	swait.ge [sflag:s15], $0x50  }
0x1c: {  	[sflag:s15] =	ssyncset.done $0x0  }
0x1d: {  	s31 =	sadd.s32 s7, s23;
	[sflag:s15] =	ssyncadd.s32 $0xFFFFFFB0  }
0x1e: {  	[tilespmem:s16], [sflag:$0x2] =	stream.linear.gather [hbm4b:s31+s25], $0x50, $0x38;
	[tilespmem:$0x18D80] =	vst v63  }
0x1f: {  	_ =	swait.ge [sflag:s15], $0x50  }
0x20: {  	[sflag:s15] =	ssyncset.done $0x0  }
0x21: {  	s23 =	sadd.s32 s8, s23;
	[sflag:s15] =	ssyncadd.s32 $0xFFFFFFB0  }
0x22: {  	[tilespmem:s17], [sflag:$0x2] =	stream.linear.gather [hbm4b:s23+s25], $0x50, $0x38;
	[tilespmem:$0x18D80] =	vst v63  }
0x23: {  	_ =	swait.ge [sflag:s15], $0x50  }
0x24: {  	[sflag:s15] =	ssyncset.done $0x0  }
0x25: {  	[sflag:s15] =	ssyncadd.s32 $0xFFFFFFB0  }
0x26: {  	[tilespmem:s19], [sflag:$0x1] =	stream.indirect.gather [hbm4b:s4+s18], $0x80, s25, s18, $0xb8;
	[tilespmem:$0x18D80] =	vst v63  }
0x27: {  	_ =	swait.ge [sflag:s20], $0x2800  }
0x28: {  	[sflag:s20] =	ssyncset.done $0x0  }
0x29: {  	[sflag:s20] =	ssyncadd.s32 $0xFFFFD800  }
0x2a: {  	[tilespmem:s21], [sflag:$0x1] =	stream.indirect.gather [hbm4b:s5+s18], $0x80, s16, s18, $0xb8;
	[tilespmem:$0x18D80] =	vst v63  }
0x2b: {  	_ =	swait.ge [sflag:s20], $0x2800  }
0x2c: {  	[sflag:s20] =	ssyncset.done $0x0  }
0x2d: {  	s23 =	simm.s32 $0x0;
	[sflag:s20] =	ssyncadd.s32 $0xFFFFD800  }
0x2e: {  	v6 =	vld [tilespmem:s23+$0x2980]  }
0x2f: {  	v11 =	vld [tilespmem:s23+$0x2990]  }
0x30: {  	v5 =	vld [tilespmem:s23+$0x29A0]  }
0x31: {  	v4 =	vld [tilespmem:s23+$0x29B0]  }
0x32: {  	v3 =	vld [tilespmem:s23+$0x29C0]  }
0x33: {  	v2 =	vld [tilespmem:s23+$0x29D0]  }
0x34: {  	v1 =	vld [tilespmem:s23+$0x29E0]  }
0x35: {  	v0 =	vld [tilespmem:s23+$0x29F0]  }
0x36: {  	v12 =	vld [tilespmem:s23+$0x180]  }
0x37: {  	v13 =	vld [tilespmem:s23+$0x190]  }
0x38: {  	v10 =	vld [tilespmem:s23+$0x1A0]  }
0x39: {  	v9 =	vld [tilespmem:s23+$0x1B0]  }
0x3a: {  	v8 =	vld [tilespmem:s23+$0x1C0]  }
0x3b: {  	v7 =	vld [tilespmem:s23+$0x1D0];
	v12 =	vadd.f32 v6, v12  }
0x3c: {  	s24 =	simm.s32 $0x200;
	v11 =	vadd.f32 v11, v13;
	v6 =	vld [tilespmem:s23+$0x1E0]  }
.LBB2_3:
0x3d: {  	s25 =	sshra.s32 s24, $0x2;
	p0 =	sne.s32 s24, $0x9E00;
	v12 =	vmax.f32 v12, $0.0e+00;
	v5 =	vadd.f32 v5, v10;
	v10 =	vld [tilespmem:s23+$0x1F0]  }
0x3e: {  	v13 =	vld [tilespmem:s25+$0x2980];
	[tilespmem:s23+$0x180] =	vst v12;
	v11 =	vmax.f32 v11, $0.0e+00;
	v4 =	vadd.f32 v4, v9  }
0x3f: {  	v14 =	vld [tilespmem:s25+$0x2990];
	[tilespmem:s23+$0x190] =	vst v11;
	v9 =	vmax.f32 v5, $0.0e+00;
	v3 =	vadd.f32 v3, v8  }
0x40: {  	v5 =	vld [tilespmem:s25+$0x29A0];
	[tilespmem:s23+$0x1A0] =	vst v9;
	v8 =	vmax.f32 v4, $0.0e+00;
	v2 =	vadd.f32 v2, v7  }
0x41: {  	v4 =	vld [tilespmem:s25+$0x29B0];
	[tilespmem:s23+$0x1B0] =	vst v8;
	v7 =	vmax.f32 v3, $0.0e+00;
	v1 =	vadd.f32 v1, v6  }
0x42: {  	v3 =	vld [tilespmem:s25+$0x29C0];
	[tilespmem:s23+$0x1C0] =	vst v7;
	v6 =	vmax.f32 v2, $0.0e+00;
	v0 =	vadd.f32 v0, v10  }
0x43: {  	v2 =	vld [tilespmem:s25+$0x29D0];
	[tilespmem:s23+$0x1D0] =	vst v6;
	v6 =	vmax.f32 v1, $0.0e+00  }
0x44: {  	v1 =	vld [tilespmem:s25+$0x29E0];
	[tilespmem:s23+$0x1E0] =	vst v6;
	v6 =	vmax.f32 v0, $0.0e+00  }
0x45: {  	v0 =	vld [tilespmem:s25+$0x29F0];
	[tilespmem:s23+$0x1F0] =	vst v6;
	s23 =	smov.u32 s25  }
0x46: {  	v6 =	vld [tilespmem:s23+$0x180]  }
0x47: {  	v11 =	vld [tilespmem:s23+$0x190]  }
.Ltmp0:
0x48: {  	v10 =	vld [tilespmem:s23+$0x1A0];
	(pc) =	sbr.rel @p0 .LBB2_3-.Ltmp0, $4  }
0x49: {  	v9 =	vld [tilespmem:s23+$0x1B0]  }
0x4a: {  	v8 =	vld [tilespmem:s23+$0x1C0]  }
0x4b: {  	v12 =	vadd.f32 v13, v6;
	v7 =	vld [tilespmem:s23+$0x1D0]  }
0x4c: {  	s24 =	sadd.s32 $0x200, s24;
	v11 =	vadd.f32 v14, v11;
	v6 =	vld [tilespmem:s23+$0x1E0]  }
0x4d: {  	v12 =	vmax.f32 v12, $0.0e+00;
	v5 =	vadd.f32 v5, v10;
	v63 =	vld [tilespmem:s23+$0x1F0]  }
0x4e: {  	[tilespmem:s23+$0x180] =	vst v12;
	v11 =	vmax.f32 v11, $0.0e+00;
	v4 =	vadd.f32 v4, v9  }
0x4f: {  	[tilespmem:s23+$0x190] =	vst v11;
	v5 =	vmax.f32 v5, $0.0e+00;
	v3 =	vadd.f32 v3, v8  }
0x50: {  	[tilespmem:s23+$0x1A0] =	vst v5;
	v4 =	vmax.f32 v4, $0.0e+00;
	v2 =	vadd.f32 v2, v7  }
0x51: {  	[tilespmem:s23+$0x1B0] =	vst v4;
	v3 =	vmax.f32 v3, $0.0e+00;
	v1 =	vadd.f32 v1, v6  }
0x52: {  	[tilespmem:s23+$0x1C0] =	vst v3;
	v2 =	vmax.f32 v2, $0.0e+00;
	v0 =	vadd.f32 v0, v63  }
0x53: {  	s22 =	sadd.s32 $0x1, s22;
	[tilespmem:s23+$0x1D0] =	vst v2;
	v1 =	vmax.f32 v1, $0.0e+00  }
0x54: {  	p0 =	sne.s32 s22, $0x7D;
	[tilespmem:s23+$0x1E0] =	vst v1;
	v0 =	vmax.f32 v0, $0.0e+00  }
.Ltmp1:
0x55: {  	[tilespmem:s23+$0x1F0] =	vst v0;
	(pc) =	sbr.rel @p0 .LBB2_2-.Ltmp1, $4  }
0x56: {  	[spmem:s1] =	stream.indirect.scatter.add.f32 [tilespmem:s19], [sflag:$0x2], $0x80, s17, s18, $0xb8;
	[tilespmem:$0x18D80] =	vst v63  }
0x57: {  	_ =	swait.ge [sflag:s15], $0x2800  }
0x58: {  	[sflag:s15] =	ssyncset.done $0x0  }
0x59: {  	[sflag:s15] =	ssyncadd.s32 $0xFFFFD800  }
0x5a: {  	s2 =	sadd.s32 $0x1, s2  }
0x5b: {  	p0 =	sne.s32 s2, s13  }
.Ltmp2:
0x5c: {  	[bflag:$0x0] =	sbarrier.arrive $0xFFFF;
	(pc) =	sbr.rel @p0 .LBB2_1-.Ltmp2, $4  }
0x5d: {  	[hbm:s12], [sflag:s10] =	dma.local [spmem:s14], $0x2780  }
0x5e: {  	_ =	swait.ge [sflag:s15], $0x2780  }
0x5f: {  	[sflag:s15] =	ssyncset.done $0x0  }
0x60: {  	[sflag:s15] =	ssyncadd.s32 $0xFFFFD880  }
0x61: {  	_ =	sfence.sel $0x180000  }
0x62: {  	[bflag:$0x0] =	sbarrier.arrive $0xFFFF  }
0x63: {  	p0 =	sne.s32 s3, $0x0;
	_ =	strace $0x90000050  }
0x64: {  	s0 =	sadd.s32 @!p0 $0x100000, s0;
	[bflag:$0x2] =	sbarrier.arrive $0xFFFF  }
0x65: {  	[sflag:s0] =	ssyncadd.tile.s32 @!p0 $0x1;
	_ =	shalt  }
.Lfunc_end2:
_tile_overlayer_lowered:
.L_overlay_start_2:
0x66: {  	(tag) =	ssettag $0x2  }
0x67: {  	s0 =	rddreg [dreg:$0x0];
	s2 =	stileid.u32  }
0x68: {  	s1 =	rddreg [dreg:$0x1];
	p0 =	sne.s32 s2, $0x0  }
0x69: {  	s3 =	rddreg [dreg:$0x2];
	[bflag:$0x3] =	sbarrier.arrive $0xFFFF;
	s2 =	simm.s32 @!p0 $0x1C02  }
0x6a: {  	[timem:s3], [sflag:s2] =	dma.local @!p0 [hbm:s0], s1  }
0x6b: {  	s0 =	simm.s32 @!p0 $0x2  }
0x6c: {  	_ =	swait.ge @!p0 [sflag:s0], s1  }
0x6d: {  	s1 =	ssub.s32 @!p0 $0x0, s1;
	[sflag:s0] =	ssyncset.done @!p0 $0x0  }
0x6e: {  	[sflag:s0] =	ssyncadd.s32 @!p0 s1  }
0x6f: {  	[bflag:$0x3] =	sbarrier.arrive $0xFFFF  }
0x70: {  	_ =	shalt  }

// kernel: kernel.28.cloned.1.call-start
scs
__scs_entry_jumppad:
0x0: {  	(pc) =	sbr.rel $0x88, $3  }
0x1: {  	(tag) =	ssettag $0x0;
	lr =	simm.s32 $0x1  }
0x2: {  	[smem:$0x3F8E] =	sst lr;
	_ =	strace $0xD0000000  }
0x3: {  	_ = 	snop  }
0x4: {  	_ = 	snop  }
0x5: {  	_ = 	snop  }
0x6: {  	_ = 	snop  }
0x7: {  	_ = 	snop  }
__scs_overlays_trampoline_lowered:
0x8: {  	[smem:$0x3F9D] =	sst s0  }
0x9: {  	[smem:$0x3F9E] =	sst s1  }
0xa: {  	[smem:$0x3F9F] =	sst s2  }
0xb: {  	[smem:$0x3FA0] =	sst s3  }
0xc: {  	[smem:$0x3FA1] =	sst s4  }
0xd: {  	[smem:$0x3FA2] =	sst s5  }
0xe: {  	[smem:$0x3FA3] =	sst s6  }
0xf: {  	[smem:$0x3FA4] =	sst s7  }
0x10: {  	[smem:$0x3FA5] =	sst s8  }
0x11: {  	[smem:$0x3FA6] =	sst s9;
	s0 =	simm.s32 @!p0 $0x0  }
0x12: {  	s1 =	sld [smem:$0x3F8C];
	s0 =	simm.s32 @p0 $0x1  }
0x13: {  	[smem:$0x3FA7] =	sst s0;
	s0 =	simm.s32 @!p1 $0x0  }
0x14: {  	s2 =	sld [smem:$0x3F8B];
	s0 =	simm.s32 @p1 $0x1  }
0x15: {  	[smem:$0x3FA8] =	sst s0;
	s0 =	simm.s32 @!p2 $0x0  }
0x16: {  	s3 =	sld [smem:$0x3FDB];
	s0 =	simm.s32 @p2 $0x1  }
0x17: {  	s4 =	simm.s32 $0x1BF5;
	[smem:$0x3FAA] =	sst s0  }
0x18: {  	s0 =	sld [smem:$0x3F8D];
	_ =	swait.ge [sflag:s4], $0x0  }
0x19: {  	s7 =	sld [smem:$0x3F8E]  }
0x1a: {  	s8 =	sadd.s32 $0xFFFFE003, lr  }
0x1b: {  	s9 =	sadd.s32 $0xFFFFFEF7, lr;
	s5 =	simm.s32 $0xFFFFFFFF;
	p2 =	slt.u32 s8, $0xFFFFF086  }
0x1c: {  	p1 =	slt.u32 s9, $0xF7A;
	s5 =	simm.s32 @!p2 $0x0  }
0x1d: {  	s5 =	simm.s32 @p1 $0x1;
	p0 =	seq.s32 s7, s2  }
0x1e: {  	s7 =	smul.u32 @!p0 $0xF7A, s2;
	p2 =	seq.s32 @!p0 s5, $0x0  }
0x1f: {  	s9 =	smul.u32 $0xF7A, s1;
	s8 =	simm.s32 @!p0 $0x1BF5;
	p2 =	por !p2, p0  }
0x20: {  	[sflag:s8] =	ssyncset.s32 @!p0 $0xFFFFF086;
	s6 =	sadd.s32 @!p0 s3, s7;
	s7 =	simm.s32 @!p0 $0x108  }
0x21: {  	s3 =	sadd.s32 s3, s9;
	s6 =	sadd.s32 @!p0 $0x88, s6;
	s7 =	simm.s32 @p2 $0x1082  }
0x22: {  	[simem:s7], [sflag:s8] =	dma.local @!p0 [hbm:s6], $0xF7A  }
0x23: {  	s9 =	sor.u32 $0xD0000000, s2;
	s6 =	simm.s32 $0x108;
	_ =	swait.ge @!p0 [sflag:s8], $0x0  }
0x24: {  	s3 =	sadd.s32 $0x88, s3;
	s6 =	simm.s32 @!p1 $0x1082;
	[sflag:s4] =	ssyncset.s32 $0xFFFFF086  }
0x25: {  	[simem:s6], [sflag:s4] =	dma.local [hbm:s3], $0xF7A  }
0x26: {  	[smem:$0x3F8E] =	sst s1;
	(tag) =	ssettag s2;
	_ =	strace s9  }
0x27: {  	s1 =	sld [smem:$0x3F9E]  }
0x28: {  	s2 =	sld [smem:$0x3F9F]  }
0x29: {  	s4 =	sld [smem:$0x3FA1]  }
0x2a: {  	p0 =	seq.s32 s5, $0x0;
	s5 =	sld [smem:$0x3FA2]  }
0x2b: {  	s6 =	sld [smem:$0x3FA3]  }
0x2c: {  	s7 =	sld [smem:$0x3FA4]  }
0x2d: {  	s3 =	simm.s32 $0x108;
	s8 =	sld [smem:$0x3FA5]  }
0x2e: {  	s3 =	simm.s32 @!p0 $0x1082;
	s9 =	sld [smem:$0x3FA6]  }
0x2f: {  	lr =	sadd.s32 s0, s3;
	s0 =	sld [smem:$0x3F9D]  }
0x30: {  	s3 =	sld [smem:$0x3FA0]  }
0x31: {  	[smem:$0x3FA9] =	sst s10  }
0x32: {  	s10 =	sld [smem:$0x3FA7];
	_ =	sdelay $0x3  }
0x33: {  	p0 =	seq.s32 s10, $0x1;
	s10 =	sld [smem:$0x3FA9];
	_ =	sdelay $0x3  }
0x34: {  	[smem:$0x3FA9] =	sst s10  }
0x35: {  	s10 =	sld [smem:$0x3FA8];
	_ =	sdelay $0x3  }
0x36: {  	p1 =	seq.s32 s10, $0x1;
	s10 =	sld [smem:$0x3FA9];
	_ =	sdelay $0x3  }
0x37: {  	[smem:$0x3FA9] =	sst s10  }
0x38: {  	s10 =	sld [smem:$0x3FAA]  }
0x39: {  	_ = 	snop;
	(pc) =	sbr.ind lr, $3  }
0x3a: {  	_ = 	snop  }
0x3b: {  	_ = 	snop  }
0x3c: {  	p2 =	seq.s32 s10, $0x1;
	s10 =	sld [smem:$0x3FA9]  }
0x3d: {  	_ =	shalt  }
0x3e: {  	_ =	shalt  }
0x3f: {  	_ =	shalt  }
0x40: {  	_ =	shalt  }
0x41: {  	_ =	shalt  }
0x42: {  	_ =	shalt  }
0x43: {  	_ =	shalt  }
0x44: {  	_ =	shalt  }
0x45: {  	_ =	shalt  }
0x46: {  	_ =	shalt  }
0x47: {  	_ =	shalt  }
0x48: {  	_ =	shalt  }
0x49: {  	_ =	shalt  }
0x4a: {  	_ =	shalt  }
0x4b: {  	_ =	shalt  }
0x4c: {  	_ =	shalt  }
0x4d: {  	_ =	shalt  }
0x4e: {  	_ =	shalt  }
0x4f: {  	_ =	shalt  }
0x50: {  	_ =	shalt  }
0x51: {  	_ =	shalt  }
0x52: {  	_ =	shalt  }
0x53: {  	_ =	shalt  }
0x54: {  	_ =	shalt  }
0x55: {  	_ =	shalt  }
0x56: {  	_ =	shalt  }
0x57: {  	_ =	shalt  }
0x58: {  	_ =	shalt  }
0x59: {  	_ =	shalt  }
0x5a: {  	_ =	shalt  }
0x5b: {  	_ =	shalt  }
0x5c: {  	_ =	shalt  }
0x5d: {  	_ =	shalt  }
0x5e: {  	_ =	shalt  }
0x5f: {  	_ =	shalt  }
0x60: {  	_ =	shalt  }
0x61: {  	_ =	shalt  }
0x62: {  	_ =	shalt  }
0x63: {  	_ =	shalt  }
0x64: {  	_ =	shalt  }
0x65: {  	_ =	shalt  }
0x66: {  	_ =	shalt  }
0x67: {  	_ =	shalt  }
0x68: {  	_ =	shalt  }
0x69: {  	_ =	shalt  }
0x6a: {  	_ =	shalt  }
0x6b: {  	_ =	shalt  }
0x6c: {  	_ =	shalt  }
0x6d: {  	_ =	shalt  }
0x6e: {  	_ =	shalt  }
0x6f: {  	_ =	shalt  }
0x70: {  	_ =	shalt  }
0x71: {  	_ =	shalt  }
0x72: {  	_ =	shalt  }
0x73: {  	_ =	shalt  }
0x74: {  	_ =	shalt  }
0x75: {  	_ =	shalt  }
0x76: {  	_ =	shalt  }
0x77: {  	_ =	shalt  }
0x78: {  	_ =	shalt  }
0x79: {  	_ =	shalt  }
0x7a: {  	_ =	shalt  }
0x7b: {  	_ =	shalt  }
0x7c: {  	_ =	shalt  }
0x7d: {  	_ =	shalt  }
0x7e: {  	_ =	shalt  }
0x7f: {  	_ =	shalt  }
0x80: {  	_ =	shalt  }
0x81: {  	_ =	shalt  }
0x82: {  	_ =	shalt  }
0x83: {  	_ =	shalt  }
0x84: {  	_ =	shalt  }
0x85: {  	_ =	shalt  }
0x86: {  	_ =	shalt  }
0x87: {  	_ =	shalt  }
.Lfunc_end0:
.L_simem_size_0:
called_computation.4_lowered:
.L_overlay_start_0:
0x88: {  	s2 =	sld [smem:$0x3FD9]  }
0x89: {  	s3 =	sld [smem:$0x3FFE];
	_ =	sdelay $0x1  }
0x8a: {  	s1 =	srdreg.scid  }
0x8b: {  	s0 =	sand.u32 $0x1, s1  }
0x8c: {  	s16 =	sshll.u32 s0, $0xA;
	s2 =	sadd.s32 s3, s2  }
0x8d: {  	s2 =	sadd.s32 s2, s16  }
0x8e: {  	[smem:$0x3FB5] =	sst s2  }
0x8f: {  	_ = 	snop  }
0x90: {  	(tm) =	ssettm $0x1  }
0x91: {  	s17 =	sld [smem:$0x3FFB];
	_ =	sdelay $0x3  }
0x92: {  	_ =	strace s17  }
0x93: {  	s2 =	sld [smem:$0x3FFC];
	_ =	sdelay $0x3  }
0x94: {  	_ =	strace s2  }
0x95: {  	s2 =	sld [smem:$0x3FFD];
	_ =	sdelay $0x3  }
0x96: {  	_ =	strace s2  }
0x97: {  	_ =	strace $0x8FFFFFFF  }
0x98: {  	s18 =	sld [smem:$0x3FDB];
	_ =	sdelay $0x1  }
0x99: {  	s19 =	simm.s32 $_scs_section_size  }
0x9a: {  	s4 =	simm.s32 $_size__tile_overlayer_lowered;
	s5 =	simm.s32 $_tile_overlayer_lowered  }
0x9b: {  	s22 =	simm.s32 $0x1BFF;
	s21 =	sshll.u32 s5, $0x1;
	s2 =	sadd.s32 s19, s18  }
0x9c: {  	s6 =	simm.s32 $0x0;
	s20 =	sshll.u32 s4, $0x1;
	s4 =	sadd.s32 s21, s2  }
0x9d: {  	[timem:s6], [sflag:s22] =	dma.local [hbm:s4], s20  }
0x9e: {  	_ =	swait.ge [sflag:s22], s20  }
0x9f: {  	s3 =	ssub.s32 $0x0, s20;
	[sflag:s22] =	ssyncset.done $0x0  }
0xa0: {  	[sflag:s22] =	ssyncadd.s32 s3;
	_ =	sdelay $0x1  }
0xa1: {  	s23 =	simm.s32 $0x1B8B  }
0xa2: {  	_ =	swait.ge [sflag:s23], $0x1  }
0xa3: {  	[sflag:s23] =	ssyncset.done $0x0  }
0xa4: {  	s25 =	simm.s32 $0x1B8E;
	s24 =	sld [smem:$0x3FFE];
	[sflag:s23] =	ssyncadd.s32 $0xFFFFFFFF  }
0xa5: {  	s26 =	simm.s32 $execute0_lowered;
	[smem:$0x3FD2] =	sst s25  }
0xa6: {  	s4 =	sshll.u32 s26, $0x1;
	_ =	strace $0x80000052;
	[dreg:$0x1] =	wrdreg $0xFFFFFFFF  }
0xa7: {  	s28 =	simm.s32 $_size_execute0_lowered;
	s2 =	sadd.s32 s2, s4;
	[dreg:$0x0] =	wrdreg $0x0  }
0xa8: {  	s4 =	sshll.u32 s28, $0x1;
	[dreg:$0x2] =	wrdreg s2  }
0xa9: {  	[dreg:$0x3] =	wrdreg s4  }
0xaa: {  	[dreg:$0x4] =	wrdreg $0xC0  }
0xab: {  	_ =	task [dreg:s6], $0x5FFFF  }
0xac: {  	[dreg:$0x1] =	wrdreg $0xFFFFFFFF  }
0xad: {  	[dreg:$0x0] =	wrdreg $0x60  }
0xae: {  	[dreg:$0x2] =	wrdreg s24  }
0xaf: {  	[dreg:$0x3] =	wrdreg $0x51800  }
0xb0: {  	[dreg:$0x4] =	wrdreg $0x9  }
0xb1: {  	_ =	task.clear_ibuf [dreg:s6], $0x5FFFF;
	_ =	strace $0x90000052  }
0xb2: {  	s29 =	simm.s32 $0x9;
	_ =	strace $0x80000054  }
0xb3: {  	_ =	swait.ge [sflag:s29], $0x1  }
0xb4: {  	[sflag:s29] =	ssyncadd.s32 $0xFFFFFFFF  }
0xb5: {  	_ =	strace $0x90000054  }
0xb6: {  	_ =	sfence  }
0xb7: {  	s30 =	sld [smem:$0x0];
	_ =	sdelay $0x2  }
0xb8: {  	s31 =	sshll.u32 s1, $0xD;
	s1 =	sshrl.u32 s1, $0x2  }
0xb9: {  	s3 =	sand.u32 $0x4000, s31;
	s1 =	sadd.s32 s1, s30  }
0xba: {  	s0 =	sor.u32 s3, s0;
	s1 =	sshll.u32 s1, $0x11  }
0xbb: {  	s0 =	sor.u32 s1, s0  }
0xbc: {  	s0 =	sadd.s32 $0x8F2B, s0  }
0xbd: {  	[sflag:s0] =	ssyncadd.remote.s32 $0x1  }
0xbe: {  	_ =	sfence.sel $0xFFFF  }
0xbf: {  	[dreg:$0x0] =	wrdreg $0xFFFFFFFF;
	(pc) =	sbr.abs _section_cstart, $3  }
0xc0: {  	[dreg:$0x1] =	wrdreg $0xFFFFFFFF  }
0xc1: {  	_ =	task.clear_ibuf [dreg:s6], $0x2FFFF;
	_ =	strace $0x9FFFFFFF  }
0xc2: {  	(tm) =	ssettm $0x7FFFFFFF  }
0xc3: {  	_ =	shalt  }
tec
execute0_lowered:
.L_overlay_start_1:
0x0: {  	(tag) =	ssettag $0x1  }
0x1: {  	s9 =	rddreg [dreg:$0x0]  }
0x2: {  	s1 =	rddreg [dreg:$0x1]  }
0x3: {  	s0 =	rddreg [dreg:$0x2];
	s2 =	simm.s32 $0x0;
	s3 =	stileid.u32  }
0x4: {  	s6 =	srdreg.scid;
	s19 =	simm.s32 $0x180;
	s20 =	simm.s32 $0x1  }
0x5: {  	s21 =	simm.s32 $0x2980;
	[smem:$0x7FF] =	sst s2;
	s4 =	sadd.s32 $0x30C00, s9  }
0x6: {  	s14 =	sadd.s32 $0x8F600, s9;
	s5 =	sadd.s32 $0x85400, s9;
	s15 =	sadd.s32 $0x85200, s9  }
0x7: {  	s10 =	smul.u32 $0x2780, s3;
	s12 =	sand.u32 $0x1, s6;
	s6 =	sadd.s32 $0x8A600, s9  }
0x8: {  	s7 =	sadd.s32 $0x80200, s9;
	s8 =	sadd.s32 $0x85600, s9;
	s16 =	smul.u32 $0x4F000, s3  }
0x9: {  	s31 =	sshll.u32 s3, $0x6;
	_ =	strace $0x80000053;
	s11 =	smul.u32 $0x27800, s12  }
0xa: {  	s13 =	ssub.s32 $0x2, s12;
	p0 =	seq.s32 s12, $0x1;
	s17 =	sadd.s32 s10, s9  }
0xb: {  	s29 =	sshrl.u32 s13, $0x1;
	s30 =	sshrl.u32 s16, $0x2;
	s4 =	smov.u32 @p0 s14  }
0xc: {  	s5 =	smov.u32 @p0 s15;
	s15 =	simm.s32 $0x2;
	s10 =	sadd.s32 s10, s11  }
0xd: {  	s13 =	ssub.s32 s13, s29;
	s16 =	sadd.s32 s30, s1;
	s11 =	smul.u32 $0x2710, s3  }
0xe: {  	s18 =	sadd.s32 s10, s9;
	s9 =	sadd.s32 $0x9400, s17;
	s10 =	sor.u32 $0x1C02, s31  }
0xf: {  	s13 =	smax.u32 s13, $0x1;
	s14 =	sshrl.u32 s16, $0x3;
	s16 =	simm.s32 $0x80  }
0x10: {  	s17 =	simm.s32 $0x100;
	s12 =	sadd.s32 $0xC3A00, s18;
	s18 =	simm.s32 $0x50  }
.LBB2_1:
0x11: {  	[spmem:s14], [sflag:s10] =	dma.local [hbm:s9], $0x2780  }
0x12: {  	_ =	swait.ge [sflag:s15], $0x2780  }
0x13: {  	[sflag:s15] =	ssyncset.done $0x0  }
0x14: {  	[sflag:s15] =	ssyncadd.s32 $0xFFFFD880  }
0x15: {  	s22 =	simm.s32 $0x0;
	[bflag:$0x0] =	sbarrier.arrive $0xFFFF  }
.LBB2_2:
0x16: {  	s23 =	smul.u32 $0x50, s22;
	_ =	sdelay $0x1  }
0x17: {  	s23 =	sadd.s32 s11, s23  }
0x18: {  	s23 =	sshrl.u32 s23, $0x3  }
0x19: {  	s25 =	simm.s32 $0x0;
	s24 =	sadd.s32 s6, s23  }
0x1a: {  	[tilespmem:s25], [sflag:$0x2] =	stream.linear.gather [hbm4b:s24+s25], $0x50, $0x38;
	[tilespmem:$0x18D80] =	vst v63  }
0x1b: {  	_ =	swait.ge [sflag:s15], $0x50  }
0x1c: {  	[sflag:s15] =	ssyncset.done $0x0  }
0x1d: {  	s31 =	sadd.s32 s7, s23;
	[sflag:s15] =	ssyncadd.s32 $0xFFFFFFB0  }
0x1e: {  	[tilespmem:s16], [sflag:$0x2] =	stream.linear.gather [hbm4b:s31+s25], $0x50, $0x38;
	[tilespmem:$0x18D80] =	vst v63  }
0x1f: {  	_ =	swait.ge [sflag:s15], $0x50  }
0x20: {  	[sflag:s15] =	ssyncset.done $0x0  }
0x21: {  	s23 =	sadd.s32 s8, s23;
	[sflag:s15] =	ssyncadd.s32 $0xFFFFFFB0  }
0x22: {  	[tilespmem:s17], [sflag:$0x2] =	stream.linear.gather [hbm4b:s23+s25], $0x50, $0x38;
	[tilespmem:$0x18D80] =	vst v63  }
0x23: {  	_ =	swait.ge [sflag:s15], $0x50  }
0x24: {  	[sflag:s15] =	ssyncset.done $0x0  }
0x25: {  	[sflag:s15] =	ssyncadd.s32 $0xFFFFFFB0  }
0x26: {  	[tilespmem:s19], [sflag:$0x1] =	stream.indirect.gather [hbm4b:s4+s18], $0x80, s25, s18, $0xb8;
	[tilespmem:$0x18D80] =	vst v63  }
0x27: {  	_ =	swait.ge [sflag:s20], $0x2800  }
0x28: {  	[sflag:s20] =	ssyncset.done $0x0  }
0x29: {  	[sflag:s20] =	ssyncadd.s32 $0xFFFFD800  }
0x2a: {  	[tilespmem:s21], [sflag:$0x1] =	stream.indirect.gather [hbm4b:s5+s18], $0x80, s16, s18, $0xb8;
	[tilespmem:$0x18D80] =	vst v63  }
0x2b: {  	_ =	swait.ge [sflag:s20], $0x2800  }
0x2c: {  	[sflag:s20] =	ssyncset.done $0x0  }
0x2d: {  	s23 =	simm.s32 $0x0;
	[sflag:s20] =	ssyncadd.s32 $0xFFFFD800  }
0x2e: {  	v6 =	vld [tilespmem:s23+$0x2980]  }
0x2f: {  	v11 =	vld [tilespmem:s23+$0x2990]  }
0x30: {  	v5 =	vld [tilespmem:s23+$0x29A0]  }
0x31: {  	v4 =	vld [tilespmem:s23+$0x29B0]  }
0x32: {  	v3 =	vld [tilespmem:s23+$0x29C0]  }
0x33: {  	v2 =	vld [tilespmem:s23+$0x29D0]  }
0x34: {  	v1 =	vld [tilespmem:s23+$0x29E0]  }
0x35: {  	v0 =	vld [tilespmem:s23+$0x29F0]  }
0x36: {  	v12 =	vld [tilespmem:s23+$0x180]  }
0x37: {  	v13 =	vld [tilespmem:s23+$0x190]  }
0x38: {  	v10 =	vld [tilespmem:s23+$0x1A0]  }
0x39: {  	v9 =	vld [tilespmem:s23+$0x1B0]  }
0x3a: {  	v8 =	vld [tilespmem:s23+$0x1C0]  }
0x3b: {  	v7 =	vld [tilespmem:s23+$0x1D0];
	v12 =	vadd.f32 v6, v12  }
0x3c: {  	s24 =	simm.s32 $0x200;
	v11 =	vadd.f32 v11, v13;
	v6 =	vld [tilespmem:s23+$0x1E0]  }
.LBB2_3:
0x3d: {  	s25 =	sshra.s32 s24, $0x2;
	p0 =	sne.s32 s24, $0x9E00;
	v12 =	vmax.f32 v12, $0.0e+00;
	v5 =	vadd.f32 v5, v10;
	v10 =	vld [tilespmem:s23+$0x1F0]  }
0x3e: {  	v13 =	vld [tilespmem:s25+$0x2980];
	[tilespmem:s23+$0x180] =	vst v12;
	v11 =	vmax.f32 v11, $0.0e+00;
	v4 =	vadd.f32 v4, v9  }
0x3f: {  	v14 =	vld [tilespmem:s25+$0x2990];
	[tilespmem:s23+$0x190] =	vst v11;
	v9 =	vmax.f32 v5, $0.0e+00;
	v3 =	vadd.f32 v3, v8  }
0x40: {  	v5 =	vld [tilespmem:s25+$0x29A0];
	[tilespmem:s23+$0x1A0] =	vst v9;
	v8 =	vmax.f32 v4, $0.0e+00;
	v2 =	vadd.f32 v2, v7  }
0x41: {  	v4 =	vld [tilespmem:s25+$0x29B0];
	[tilespmem:s23+$0x1B0] =	vst v8;
	v7 =	vmax.f32 v3, $0.0e+00;
	v1 =	vadd.f32 v1, v6  }
0x42: {  	v3 =	vld [tilespmem:s25+$0x29C0];
	[tilespmem:s23+$0x1C0] =	vst v7;
	v6 =	vmax.f32 v2, $0.0e+00;
	v0 =	vadd.f32 v0, v10  }
0x43: {  	v2 =	vld [tilespmem:s25+$0x29D0];
	[tilespmem:s23+$0x1D0] =	vst v6;
	v6 =	vmax.f32 v1, $0.0e+00  }
0x44: {  	v1 =	vld [tilespmem:s25+$0x29E0];
	[tilespmem:s23+$0x1E0] =	vst v6;
	v6 =	vmax.f32 v0, $0.0e+00  }
0x45: {  	v0 =	vld [tilespmem:s25+$0x29F0];
	[tilespmem:s23+$0x1F0] =	vst v6;
	s23 =	smov.u32 s25  }
0x46: {  	v6 =	vld [tilespmem:s23+$0x180]  }
0x47: {  	v11 =	vld [tilespmem:s23+$0x190]  }
.Ltmp0:
0x48: {  	v10 =	vld [tilespmem:s23+$0x1A0];
	(pc) =	sbr.rel @p0 .LBB2_3-.Ltmp0, $4  }
0x49: {  	v9 =	vld [tilespmem:s23+$0x1B0]  }
0x4a: {  	v8 =	vld [tilespmem:s23+$0x1C0]  }
0x4b: {  	v12 =	vadd.f32 v13, v6;
	v7 =	vld [tilespmem:s23+$0x1D0]  }
0x4c: {  	s24 =	sadd.s32 $0x200, s24;
	v11 =	vadd.f32 v14, v11;
	v6 =	vld [tilespmem:s23+$0x1E0]  }
0x4d: {  	v12 =	vmax.f32 v12, $0.0e+00;
	v5 =	vadd.f32 v5, v10;
	v63 =	vld [tilespmem:s23+$0x1F0]  }
0x4e: {  	[tilespmem:s23+$0x180] =	vst v12;
	v11 =	vmax.f32 v11, $0.0e+00;
	v4 =	vadd.f32 v4, v9  }
0x4f: {  	[tilespmem:s23+$0x190] =	vst v11;
	v5 =	vmax.f32 v5, $0.0e+00;
	v3 =	vadd.f32 v3, v8  }
0x50: {  	[tilespmem:s23+$0x1A0] =	vst v5;
	v4 =	vmax.f32 v4, $0.0e+00;
	v2 =	vadd.f32 v2, v7  }
0x51: {  	[tilespmem:s23+$0x1B0] =	vst v4;
	v3 =	vmax.f32 v3, $0.0e+00;
	v1 =	vadd.f32 v1, v6  }
0x52: {  	[tilespmem:s23+$0x1C0] =	vst v3;
	v2 =	vmax.f32 v2, $0.0e+00;
	v0 =	vadd.f32 v0, v63  }
0x53: {  	s22 =	sadd.s32 $0x1, s22;
	[tilespmem:s23+$0x1D0] =	vst v2;
	v1 =	vmax.f32 v1, $0.0e+00  }
0x54: {  	p0 =	sne.s32 s22, $0x7D;
	[tilespmem:s23+$0x1E0] =	vst v1;
	v0 =	vmax.f32 v0, $0.0e+00  }
.Ltmp1:
0x55: {  	[tilespmem:s23+$0x1F0] =	vst v0;
	(pc) =	sbr.rel @p0 .LBB2_2-.Ltmp1, $4  }
0x56: {  	[spmem:s1] =	stream.indirect.scatter.add.f32 [tilespmem:s19], [sflag:$0x2], $0x80, s17, s18, $0xb8;
	[tilespmem:$0x18D80] =	vst v63  }
0x57: {  	_ =	swait.ge [sflag:s15], $0x2800  }
0x58: {  	[sflag:s15] =	ssyncset.done $0x0  }
0x59: {  	[sflag:s15] =	ssyncadd.s32 $0xFFFFD800  }
0x5a: {  	s2 =	sadd.s32 $0x1, s2  }
0x5b: {  	p0 =	sne.s32 s2, s13  }
.Ltmp2:
0x5c: {  	[bflag:$0x0] =	sbarrier.arrive $0xFFFF;
	(pc) =	sbr.rel @p0 .LBB2_1-.Ltmp2, $4  }
0x5d: {  	[hbm:s12], [sflag:s10] =	dma.local [spmem:s14], $0x2780  }
0x5e: {  	_ =	swait.ge [sflag:s15], $0x2780  }
0x5f: {  	[sflag:s15] =	ssyncset.done $0x0  }
0x60: {  	[sflag:s15] =	ssyncadd.s32 $0xFFFFD880  }
0x61: {  	_ =	sfence.sel $0x180000  }
0x62: {  	[bflag:$0x0] =	sbarrier.arrive $0xFFFF  }
0x63: {  	p0 =	sne.s32 s3, $0x0;
	_ =	strace $0x90000053  }
0x64: {  	s0 =	sadd.s32 @!p0 $0x100000, s0;
	[bflag:$0x2] =	sbarrier.arrive $0xFFFF  }
0x65: {  	[sflag:s0] =	ssyncadd.tile.s32 @!p0 $0x1;
	_ =	shalt  }
.Lfunc_end2:
_tile_overlayer_lowered:
.L_overlay_start_2:
0x66: {  	(tag) =	ssettag $0x2  }
0x67: {  	s0 =	rddreg [dreg:$0x0];
	s2 =	stileid.u32  }
0x68: {  	s1 =	rddreg [dreg:$0x1];
	p0 =	sne.s32 s2, $0x0  }
0x69: {  	s3 =	rddreg [dreg:$0x2];
	[bflag:$0x3] =	sbarrier.arrive $0xFFFF;
	s2 =	simm.s32 @!p0 $0x1C02  }
0x6a: {  	[timem:s3], [sflag:s2] =	dma.local @!p0 [hbm:s0], s1  }
0x6b: {  	s0 =	simm.s32 @!p0 $0x2  }
0x6c: {  	_ =	swait.ge @!p0 [sflag:s0], s1  }
0x6d: {  	s1 =	ssub.s32 @!p0 $0x0, s1;
	[sflag:s0] =	ssyncset.done @!p0 $0x0  }
0x6e: {  	[sflag:s0] =	ssyncadd.s32 @!p0 s1  }
0x6f: {  	[bflag:$0x3] =	sbarrier.arrive $0xFFFF  }
0x70: {  	_ =	shalt  }

// kernel: kernel.31.cloned.1.call-start
scs
__scs_entry_jumppad:
0x0: {  	(pc) =	sbr.rel $0x88, $3  }
0x1: {  	(tag) =	ssettag $0x0;
	lr =	simm.s32 $0x1  }
0x2: {  	[smem:$0x3F8E] =	sst lr;
	_ =	strace $0xD0000000  }
0x3: {  	_ = 	snop  }
0x4: {  	_ = 	snop  }
0x5: {  	_ = 	snop  }
0x6: {  	_ = 	snop  }
0x7: {  	_ = 	snop  }
__scs_overlays_trampoline_lowered:
0x8: {  	[smem:$0x3F9D] =	sst s0  }
0x9: {  	[smem:$0x3F9E] =	sst s1  }
0xa: {  	[smem:$0x3F9F] =	sst s2  }
0xb: {  	[smem:$0x3FA0] =	sst s3  }
0xc: {  	[smem:$0x3FA1] =	sst s4  }
0xd: {  	[smem:$0x3FA2] =	sst s5  }
0xe: {  	[smem:$0x3FA3] =	sst s6  }
0xf: {  	[smem:$0x3FA4] =	sst s7  }
0x10: {  	[smem:$0x3FA5] =	sst s8  }
0x11: {  	[smem:$0x3FA6] =	sst s9;
	s0 =	simm.s32 @!p0 $0x0  }
0x12: {  	s1 =	sld [smem:$0x3F8C];
	s0 =	simm.s32 @p0 $0x1  }
0x13: {  	[smem:$0x3FA7] =	sst s0;
	s0 =	simm.s32 @!p1 $0x0  }
0x14: {  	s2 =	sld [smem:$0x3F8B];
	s0 =	simm.s32 @p1 $0x1  }
0x15: {  	[smem:$0x3FA8] =	sst s0;
	s0 =	simm.s32 @!p2 $0x0  }
0x16: {  	s3 =	sld [smem:$0x3FDB];
	s0 =	simm.s32 @p2 $0x1  }
0x17: {  	s4 =	simm.s32 $0x1BF5;
	[smem:$0x3FAA] =	sst s0  }
0x18: {  	s0 =	sld [smem:$0x3F8D];
	_ =	swait.ge [sflag:s4], $0x0  }
0x19: {  	s7 =	sld [smem:$0x3F8E]  }
0x1a: {  	s8 =	sadd.s32 $0xFFFFE003, lr  }
0x1b: {  	s9 =	sadd.s32 $0xFFFFFEF7, lr;
	s5 =	simm.s32 $0xFFFFFFFF;
	p2 =	slt.u32 s8, $0xFFFFF086  }
0x1c: {  	p1 =	slt.u32 s9, $0xF7A;
	s5 =	simm.s32 @!p2 $0x0  }
0x1d: {  	s5 =	simm.s32 @p1 $0x1;
	p0 =	seq.s32 s7, s2  }
0x1e: {  	s7 =	smul.u32 @!p0 $0xF7A, s2;
	p2 =	seq.s32 @!p0 s5, $0x0  }
0x1f: {  	s9 =	smul.u32 $0xF7A, s1;
	s8 =	simm.s32 @!p0 $0x1BF5;
	p2 =	por !p2, p0  }
0x20: {  	[sflag:s8] =	ssyncset.s32 @!p0 $0xFFFFF086;
	s6 =	sadd.s32 @!p0 s3, s7;
	s7 =	simm.s32 @!p0 $0x108  }
0x21: {  	s3 =	sadd.s32 s3, s9;
	s6 =	sadd.s32 @!p0 $0x88, s6;
	s7 =	simm.s32 @p2 $0x1082  }
0x22: {  	[simem:s7], [sflag:s8] =	dma.local @!p0 [hbm:s6], $0xF7A  }
0x23: {  	s9 =	sor.u32 $0xD0000000, s2;
	s6 =	simm.s32 $0x108;
	_ =	swait.ge @!p0 [sflag:s8], $0x0  }
0x24: {  	s3 =	sadd.s32 $0x88, s3;
	s6 =	simm.s32 @!p1 $0x1082;
	[sflag:s4] =	ssyncset.s32 $0xFFFFF086  }
0x25: {  	[simem:s6], [sflag:s4] =	dma.local [hbm:s3], $0xF7A  }
0x26: {  	[smem:$0x3F8E] =	sst s1;
	(tag) =	ssettag s2;
	_ =	strace s9  }
0x27: {  	s1 =	sld [smem:$0x3F9E]  }
0x28: {  	s2 =	sld [smem:$0x3F9F]  }
0x29: {  	s4 =	sld [smem:$0x3FA1]  }
0x2a: {  	p0 =	seq.s32 s5, $0x0;
	s5 =	sld [smem:$0x3FA2]  }
0x2b: {  	s6 =	sld [smem:$0x3FA3]  }
0x2c: {  	s7 =	sld [smem:$0x3FA4]  }
0x2d: {  	s3 =	simm.s32 $0x108;
	s8 =	sld [smem:$0x3FA5]  }
0x2e: {  	s3 =	simm.s32 @!p0 $0x1082;
	s9 =	sld [smem:$0x3FA6]  }
0x2f: {  	lr =	sadd.s32 s0, s3;
	s0 =	sld [smem:$0x3F9D]  }
0x30: {  	s3 =	sld [smem:$0x3FA0]  }
0x31: {  	[smem:$0x3FA9] =	sst s10  }
0x32: {  	s10 =	sld [smem:$0x3FA7];
	_ =	sdelay $0x3  }
0x33: {  	p0 =	seq.s32 s10, $0x1;
	s10 =	sld [smem:$0x3FA9];
	_ =	sdelay $0x3  }
0x34: {  	[smem:$0x3FA9] =	sst s10  }
0x35: {  	s10 =	sld [smem:$0x3FA8];
	_ =	sdelay $0x3  }
0x36: {  	p1 =	seq.s32 s10, $0x1;
	s10 =	sld [smem:$0x3FA9];
	_ =	sdelay $0x3  }
0x37: {  	[smem:$0x3FA9] =	sst s10  }
0x38: {  	s10 =	sld [smem:$0x3FAA]  }
0x39: {  	_ = 	snop;
	(pc) =	sbr.ind lr, $3  }
0x3a: {  	_ = 	snop  }
0x3b: {  	_ = 	snop  }
0x3c: {  	p2 =	seq.s32 s10, $0x1;
	s10 =	sld [smem:$0x3FA9]  }
0x3d: {  	_ =	shalt  }
0x3e: {  	_ =	shalt  }
0x3f: {  	_ =	shalt  }
0x40: {  	_ =	shalt  }
0x41: {  	_ =	shalt  }
0x42: {  	_ =	shalt  }
0x43: {  	_ =	shalt  }
0x44: {  	_ =	shalt  }
0x45: {  	_ =	shalt  }
0x46: {  	_ =	shalt  }
0x47: {  	_ =	shalt  }
0x48: {  	_ =	shalt  }
0x49: {  	_ =	shalt  }
0x4a: {  	_ =	shalt  }
0x4b: {  	_ =	shalt  }
0x4c: {  	_ =	shalt  }
0x4d: {  	_ =	shalt  }
0x4e: {  	_ =	shalt  }
0x4f: {  	_ =	shalt  }
0x50: {  	_ =	shalt  }
0x51: {  	_ =	shalt  }
0x52: {  	_ =	shalt  }
0x53: {  	_ =	shalt  }
0x54: {  	_ =	shalt  }
0x55: {  	_ =	shalt  }
0x56: {  	_ =	shalt  }
0x57: {  	_ =	shalt  }
0x58: {  	_ =	shalt  }
0x59: {  	_ =	shalt  }
0x5a: {  	_ =	shalt  }
0x5b: {  	_ =	shalt  }
0x5c: {  	_ =	shalt  }
0x5d: {  	_ =	shalt  }
0x5e: {  	_ =	shalt  }
0x5f: {  	_ =	shalt  }
0x60: {  	_ =	shalt  }
0x61: {  	_ =	shalt  }
0x62: {  	_ =	shalt  }
0x63: {  	_ =	shalt  }
0x64: {  	_ =	shalt  }
0x65: {  	_ =	shalt  }
0x66: {  	_ =	shalt  }
0x67: {  	_ =	shalt  }
0x68: {  	_ =	shalt  }
0x69: {  	_ =	shalt  }
0x6a: {  	_ =	shalt  }
0x6b: {  	_ =	shalt  }
0x6c: {  	_ =	shalt  }
0x6d: {  	_ =	shalt  }
0x6e: {  	_ =	shalt  }
0x6f: {  	_ =	shalt  }
0x70: {  	_ =	shalt  }
0x71: {  	_ =	shalt  }
0x72: {  	_ =	shalt  }
0x73: {  	_ =	shalt  }
0x74: {  	_ =	shalt  }
0x75: {  	_ =	shalt  }
0x76: {  	_ =	shalt  }
0x77: {  	_ =	shalt  }
0x78: {  	_ =	shalt  }
0x79: {  	_ =	shalt  }
0x7a: {  	_ =	shalt  }
0x7b: {  	_ =	shalt  }
0x7c: {  	_ =	shalt  }
0x7d: {  	_ =	shalt  }
0x7e: {  	_ =	shalt  }
0x7f: {  	_ =	shalt  }
0x80: {  	_ =	shalt  }
0x81: {  	_ =	shalt  }
0x82: {  	_ =	shalt  }
0x83: {  	_ =	shalt  }
0x84: {  	_ =	shalt  }
0x85: {  	_ =	shalt  }
0x86: {  	_ =	shalt  }
0x87: {  	_ =	shalt  }
.Lfunc_end0:
.L_simem_size_0:
called_computation.5_lowered:
.L_overlay_start_0:
0x88: {  	s2 =	sld [smem:$0x3FD9]  }
0x89: {  	s3 =	sld [smem:$0x3FFE];
	_ =	sdelay $0x1  }
0x8a: {  	s1 =	srdreg.scid  }
0x8b: {  	s0 =	sand.u32 $0x1, s1  }
0x8c: {  	s16 =	sshll.u32 s0, $0xA;
	s2 =	sadd.s32 s3, s2  }
0x8d: {  	s2 =	sadd.s32 s2, s16  }
0x8e: {  	[smem:$0x3FB5] =	sst s2  }
0x8f: {  	_ = 	snop  }
0x90: {  	(tm) =	ssettm $0x1  }
0x91: {  	s17 =	sld [smem:$0x3FFB];
	_ =	sdelay $0x3  }
0x92: {  	_ =	strace s17  }
0x93: {  	s2 =	sld [smem:$0x3FFC];
	_ =	sdelay $0x3  }
0x94: {  	_ =	strace s2  }
0x95: {  	s2 =	sld [smem:$0x3FFD];
	_ =	sdelay $0x3  }
0x96: {  	_ =	strace s2  }
0x97: {  	_ =	strace $0x8FFFFFFF  }
0x98: {  	s18 =	sld [smem:$0x3FDB];
	_ =	sdelay $0x1  }
0x99: {  	s19 =	simm.s32 $_scs_section_size  }
0x9a: {  	s4 =	simm.s32 $_size__tile_overlayer_lowered;
	s5 =	simm.s32 $_tile_overlayer_lowered  }
0x9b: {  	s22 =	simm.s32 $0x1BFF;
	s21 =	sshll.u32 s5, $0x1;
	s2 =	sadd.s32 s19, s18  }
0x9c: {  	s6 =	simm.s32 $0x0;
	s20 =	sshll.u32 s4, $0x1;
	s4 =	sadd.s32 s21, s2  }
0x9d: {  	[timem:s6], [sflag:s22] =	dma.local [hbm:s4], s20  }
0x9e: {  	_ =	swait.ge [sflag:s22], s20  }
0x9f: {  	s3 =	ssub.s32 $0x0, s20;
	[sflag:s22] =	ssyncset.done $0x0  }
0xa0: {  	[sflag:s22] =	ssyncadd.s32 s3;
	_ =	sdelay $0x1  }
0xa1: {  	s23 =	simm.s32 $0x1B8B  }
0xa2: {  	_ =	swait.ge [sflag:s23], $0x1  }
0xa3: {  	[sflag:s23] =	ssyncset.done $0x0  }
0xa4: {  	s25 =	simm.s32 $0x1B8E;
	s24 =	sld [smem:$0x3FFE];
	[sflag:s23] =	ssyncadd.s32 $0xFFFFFFFF  }
0xa5: {  	s26 =	simm.s32 $execute0_lowered;
	[smem:$0x3FD2] =	sst s25  }
0xa6: {  	s4 =	sshll.u32 s26, $0x1;
	_ =	strace $0x80000055;
	[dreg:$0x1] =	wrdreg $0xFFFFFFFF  }
0xa7: {  	s28 =	simm.s32 $_size_execute0_lowered;
	s2 =	sadd.s32 s2, s4;
	[dreg:$0x0] =	wrdreg $0x0  }
0xa8: {  	s4 =	sshll.u32 s28, $0x1;
	[dreg:$0x2] =	wrdreg s2  }
0xa9: {  	[dreg:$0x3] =	wrdreg s4  }
0xaa: {  	[dreg:$0x4] =	wrdreg $0xC0  }
0xab: {  	_ =	task [dreg:s6], $0x5FFFF  }
0xac: {  	[dreg:$0x1] =	wrdreg $0xFFFFFFFF  }
0xad: {  	[dreg:$0x0] =	wrdreg $0x60  }
0xae: {  	[dreg:$0x2] =	wrdreg s24  }
0xaf: {  	[dreg:$0x3] =	wrdreg $0x51800  }
0xb0: {  	[dreg:$0x4] =	wrdreg $0x9  }
0xb1: {  	_ =	task.clear_ibuf [dreg:s6], $0x5FFFF;
	_ =	strace $0x90000055  }
0xb2: {  	s29 =	simm.s32 $0x9;
	_ =	strace $0x80000057  }
0xb3: {  	_ =	swait.ge [sflag:s29], $0x1  }
0xb4: {  	[sflag:s29] =	ssyncadd.s32 $0xFFFFFFFF  }
0xb5: {  	_ =	strace $0x90000057  }
0xb6: {  	_ =	sfence  }
0xb7: {  	s30 =	sld [smem:$0x0];
	_ =	sdelay $0x2  }
0xb8: {  	s31 =	sshll.u32 s1, $0xD;
	s1 =	sshrl.u32 s1, $0x2  }
0xb9: {  	s3 =	sand.u32 $0x4000, s31;
	s1 =	sadd.s32 s1, s30  }
0xba: {  	s0 =	sor.u32 s3, s0;
	s1 =	sshll.u32 s1, $0x11  }
0xbb: {  	s0 =	sor.u32 s1, s0  }
0xbc: {  	s0 =	sadd.s32 $0x8F2B, s0  }
0xbd: {  	[sflag:s0] =	ssyncadd.remote.s32 $0x1  }
0xbe: {  	_ =	sfence.sel $0xFFFF  }
0xbf: {  	[dreg:$0x0] =	wrdreg $0xFFFFFFFF;
	(pc) =	sbr.abs _section_cstart, $3  }
0xc0: {  	[dreg:$0x1] =	wrdreg $0xFFFFFFFF  }
0xc1: {  	_ =	task.clear_ibuf [dreg:s6], $0x2FFFF;
	_ =	strace $0x9FFFFFFF  }
0xc2: {  	(tm) =	ssettm $0x7FFFFFFF  }
0xc3: {  	_ =	shalt  }
tec
execute0_lowered:
.L_overlay_start_1:
0x0: {  	(tag) =	ssettag $0x1  }
0x1: {  	s9 =	rddreg [dreg:$0x0]  }
0x2: {  	s1 =	rddreg [dreg:$0x1]  }
0x3: {  	s0 =	rddreg [dreg:$0x2];
	s2 =	simm.s32 $0x0;
	s3 =	stileid.u32  }
0x4: {  	s6 =	srdreg.scid;
	s19 =	simm.s32 $0x180;
	s20 =	simm.s32 $0x1  }
0x5: {  	s21 =	simm.s32 $0x2980;
	[smem:$0x7FF] =	sst s2;
	s4 =	sadd.s32 $0x30C00, s9  }
0x6: {  	s14 =	sadd.s32 $0x8F600, s9;
	s5 =	sadd.s32 $0x85400, s9;
	s15 =	sadd.s32 $0x85200, s9  }
0x7: {  	s10 =	smul.u32 $0x2780, s3;
	s12 =	sand.u32 $0x1, s6;
	s6 =	sadd.s32 $0x8A600, s9  }
0x8: {  	s7 =	sadd.s32 $0x80200, s9;
	s8 =	sadd.s32 $0x85600, s9;
	s16 =	smul.u32 $0x4F000, s3  }
0x9: {  	s31 =	sshll.u32 s3, $0x6;
	_ =	strace $0x80000056;
	s11 =	smul.u32 $0x27800, s12  }
0xa: {  	s13 =	ssub.s32 $0x2, s12;
	p0 =	seq.s32 s12, $0x1;
	s17 =	sadd.s32 s10, s9  }
0xb: {  	s29 =	sshrl.u32 s13, $0x1;
	s30 =	sshrl.u32 s16, $0x2;
	s4 =	smov.u32 @p0 s14  }
0xc: {  	s5 =	smov.u32 @p0 s15;
	s15 =	simm.s32 $0x2;
	s10 =	sadd.s32 s10, s11  }
0xd: {  	s13 =	ssub.s32 s13, s29;
	s16 =	sadd.s32 s30, s1;
	s11 =	smul.u32 $0x2710, s3  }
0xe: {  	s18 =	sadd.s32 s10, s9;
	s9 =	sadd.s32 $0x9400, s17;
	s10 =	sor.u32 $0x1C02, s31  }
0xf: {  	s13 =	smax.u32 s13, $0x1;
	s14 =	sshrl.u32 s16, $0x3;
	s16 =	simm.s32 $0x80  }
0x10: {  	s17 =	simm.s32 $0x100;
	s12 =	sadd.s32 $0xC3A00, s18;
	s18 =	simm.s32 $0x50  }
.LBB2_1:
0x11: {  	[spmem:s14], [sflag:s10] =	dma.local [hbm:s9], $0x2780  }
0x12: {  	_ =	swait.ge [sflag:s15], $0x2780  }
0x13: {  	[sflag:s15] =	ssyncset.done $0x0  }
0x14: {  	[sflag:s15] =	ssyncadd.s32 $0xFFFFD880  }
0x15: {  	s22 =	simm.s32 $0x0;
	[bflag:$0x0] =	sbarrier.arrive $0xFFFF  }
.LBB2_2:
0x16: {  	s23 =	smul.u32 $0x50, s22;
	_ =	sdelay $0x1  }
0x17: {  	s23 =	sadd.s32 s11, s23  }
0x18: {  	s23 =	sshrl.u32 s23, $0x3  }
0x19: {  	s25 =	simm.s32 $0x0;
	s24 =	sadd.s32 s6, s23  }
0x1a: {  	[tilespmem:s25], [sflag:$0x2] =	stream.linear.gather [hbm4b:s24+s25], $0x50, $0x38;
	[tilespmem:$0x18D80] =	vst v63  }
0x1b: {  	_ =	swait.ge [sflag:s15], $0x50  }
0x1c: {  	[sflag:s15] =	ssyncset.done $0x0  }
0x1d: {  	s31 =	sadd.s32 s7, s23;
	[sflag:s15] =	ssyncadd.s32 $0xFFFFFFB0  }
0x1e: {  	[tilespmem:s16], [sflag:$0x2] =	stream.linear.gather [hbm4b:s31+s25], $0x50, $0x38;
	[tilespmem:$0x18D80] =	vst v63  }
0x1f: {  	_ =	swait.ge [sflag:s15], $0x50  }
0x20: {  	[sflag:s15] =	ssyncset.done $0x0  }
0x21: {  	s23 =	sadd.s32 s8, s23;
	[sflag:s15] =	ssyncadd.s32 $0xFFFFFFB0  }
0x22: {  	[tilespmem:s17], [sflag:$0x2] =	stream.linear.gather [hbm4b:s23+s25], $0x50, $0x38;
	[tilespmem:$0x18D80] =	vst v63  }
0x23: {  	_ =	swait.ge [sflag:s15], $0x50  }
0x24: {  	[sflag:s15] =	ssyncset.done $0x0  }
0x25: {  	[sflag:s15] =	ssyncadd.s32 $0xFFFFFFB0  }
0x26: {  	[tilespmem:s19], [sflag:$0x1] =	stream.indirect.gather [hbm4b:s4+s18], $0x80, s25, s18, $0xb8;
	[tilespmem:$0x18D80] =	vst v63  }
0x27: {  	_ =	swait.ge [sflag:s20], $0x2800  }
0x28: {  	[sflag:s20] =	ssyncset.done $0x0  }
0x29: {  	[sflag:s20] =	ssyncadd.s32 $0xFFFFD800  }
0x2a: {  	[tilespmem:s21], [sflag:$0x1] =	stream.indirect.gather [hbm4b:s5+s18], $0x80, s16, s18, $0xb8;
	[tilespmem:$0x18D80] =	vst v63  }
0x2b: {  	_ =	swait.ge [sflag:s20], $0x2800  }
0x2c: {  	[sflag:s20] =	ssyncset.done $0x0  }
0x2d: {  	s23 =	simm.s32 $0x0;
	[sflag:s20] =	ssyncadd.s32 $0xFFFFD800  }
0x2e: {  	v6 =	vld [tilespmem:s23+$0x2980]  }
0x2f: {  	v11 =	vld [tilespmem:s23+$0x2990]  }
0x30: {  	v5 =	vld [tilespmem:s23+$0x29A0]  }
0x31: {  	v4 =	vld [tilespmem:s23+$0x29B0]  }
0x32: {  	v3 =	vld [tilespmem:s23+$0x29C0]  }
0x33: {  	v2 =	vld [tilespmem:s23+$0x29D0]  }
0x34: {  	v1 =	vld [tilespmem:s23+$0x29E0]  }
0x35: {  	v0 =	vld [tilespmem:s23+$0x29F0]  }
0x36: {  	v12 =	vld [tilespmem:s23+$0x180]  }
0x37: {  	v13 =	vld [tilespmem:s23+$0x190]  }
0x38: {  	v10 =	vld [tilespmem:s23+$0x1A0]  }
0x39: {  	v9 =	vld [tilespmem:s23+$0x1B0]  }
0x3a: {  	v8 =	vld [tilespmem:s23+$0x1C0]  }
0x3b: {  	v7 =	vld [tilespmem:s23+$0x1D0];
	v12 =	vadd.f32 v6, v12  }
0x3c: {  	s24 =	simm.s32 $0x200;
	v11 =	vadd.f32 v11, v13;
	v6 =	vld [tilespmem:s23+$0x1E0]  }
.LBB2_3:
0x3d: {  	s25 =	sshra.s32 s24, $0x2;
	p0 =	sne.s32 s24, $0x9E00;
	v12 =	vmax.f32 v12, $0.0e+00;
	v5 =	vadd.f32 v5, v10;
	v10 =	vld [tilespmem:s23+$0x1F0]  }
0x3e: {  	v13 =	vld [tilespmem:s25+$0x2980];
	[tilespmem:s23+$0x180] =	vst v12;
	v11 =	vmax.f32 v11, $0.0e+00;
	v4 =	vadd.f32 v4, v9  }
0x3f: {  	v14 =	vld [tilespmem:s25+$0x2990];
	[tilespmem:s23+$0x190] =	vst v11;
	v9 =	vmax.f32 v5, $0.0e+00;
	v3 =	vadd.f32 v3, v8  }
0x40: {  	v5 =	vld [tilespmem:s25+$0x29A0];
	[tilespmem:s23+$0x1A0] =	vst v9;
	v8 =	vmax.f32 v4, $0.0e+00;
	v2 =	vadd.f32 v2, v7  }
0x41: {  	v4 =	vld [tilespmem:s25+$0x29B0];
	[tilespmem:s23+$0x1B0] =	vst v8;
	v7 =	vmax.f32 v3, $0.0e+00;
	v1 =	vadd.f32 v1, v6  }
0x42: {  	v3 =	vld [tilespmem:s25+$0x29C0];
	[tilespmem:s23+$0x1C0] =	vst v7;
	v6 =	vmax.f32 v2, $0.0e+00;
	v0 =	vadd.f32 v0, v10  }
0x43: {  	v2 =	vld [tilespmem:s25+$0x29D0];
	[tilespmem:s23+$0x1D0] =	vst v6;
	v6 =	vmax.f32 v1, $0.0e+00  }
0x44: {  	v1 =	vld [tilespmem:s25+$0x29E0];
	[tilespmem:s23+$0x1E0] =	vst v6;
	v6 =	vmax.f32 v0, $0.0e+00  }
0x45: {  	v0 =	vld [tilespmem:s25+$0x29F0];
	[tilespmem:s23+$0x1F0] =	vst v6;
	s23 =	smov.u32 s25  }
0x46: {  	v6 =	vld [tilespmem:s23+$0x180]  }
0x47: {  	v11 =	vld [tilespmem:s23+$0x190]  }
.Ltmp0:
0x48: {  	v10 =	vld [tilespmem:s23+$0x1A0];
	(pc) =	sbr.rel @p0 .LBB2_3-.Ltmp0, $4  }
0x49: {  	v9 =	vld [tilespmem:s23+$0x1B0]  }
0x4a: {  	v8 =	vld [tilespmem:s23+$0x1C0]  }
0x4b: {  	v12 =	vadd.f32 v13, v6;
	v7 =	vld [tilespmem:s23+$0x1D0]  }
0x4c: {  	s24 =	sadd.s32 $0x200, s24;
	v11 =	vadd.f32 v14, v11;
	v6 =	vld [tilespmem:s23+$0x1E0]  }
0x4d: {  	v12 =	vmax.f32 v12, $0.0e+00;
	v5 =	vadd.f32 v5, v10;
	v63 =	vld [tilespmem:s23+$0x1F0]  }
0x4e: {  	[tilespmem:s23+$0x180] =	vst v12;
	v11 =	vmax.f32 v11, $0.0e+00;
	v4 =	vadd.f32 v4, v9  }
0x4f: {  	[tilespmem:s23+$0x190] =	vst v11;
	v5 =	vmax.f32 v5, $0.0e+00;
	v3 =	vadd.f32 v3, v8  }
0x50: {  	[tilespmem:s23+$0x1A0] =	vst v5;
	v4 =	vmax.f32 v4, $0.0e+00;
	v2 =	vadd.f32 v2, v7  }
0x51: {  	[tilespmem:s23+$0x1B0] =	vst v4;
	v3 =	vmax.f32 v3, $0.0e+00;
	v1 =	vadd.f32 v1, v6  }
0x52: {  	[tilespmem:s23+$0x1C0] =	vst v3;
	v2 =	vmax.f32 v2, $0.0e+00;
	v0 =	vadd.f32 v0, v63  }
0x53: {  	s22 =	sadd.s32 $0x1, s22;
	[tilespmem:s23+$0x1D0] =	vst v2;
	v1 =	vmax.f32 v1, $0.0e+00  }
0x54: {  	p0 =	sne.s32 s22, $0x7D;
	[tilespmem:s23+$0x1E0] =	vst v1;
	v0 =	vmax.f32 v0, $0.0e+00  }
.Ltmp1:
0x55: {  	[tilespmem:s23+$0x1F0] =	vst v0;
	(pc) =	sbr.rel @p0 .LBB2_2-.Ltmp1, $4  }
0x56: {  	[spmem:s1] =	stream.indirect.scatter.add.f32 [tilespmem:s19], [sflag:$0x2], $0x80, s17, s18, $0xb8;
	[tilespmem:$0x18D80] =	vst v63  }
0x57: {  	_ =	swait.ge [sflag:s15], $0x2800  }
0x58: {  	[sflag:s15] =	ssyncset.done $0x0  }
0x59: {  	[sflag:s15] =	ssyncadd.s32 $0xFFFFD800  }
0x5a: {  	s2 =	sadd.s32 $0x1, s2  }
0x5b: {  	p0 =	sne.s32 s2, s13  }
.Ltmp2:
0x5c: {  	[bflag:$0x0] =	sbarrier.arrive $0xFFFF;
	(pc) =	sbr.rel @p0 .LBB2_1-.Ltmp2, $4  }
0x5d: {  	[hbm:s12], [sflag:s10] =	dma.local [spmem:s14], $0x2780  }
0x5e: {  	_ =	swait.ge [sflag:s15], $0x2780  }
0x5f: {  	[sflag:s15] =	ssyncset.done $0x0  }
0x60: {  	[sflag:s15] =	ssyncadd.s32 $0xFFFFD880  }
0x61: {  	_ =	sfence.sel $0x180000  }
0x62: {  	[bflag:$0x0] =	sbarrier.arrive $0xFFFF  }
0x63: {  	p0 =	sne.s32 s3, $0x0;
	_ =	strace $0x90000056  }
0x64: {  	s0 =	sadd.s32 @!p0 $0x100000, s0;
	[bflag:$0x2] =	sbarrier.arrive $0xFFFF  }
0x65: {  	[sflag:s0] =	ssyncadd.tile.s32 @!p0 $0x1;
	_ =	shalt  }
.Lfunc_end2:
_tile_overlayer_lowered:
.L_overlay_start_2:
0x66: {  	(tag) =	ssettag $0x2  }
0x67: {  	s0 =	rddreg [dreg:$0x0];
	s2 =	stileid.u32  }
0x68: {  	s1 =	rddreg [dreg:$0x1];
	p0 =	sne.s32 s2, $0x0  }
0x69: {  	s3 =	rddreg [dreg:$0x2];
	[bflag:$0x3] =	sbarrier.arrive $0xFFFF;
	s2 =	simm.s32 @!p0 $0x1C02  }
0x6a: {  	[timem:s3], [sflag:s2] =	dma.local @!p0 [hbm:s0], s1  }
0x6b: {  	s0 =	simm.s32 @!p0 $0x2  }
0x6c: {  	_ =	swait.ge @!p0 [sflag:s0], s1  }
0x6d: {  	s1 =	ssub.s32 @!p0 $0x0, s1;
	[sflag:s0] =	ssyncset.done @!p0 $0x0  }
0x6e: {  	[sflag:s0] =	ssyncadd.s32 @!p0 s1  }
0x6f: {  	[bflag:$0x3] =	sbarrier.arrive $0xFFFF  }
0x70: {  	_ =	shalt  }

// kernel: kernel.34.cloned.1.call-start
scs
__scs_entry_jumppad:
0x0: {  	(pc) =	sbr.rel $0x88, $3  }
0x1: {  	(tag) =	ssettag $0x0;
	lr =	simm.s32 $0x1  }
0x2: {  	[smem:$0x3F8E] =	sst lr;
	_ =	strace $0xD0000000  }
0x3: {  	_ = 	snop  }
0x4: {  	_ = 	snop  }
0x5: {  	_ = 	snop  }
0x6: {  	_ = 	snop  }
0x7: {  	_ = 	snop  }
__scs_overlays_trampoline_lowered:
0x8: {  	[smem:$0x3F9D] =	sst s0  }
0x9: {  	[smem:$0x3F9E] =	sst s1  }
0xa: {  	[smem:$0x3F9F] =	sst s2  }
0xb: {  	[smem:$0x3FA0] =	sst s3  }
0xc: {  	[smem:$0x3FA1] =	sst s4  }
0xd: {  	[smem:$0x3FA2] =	sst s5  }
0xe: {  	[smem:$0x3FA3] =	sst s6  }
0xf: {  	[smem:$0x3FA4] =	sst s7  }
0x10: {  	[smem:$0x3FA5] =	sst s8  }
0x11: {  	[smem:$0x3FA6] =	sst s9;
	s0 =	simm.s32 @!p0 $0x0  }
0x12: {  	s1 =	sld [smem:$0x3F8C];
	s0 =	simm.s32 @p0 $0x1  }
0x13: {  	[smem:$0x3FA7] =	sst s0;
	s0 =	simm.s32 @!p1 $0x0  }
0x14: {  	s2 =	sld [smem:$0x3F8B];
	s0 =	simm.s32 @p1 $0x1  }
0x15: {  	[smem:$0x3FA8] =	sst s0;
	s0 =	simm.s32 @!p2 $0x0  }
0x16: {  	s3 =	sld [smem:$0x3FDB];
	s0 =	simm.s32 @p2 $0x1  }
0x17: {  	s4 =	simm.s32 $0x1BF5;
	[smem:$0x3FAA] =	sst s0  }
0x18: {  	s0 =	sld [smem:$0x3F8D];
	_ =	swait.ge [sflag:s4], $0x0  }
0x19: {  	s7 =	sld [smem:$0x3F8E]  }
0x1a: {  	s8 =	sadd.s32 $0xFFFFE003, lr  }
0x1b: {  	s9 =	sadd.s32 $0xFFFFFEF7, lr;
	s5 =	simm.s32 $0xFFFFFFFF;
	p2 =	slt.u32 s8, $0xFFFFF086  }
0x1c: {  	p1 =	slt.u32 s9, $0xF7A;
	s5 =	simm.s32 @!p2 $0x0  }
0x1d: {  	s5 =	simm.s32 @p1 $0x1;
	p0 =	seq.s32 s7, s2  }
0x1e: {  	s7 =	smul.u32 @!p0 $0xF7A, s2;
	p2 =	seq.s32 @!p0 s5, $0x0  }
0x1f: {  	s9 =	smul.u32 $0xF7A, s1;
	s8 =	simm.s32 @!p0 $0x1BF5;
	p2 =	por !p2, p0  }
0x20: {  	[sflag:s8] =	ssyncset.s32 @!p0 $0xFFFFF086;
	s6 =	sadd.s32 @!p0 s3, s7;
	s7 =	simm.s32 @!p0 $0x108  }
0x21: {  	s3 =	sadd.s32 s3, s9;
	s6 =	sadd.s32 @!p0 $0x88, s6;
	s7 =	simm.s32 @p2 $0x1082  }
0x22: {  	[simem:s7], [sflag:s8] =	dma.local @!p0 [hbm:s6], $0xF7A  }
0x23: {  	s9 =	sor.u32 $0xD0000000, s2;
	s6 =	simm.s32 $0x108;
	_ =	swait.ge @!p0 [sflag:s8], $0x0  }
0x24: {  	s3 =	sadd.s32 $0x88, s3;
	s6 =	simm.s32 @!p1 $0x1082;
	[sflag:s4] =	ssyncset.s32 $0xFFFFF086  }
0x25: {  	[simem:s6], [sflag:s4] =	dma.local [hbm:s3], $0xF7A  }
0x26: {  	[smem:$0x3F8E] =	sst s1;
	(tag) =	ssettag s2;
	_ =	strace s9  }
0x27: {  	s1 =	sld [smem:$0x3F9E]  }
0x28: {  	s2 =	sld [smem:$0x3F9F]  }
0x29: {  	s4 =	sld [smem:$0x3FA1]  }
0x2a: {  	p0 =	seq.s32 s5, $0x0;
	s5 =	sld [smem:$0x3FA2]  }
0x2b: {  	s6 =	sld [smem:$0x3FA3]  }
0x2c: {  	s7 =	sld [smem:$0x3FA4]  }
0x2d: {  	s3 =	simm.s32 $0x108;
	s8 =	sld [smem:$0x3FA5]  }
0x2e: {  	s3 =	simm.s32 @!p0 $0x1082;
	s9 =	sld [smem:$0x3FA6]  }
0x2f: {  	lr =	sadd.s32 s0, s3;
	s0 =	sld [smem:$0x3F9D]  }
0x30: {  	s3 =	sld [smem:$0x3FA0]  }
0x31: {  	[smem:$0x3FA9] =	sst s10  }
0x32: {  	s10 =	sld [smem:$0x3FA7];
	_ =	sdelay $0x3  }
0x33: {  	p0 =	seq.s32 s10, $0x1;
	s10 =	sld [smem:$0x3FA9];
	_ =	sdelay $0x3  }
0x34: {  	[smem:$0x3FA9] =	sst s10  }
0x35: {  	s10 =	sld [smem:$0x3FA8];
	_ =	sdelay $0x3  }
0x36: {  	p1 =	seq.s32 s10, $0x1;
	s10 =	sld [smem:$0x3FA9];
	_ =	sdelay $0x3  }
0x37: {  	[smem:$0x3FA9] =	sst s10  }
0x38: {  	s10 =	sld [smem:$0x3FAA]  }
0x39: {  	_ = 	snop;
	(pc) =	sbr.ind lr, $3  }
0x3a: {  	_ = 	snop  }
0x3b: {  	_ = 	snop  }
0x3c: {  	p2 =	seq.s32 s10, $0x1;
	s10 =	sld [smem:$0x3FA9]  }
0x3d: {  	_ =	shalt  }
0x3e: {  	_ =	shalt  }
0x3f: {  	_ =	shalt  }
0x40: {  	_ =	shalt  }
0x41: {  	_ =	shalt  }
0x42: {  	_ =	shalt  }
0x43: {  	_ =	shalt  }
0x44: {  	_ =	shalt  }
0x45: {  	_ =	shalt  }
0x46: {  	_ =	shalt  }
0x47: {  	_ =	shalt  }
0x48: {  	_ =	shalt  }
0x49: {  	_ =	shalt  }
0x4a: {  	_ =	shalt  }
0x4b: {  	_ =	shalt  }
0x4c: {  	_ =	shalt  }
0x4d: {  	_ =	shalt  }
0x4e: {  	_ =	shalt  }
0x4f: {  	_ =	shalt  }
0x50: {  	_ =	shalt  }
0x51: {  	_ =	shalt  }
0x52: {  	_ =	shalt  }
0x53: {  	_ =	shalt  }
0x54: {  	_ =	shalt  }
0x55: {  	_ =	shalt  }
0x56: {  	_ =	shalt  }
0x57: {  	_ =	shalt  }
0x58: {  	_ =	shalt  }
0x59: {  	_ =	shalt  }
0x5a: {  	_ =	shalt  }
0x5b: {  	_ =	shalt  }
0x5c: {  	_ =	shalt  }
0x5d: {  	_ =	shalt  }
0x5e: {  	_ =	shalt  }
0x5f: {  	_ =	shalt  }
0x60: {  	_ =	shalt  }
0x61: {  	_ =	shalt  }
0x62: {  	_ =	shalt  }
0x63: {  	_ =	shalt  }
0x64: {  	_ =	shalt  }
0x65: {  	_ =	shalt  }
0x66: {  	_ =	shalt  }
0x67: {  	_ =	shalt  }
0x68: {  	_ =	shalt  }
0x69: {  	_ =	shalt  }
0x6a: {  	_ =	shalt  }
0x6b: {  	_ =	shalt  }
0x6c: {  	_ =	shalt  }
0x6d: {  	_ =	shalt  }
0x6e: {  	_ =	shalt  }
0x6f: {  	_ =	shalt  }
0x70: {  	_ =	shalt  }
0x71: {  	_ =	shalt  }
0x72: {  	_ =	shalt  }
0x73: {  	_ =	shalt  }
0x74: {  	_ =	shalt  }
0x75: {  	_ =	shalt  }
0x76: {  	_ =	shalt  }
0x77: {  	_ =	shalt  }
0x78: {  	_ =	shalt  }
0x79: {  	_ =	shalt  }
0x7a: {  	_ =	shalt  }
0x7b: {  	_ =	shalt  }
0x7c: {  	_ =	shalt  }
0x7d: {  	_ =	shalt  }
0x7e: {  	_ =	shalt  }
0x7f: {  	_ =	shalt  }
0x80: {  	_ =	shalt  }
0x81: {  	_ =	shalt  }
0x82: {  	_ =	shalt  }
0x83: {  	_ =	shalt  }
0x84: {  	_ =	shalt  }
0x85: {  	_ =	shalt  }
0x86: {  	_ =	shalt  }
0x87: {  	_ =	shalt  }
.Lfunc_end0:
.L_simem_size_0:
called_computation.6_lowered:
.L_overlay_start_0:
0x88: {  	s2 =	sld [smem:$0x3FD9]  }
0x89: {  	s3 =	sld [smem:$0x3FFE];
	_ =	sdelay $0x1  }
0x8a: {  	s1 =	srdreg.scid  }
0x8b: {  	s0 =	sand.u32 $0x1, s1  }
0x8c: {  	s14 =	sshll.u32 s0, $0xA;
	s2 =	sadd.s32 s3, s2  }
0x8d: {  	s2 =	sadd.s32 s2, s14  }
0x8e: {  	[smem:$0x3FB5] =	sst s2  }
0x8f: {  	_ = 	snop  }
0x90: {  	s2 =	sld [smem:$0x3FD0];
	_ =	sdelay $0x2  }
0x91: {  	s15 =	simm.s32 $0xA;
	s4 =	simm.s32 $0x10  }
0x92: {  	[smem:s4], [sflag:s15] =	dma.local [hbm:s2], $0x1  }
0x93: {  	_ =	swait.eq [sflag:s15], $0x1  }
0x94: {  	[sflag:s15] =	ssyncset.done $0x0  }
0x95: {  	[sflag:s15] =	ssyncadd.s32 $0xFFFFFFFF  }
0x96: {  	s16 =	sld [smem:$0x11];
	(tm) =	ssettm $0x1  }
0x97: {  	s17 =	sld [smem:$0x3FFB];
	_ =	sdelay $0x3  }
0x98: {  	_ =	strace s17  }
0x99: {  	s3 =	sld [smem:$0x3FFC];
	_ =	sdelay $0x3  }
0x9a: {  	_ =	strace s3  }
0x9b: {  	s3 =	sld [smem:$0x3FFD];
	_ =	sdelay $0x3  }
0x9c: {  	_ =	strace s3  }
0x9d: {  	_ =	strace $0x8FFFFFFF  }
0x9e: {  	s18 =	sld [smem:$0x3FDB];
	_ =	sdelay $0x1  }
0x9f: {  	s19 =	simm.s32 $_scs_section_size  }
0xa0: {  	s5 =	simm.s32 $_size__tile_overlayer_lowered;
	s6 =	simm.s32 $_tile_overlayer_lowered  }
0xa1: {  	s22 =	simm.s32 $0x1BFF;
	s21 =	sshll.u32 s6, $0x1;
	s3 =	sadd.s32 s19, s18  }
0xa2: {  	s7 =	simm.s32 $0x0;
	s20 =	sshll.u32 s5, $0x1;
	s5 =	sadd.s32 s21, s3  }
0xa3: {  	[timem:s7], [sflag:s22] =	dma.local [hbm:s5], s20  }
0xa4: {  	_ =	swait.ge [sflag:s22], s20  }
0xa5: {  	s4 =	ssub.s32 $0x0, s20;
	[sflag:s22] =	ssyncset.done $0x0  }
0xa6: {  	[sflag:s22] =	ssyncadd.s32 s4;
	_ =	sdelay $0x1  }
0xa7: {  	s23 =	simm.s32 $0x1B8B  }
0xa8: {  	_ =	swait.ge [sflag:s23], $0x1  }
0xa9: {  	[sflag:s23] =	ssyncset.done $0x0  }
0xaa: {  	s25 =	simm.s32 $0x1B8E;
	s24 =	sld [smem:$0x3FFE];
	[sflag:s23] =	ssyncadd.s32 $0xFFFFFFFF  }
0xab: {  	s26 =	simm.s32 $execute0_lowered;
	[smem:$0x3FD2] =	sst s25  }
0xac: {  	s5 =	sshll.u32 s26, $0x1;
	_ =	strace $0x80000058;
	[dreg:$0x1] =	wrdreg $0xFFFFFFFF  }
0xad: {  	s28 =	simm.s32 $_size_execute0_lowered;
	s3 =	sadd.s32 s3, s5;
	[dreg:$0x0] =	wrdreg $0x0  }
0xae: {  	s5 =	sshll.u32 s28, $0x1;
	[dreg:$0x2] =	wrdreg s3  }
0xaf: {  	[dreg:$0x3] =	wrdreg s5  }
0xb0: {  	[dreg:$0x4] =	wrdreg $0xC0  }
0xb1: {  	_ =	task [dreg:s7], $0x5FFFF  }
0xb2: {  	[dreg:$0x1] =	wrdreg $0xFFFFFFFF  }
0xb3: {  	[dreg:$0x0] =	wrdreg $0x60  }
0xb4: {  	[dreg:$0x2] =	wrdreg s24  }
0xb5: {  	[dreg:$0x3] =	wrdreg s16  }
0xb6: {  	[dreg:$0x4] =	wrdreg $0x51800  }
0xb7: {  	[dreg:$0x5] =	wrdreg $0x9  }
0xb8: {  	_ =	task.clear_ibuf [dreg:s7], $0x6FFFF;
	_ =	strace $0x90000058  }
0xb9: {  	s29 =	simm.s32 $0x9;
	_ =	strace $0x8000005A  }
0xba: {  	_ =	swait.ge [sflag:s29], $0x1  }
0xbb: {  	[sflag:s29] =	ssyncadd.s32 $0xFFFFFFFF  }
0xbc: {  	_ =	strace $0x9000005A  }
0xbd: {  	_ =	sfence  }
0xbe: {  	s30 =	sld [smem:$0x0];
	_ =	sdelay $0x2  }
0xbf: {  	s31 =	sshll.u32 s1, $0xD;
	s1 =	sshrl.u32 s1, $0x2  }
0xc0: {  	s3 =	sand.u32 $0x4000, s31;
	s1 =	sadd.s32 s1, s30  }
0xc1: {  	s0 =	sor.u32 s3, s0;
	s1 =	sshll.u32 s1, $0x11  }
0xc2: {  	s0 =	sor.u32 s1, s0  }
0xc3: {  	s0 =	sadd.s32 $0x8F2B, s0  }
0xc4: {  	[sflag:s0] =	ssyncadd.remote.s32 $0x1  }
0xc5: {  	_ =	sfence.sel $0xFFFF  }
0xc6: {  	[dreg:$0x0] =	wrdreg $0xFFFFFFFF;
	(pc) =	sbr.abs _section_cstart, $3  }
0xc7: {  	[dreg:$0x1] =	wrdreg $0xFFFFFFFF  }
0xc8: {  	_ =	task.clear_ibuf [dreg:s7], $0x2FFFF;
	_ =	strace $0x9FFFFFFF  }
0xc9: {  	(tm) =	ssettm $0x7FFFFFFF  }
tec
execute0_lowered:
.L_overlay_start_1:
0x0: {  	(tag) =	ssettag $0x1  }
0x1: {  	s9 =	rddreg [dreg:$0x0]  }
0x2: {  	s14 =	rddreg [dreg:$0x1]  }
0x3: {  	s1 =	rddreg [dreg:$0x2]  }
0x4: {  	s0 =	rddreg [dreg:$0x3];
	s2 =	simm.s32 $0x0  }
0x5: {  	s3 =	stileid.u32;
	s6 =	srdreg.scid;
	s19 =	simm.s32 $0x180  }
0x6: {  	s20 =	simm.s32 $0x1;
	s21 =	simm.s32 $0x2980;
	[smem:$0x7FF] =	sst s2  }
0x7: {  	s4 =	sadd.s32 $0x8F600, s9;
	s5 =	sadd.s32 $0x85400, s9;
	s15 =	sadd.s32 $0x85200, s9  }
0x8: {  	s10 =	smul.u32 $0x2780, s3;
	s12 =	sand.u32 $0x1, s6;
	s6 =	sadd.s32 $0x8A600, s9  }
0x9: {  	s7 =	sadd.s32 $0x80200, s9;
	s8 =	sadd.s32 $0x85600, s9;
	s16 =	smul.u32 $0x4F000, s3  }
0xa: {  	s31 =	sshll.u32 s3, $0x6;
	_ =	strace $0x80000059;
	s11 =	smul.u32 $0x27800, s12  }
0xb: {  	s13 =	ssub.s32 $0x2, s12;
	p0 =	seq.s32 s12, $0x1;
	s17 =	sadd.s32 s10, s9  }
0xc: {  	s29 =	sshrl.u32 s13, $0x1;
	s30 =	sshrl.u32 s16, $0x2;
	s4 =	smov.u32 @p0 s14  }
0xd: {  	s5 =	smov.u32 @p0 s15;
	s15 =	simm.s32 $0x2;
	s10 =	sadd.s32 s10, s11  }
0xe: {  	s13 =	ssub.s32 s13, s29;
	s16 =	sadd.s32 s30, s1;
	s11 =	smul.u32 $0x2710, s3  }
0xf: {  	s18 =	sadd.s32 s10, s9;
	s9 =	sadd.s32 $0x9400, s17;
	s10 =	sor.u32 $0x1C02, s31  }
0x10: {  	s13 =	smax.u32 s13, $0x1;
	s14 =	sshrl.u32 s16, $0x3;
	s16 =	simm.s32 $0x80  }
0x11: {  	s17 =	simm.s32 $0x100;
	s12 =	sadd.s32 $0x30C00, s18;
	s18 =	simm.s32 $0x50  }
.LBB2_1:
0x12: {  	[spmem:s14], [sflag:s10] =	dma.local [hbm:s9], $0x2780  }
0x13: {  	_ =	swait.ge [sflag:s15], $0x2780  }
0x14: {  	[sflag:s15] =	ssyncset.done $0x0  }
0x15: {  	[sflag:s15] =	ssyncadd.s32 $0xFFFFD880  }
0x16: {  	s22 =	simm.s32 $0x0;
	[bflag:$0x0] =	sbarrier.arrive $0xFFFF  }
.LBB2_2:
0x17: {  	s23 =	smul.u32 $0x50, s22;
	_ =	sdelay $0x1  }
0x18: {  	s23 =	sadd.s32 s11, s23  }
0x19: {  	s23 =	sshrl.u32 s23, $0x3  }
0x1a: {  	s25 =	simm.s32 $0x0;
	s24 =	sadd.s32 s6, s23  }
0x1b: {  	[tilespmem:s25], [sflag:$0x2] =	stream.linear.gather [hbm4b:s24+s25], $0x50, $0x38;
	[tilespmem:$0x18D80] =	vst v63  }
0x1c: {  	_ =	swait.ge [sflag:s15], $0x50  }
0x1d: {  	[sflag:s15] =	ssyncset.done $0x0  }
0x1e: {  	s31 =	sadd.s32 s7, s23;
	[sflag:s15] =	ssyncadd.s32 $0xFFFFFFB0  }
0x1f: {  	[tilespmem:s16], [sflag:$0x2] =	stream.linear.gather [hbm4b:s31+s25], $0x50, $0x38;
	[tilespmem:$0x18D80] =	vst v63  }
0x20: {  	_ =	swait.ge [sflag:s15], $0x50  }
0x21: {  	[sflag:s15] =	ssyncset.done $0x0  }
0x22: {  	s23 =	sadd.s32 s8, s23;
	[sflag:s15] =	ssyncadd.s32 $0xFFFFFFB0  }
0x23: {  	[tilespmem:s17], [sflag:$0x2] =	stream.linear.gather [hbm4b:s23+s25], $0x50, $0x38;
	[tilespmem:$0x18D80] =	vst v63  }
0x24: {  	_ =	swait.ge [sflag:s15], $0x50  }
0x25: {  	[sflag:s15] =	ssyncset.done $0x0  }
0x26: {  	[sflag:s15] =	ssyncadd.s32 $0xFFFFFFB0  }
0x27: {  	[tilespmem:s19], [sflag:$0x1] =	stream.indirect.gather [hbm4b:s4+s18], $0x80, s25, s18, $0xb8;
	[tilespmem:$0x18D80] =	vst v63  }
0x28: {  	_ =	swait.ge [sflag:s20], $0x2800  }
0x29: {  	[sflag:s20] =	ssyncset.done $0x0  }
0x2a: {  	[sflag:s20] =	ssyncadd.s32 $0xFFFFD800  }
0x2b: {  	[tilespmem:s21], [sflag:$0x1] =	stream.indirect.gather [hbm4b:s5+s18], $0x80, s16, s18, $0xb8;
	[tilespmem:$0x18D80] =	vst v63  }
0x2c: {  	_ =	swait.ge [sflag:s20], $0x2800  }
0x2d: {  	[sflag:s20] =	ssyncset.done $0x0  }
0x2e: {  	s23 =	simm.s32 $0x0;
	[sflag:s20] =	ssyncadd.s32 $0xFFFFD800  }
0x2f: {  	v6 =	vld [tilespmem:s23+$0x2980]  }
0x30: {  	v11 =	vld [tilespmem:s23+$0x2990]  }
0x31: {  	v5 =	vld [tilespmem:s23+$0x29A0]  }
0x32: {  	v4 =	vld [tilespmem:s23+$0x29B0]  }
0x33: {  	v3 =	vld [tilespmem:s23+$0x29C0]  }
0x34: {  	v2 =	vld [tilespmem:s23+$0x29D0]  }
0x35: {  	v1 =	vld [tilespmem:s23+$0x29E0]  }
0x36: {  	v0 =	vld [tilespmem:s23+$0x29F0]  }
0x37: {  	v12 =	vld [tilespmem:s23+$0x180]  }
0x38: {  	v13 =	vld [tilespmem:s23+$0x190]  }
0x39: {  	v10 =	vld [tilespmem:s23+$0x1A0]  }
0x3a: {  	v9 =	vld [tilespmem:s23+$0x1B0]  }
0x3b: {  	v8 =	vld [tilespmem:s23+$0x1C0]  }
0x3c: {  	v7 =	vld [tilespmem:s23+$0x1D0];
	v12 =	vadd.f32 v6, v12  }
0x3d: {  	s24 =	simm.s32 $0x200;
	v11 =	vadd.f32 v11, v13;
	v6 =	vld [tilespmem:s23+$0x1E0]  }
.LBB2_3:
0x3e: {  	s25 =	sshra.s32 s24, $0x2;
	p0 =	sne.s32 s24, $0x9E00;
	v12 =	vmax.f32 v12, $0.0e+00;
	v5 =	vadd.f32 v5, v10;
	v10 =	vld [tilespmem:s23+$0x1F0]  }
0x3f: {  	v13 =	vld [tilespmem:s25+$0x2980];
	[tilespmem:s23+$0x180] =	vst v12;
	v11 =	vmax.f32 v11, $0.0e+00;
	v4 =	vadd.f32 v4, v9  }
0x40: {  	v14 =	vld [tilespmem:s25+$0x2990];
	[tilespmem:s23+$0x190] =	vst v11;
	v9 =	vmax.f32 v5, $0.0e+00;
	v3 =	vadd.f32 v3, v8  }
0x41: {  	v5 =	vld [tilespmem:s25+$0x29A0];
	[tilespmem:s23+$0x1A0] =	vst v9;
	v8 =	vmax.f32 v4, $0.0e+00;
	v2 =	vadd.f32 v2, v7  }
0x42: {  	v4 =	vld [tilespmem:s25+$0x29B0];
	[tilespmem:s23+$0x1B0] =	vst v8;
	v7 =	vmax.f32 v3, $0.0e+00;
	v1 =	vadd.f32 v1, v6  }
0x43: {  	v3 =	vld [tilespmem:s25+$0x29C0];
	[tilespmem:s23+$0x1C0] =	vst v7;
	v6 =	vmax.f32 v2, $0.0e+00;
	v0 =	vadd.f32 v0, v10  }
0x44: {  	v2 =	vld [tilespmem:s25+$0x29D0];
	[tilespmem:s23+$0x1D0] =	vst v6;
	v6 =	vmax.f32 v1, $0.0e+00  }
0x45: {  	v1 =	vld [tilespmem:s25+$0x29E0];
	[tilespmem:s23+$0x1E0] =	vst v6;
	v6 =	vmax.f32 v0, $0.0e+00  }
0x46: {  	v0 =	vld [tilespmem:s25+$0x29F0];
	[tilespmem:s23+$0x1F0] =	vst v6;
	s23 =	smov.u32 s25  }
0x47: {  	v6 =	vld [tilespmem:s23+$0x180]  }
0x48: {  	v11 =	vld [tilespmem:s23+$0x190]  }
.Ltmp0:
0x49: {  	v10 =	vld [tilespmem:s23+$0x1A0];
	(pc) =	sbr.rel @p0 .LBB2_3-.Ltmp0, $4  }
0x4a: {  	v9 =	vld [tilespmem:s23+$0x1B0]  }
0x4b: {  	v8 =	vld [tilespmem:s23+$0x1C0]  }
0x4c: {  	v12 =	vadd.f32 v13, v6;
	v7 =	vld [tilespmem:s23+$0x1D0]  }
0x4d: {  	s24 =	sadd.s32 $0x200, s24;
	v11 =	vadd.f32 v14, v11;
	v6 =	vld [tilespmem:s23+$0x1E0]  }
0x4e: {  	v12 =	vmax.f32 v12, $0.0e+00;
	v5 =	vadd.f32 v5, v10;
	v63 =	vld [tilespmem:s23+$0x1F0]  }
0x4f: {  	[tilespmem:s23+$0x180] =	vst v12;
	v11 =	vmax.f32 v11, $0.0e+00;
	v4 =	vadd.f32 v4, v9  }
0x50: {  	[tilespmem:s23+$0x190] =	vst v11;
	v5 =	vmax.f32 v5, $0.0e+00;
	v3 =	vadd.f32 v3, v8  }
0x51: {  	[tilespmem:s23+$0x1A0] =	vst v5;
	v4 =	vmax.f32 v4, $0.0e+00;
	v2 =	vadd.f32 v2, v7  }
0x52: {  	[tilespmem:s23+$0x1B0] =	vst v4;
	v3 =	vmax.f32 v3, $0.0e+00;
	v1 =	vadd.f32 v1, v6  }
0x53: {  	[tilespmem:s23+$0x1C0] =	vst v3;
	v2 =	vmax.f32 v2, $0.0e+00;
	v0 =	vadd.f32 v0, v63  }
0x54: {  	s22 =	sadd.s32 $0x1, s22;
	[tilespmem:s23+$0x1D0] =	vst v2;
	v1 =	vmax.f32 v1, $0.0e+00  }
0x55: {  	p0 =	sne.s32 s22, $0x7D;
	[tilespmem:s23+$0x1E0] =	vst v1;
	v0 =	vmax.f32 v0, $0.0e+00  }
.Ltmp1:
0x56: {  	[tilespmem:s23+$0x1F0] =	vst v0;
	(pc) =	sbr.rel @p0 .LBB2_2-.Ltmp1, $4  }
0x57: {  	[spmem:s1] =	stream.indirect.scatter.add.f32 [tilespmem:s19], [sflag:$0x2], $0x80, s17, s18, $0xb8;
	[tilespmem:$0x18D80] =	vst v63  }
0x58: {  	_ =	swait.ge [sflag:s15], $0x2800  }
0x59: {  	[sflag:s15] =	ssyncset.done $0x0  }
0x5a: {  	[sflag:s15] =	ssyncadd.s32 $0xFFFFD800  }
0x5b: {  	s2 =	sadd.s32 $0x1, s2  }
0x5c: {  	p0 =	sne.s32 s2, s13  }
.Ltmp2:
0x5d: {  	[bflag:$0x0] =	sbarrier.arrive $0xFFFF;
	(pc) =	sbr.rel @p0 .LBB2_1-.Ltmp2, $4  }
0x5e: {  	[hbm:s12], [sflag:s10] =	dma.local [spmem:s14], $0x2780  }
0x5f: {  	_ =	swait.ge [sflag:s15], $0x2780  }
0x60: {  	[sflag:s15] =	ssyncset.done $0x0  }
0x61: {  	[sflag:s15] =	ssyncadd.s32 $0xFFFFD880  }
0x62: {  	_ =	sfence.sel $0x180000  }
0x63: {  	[bflag:$0x0] =	sbarrier.arrive $0xFFFF  }
0x64: {  	p0 =	sne.s32 s3, $0x0;
	_ =	strace $0x90000059  }
0x65: {  	s0 =	sadd.s32 @!p0 $0x100000, s0;
	[bflag:$0x2] =	sbarrier.arrive $0xFFFF  }
0x66: {  	[sflag:s0] =	ssyncadd.tile.s32 @!p0 $0x1;
	_ =	shalt  }
.Lfunc_end2:
_tile_overlayer_lowered:
.L_overlay_start_2:
0x67: {  	(tag) =	ssettag $0x2  }
0x68: {  	s0 =	rddreg [dreg:$0x0];
	s2 =	stileid.u32  }
0x69: {  	s1 =	rddreg [dreg:$0x1];
	p0 =	sne.s32 s2, $0x0  }
0x6a: {  	s3 =	rddreg [dreg:$0x2];
	[bflag:$0x3] =	sbarrier.arrive $0xFFFF;
	s2 =	simm.s32 @!p0 $0x1C02  }
0x6b: {  	[timem:s3], [sflag:s2] =	dma.local @!p0 [hbm:s0], s1  }
0x6c: {  	s0 =	simm.s32 @!p0 $0x2  }
0x6d: {  	_ =	swait.ge @!p0 [sflag:s0], s1  }
0x6e: {  	s1 =	ssub.s32 @!p0 $0x0, s1;
	[sflag:s0] =	ssyncset.done @!p0 $0x0  }
0x6f: {  	[sflag:s0] =	ssyncadd.s32 @!p0 s1  }
0x70: {  	[bflag:$0x3] =	sbarrier.arrive $0xFFFF  }
0x71: {  	_ =	shalt  }

</sc_bundles>
